<compile_context>
chip_gen: v7x
topology: tpu7x:2x2x1
jax: 0.10.2.dev20260603
libtpu: 0.0.44.dev20260713+nightly
codegen_flags: <defaults>
</compile_context>

<pallas_src>
import functools

import jax
import jax.numpy as jnp
from jax import lax
from jax.experimental import pallas as pl
from jax.experimental.pallas import tpu as pltpu
from jax.experimental.pallas import tpu_sc as plsc

_N = 10000
_E = 320000
_D = 128
_NC = 2
_NS = 16
_TILES = _NC * _NS
_EPT = _E // _TILES
_CHUNK = 80
_NCHUNK = _EPT // _CHUNK
_NPAD = 10240
_G = 5
_TRASH = _N + 8
_ZROWS = 128
_RPT = 624

_mesh = plsc.VectorSubcoreMesh(core_axis_name="c", subcore_axis_name="s")


@functools.partial(
    pl.kernel,
    out_type=(
        jax.ShapeDtypeStruct((_N, _D), jnp.float32),
        jax.ShapeDtypeStruct((_N, _D), jnp.float32),
    ),
    mesh=_mesh,
    scratch_types=[
        pltpu.VMEM((2, _CHUNK), jnp.int32),
        pltpu.VMEM((2, _CHUNK), jnp.int32),
        pltpu.VMEM((2, _CHUNK), jnp.int32),
        pltpu.VMEM((2, _CHUNK), jnp.int32),
        pltpu.VMEM((144,), jnp.int32),
        pltpu.VMEM((2 * _CHUNK, _D), jnp.float32),
        pltpu.VMEM((_ZROWS, _D), jnp.float32),
        pltpu.VMEM_SHARED((_NPAD, _D), jnp.float32),
        pltpu.SemaphoreType.DMA,
        pltpu.SemaphoreType.DMA,
    ],
)
def _sc_segsum(src_hbm, dst_hbm, x_hbm, p0_hbm, p1_hbm,
               sidx_v, didx_v, ai_v, bi_v, pad_v, rows_v, zbuf_v,
               acc_sh, gsem, ssem):
    c = lax.axis_index("c")
    s = lax.axis_index("s")
    zeros16 = jnp.zeros((16,), jnp.float32)
    zi16 = jnp.full((16,), 0, jnp.int32)
    one16 = jnp.full((16,), 1, jnp.int32)

    for k in range(4):
        pad_v[pl.ds(16 * k, 16)] = jnp.full((16,), -1, jnp.int32)

    def _zrow(z, carry):
        for j in range(_D // 16):
            zbuf_v[z, pl.ds(j * 16, 16)] = zeros16
        return carry

    lax.fori_loop(0, _ZROWS, _zrow, 0)
    z0 = s * (_NPAD // _NS)
    for k in range(_NPAD // _NS // _ZROWS):
        pltpu.sync_copy(zbuf_v, acc_sh.at[pl.ds(z0 + k * _ZROWS, _ZROWS)])
    plsc.subcore_barrier()

    base = (c * _NS + s) * _EPT

    def _prep(j, q):
        off = base + j * _CHUNK
        pltpu.sync_copy(src_hbm.at[pl.ds(off, _CHUNK)], sidx_v.at[q])
        pltpu.sync_copy(dst_hbm.at[pl.ds(off, _CHUNK)], didx_v.at[q])
        d = [didx_v[q, pl.ds(g * 16, 16)] for g in range(_G)]
        for g in range(_G):
            pad_v[pl.ds(64 + 16 * g, 16)] = d[g]
        for g in range(_G):
            o = zi16
            for dlt in range(1, 16 * g + 16):
                o = o + jnp.where(d[g] == pad_v[pl.ds(64 + 16 * g - dlt, 16)],
                                  one16, zi16)
            ai_v[q, pl.ds(g * 16, 16)] = jnp.where(o == 0, d[g], _TRASH)
            bi_v[q, pl.ds(g * 16, 16)] = jnp.where(o == 1, d[g], _TRASH)

    def _gather(q):
        return pltpu.async_copy(x_hbm.at[sidx_v.at[q]],
                                rows_v.at[pl.ds(q * _CHUNK, _CHUNK)], gsem)

    _prep(0, 0)
    _gather(0)

    def _chunk(i, carry):
        p = i & 1
        q = 1 - p
        pltpu.make_async_copy(x_hbm.at[sidx_v.at[p]],
                              rows_v.at[pl.ds(p * _CHUNK, _CHUNK)],
                              gsem).wait()
        rowsp = rows_v.at[pl.ds(p * _CHUNK, _CHUNK)]
        da = pltpu.async_copy(rowsp, acc_sh.at[ai_v.at[p]], ssem, add=True)

        @pl.when(i + 1 < _NCHUNK)
        def _():
            _prep(i + 1, q)
        da.wait()
        db = pltpu.async_copy(rowsp, acc_sh.at[bi_v.at[p]], ssem, add=True)

        @pl.when(i + 1 < _NCHUNK)
        def _():
            _gather(q)
        db.wait()
        return carry

    lax.fori_loop(0, _NCHUNK, _chunk, 0)
    plsc.subcore_barrier()

    r0 = s * _RPT
    pieces = [(k * _ZROWS, _ZROWS) for k in range(_RPT // _ZROWS)]
    pieces.append(((_RPT // _ZROWS) * _ZROWS, _RPT % _ZROWS))

    def _drain(out_hbm):
        for doff, cnt in pieces:
            sl = pl.ds(r0 + doff, cnt)
            pltpu.sync_copy(acc_sh.at[sl], zbuf_v.at[pl.ds(0, cnt)])
            pltpu.sync_copy(zbuf_v.at[pl.ds(0, cnt)], out_hbm.at[sl])

        @pl.when(s == _NS - 1)
        def _():
            sl = pl.ds(_NS * _RPT, _N - _NS * _RPT)
            pltpu.sync_copy(acc_sh.at[sl], zbuf_v.at[pl.ds(0, _N - _NS * _RPT)])
            pltpu.sync_copy(zbuf_v.at[pl.ds(0, _N - _NS * _RPT)], out_hbm.at[sl])

    @pl.when(c == 0)
    def _():
        _drain(p0_hbm)

    @pl.when(c == 1)
    def _():
        _drain(p1_hbm)


def _add_body(a_ref, b_ref, o_ref):
    o_ref[...] = a_ref[...] + b_ref[...]


_BLK = 2000


def _combine(p0, p1):
    return pl.pallas_call(
        _add_body,
        out_shape=jax.ShapeDtypeStruct((_N, _D), jnp.float32),
        grid=(_N // _BLK,),
        in_specs=[pl.BlockSpec((_BLK, _D), lambda i: (i, 0))] * 2,
        out_specs=pl.BlockSpec((_BLK, _D), lambda i: (i, 0)),
    )(p0, p1)


def kernel(x, edge_index):
    dst = jnp.asarray(edge_index[:, 0], jnp.int32)
    src = jnp.asarray(edge_index[:, 1], jnp.int32)
    p0, p1 = _sc_segsum(src, dst, x)
    return _combine(p0, p1)

# --- scband reference (transcript-rebuilt; emitter-appended) ---
"""Pipeline reference for scband-message-passing-12558484374174 (READ-ONLY COPY).

The authoritative reference and input builder live on the scoring server;
editing this copy changes nothing except your own understanding.
"""

import jax, jax.numpy as jnp
import numpy as np

N_NODES = 10000
N_EDGES = 320000
D_FEAT = 128


def setup_inputs(seed: int = 0) -> dict:
    key = jax.random.key(seed)
    k1, k2 = jax.random.split(key)
    x = jax.random.normal(k1, (N_NODES, D_FEAT), dtype=jnp.float32)
    # edge_index[:, 0] = destination (agent collecting neighbours), edge_index[:, 1] = source
    edge_index = jax.random.randint(k2, (N_EDGES, 2), 0, N_NODES, dtype=jnp.int32)
    return {"x": x, "edge_index": edge_index}


def reference(x, edge_index):
    # Faithful translation of MessagePassing.propagate for the 2-D (non-nested-batch) case:
    # scatter_nested gathers, for each agent i (edge_index[:,0]), the features x[j]
    # of its neighbours j (edge_index[:,1]). The nested/ragged per-node neighbour
    # collection is materialized here via the canonical sum-reduction over each
    # node's neighbour bucket (gather source features, segment-reduce by dst node).
    dst = edge_index[:, 0]
    src = edge_index[:, 1]
    num_agents = x.shape[0]
    messages = jnp.take(x, src, axis=0)  # gather: [E, d]
    neighbours = jax.ops.segment_sum(messages, dst, num_segments=num_agents)  # scatter-add: [N, d]
    return neighbours

if __name__ == "__main__":
    import jax
    _d = setup_inputs()
    print(jax.jit(kernel)(*tuple(_d.values())))

</pallas_src>

<mosaic_0001>
#map = affine_map<(d0, d1) -> (0)>
#map1 = affine_map<(d0, d1) -> (0, 0)>
module attributes {stable_mosaic.version = 14 : i64} {
  func.func @_sc_segsum(%arg0: i32, %arg1: i32, %arg2: memref<320000xi32, #tpu.memory_space<hbm>>, %arg3: memref<320000xi32, #tpu.memory_space<hbm>>, %arg4: memref<10000x128xf32, #tpu.memory_space<hbm>>, %arg5: memref<10000x128xf32, #tpu.memory_space<hbm>>, %arg6: memref<10000x128xf32, #tpu.memory_space<hbm>>, %arg7: memref<2x80xi32, #tpu.memory_space<vmem>>, %arg8: memref<2x80xi32, #tpu.memory_space<vmem>>, %arg9: memref<2x80xi32, #tpu.memory_space<vmem>>, %arg10: memref<2x80xi32, #tpu.memory_space<vmem>>, %arg11: memref<144xi32, #tpu.memory_space<vmem>>, %arg12: memref<160x128xf32, #tpu.memory_space<vmem>>, %arg13: memref<128x128xf32, #tpu.memory_space<vmem>>, %arg14: memref<10240x128xf32, #tpu.memory_space<vmem_shared>>, %arg15: memref<!tpu.dma_semaphore, #tpu.memory_space<semaphore_mem>>, %arg16: memref<!tpu.dma_semaphore, #tpu.memory_space<semaphore_mem>>) attributes {dimension_semantics = [#tpu.dimension_semantics<core_parallel>, #tpu.dimension_semantics<subcore_parallel>], iteration_bounds = array<i64: 2, 16>, scalar_prefetch = 0 : i64, scratch_operands = 10 : i64, tpu.core_type = #tpu.core_type<sc_vector_subcore>, window_params = [{transform_indices = #map}, {transform_indices = #map}, {transform_indices = #map1}, {transform_indices = #map1}, {transform_indices = #map1}]} {
    %broadcast_in_dim3A = arith.constant 0.000000e+00 : f32
    %broadcast_in_dim3A_0 = vector.broadcast %broadcast_in_dim3A : f32 to vector<16xf32>
    %broadcast_in_dim3A_1 = arith.constant 0 : i32
    %broadcast_in_dim3A_2 = vector.broadcast %broadcast_in_dim3A_1 : i32 to vector<16xi32>
    %broadcast_in_dim3A_3 = arith.constant 1 : i32
    %broadcast_in_dim3A_4 = vector.broadcast %broadcast_in_dim3A_3 : i32 to vector<16xi32>
    %broadcast_in_dim3A_5 = arith.constant -1 : i32
    %broadcast_in_dim3A_6 = vector.broadcast %broadcast_in_dim3A_5 : i32 to vector<16xi32>
    %swap3A = arith.constant 0 : index
    %swap3A_7 = tpu.vector_load %arg11[%swap3A] {strides = array<i32>} : memref<144xi32, #tpu.memory_space<vmem>>, vector<16xi32>,
    %swap3A_8 = vector.shape_cast %swap3A_7 : vector<16xi32> to vector<16xi32>
    %swap3A_9 = vector.shape_cast %broadcast_in_dim3A_6 : vector<16xi32> to vector<16xi32>
    tpu.vector_store %arg11[%swap3A], %swap3A_9 {strides = array<i32>} : memref<144xi32, #tpu.memory_space<vmem>>, vector<16xi32>,
    %broadcast_in_dim3A_10 = arith.constant -1 : i32
    %broadcast_in_dim3A_11 = vector.broadcast %broadcast_in_dim3A_10 : i32 to vector<16xi32>
    %swap3A_12 = arith.constant 16 : index
    %swap3A_13 = tpu.vector_load %arg11[%swap3A_12] {strides = array<i32>} : memref<144xi32, #tpu.memory_space<vmem>>, vector<16xi32>,
    %swap3A_14 = vector.shape_cast %swap3A_13 : vector<16xi32> to vector<16xi32>
    %swap3A_15 = vector.shape_cast %broadcast_in_dim3A_11 : vector<16xi32> to vector<16xi32>
    tpu.vector_store %arg11[%swap3A_12], %swap3A_15 {strides = array<i32>} : memref<144xi32, #tpu.memory_space<vmem>>, vector<16xi32>,
    %broadcast_in_dim3A_16 = arith.constant -1 : i32
    %broadcast_in_dim3A_17 = vector.broadcast %broadcast_in_dim3A_16 : i32 to vector<16xi32>
    %swap3A_18 = arith.constant 32 : index
    %swap3A_19 = tpu.vector_load %arg11[%swap3A_18] {strides = array<i32>} : memref<144xi32, #tpu.memory_space<vmem>>, vector<16xi32>,
    %swap3A_20 = vector.shape_cast %swap3A_19 : vector<16xi32> to vector<16xi32>
    %swap3A_21 = vector.shape_cast %broadcast_in_dim3A_17 : vector<16xi32> to vector<16xi32>
    tpu.vector_store %arg11[%swap3A_18], %swap3A_21 {strides = array<i32>} : memref<144xi32, #tpu.memory_space<vmem>>, vector<16xi32>,
    %broadcast_in_dim3A_22 = arith.constant -1 : i32
    %broadcast_in_dim3A_23 = vector.broadcast %broadcast_in_dim3A_22 : i32 to vector<16xi32>
    %swap3A_24 = arith.constant 48 : index
    %swap3A_25 = tpu.vector_load %arg11[%swap3A_24] {strides = array<i32>} : memref<144xi32, #tpu.memory_space<vmem>>, vector<16xi32>,
    %swap3A_26 = vector.shape_cast %swap3A_25 : vector<16xi32> to vector<16xi32>
    %swap3A_27 = vector.shape_cast %broadcast_in_dim3A_23 : vector<16xi32> to vector<16xi32>
    tpu.vector_store %arg11[%swap3A_24], %swap3A_27 {strides = array<i32>} : memref<144xi32, #tpu.memory_space<vmem>>, vector<16xi32>,
    %scan3A = arith.constant 0 : i32
    %scan3A_28 = arith.constant 0 : i32
    %scan3A_29 = arith.constant 128 : i32
    %scan3A_30 = arith.addi %scan3A_28, %scan3A_29 : i32
    %scan3A_31 = arith.constant 1 : i32
    scf.for %scan3A_1648 = %scan3A_28 to %scan3A_30 step %scan3A_31  : i32 {
      %swap3A_1649 = arith.index_cast %scan3A_1648 : i32 to index
      %swap3A_1650 = arith.constant 0 : index
      %swap3A_1651 = tpu.vector_load %arg13[%swap3A_1649, %swap3A_1650] {strides = array<i32>} : memref<128x128xf32, #tpu.memory_space<vmem>>, vector<1x16xf32>,
      %swap3A_1652 = vector.shape_cast %swap3A_1651 : vector<1x16xf32> to vector<16xf32>
      %swap3A_1653 = vector.shape_cast %broadcast_in_dim3A_0 : vector<16xf32> to vector<1x16xf32>
      tpu.vector_store %arg13[%swap3A_1649, %swap3A_1650], %swap3A_1653 {strides = array<i32>} : memref<128x128xf32, #tpu.memory_space<vmem>>, vector<1x16xf32>,
      %swap3A_1654 = arith.index_cast %scan3A_1648 : i32 to index
      %swap3A_1655 = arith.constant 16 : index
      %swap3A_1656 = tpu.vector_load %arg13[%swap3A_1654, %swap3A_1655] {strides = array<i32>} : memref<128x128xf32, #tpu.memory_space<vmem>>, vector<1x16xf32>,
      %swap3A_1657 = vector.shape_cast %swap3A_1656 : vector<1x16xf32> to vector<16xf32>
      %swap3A_1658 = vector.shape_cast %broadcast_in_dim3A_0 : vector<16xf32> to vector<1x16xf32>
      tpu.vector_store %arg13[%swap3A_1654, %swap3A_1655], %swap3A_1658 {strides = array<i32>} : memref<128x128xf32, #tpu.memory_space<vmem>>, vector<1x16xf32>,
      %swap3A_1659 = arith.index_cast %scan3A_1648 : i32 to index
      %swap3A_1660 = arith.constant 32 : index
      %swap3A_1661 = tpu.vector_load %arg13[%swap3A_1659, %swap3A_1660] {strides = array<i32>} : memref<128x128xf32, #tpu.memory_space<vmem>>, vector<1x16xf32>,
      %swap3A_1662 = vector.shape_cast %swap3A_1661 : vector<1x16xf32> to vector<16xf32>
      %swap3A_1663 = vector.shape_cast %broadcast_in_dim3A_0 : vector<16xf32> to vector<1x16xf32>
      tpu.vector_store %arg13[%swap3A_1659, %swap3A_1660], %swap3A_1663 {strides = array<i32>} : memref<128x128xf32, #tpu.memory_space<vmem>>, vector<1x16xf32>,
      %swap3A_1664 = arith.index_cast %scan3A_1648 : i32 to index
      %swap3A_1665 = arith.constant 48 : index
      %swap3A_1666 = tpu.vector_load %arg13[%swap3A_1664, %swap3A_1665] {strides = array<i32>} : memref<128x128xf32, #tpu.memory_space<vmem>>, vector<1x16xf32>,
      %swap3A_1667 = vector.shape_cast %swap3A_1666 : vector<1x16xf32> to vector<16xf32>
      %swap3A_1668 = vector.shape_cast %broadcast_in_dim3A_0 : vector<16xf32> to vector<1x16xf32>
      tpu.vector_store %arg13[%swap3A_1664, %swap3A_1665], %swap3A_1668 {strides = array<i32>} : memref<128x128xf32, #tpu.memory_space<vmem>>, vector<1x16xf32>,
      %swap3A_1669 = arith.index_cast %scan3A_1648 : i32 to index
      %swap3A_1670 = arith.constant 64 : index
      %swap3A_1671 = tpu.vector_load %arg13[%swap3A_1669, %swap3A_1670] {strides = array<i32>} : memref<128x128xf32, #tpu.memory_space<vmem>>, vector<1x16xf32>,
      %swap3A_1672 = vector.shape_cast %swap3A_1671 : vector<1x16xf32> to vector<16xf32>
      %swap3A_1673 = vector.shape_cast %broadcast_in_dim3A_0 : vector<16xf32> to vector<1x16xf32>
      tpu.vector_store %arg13[%swap3A_1669, %swap3A_1670], %swap3A_1673 {strides = array<i32>} : memref<128x128xf32, #tpu.memory_space<vmem>>, vector<1x16xf32>,
      %swap3A_1674 = arith.index_cast %scan3A_1648 : i32 to index
      %swap3A_1675 = arith.constant 80 : index
      %swap3A_1676 = tpu.vector_load %arg13[%swap3A_1674, %swap3A_1675] {strides = array<i32>} : memref<128x128xf32, #tpu.memory_space<vmem>>, vector<1x16xf32>,
      %swap3A_1677 = vector.shape_cast %swap3A_1676 : vector<1x16xf32> to vector<16xf32>
      %swap3A_1678 = vector.shape_cast %broadcast_in_dim3A_0 : vector<16xf32> to vector<1x16xf32>
      tpu.vector_store %arg13[%swap3A_1674, %swap3A_1675], %swap3A_1678 {strides = array<i32>} : memref<128x128xf32, #tpu.memory_space<vmem>>, vector<1x16xf32>,
      %swap3A_1679 = arith.index_cast %scan3A_1648 : i32 to index
      %swap3A_1680 = arith.constant 96 : index
      %swap3A_1681 = tpu.vector_load %arg13[%swap3A_1679, %swap3A_1680] {strides = array<i32>} : memref<128x128xf32, #tpu.memory_space<vmem>>, vector<1x16xf32>,
      %swap3A_1682 = vector.shape_cast %swap3A_1681 : vector<1x16xf32> to vector<16xf32>
      %swap3A_1683 = vector.shape_cast %broadcast_in_dim3A_0 : vector<16xf32> to vector<1x16xf32>
      tpu.vector_store %arg13[%swap3A_1679, %swap3A_1680], %swap3A_1683 {strides = array<i32>} : memref<128x128xf32, #tpu.memory_space<vmem>>, vector<1x16xf32>,
      %swap3A_1684 = arith.index_cast %scan3A_1648 : i32 to index
      %swap3A_1685 = arith.constant 112 : index
      %swap3A_1686 = tpu.vector_load %arg13[%swap3A_1684, %swap3A_1685] {strides = array<i32>} : memref<128x128xf32, #tpu.memory_space<vmem>>, vector<1x16xf32>,
      %swap3A_1687 = vector.shape_cast %swap3A_1686 : vector<1x16xf32> to vector<16xf32>
      %swap3A_1688 = vector.shape_cast %broadcast_in_dim3A_0 : vector<16xf32> to vector<1x16xf32>
      tpu.vector_store %arg13[%swap3A_1684, %swap3A_1685], %swap3A_1688 {strides = array<i32>} : memref<128x128xf32, #tpu.memory_space<vmem>>, vector<1x16xf32>,
    }
    %scan3A_32 = arith.constant 128 : i32
    %mul3A = arith.constant 640 : i32
    %mul3A_33 = arith.muli %arg1, %mul3A : i32
    %add3A = arith.constant 0 : i32
    %add3A_34 = arith.addi %mul3A_33, %add3A : i32
    "tpu.region"() ({
      %run_scoped3A_1648 = tpu.sem_alloc : memref<!tpu.dma_semaphore, #tpu.memory_space<semaphore_mem>>
      %dma_start3A_1649 = arith.constant 0 : i32
      %dma_start3A_1650 = tpu.memref_slice %arg14[%add3A_34, %dma_start3A_1649] : memref<10240x128xf32, #tpu.memory_space<vmem_shared>> -> memref<128x128xf32, #tpu.memory_space<vmem_shared>>
      %dma_start3A_1651 = arith.constant 0 : i32
      %dma_start3A_1652 = tpu.memref_slice %arg14[%add3A_34, %dma_start3A_1651] : memref<10240x128xf32, #tpu.memory_space<vmem_shared>> -> memref<128x128xf32, #tpu.memory_space<vmem_shared>>
      tpu.enqueue_dma source(%arg13 : memref<128x128xf32, #tpu.memory_space<vmem>>) target(%dma_start3A_1652 : memref<128x128xf32, #tpu.memory_space<vmem_shared>>) target_semaphore(%run_scoped3A_1648 : memref<!tpu.dma_semaphore, #tpu.memory_space<semaphore_mem>>)
      %dma_wait3A = arith.constant 0 : i32
      %dma_wait3A_1653 = tpu.memref_slice %arg14[%add3A_34, %dma_wait3A] : memref<10240x128xf32, #tpu.memory_space<vmem_shared>> -> memref<128x128xf32, #tpu.memory_space<vmem_shared>>
      %dma_wait3A_1654 = arith.constant 0 : i32
      %dma_wait3A_1655 = tpu.memref_slice %arg14[%add3A_34, %dma_wait3A_1654] : memref<10240x128xf32, #tpu.memory_space<vmem_shared>> -> memref<128x128xf32, #tpu.memory_space<vmem_shared>>
      tpu.wait_dma2 semaphore(%run_scoped3A_1648 : memref<!tpu.dma_semaphore, #tpu.memory_space<semaphore_mem>>) src(%arg13 : memref<128x128xf32, #tpu.memory_space<vmem>>) dst(%dma_wait3A_1655 : memref<128x128xf32, #tpu.memory_space<vmem_shared>>)
      tpu.yield
    }) : () -> ()
    %add3A_35 = arith.constant 128 : i32
    %add3A_36 = arith.addi %mul3A_33, %add3A_35 : i32
    "tpu.region"() ({
      %run_scoped3A_1648 = tpu.sem_alloc : memref<!tpu.dma_semaphore, #tpu.memory_space<semaphore_mem>>
      %dma_start3A_1649 = arith.constant 0 : i32
      %dma_start3A_1650 = tpu.memref_slice %arg14[%add3A_36, %dma_start3A_1649] : memref<10240x128xf32, #tpu.memory_space<vmem_shared>> -> memref<128x128xf32, #tpu.memory_space<vmem_shared>>
      %dma_start3A_1651 = arith.constant 0 : i32
      %dma_start3A_1652 = tpu.memref_slice %arg14[%add3A_36, %dma_start3A_1651] : memref<10240x128xf32, #tpu.memory_space<vmem_shared>> -> memref<128x128xf32, #tpu.memory_space<vmem_shared>>
      tpu.enqueue_dma source(%arg13 : memref<128x128xf32, #tpu.memory_space<vmem>>) target(%dma_start3A_1652 : memref<128x128xf32, #tpu.memory_space<vmem_shared>>) target_semaphore(%run_scoped3A_1648 : memref<!tpu.dma_semaphore, #tpu.memory_space<semaphore_mem>>)
      %dma_wait3A = arith.constant 0 : i32
      %dma_wait3A_1653 = tpu.memref_slice %arg14[%add3A_36, %dma_wait3A] : memref<10240x128xf32, #tpu.memory_space<vmem_shared>> -> memref<128x128xf32, #tpu.memory_space<vmem_shared>>
      %dma_wait3A_1654 = arith.constant 0 : i32
      %dma_wait3A_1655 = tpu.memref_slice %arg14[%add3A_36, %dma_wait3A_1654] : memref<10240x128xf32, #tpu.memory_space<vmem_shared>> -> memref<128x128xf32, #tpu.memory_space<vmem_shared>>
      tpu.wait_dma2 semaphore(%run_scoped3A_1648 : memref<!tpu.dma_semaphore, #tpu.memory_space<semaphore_mem>>) src(%arg13 : memref<128x128xf32, #tpu.memory_space<vmem>>) dst(%dma_wait3A_1655 : memref<128x128xf32, #tpu.memory_space<vmem_shared>>)
      tpu.yield
    }) : () -> ()
    %add3A_37 = arith.constant 256 : i32
    %add3A_38 = arith.addi %mul3A_33, %add3A_37 : i32
    "tpu.region"() ({
      %run_scoped3A_1648 = tpu.sem_alloc : memref<!tpu.dma_semaphore, #tpu.memory_space<semaphore_mem>>
      %dma_start3A_1649 = arith.constant 0 : i32
      %dma_start3A_1650 = tpu.memref_slice %arg14[%add3A_38, %dma_start3A_1649] : memref<10240x128xf32, #tpu.memory_space<vmem_shared>> -> memref<128x128xf32, #tpu.memory_space<vmem_shared>>
      %dma_start3A_1651 = arith.constant 0 : i32
      %dma_start3A_1652 = tpu.memref_slice %arg14[%add3A_38, %dma_start3A_1651] : memref<10240x128xf32, #tpu.memory_space<vmem_shared>> -> memref<128x128xf32, #tpu.memory_space<vmem_shared>>
      tpu.enqueue_dma source(%arg13 : memref<128x128xf32, #tpu.memory_space<vmem>>) target(%dma_start3A_1652 : memref<128x128xf32, #tpu.memory_space<vmem_shared>>) target_semaphore(%run_scoped3A_1648 : memref<!tpu.dma_semaphore, #tpu.memory_space<semaphore_mem>>)
      %dma_wait3A = arith.constant 0 : i32
      %dma_wait3A_1653 = tpu.memref_slice %arg14[%add3A_38, %dma_wait3A] : memref<10240x128xf32, #tpu.memory_space<vmem_shared>> -> memref<128x128xf32, #tpu.memory_space<vmem_shared>>
      %dma_wait3A_1654 = arith.constant 0 : i32
      %dma_wait3A_1655 = tpu.memref_slice %arg14[%add3A_38, %dma_wait3A_1654] : memref<10240x128xf32, #tpu.memory_space<vmem_shared>> -> memref<128x128xf32, #tpu.memory_space<vmem_shared>>
      tpu.wait_dma2 semaphore(%run_scoped3A_1648 : memref<!tpu.dma_semaphore, #tpu.memory_space<semaphore_mem>>) src(%arg13 : memref<128x128xf32, #tpu.memory_space<vmem>>) dst(%dma_wait3A_1655 : memref<128x128xf32, #tpu.memory_space<vmem_shared>>)
      tpu.yield
    }) : () -> ()
    %add3A_39 = arith.constant 384 : i32
    %add3A_40 = arith.addi %mul3A_33, %add3A_39 : i32
    "tpu.region"() ({
      %run_scoped3A_1648 = tpu.sem_alloc : memref<!tpu.dma_semaphore, #tpu.memory_space<semaphore_mem>>
      %dma_start3A_1649 = arith.constant 0 : i32
      %dma_start3A_1650 = tpu.memref_slice %arg14[%add3A_40, %dma_start3A_1649] : memref<10240x128xf32, #tpu.memory_space<vmem_shared>> -> memref<128x128xf32, #tpu.memory_space<vmem_shared>>
      %dma_start3A_1651 = arith.constant 0 : i32
      %dma_start3A_1652 = tpu.memref_slice %arg14[%add3A_40, %dma_start3A_1651] : memref<10240x128xf32, #tpu.memory_space<vmem_shared>> -> memref<128x128xf32, #tpu.memory_space<vmem_shared>>
      tpu.enqueue_dma source(%arg13 : memref<128x128xf32, #tpu.memory_space<vmem>>) target(%dma_start3A_1652 : memref<128x128xf32, #tpu.memory_space<vmem_shared>>) target_semaphore(%run_scoped3A_1648 : memref<!tpu.dma_semaphore, #tpu.memory_space<semaphore_mem>>)
      %dma_wait3A = arith.constant 0 : i32
      %dma_wait3A_1653 = tpu.memref_slice %arg14[%add3A_40, %dma_wait3A] : memref<10240x128xf32, #tpu.memory_space<vmem_shared>> -> memref<128x128xf32, #tpu.memory_space<vmem_shared>>
      %dma_wait3A_1654 = arith.constant 0 : i32
      %dma_wait3A_1655 = tpu.memref_slice %arg14[%add3A_40, %dma_wait3A_1654] : memref<10240x128xf32, #tpu.memory_space<vmem_shared>> -> memref<128x128xf32, #tpu.memory_space<vmem_shared>>
      tpu.wait_dma2 semaphore(%run_scoped3A_1648 : memref<!tpu.dma_semaphore, #tpu.memory_space<semaphore_mem>>) src(%arg13 : memref<128x128xf32, #tpu.memory_space<vmem>>) dst(%dma_wait3A_1655 : memref<128x128xf32, #tpu.memory_space<vmem_shared>>)
      tpu.yield
    }) : () -> ()
    %add3A_41 = arith.constant 512 : i32
    %add3A_42 = arith.addi %mul3A_33, %add3A_41 : i32
    "tpu.region"() ({
      %run_scoped3A_1648 = tpu.sem_alloc : memref<!tpu.dma_semaphore, #tpu.memory_space<semaphore_mem>>
      %dma_start3A_1649 = arith.constant 0 : i32
      %dma_start3A_1650 = tpu.memref_slice %arg14[%add3A_42, %dma_start3A_1649] : memref<10240x128xf32, #tpu.memory_space<vmem_shared>> -> memref<128x128xf32, #tpu.memory_space<vmem_shared>>
      %dma_start3A_1651 = arith.constant 0 : i32
      %dma_start3A_1652 = tpu.memref_slice %arg14[%add3A_42, %dma_start3A_1651] : memref<10240x128xf32, #tpu.memory_space<vmem_shared>> -> memref<128x128xf32, #tpu.memory_space<vmem_shared>>
      tpu.enqueue_dma source(%arg13 : memref<128x128xf32, #tpu.memory_space<vmem>>) target(%dma_start3A_1652 : memref<128x128xf32, #tpu.memory_space<vmem_shared>>) target_semaphore(%run_scoped3A_1648 : memref<!tpu.dma_semaphore, #tpu.memory_space<semaphore_mem>>)
      %dma_wait3A = arith.constant 0 : i32
      %dma_wait3A_1653 = tpu.memref_slice %arg14[%add3A_42, %dma_wait3A] : memref<10240x128xf32, #tpu.memory_space<vmem_shared>> -> memref<128x128xf32, #tpu.memory_space<vmem_shared>>
      %dma_wait3A_1654 = arith.constant 0 : i32
      %dma_wait3A_1655 = tpu.memref_slice %arg14[%add3A_42, %dma_wait3A_1654] : memref<10240x128xf32, #tpu.memory_space<vmem_shared>> -> memref<128x128xf32, #tpu.memory_space<vmem_shared>>
      tpu.wait_dma2 semaphore(%run_scoped3A_1648 : memref<!tpu.dma_semaphore, #tpu.memory_space<semaphore_mem>>) src(%arg13 : memref<128x128xf32, #tpu.memory_space<vmem>>) dst(%dma_wait3A_1655 : memref<128x128xf32, #tpu.memory_space<vmem_shared>>)
      tpu.yield
    }) : () -> ()
    %barrier3A = arith.constant 0 : index
    tpu.barrier barrier_id(%barrier3A)
    %mul3A_43 = arith.constant 16 : i32
    %mul3A_44 = arith.muli %arg0, %mul3A_43 : i32
    %add3A_45 = arith.addi %mul3A_44, %arg1 : i32
    %mul3A_46 = arith.constant 10000 : i32
    %mul3A_47 = arith.muli %add3A_45, %mul3A_46 : i32
    %add3A_48 = arith.constant 0 : i32
    %add3A_49 = arith.addi %mul3A_47, %add3A_48 : i32
    %run_scoped3A = arith.constant 0 : i32
    "tpu.region"() ({
      %run_scoped3A_1648 = tpu.sem_alloc : memref<!tpu.dma_semaphore, #tpu.memory_space<semaphore_mem>>
      %dma_start3A_1649 = arith.constant 0 : i32
      %dma_start3A_1650 = tpu.memref_slice %arg7[%run_scoped3A, %dma_start3A_1649] : memref<2x80xi32, #tpu.memory_space<vmem>> -> memref<1x80xi32, #tpu.memory_space<vmem>>
      %dma_start3A_1651 = tpu.memref_squeeze %dma_start3A_1650 : memref<1x80xi32, #tpu.memory_space<vmem>> -> memref<80xi32, #tpu.memory_space<vmem>>
      %dma_start3A_1652 = tpu.memref_slice %arg2[%add3A_49] : memref<320000xi32, #tpu.memory_space<hbm>> -> memref<80xi32, #tpu.memory_space<hbm>>
      %dma_start3A_1653 = arith.constant 0 : i32
      %dma_start3A_1654 = tpu.memref_slice %arg7[%run_scoped3A, %dma_start3A_1653] : memref<2x80xi32, #tpu.memory_space<vmem>> -> memref<1x80xi32, #tpu.memory_space<vmem>>
      %dma_start3A_1655 = tpu.memref_squeeze %dma_start3A_1654 : memref<1x80xi32, #tpu.memory_space<vmem>> -> memref<80xi32, #tpu.memory_space<vmem>>
      %dma_start3A_1656 = tpu.memref_slice %arg2[%add3A_49] : memref<320000xi32, #tpu.memory_space<hbm>> -> memref<80xi32, #tpu.memory_space<hbm>>
      tpu.enqueue_dma source(%dma_start3A_1656 : memref<80xi32, #tpu.memory_space<hbm>>) target(%dma_start3A_1655 : memref<80xi32, #tpu.memory_space<vmem>>) target_semaphore(%run_scoped3A_1648 : memref<!tpu.dma_semaphore, #tpu.memory_space<semaphore_mem>>)
      %dma_wait3A = arith.constant 0 : i32
      %dma_wait3A_1657 = tpu.memref_slice %arg7[%run_scoped3A, %dma_wait3A] : memref<2x80xi32, #tpu.memory_space<vmem>> -> memref<1x80xi32, #tpu.memory_space<vmem>>
      %dma_wait3A_1658 = tpu.memref_squeeze %dma_wait3A_1657 : memref<1x80xi32, #tpu.memory_space<vmem>> -> memref<80xi32, #tpu.memory_space<vmem>>
      %dma_wait3A_1659 = tpu.memref_slice %arg2[%add3A_49] : memref<320000xi32, #tpu.memory_space<hbm>> -> memref<80xi32, #tpu.memory_space<hbm>>
      %dma_wait3A_1660 = arith.constant 0 : i32
      %dma_wait3A_1661 = tpu.memref_slice %arg7[%run_scoped3A, %dma_wait3A_1660] : memref<2x80xi32, #tpu.memory_space<vmem>> -> memref<1x80xi32, #tpu.memory_space<vmem>>
      %dma_wait3A_1662 = tpu.memref_squeeze %dma_wait3A_1661 : memref<1x80xi32, #tpu.memory_space<vmem>> -> memref<80xi32, #tpu.memory_space<vmem>>
      %dma_wait3A_1663 = tpu.memref_slice %arg2[%add3A_49] : memref<320000xi32, #tpu.memory_space<hbm>> -> memref<80xi32, #tpu.memory_space<hbm>>
      tpu.wait_dma2 semaphore(%run_scoped3A_1648 : memref<!tpu.dma_semaphore, #tpu.memory_space<semaphore_mem>>) src(%dma_wait3A_1663 : memref<80xi32, #tpu.memory_space<hbm>>) dst(%dma_wait3A_1662 : memref<80xi32, #tpu.memory_space<vmem>>)
      tpu.yield
    }) : () -> ()
    %run_scoped3A_50 = arith.constant 0 : i32
    "tpu.region"() ({
      %run_scoped3A_1648 = tpu.sem_alloc : memref<!tpu.dma_semaphore, #tpu.memory_space<semaphore_mem>>
      %dma_start3A_1649 = arith.constant 0 : i32
      %dma_start3A_1650 = tpu.memref_slice %arg8[%run_scoped3A_50, %dma_start3A_1649] : memref<2x80xi32, #tpu.memory_space<vmem>> -> memref<1x80xi32, #tpu.memory_space<vmem>>
      %dma_start3A_1651 = tpu.memref_squeeze %dma_start3A_1650 : memref<1x80xi32, #tpu.memory_space<vmem>> -> memref<80xi32, #tpu.memory_space<vmem>>
      %dma_start3A_1652 = tpu.memref_slice %arg3[%add3A_49] : memref<320000xi32, #tpu.memory_space<hbm>> -> memref<80xi32, #tpu.memory_space<hbm>>
      %dma_start3A_1653 = arith.constant 0 : i32
      %dma_start3A_1654 = tpu.memref_slice %arg8[%run_scoped3A_50, %dma_start3A_1653] : memref<2x80xi32, #tpu.memory_space<vmem>> -> memref<1x80xi32, #tpu.memory_space<vmem>>
      %dma_start3A_1655 = tpu.memref_squeeze %dma_start3A_1654 : memref<1x80xi32, #tpu.memory_space<vmem>> -> memref<80xi32, #tpu.memory_space<vmem>>
      %dma_start3A_1656 = tpu.memref_slice %arg3[%add3A_49] : memref<320000xi32, #tpu.memory_space<hbm>> -> memref<80xi32, #tpu.memory_space<hbm>>
      tpu.enqueue_dma source(%dma_start3A_1656 : memref<80xi32, #tpu.memory_space<hbm>>) target(%dma_start3A_1655 : memref<80xi32, #tpu.memory_space<vmem>>) target_semaphore(%run_scoped3A_1648 : memref<!tpu.dma_semaphore, #tpu.memory_space<semaphore_mem>>)
      %dma_wait3A = arith.constant 0 : i32
      %dma_wait3A_1657 = tpu.memref_slice %arg8[%run_scoped3A_50, %dma_wait3A] : memref<2x80xi32, #tpu.memory_space<vmem>> -> memref<1x80xi32, #tpu.memory_space<vmem>>
      %dma_wait3A_1658 = tpu.memref_squeeze %dma_wait3A_1657 : memref<1x80xi32, #tpu.memory_space<vmem>> -> memref<80xi32, #tpu.memory_space<vmem>>
      %dma_wait3A_1659 = tpu.memref_slice %arg3[%add3A_49] : memref<320000xi32, #tpu.memory_space<hbm>> -> memref<80xi32, #tpu.memory_space<hbm>>
      %dma_wait3A_1660 = arith.constant 0 : i32
      %dma_wait3A_1661 = tpu.memref_slice %arg8[%run_scoped3A_50, %dma_wait3A_1660] : memref<2x80xi32, #tpu.memory_space<vmem>> -> memref<1x80xi32, #tpu.memory_space<vmem>>
      %dma_wait3A_1662 = tpu.memref_squeeze %dma_wait3A_1661 : memref<1x80xi32, #tpu.memory_space<vmem>> -> memref<80xi32, #tpu.memory_space<vmem>>
      %dma_wait3A_1663 = tpu.memref_slice %arg3[%add3A_49] : memref<320000xi32, #tpu.memory_space<hbm>> -> memref<80xi32, #tpu.memory_space<hbm>>
      tpu.wait_dma2 semaphore(%run_scoped3A_1648 : memref<!tpu.dma_semaphore, #tpu.memory_space<semaphore_mem>>) src(%dma_wait3A_1663 : memref<80xi32, #tpu.memory_space<hbm>>) dst(%dma_wait3A_1662 : memref<80xi32, #tpu.memory_space<vmem>>)
      tpu.yield
    }) : () -> ()
    %get3A = arith.constant 0 : i32
    %get3A_51 = arith.index_cast %get3A : i32 to index
    %get3A_52 = arith.constant 0 : index
    %get3A_53 = tpu.vector_load %arg8[%get3A_51, %get3A_52] {strides = array<i32>} : memref<2x80xi32, #tpu.memory_space<vmem>>, vector<1x16xi32>,
    %get3A_54 = vector.shape_cast %get3A_53 : vector<1x16xi32> to vector<16xi32>
    %get3A_55 = arith.constant 0 : i32
    %get3A_56 = arith.index_cast %get3A_55 : i32 to index
    %get3A_57 = arith.constant 16 : index
    %get3A_58 = tpu.vector_load %arg8[%get3A_56, %get3A_57] {strides = array<i32>} : memref<2x80xi32, #tpu.memory_space<vmem>>, vector<1x16xi32>,
    %get3A_59 = vector.shape_cast %get3A_58 : vector<1x16xi32> to vector<16xi32>
    %get3A_60 = arith.constant 0 : i32
    %get3A_61 = arith.index_cast %get3A_60 : i32 to index
    %get3A_62 = arith.constant 32 : index
    %get3A_63 = tpu.vector_load %arg8[%get3A_61, %get3A_62] {strides = array<i32>} : memref<2x80xi32, #tpu.memory_space<vmem>>, vector<1x16xi32>,
    %get3A_64 = vector.shape_cast %get3A_63 : vector<1x16xi32> to vector<16xi32>
    %get3A_65 = arith.constant 0 : i32
    %get3A_66 = arith.index_cast %get3A_65 : i32 to index
    %get3A_67 = arith.constant 48 : index
    %get3A_68 = tpu.vector_load %arg8[%get3A_66, %get3A_67] {strides = array<i32>} : memref<2x80xi32, #tpu.memory_space<vmem>>, vector<1x16xi32>,
    %get3A_69 = vector.shape_cast %get3A_68 : vector<1x16xi32> to vector<16xi32>
    %get3A_70 = arith.constant 0 : i32
    %get3A_71 = arith.index_cast %get3A_70 : i32 to index
    %get3A_72 = arith.constant 64 : index
    %get3A_73 = tpu.vector_load %arg8[%get3A_71, %get3A_72] {strides = array<i32>} : memref<2x80xi32, #tpu.memory_space<vmem>>, vector<1x16xi32>,
    %get3A_74 = vector.shape_cast %get3A_73 : vector<1x16xi32> to vector<16xi32>
    %swap3A_75 = arith.constant 64 : index
    %swap3A_76 = tpu.vector_load %arg11[%swap3A_75] {strides = array<i32>} : memref<144xi32, #tpu.memory_space<vmem>>, vector<16xi32>,
    %swap3A_77 = vector.shape_cast %swap3A_76 : vector<16xi32> to vector<16xi32>
    %swap3A_78 = vector.shape_cast %get3A_54 : vector<16xi32> to vector<16xi32>
    tpu.vector_store %arg11[%swap3A_75], %swap3A_78 {strides = array<i32>} : memref<144xi32, #tpu.memory_space<vmem>>, vector<16xi32>,
    %swap3A_79 = arith.constant 80 : index
    %swap3A_80 = tpu.vector_load %arg11[%swap3A_79] {strides = array<i32>} : memref<144xi32, #tpu.memory_space<vmem>>, vector<16xi32>,
    %swap3A_81 = vector.shape_cast %swap3A_80 : vector<16xi32> to vector<16xi32>
    %swap3A_82 = vector.shape_cast %get3A_59 : vector<16xi32> to vector<16xi32>
    tpu.vector_store %arg11[%swap3A_79], %swap3A_82 {strides = array<i32>} : memref<144xi32, #tpu.memory_space<vmem>>, vector<16xi32>,
    %swap3A_83 = arith.constant 96 : index
    %swap3A_84 = tpu.vector_load %arg11[%swap3A_83] {strides = array<i32>} : memref<144xi32, #tpu.memory_space<vmem>>, vector<16xi32>,
    %swap3A_85 = vector.shape_cast %swap3A_84 : vector<16xi32> to vector<16xi32>
    %swap3A_86 = vector.shape_cast %get3A_64 : vector<16xi32> to vector<16xi32>
    tpu.vector_store %arg11[%swap3A_83], %swap3A_86 {strides = array<i32>} : memref<144xi32, #tpu.memory_space<vmem>>, vector<16xi32>,
    %swap3A_87 = arith.constant 112 : index
    %swap3A_88 = tpu.vector_load %arg11[%swap3A_87] {strides = array<i32>} : memref<144xi32, #tpu.memory_space<vmem>>, vector<16xi32>,
    %swap3A_89 = vector.shape_cast %swap3A_88 : vector<16xi32> to vector<16xi32>
    %swap3A_90 = vector.shape_cast %get3A_69 : vector<16xi32> to vector<16xi32>
    tpu.vector_store %arg11[%swap3A_87], %swap3A_90 {strides = array<i32>} : memref<144xi32, #tpu.memory_space<vmem>>, vector<16xi32>,
    %swap3A_91 = arith.constant 128 : index
    %swap3A_92 = tpu.vector_load %arg11[%swap3A_91] {strides = array<i32>} : memref<144xi32, #tpu.memory_space<vmem>>, vector<16xi32>,
    %swap3A_93 = vector.shape_cast %swap3A_92 : vector<16xi32> to vector<16xi32>
    %swap3A_94 = vector.shape_cast %get3A_74 : vector<16xi32> to vector<16xi32>
    tpu.vector_store %arg11[%swap3A_91], %swap3A_94 {strides = array<i32>} : memref<144xi32, #tpu.memory_space<vmem>>, vector<16xi32>,
    %get3A_95 = arith.constant 63 : index
    %get3A_96 = tpu.vector_load %arg11[%get3A_95] {strides = array<i32>} : memref<144xi32, #tpu.memory_space<vmem>>, vector<16xi32>,
    %get3A_97 = vector.shape_cast %get3A_96 : vector<16xi32> to vector<16xi32>
    %eq3A = arith.cmpi eq, %get3A_54, %get3A_97 : vector<16xi32>
    %select_n3A = arith.select %eq3A, %broadcast_in_dim3A_4, %broadcast_in_dim3A_2 : vector<16xi1>, vector<16xi32>
    %add3A_98 = arith.addi %broadcast_in_dim3A_2, %select_n3A : vector<16xi32>
    %get3A_99 = arith.constant 62 : index
    %get3A_100 = tpu.vector_load %arg11[%get3A_99] {strides = array<i32>} : memref<144xi32, #tpu.memory_space<vmem>>, vector<16xi32>,
    %get3A_101 = vector.shape_cast %get3A_100 : vector<16xi32> to vector<16xi32>
    %eq3A_102 = arith.cmpi eq, %get3A_54, %get3A_101 : vector<16xi32>
    %select_n3A_103 = arith.select %eq3A_102, %broadcast_in_dim3A_4, %broadcast_in_dim3A_2 : vector<16xi1>, vector<16xi32>
    %add3A_104 = arith.addi %add3A_98, %select_n3A_103 : vector<16xi32>
    %get3A_105 = arith.constant 61 : index
    %get3A_106 = tpu.vector_load %arg11[%get3A_105] {strides = array<i32>} : memref<144xi32, #tpu.memory_space<vmem>>, vector<16xi32>,
    %get3A_107 = vector.shape_cast %get3A_106 : vector<16xi32> to vector<16xi32>
    %eq3A_108 = arith.cmpi eq, %get3A_54, %get3A_107 : vector<16xi32>
    %select_n3A_109 = arith.select %eq3A_108, %broadcast_in_dim3A_4, %broadcast_in_dim3A_2 : vector<16xi1>, vector<16xi32>
    %add3A_110 = arith.addi %add3A_104, %select_n3A_109 : vector<16xi32>
    %get3A_111 = arith.constant 60 : index
    %get3A_112 = tpu.vector_load %arg11[%get3A_111] {strides = array<i32>} : memref<144xi32, #tpu.memory_space<vmem>>, vector<16xi32>,
    %get3A_113 = vector.shape_cast %get3A_112 : vector<16xi32> to vector<16xi32>
    %eq3A_114 = arith.cmpi eq, %get3A_54, %get3A_113 : vector<16xi32>
    %select_n3A_115 = arith.select %eq3A_114, %broadcast_in_dim3A_4, %broadcast_in_dim3A_2 : vector<16xi1>, vector<16xi32>
    %add3A_116 = arith.addi %add3A_110, %select_n3A_115 : vector<16xi32>
    %get3A_117 = arith.constant 59 : index
    %get3A_118 = tpu.vector_load %arg11[%get3A_117] {strides = array<i32>} : memref<144xi32, #tpu.memory_space<vmem>>, vector<16xi32>,
    %get3A_119 = vector.shape_cast %get3A_118 : vector<16xi32> to vector<16xi32>
    %eq3A_120 = arith.cmpi eq, %get3A_54, %get3A_119 : vector<16xi32>
    %select_n3A_121 = arith.select %eq3A_120, %broadcast_in_dim3A_4, %broadcast_in_dim3A_2 : vector<16xi1>, vector<16xi32>
    %add3A_122 = arith.addi %add3A_116, %select_n3A_121 : vector<16xi32>
    %get3A_123 = arith.constant 58 : index
    %get3A_124 = tpu.vector_load %arg11[%get3A_123] {strides = array<i32>} : memref<144xi32, #tpu.memory_space<vmem>>, vector<16xi32>,
    %get3A_125 = vector.shape_cast %get3A_124 : vector<16xi32> to vector<16xi32>
    %eq3A_126 = arith.cmpi eq, %get3A_54, %get3A_125 : vector<16xi32>
    %select_n3A_127 = arith.select %eq3A_126, %broadcast_in_dim3A_4, %broadcast_in_dim3A_2 : vector<16xi1>, vector<16xi32>
    %add3A_128 = arith.addi %add3A_122, %select_n3A_127 : vector<16xi32>
    %get3A_129 = arith.constant 57 : index
    %get3A_130 = tpu.vector_load %arg11[%get3A_129] {strides = array<i32>} : memref<144xi32, #tpu.memory_space<vmem>>, vector<16xi32>,
    %get3A_131 = vector.shape_cast %get3A_130 : vector<16xi32> to vector<16xi32>
    %eq3A_132 = arith.cmpi eq, %get3A_54, %get3A_131 : vector<16xi32>
    %select_n3A_133 = arith.select %eq3A_132, %broadcast_in_dim3A_4, %broadcast_in_dim3A_2 : vector<16xi1>, vector<16xi32>
    %add3A_134 = arith.addi %add3A_128, %select_n3A_133 : vector<16xi32>
    %get3A_135 = arith.constant 56 : index
    %get3A_136 = tpu.vector_load %arg11[%get3A_135] {strides = array<i32>} : memref<144xi32, #tpu.memory_space<vmem>>, vector<16xi32>,
    %get3A_137 = vector.shape_cast %get3A_136 : vector<16xi32> to vector<16xi32>
    %eq3A_138 = arith.cmpi eq, %get3A_54, %get3A_137 : vector<16xi32>
    %select_n3A_139 = arith.select %eq3A_138, %broadcast_in_dim3A_4, %broadcast_in_dim3A_2 : vector<16xi1>, vector<16xi32>
    %add3A_140 = arith.addi %add3A_134, %select_n3A_139 : vector<16xi32>
    %get3A_141 = arith.constant 55 : index
    %get3A_142 = tpu.vector_load %arg11[%get3A_141] {strides = array<i32>} : memref<144xi32, #tpu.memory_space<vmem>>, vector<16xi32>,
    %get3A_143 = vector.shape_cast %get3A_142 : vector<16xi32> to vector<16xi32>
    %eq3A_144 = arith.cmpi eq, %get3A_54, %get3A_143 : vector<16xi32>
    %select_n3A_145 = arith.select %eq3A_144, %broadcast_in_dim3A_4, %broadcast_in_dim3A_2 : vector<16xi1>, vector<16xi32>
    %add3A_146 = arith.addi %add3A_140, %select_n3A_145 : vector<16xi32>
    %get3A_147 = arith.constant 54 : index
    %get3A_148 = tpu.vector_load %arg11[%get3A_147] {strides = array<i32>} : memref<144xi32, #tpu.memory_space<vmem>>, vector<16xi32>,
    %get3A_149 = vector.shape_cast %get3A_148 : vector<16xi32> to vector<16xi32>
    %eq3A_150 = arith.cmpi eq, %get3A_54, %get3A_149 : vector<16xi32>
    %select_n3A_151 = arith.select %eq3A_150, %broadcast_in_dim3A_4, %broadcast_in_dim3A_2 : vector<16xi1>, vector<16xi32>
    %add3A_152 = arith.addi %add3A_146, %select_n3A_151 : vector<16xi32>
    %get3A_153 = arith.constant 53 : index
    %get3A_154 = tpu.vector_load %arg11[%get3A_153] {strides = array<i32>} : memref<144xi32, #tpu.memory_space<vmem>>, vector<16xi32>,
    %get3A_155 = vector.shape_cast %get3A_154 : vector<16xi32> to vector<16xi32>
    %eq3A_156 = arith.cmpi eq, %get3A_54, %get3A_155 : vector<16xi32>
    %select_n3A_157 = arith.select %eq3A_156, %broadcast_in_dim3A_4, %broadcast_in_dim3A_2 : vector<16xi1>, vector<16xi32>
    %add3A_158 = arith.addi %add3A_152, %select_n3A_157 : vector<16xi32>
    %get3A_159 = arith.constant 52 : index
    %get3A_160 = tpu.vector_load %arg11[%get3A_159] {strides = array<i32>} : memref<144xi32, #tpu.memory_space<vmem>>, vector<16xi32>,
    %get3A_161 = vector.shape_cast %get3A_160 : vector<16xi32> to vector<16xi32>
    %eq3A_162 = arith.cmpi eq, %get3A_54, %get3A_161 : vector<16xi32>
    %select_n3A_163 = arith.select %eq3A_162, %broadcast_in_dim3A_4, %broadcast_in_dim3A_2 : vector<16xi1>, vector<16xi32>
    %add3A_164 = arith.addi %add3A_158, %select_n3A_163 : vector<16xi32>
    %get3A_165 = arith.constant 51 : index
    %get3A_166 = tpu.vector_load %arg11[%get3A_165] {strides = array<i32>} : memref<144xi32, #tpu.memory_space<vmem>>, vector<16xi32>,
    %get3A_167 = vector.shape_cast %get3A_166 : vector<16xi32> to vector<16xi32>
    %eq3A_168 = arith.cmpi eq, %get3A_54, %get3A_167 : vector<16xi32>
    %select_n3A_169 = arith.select %eq3A_168, %broadcast_in_dim3A_4, %broadcast_in_dim3A_2 : vector<16xi1>, vector<16xi32>
    %add3A_170 = arith.addi %add3A_164, %select_n3A_169 : vector<16xi32>
    %get3A_171 = arith.constant 50 : index
    %get3A_172 = tpu.vector_load %arg11[%get3A_171] {strides = array<i32>} : memref<144xi32, #tpu.memory_space<vmem>>, vector<16xi32>,
    %get3A_173 = vector.shape_cast %get3A_172 : vector<16xi32> to vector<16xi32>
    %eq3A_174 = arith.cmpi eq, %get3A_54, %get3A_173 : vector<16xi32>
    %select_n3A_175 = arith.select %eq3A_174, %broadcast_in_dim3A_4, %broadcast_in_dim3A_2 : vector<16xi1>, vector<16xi32>
    %add3A_176 = arith.addi %add3A_170, %select_n3A_175 : vector<16xi32>
    %get3A_177 = arith.constant 49 : index
    %get3A_178 = tpu.vector_load %arg11[%get3A_177] {strides = array<i32>} : memref<144xi32, #tpu.memory_space<vmem>>, vector<16xi32>,
    %get3A_179 = vector.shape_cast %get3A_178 : vector<16xi32> to vector<16xi32>
    %eq3A_180 = arith.cmpi eq, %get3A_54, %get3A_179 : vector<16xi32>
    %select_n3A_181 = arith.select %eq3A_180, %broadcast_in_dim3A_4, %broadcast_in_dim3A_2 : vector<16xi1>, vector<16xi32>
    %add3A_182 = arith.addi %add3A_176, %select_n3A_181 : vector<16xi32>
    %eq3A_183 = arith.constant 0 : i32
    %eq3A_184 = vector.broadcast %eq3A_183 : i32 to vector<16xi32>
    %eq3A_185 = arith.cmpi eq, %add3A_182, %eq3A_184 : vector<16xi32>
    %jit3A = arith.constant 10008 : i32
    %broadcast_in_dim3A_186 = vector.broadcast %jit3A : i32 to vector<16xi32>
    %select_n3A_187 = arith.select %eq3A_185, %get3A_54, %broadcast_in_dim3A_186 : vector<16xi1>, vector<16xi32>
    %swap3A_188 = arith.constant 0 : i32
    %swap3A_189 = arith.index_cast %swap3A_188 : i32 to index
    %swap3A_190 = arith.constant 0 : index
    %swap3A_191 = tpu.vector_load %arg9[%swap3A_189, %swap3A_190] {strides = array<i32>} : memref<2x80xi32, #tpu.memory_space<vmem>>, vector<1x16xi32>,
    %swap3A_192 = vector.shape_cast %swap3A_191 : vector<1x16xi32> to vector<16xi32>
    %swap3A_193 = vector.shape_cast %select_n3A_187 : vector<16xi32> to vector<1x16xi32>
    tpu.vector_store %arg9[%swap3A_189, %swap3A_190], %swap3A_193 {strides = array<i32>} : memref<2x80xi32, #tpu.memory_space<vmem>>, vector<1x16xi32>,
    %eq3A_194 = arith.constant 1 : i32
    %eq3A_195 = vector.broadcast %eq3A_194 : i32 to vector<16xi32>
    %eq3A_196 = arith.cmpi eq, %add3A_182, %eq3A_195 : vector<16xi32>
    %jit3A_197 = arith.constant 10008 : i32
    %broadcast_in_dim3A_198 = vector.broadcast %jit3A_197 : i32 to vector<16xi32>
    %select_n3A_199 = arith.select %eq3A_196, %get3A_54, %broadcast_in_dim3A_198 : vector<16xi1>, vector<16xi32>
    %swap3A_200 = arith.constant 0 : i32
    %swap3A_201 = arith.index_cast %swap3A_200 : i32 to index
    %swap3A_202 = arith.constant 0 : index
    %swap3A_203 = tpu.vector_load %arg10[%swap3A_201, %swap3A_202] {strides = array<i32>} : memref<2x80xi32, #tpu.memory_space<vmem>>, vector<1x16xi32>,
    %swap3A_204 = vector.shape_cast %swap3A_203 : vector<1x16xi32> to vector<16xi32>
    %swap3A_205 = vector.shape_cast %select_n3A_199 : vector<16xi32> to vector<1x16xi32>
    tpu.vector_store %arg10[%swap3A_201, %swap3A_202], %swap3A_205 {strides = array<i32>} : memref<2x80xi32, #tpu.memory_space<vmem>>, vector<1x16xi32>,
    %get3A_206 = arith.constant 79 : index
    %get3A_207 = tpu.vector_load %arg11[%get3A_206] {strides = array<i32>} : memref<144xi32, #tpu.memory_space<vmem>>, vector<16xi32>,
    %get3A_208 = vector.shape_cast %get3A_207 : vector<16xi32> to vector<16xi32>
    %eq3A_209 = arith.cmpi eq, %get3A_59, %get3A_208 : vector<16xi32>
    %select_n3A_210 = arith.select %eq3A_209, %broadcast_in_dim3A_4, %broadcast_in_dim3A_2 : vector<16xi1>, vector<16xi32>
    %add3A_211 = arith.addi %broadcast_in_dim3A_2, %select_n3A_210 : vector<16xi32>
    %get3A_212 = arith.constant 78 : index
    %get3A_213 = tpu.vector_load %arg11[%get3A_212] {strides = array<i32>} : memref<144xi32, #tpu.memory_space<vmem>>, vector<16xi32>,
    %get3A_214 = vector.shape_cast %get3A_213 : vector<16xi32> to vector<16xi32>
    %eq3A_215 = arith.cmpi eq, %get3A_59, %get3A_214 : vector<16xi32>
    %select_n3A_216 = arith.select %eq3A_215, %broadcast_in_dim3A_4, %broadcast_in_dim3A_2 : vector<16xi1>, vector<16xi32>
    %add3A_217 = arith.addi %add3A_211, %select_n3A_216 : vector<16xi32>
    %get3A_218 = arith.constant 77 : index
    %get3A_219 = tpu.vector_load %arg11[%get3A_218] {strides = array<i32>} : memref<144xi32, #tpu.memory_space<vmem>>, vector<16xi32>,
    %get3A_220 = vector.shape_cast %get3A_219 : vector<16xi32> to vector<16xi32>
    %eq3A_221 = arith.cmpi eq, %get3A_59, %get3A_220 : vector<16xi32>
    %select_n3A_222 = arith.select %eq3A_221, %broadcast_in_dim3A_4, %broadcast_in_dim3A_2 : vector<16xi1>, vector<16xi32>
    %add3A_223 = arith.addi %add3A_217, %select_n3A_222 : vector<16xi32>
    %get3A_224 = arith.constant 76 : index
    %get3A_225 = tpu.vector_load %arg11[%get3A_224] {strides = array<i32>} : memref<144xi32, #tpu.memory_space<vmem>>, vector<16xi32>,
    %get3A_226 = vector.shape_cast %get3A_225 : vector<16xi32> to vector<16xi32>
    %eq3A_227 = arith.cmpi eq, %get3A_59, %get3A_226 : vector<16xi32>
    %select_n3A_228 = arith.select %eq3A_227, %broadcast_in_dim3A_4, %broadcast_in_dim3A_2 : vector<16xi1>, vector<16xi32>
    %add3A_229 = arith.addi %add3A_223, %select_n3A_228 : vector<16xi32>
    %get3A_230 = arith.constant 75 : index
    %get3A_231 = tpu.vector_load %arg11[%get3A_230] {strides = array<i32>} : memref<144xi32, #tpu.memory_space<vmem>>, vector<16xi32>,
    %get3A_232 = vector.shape_cast %get3A_231 : vector<16xi32> to vector<16xi32>
    %eq3A_233 = arith.cmpi eq, %get3A_59, %get3A_232 : vector<16xi32>
    %select_n3A_234 = arith.select %eq3A_233, %broadcast_in_dim3A_4, %broadcast_in_dim3A_2 : vector<16xi1>, vector<16xi32>
    %add3A_235 = arith.addi %add3A_229, %select_n3A_234 : vector<16xi32>
    %get3A_236 = arith.constant 74 : index
    %get3A_237 = tpu.vector_load %arg11[%get3A_236] {strides = array<i32>} : memref<144xi32, #tpu.memory_space<vmem>>, vector<16xi32>,
    %get3A_238 = vector.shape_cast %get3A_237 : vector<16xi32> to vector<16xi32>
    %eq3A_239 = arith.cmpi eq, %get3A_59, %get3A_238 : vector<16xi32>
    %select_n3A_240 = arith.select %eq3A_239, %broadcast_in_dim3A_4, %broadcast_in_dim3A_2 : vector<16xi1>, vector<16xi32>
    %add3A_241 = arith.addi %add3A_235, %select_n3A_240 : vector<16xi32>
    %get3A_242 = arith.constant 73 : index
    %get3A_243 = tpu.vector_load %arg11[%get3A_242] {strides = array<i32>} : memref<144xi32, #tpu.memory_space<vmem>>, vector<16xi32>,
    %get3A_244 = vector.shape_cast %get3A_243 : vector<16xi32> to vector<16xi32>
    %eq3A_245 = arith.cmpi eq, %get3A_59, %get3A_244 : vector<16xi32>
    %select_n3A_246 = arith.select %eq3A_245, %broadcast_in_dim3A_4, %broadcast_in_dim3A_2 : vector<16xi1>, vector<16xi32>
    %add3A_247 = arith.addi %add3A_241, %select_n3A_246 : vector<16xi32>
    %get3A_248 = arith.constant 72 : index
    %get3A_249 = tpu.vector_load %arg11[%get3A_248] {strides = array<i32>} : memref<144xi32, #tpu.memory_space<vmem>>, vector<16xi32>,
    %get3A_250 = vector.shape_cast %get3A_249 : vector<16xi32> to vector<16xi32>
    %eq3A_251 = arith.cmpi eq, %get3A_59, %get3A_250 : vector<16xi32>
    %select_n3A_252 = arith.select %eq3A_251, %broadcast_in_dim3A_4, %broadcast_in_dim3A_2 : vector<16xi1>, vector<16xi32>
    %add3A_253 = arith.addi %add3A_247, %select_n3A_252 : vector<16xi32>
    %get3A_254 = arith.constant 71 : index
    %get3A_255 = tpu.vector_load %arg11[%get3A_254] {strides = array<i32>} : memref<144xi32, #tpu.memory_space<vmem>>, vector<16xi32>,
    %get3A_256 = vector.shape_cast %get3A_255 : vector<16xi32> to vector<16xi32>
    %eq3A_257 = arith.cmpi eq, %get3A_59, %get3A_256 : vector<16xi32>
    %select_n3A_258 = arith.select %eq3A_257, %broadcast_in_dim3A_4, %broadcast_in_dim3A_2 : vector<16xi1>, vector<16xi32>
    %add3A_259 = arith.addi %add3A_253, %select_n3A_258 : vector<16xi32>
    %get3A_260 = arith.constant 70 : index
    %get3A_261 = tpu.vector_load %arg11[%get3A_260] {strides = array<i32>} : memref<144xi32, #tpu.memory_space<vmem>>, vector<16xi32>,
    %get3A_262 = vector.shape_cast %get3A_261 : vector<16xi32> to vector<16xi32>
    %eq3A_263 = arith.cmpi eq, %get3A_59, %get3A_262 : vector<16xi32>
    %select_n3A_264 = arith.select %eq3A_263, %broadcast_in_dim3A_4, %broadcast_in_dim3A_2 : vector<16xi1>, vector<16xi32>
    %add3A_265 = arith.addi %add3A_259, %select_n3A_264 : vector<16xi32>
    %get3A_266 = arith.constant 69 : index
    %get3A_267 = tpu.vector_load %arg11[%get3A_266] {strides = array<i32>} : memref<144xi32, #tpu.memory_space<vmem>>, vector<16xi32>,
    %get3A_268 = vector.shape_cast %get3A_267 : vector<16xi32> to vector<16xi32>
    %eq3A_269 = arith.cmpi eq, %get3A_59, %get3A_268 : vector<16xi32>
    %select_n3A_270 = arith.select %eq3A_269, %broadcast_in_dim3A_4, %broadcast_in_dim3A_2 : vector<16xi1>, vector<16xi32>
    %add3A_271 = arith.addi %add3A_265, %select_n3A_270 : vector<16xi32>
    %get3A_272 = arith.constant 68 : index
    %get3A_273 = tpu.vector_load %arg11[%get3A_272] {strides = array<i32>} : memref<144xi32, #tpu.memory_space<vmem>>, vector<16xi32>,
    %get3A_274 = vector.shape_cast %get3A_273 : vector<16xi32> to vector<16xi32>
    %eq3A_275 = arith.cmpi eq, %get3A_59, %get3A_274 : vector<16xi32>
    %select_n3A_276 = arith.select %eq3A_275, %broadcast_in_dim3A_4, %broadcast_in_dim3A_2 : vector<16xi1>, vector<16xi32>
    %add3A_277 = arith.addi %add3A_271, %select_n3A_276 : vector<16xi32>
    %get3A_278 = arith.constant 67 : index
    %get3A_279 = tpu.vector_load %arg11[%get3A_278] {strides = array<i32>} : memref<144xi32, #tpu.memory_space<vmem>>, vector<16xi32>,
    %get3A_280 = vector.shape_cast %get3A_279 : vector<16xi32> to vector<16xi32>
    %eq3A_281 = arith.cmpi eq, %get3A_59, %get3A_280 : vector<16xi32>
    %select_n3A_282 = arith.select %eq3A_281, %broadcast_in_dim3A_4, %broadcast_in_dim3A_2 : vector<16xi1>, vector<16xi32>
    %add3A_283 = arith.addi %add3A_277, %select_n3A_282 : vector<16xi32>
    %get3A_284 = arith.constant 66 : index
    %get3A_285 = tpu.vector_load %arg11[%get3A_284] {strides = array<i32>} : memref<144xi32, #tpu.memory_space<vmem>>, vector<16xi32>,
    %get3A_286 = vector.shape_cast %get3A_285 : vector<16xi32> to vector<16xi32>
    %eq3A_287 = arith.cmpi eq, %get3A_59, %get3A_286 : vector<16xi32>
    %select_n3A_288 = arith.select %eq3A_287, %broadcast_in_dim3A_4, %broadcast_in_dim3A_2 : vector<16xi1>, vector<16xi32>
    %add3A_289 = arith.addi %add3A_283, %select_n3A_288 : vector<16xi32>
    %get3A_290 = arith.constant 65 : index
    %get3A_291 = tpu.vector_load %arg11[%get3A_290] {strides = array<i32>} : memref<144xi32, #tpu.memory_space<vmem>>, vector<16xi32>,
    %get3A_292 = vector.shape_cast %get3A_291 : vector<16xi32> to vector<16xi32>
    %eq3A_293 = arith.cmpi eq, %get3A_59, %get3A_292 : vector<16xi32>
    %select_n3A_294 = arith.select %eq3A_293, %broadcast_in_dim3A_4, %broadcast_in_dim3A_2 : vector<16xi1>, vector<16xi32>
    %add3A_295 = arith.addi %add3A_289, %select_n3A_294 : vector<16xi32>
    %get3A_296 = arith.constant 64 : index
    %get3A_297 = tpu.vector_load %arg11[%get3A_296] {strides = array<i32>} : memref<144xi32, #tpu.memory_space<vmem>>, vector<16xi32>,
    %get3A_298 = vector.shape_cast %get3A_297 : vector<16xi32> to vector<16xi32>
    %eq3A_299 = arith.cmpi eq, %get3A_59, %get3A_298 : vector<16xi32>
    %select_n3A_300 = arith.select %eq3A_299, %broadcast_in_dim3A_4, %broadcast_in_dim3A_2 : vector<16xi1>, vector<16xi32>
    %add3A_301 = arith.addi %add3A_295, %select_n3A_300 : vector<16xi32>
    %get3A_302 = arith.constant 63 : index
    %get3A_303 = tpu.vector_load %arg11[%get3A_302] {strides = array<i32>} : memref<144xi32, #tpu.memory_space<vmem>>, vector<16xi32>,
    %get3A_304 = vector.shape_cast %get3A_303 : vector<16xi32> to vector<16xi32>
    %eq3A_305 = arith.cmpi eq, %get3A_59, %get3A_304 : vector<16xi32>
    %select_n3A_306 = arith.select %eq3A_305, %broadcast_in_dim3A_4, %broadcast_in_dim3A_2 : vector<16xi1>, vector<16xi32>
    %add3A_307 = arith.addi %add3A_301, %select_n3A_306 : vector<16xi32>
    %get3A_308 = arith.constant 62 : index
    %get3A_309 = tpu.vector_load %arg11[%get3A_308] {strides = array<i32>} : memref<144xi32, #tpu.memory_space<vmem>>, vector<16xi32>,
    %get3A_310 = vector.shape_cast %get3A_309 : vector<16xi32> to vector<16xi32>
    %eq3A_311 = arith.cmpi eq, %get3A_59, %get3A_310 : vector<16xi32>
    %select_n3A_312 = arith.select %eq3A_311, %broadcast_in_dim3A_4, %broadcast_in_dim3A_2 : vector<16xi1>, vector<16xi32>
    %add3A_313 = arith.addi %add3A_307, %select_n3A_312 : vector<16xi32>
    %get3A_314 = arith.constant 61 : index
    %get3A_315 = tpu.vector_load %arg11[%get3A_314] {strides = array<i32>} : memref<144xi32, #tpu.memory_space<vmem>>, vector<16xi32>,
    %get3A_316 = vector.shape_cast %get3A_315 : vector<16xi32> to vector<16xi32>
    %eq3A_317 = arith.cmpi eq, %get3A_59, %get3A_316 : vector<16xi32>
    %select_n3A_318 = arith.select %eq3A_317, %broadcast_in_dim3A_4, %broadcast_in_dim3A_2 : vector<16xi1>, vector<16xi32>
    %add3A_319 = arith.addi %add3A_313, %select_n3A_318 : vector<16xi32>
    %get3A_320 = arith.constant 60 : index
    %get3A_321 = tpu.vector_load %arg11[%get3A_320] {strides = array<i32>} : memref<144xi32, #tpu.memory_space<vmem>>, vector<16xi32>,
    %get3A_322 = vector.shape_cast %get3A_321 : vector<16xi32> to vector<16xi32>
    %eq3A_323 = arith.cmpi eq, %get3A_59, %get3A_322 : vector<16xi32>
    %select_n3A_324 = arith.select %eq3A_323, %broadcast_in_dim3A_4, %broadcast_in_dim3A_2 : vector<16xi1>, vector<16xi32>
    %add3A_325 = arith.addi %add3A_319, %select_n3A_324 : vector<16xi32>
    %get3A_326 = arith.constant 59 : index
    %get3A_327 = tpu.vector_load %arg11[%get3A_326] {strides = array<i32>} : memref<144xi32, #tpu.memory_space<vmem>>, vector<16xi32>,
    %get3A_328 = vector.shape_cast %get3A_327 : vector<16xi32> to vector<16xi32>
    %eq3A_329 = arith.cmpi eq, %get3A_59, %get3A_328 : vector<16xi32>
    %select_n3A_330 = arith.select %eq3A_329, %broadcast_in_dim3A_4, %broadcast_in_dim3A_2 : vector<16xi1>, vector<16xi32>
    %add3A_331 = arith.addi %add3A_325, %select_n3A_330 : vector<16xi32>
    %get3A_332 = arith.constant 58 : index
    %get3A_333 = tpu.vector_load %arg11[%get3A_332] {strides = array<i32>} : memref<144xi32, #tpu.memory_space<vmem>>, vector<16xi32>,
    %get3A_334 = vector.shape_cast %get3A_333 : vector<16xi32> to vector<16xi32>
    %eq3A_335 = arith.cmpi eq, %get3A_59, %get3A_334 : vector<16xi32>
    %select_n3A_336 = arith.select %eq3A_335, %broadcast_in_dim3A_4, %broadcast_in_dim3A_2 : vector<16xi1>, vector<16xi32>
    %add3A_337 = arith.addi %add3A_331, %select_n3A_336 : vector<16xi32>
    %get3A_338 = arith.constant 57 : index
    %get3A_339 = tpu.vector_load %arg11[%get3A_338] {strides = array<i32>} : memref<144xi32, #tpu.memory_space<vmem>>, vector<16xi32>,
    %get3A_340 = vector.shape_cast %get3A_339 : vector<16xi32> to vector<16xi32>
    %eq3A_341 = arith.cmpi eq, %get3A_59, %get3A_340 : vector<16xi32>
    %select_n3A_342 = arith.select %eq3A_341, %broadcast_in_dim3A_4, %broadcast_in_dim3A_2 : vector<16xi1>, vector<16xi32>
    %add3A_343 = arith.addi %add3A_337, %select_n3A_342 : vector<16xi32>
    %get3A_344 = arith.constant 56 : index
    %get3A_345 = tpu.vector_load %arg11[%get3A_344] {strides = array<i32>} : memref<144xi32, #tpu.memory_space<vmem>>, vector<16xi32>,
    %get3A_346 = vector.shape_cast %get3A_345 : vector<16xi32> to vector<16xi32>
    %eq3A_347 = arith.cmpi eq, %get3A_59, %get3A_346 : vector<16xi32>
    %select_n3A_348 = arith.select %eq3A_347, %broadcast_in_dim3A_4, %broadcast_in_dim3A_2 : vector<16xi1>, vector<16xi32>
    %add3A_349 = arith.addi %add3A_343, %select_n3A_348 : vector<16xi32>
    %get3A_350 = arith.constant 55 : index
    %get3A_351 = tpu.vector_load %arg11[%get3A_350] {strides = array<i32>} : memref<144xi32, #tpu.memory_space<vmem>>, vector<16xi32>,
    %get3A_352 = vector.shape_cast %get3A_351 : vector<16xi32> to vector<16xi32>
    %eq3A_353 = arith.cmpi eq, %get3A_59, %get3A_352 : vector<16xi32>
    %select_n3A_354 = arith.select %eq3A_353, %broadcast_in_dim3A_4, %broadcast_in_dim3A_2 : vector<16xi1>, vector<16xi32>
    %add3A_355 = arith.addi %add3A_349, %select_n3A_354 : vector<16xi32>
    %get3A_356 = arith.constant 54 : index
    %get3A_357 = tpu.vector_load %arg11[%get3A_356] {strides = array<i32>} : memref<144xi32, #tpu.memory_space<vmem>>, vector<16xi32>,
    %get3A_358 = vector.shape_cast %get3A_357 : vector<16xi32> to vector<16xi32>
    %eq3A_359 = arith.cmpi eq, %get3A_59, %get3A_358 : vector<16xi32>
    %select_n3A_360 = arith.select %eq3A_359, %broadcast_in_dim3A_4, %broadcast_in_dim3A_2 : vector<16xi1>, vector<16xi32>
    %add3A_361 = arith.addi %add3A_355, %select_n3A_360 : vector<16xi32>
    %get3A_362 = arith.constant 53 : index
    %get3A_363 = tpu.vector_load %arg11[%get3A_362] {strides = array<i32>} : memref<144xi32, #tpu.memory_space<vmem>>, vector<16xi32>,
    %get3A_364 = vector.shape_cast %get3A_363 : vector<16xi32> to vector<16xi32>
    %eq3A_365 = arith.cmpi eq, %get3A_59, %get3A_364 : vector<16xi32>
    %select_n3A_366 = arith.select %eq3A_365, %broadcast_in_dim3A_4, %broadcast_in_dim3A_2 : vector<16xi1>, vector<16xi32>
    %add3A_367 = arith.addi %add3A_361, %select_n3A_366 : vector<16xi32>
    %get3A_368 = arith.constant 52 : index
    %get3A_369 = tpu.vector_load %arg11[%get3A_368] {strides = array<i32>} : memref<144xi32, #tpu.memory_space<vmem>>, vector<16xi32>,
    %get3A_370 = vector.shape_cast %get3A_369 : vector<16xi32> to vector<16xi32>
    %eq3A_371 = arith.cmpi eq, %get3A_59, %get3A_370 : vector<16xi32>
    %select_n3A_372 = arith.select %eq3A_371, %broadcast_in_dim3A_4, %broadcast_in_dim3A_2 : vector<16xi1>, vector<16xi32>
    %add3A_373 = arith.addi %add3A_367, %select_n3A_372 : vector<16xi32>
    %get3A_374 = arith.constant 51 : index
    %get3A_375 = tpu.vector_load %arg11[%get3A_374] {strides = array<i32>} : memref<144xi32, #tpu.memory_space<vmem>>, vector<16xi32>,
    %get3A_376 = vector.shape_cast %get3A_375 : vector<16xi32> to vector<16xi32>
    %eq3A_377 = arith.cmpi eq, %get3A_59, %get3A_376 : vector<16xi32>
    %select_n3A_378 = arith.select %eq3A_377, %broadcast_in_dim3A_4, %broadcast_in_dim3A_2 : vector<16xi1>, vector<16xi32>
    %add3A_379 = arith.addi %add3A_373, %select_n3A_378 : vector<16xi32>
    %get3A_380 = arith.constant 50 : index
    %get3A_381 = tpu.vector_load %arg11[%get3A_380] {strides = array<i32>} : memref<144xi32, #tpu.memory_space<vmem>>, vector<16xi32>,
    %get3A_382 = vector.shape_cast %get3A_381 : vector<16xi32> to vector<16xi32>
    %eq3A_383 = arith.cmpi eq, %get3A_59, %get3A_382 : vector<16xi32>
    %select_n3A_384 = arith.select %eq3A_383, %broadcast_in_dim3A_4, %broadcast_in_dim3A_2 : vector<16xi1>, vector<16xi32>
    %add3A_385 = arith.addi %add3A_379, %select_n3A_384 : vector<16xi32>
    %get3A_386 = arith.constant 49 : index
    %get3A_387 = tpu.vector_load %arg11[%get3A_386] {strides = array<i32>} : memref<144xi32, #tpu.memory_space<vmem>>, vector<16xi32>,
    %get3A_388 = vector.shape_cast %get3A_387 : vector<16xi32> to vector<16xi32>
    %eq3A_389 = arith.cmpi eq, %get3A_59, %get3A_388 : vector<16xi32>
    %select_n3A_390 = arith.select %eq3A_389, %broadcast_in_dim3A_4, %broadcast_in_dim3A_2 : vector<16xi1>, vector<16xi32>
    %add3A_391 = arith.addi %add3A_385, %select_n3A_390 : vector<16xi32>
    %eq3A_392 = arith.constant 0 : i32
    %eq3A_393 = vector.broadcast %eq3A_392 : i32 to vector<16xi32>
    %eq3A_394 = arith.cmpi eq, %add3A_391, %eq3A_393 : vector<16xi32>
    %jit3A_395 = arith.constant 10008 : i32
    %broadcast_in_dim3A_396 = vector.broadcast %jit3A_395 : i32 to vector<16xi32>
    %select_n3A_397 = arith.select %eq3A_394, %get3A_59, %broadcast_in_dim3A_396 : vector<16xi1>, vector<16xi32>
    %swap3A_398 = arith.constant 0 : i32
    %swap3A_399 = arith.index_cast %swap3A_398 : i32 to index
    %swap3A_400 = arith.constant 16 : index
    %swap3A_401 = tpu.vector_load %arg9[%swap3A_399, %swap3A_400] {strides = array<i32>} : memref<2x80xi32, #tpu.memory_space<vmem>>, vector<1x16xi32>,
    %swap3A_402 = vector.shape_cast %swap3A_401 : vector<1x16xi32> to vector<16xi32>
    %swap3A_403 = vector.shape_cast %select_n3A_397 : vector<16xi32> to vector<1x16xi32>
    tpu.vector_store %arg9[%swap3A_399, %swap3A_400], %swap3A_403 {strides = array<i32>} : memref<2x80xi32, #tpu.memory_space<vmem>>, vector<1x16xi32>,
    %eq3A_404 = arith.constant 1 : i32
    %eq3A_405 = vector.broadcast %eq3A_404 : i32 to vector<16xi32>
    %eq3A_406 = arith.cmpi eq, %add3A_391, %eq3A_405 : vector<16xi32>
    %jit3A_407 = arith.constant 10008 : i32
    %broadcast_in_dim3A_408 = vector.broadcast %jit3A_407 : i32 to vector<16xi32>
    %select_n3A_409 = arith.select %eq3A_406, %get3A_59, %broadcast_in_dim3A_408 : vector<16xi1>, vector<16xi32>
    %swap3A_410 = arith.constant 0 : i32
    %swap3A_411 = arith.index_cast %swap3A_410 : i32 to index
    %swap3A_412 = arith.constant 16 : index
    %swap3A_413 = tpu.vector_load %arg10[%swap3A_411, %swap3A_412] {strides = array<i32>} : memref<2x80xi32, #tpu.memory_space<vmem>>, vector<1x16xi32>,
    %swap3A_414 = vector.shape_cast %swap3A_413 : vector<1x16xi32> to vector<16xi32>
    %swap3A_415 = vector.shape_cast %select_n3A_409 : vector<16xi32> to vector<1x16xi32>
    tpu.vector_store %arg10[%swap3A_411, %swap3A_412], %swap3A_415 {strides = array<i32>} : memref<2x80xi32, #tpu.memory_space<vmem>>, vector<1x16xi32>,
    %get3A_416 = arith.constant 95 : index
    %get3A_417 = tpu.vector_load %arg11[%get3A_416] {strides = array<i32>} : memref<144xi32, #tpu.memory_space<vmem>>, vector<16xi32>,
    %get3A_418 = vector.shape_cast %get3A_417 : vector<16xi32> to vector<16xi32>
    %eq3A_419 = arith.cmpi eq, %get3A_64, %get3A_418 : vector<16xi32>
    %select_n3A_420 = arith.select %eq3A_419, %broadcast_in_dim3A_4, %broadcast_in_dim3A_2 : vector<16xi1>, vector<16xi32>
    %add3A_421 = arith.addi %broadcast_in_dim3A_2, %select_n3A_420 : vector<16xi32>
    %get3A_422 = arith.constant 94 : index
    %get3A_423 = tpu.vector_load %arg11[%get3A_422] {strides = array<i32>} : memref<144xi32, #tpu.memory_space<vmem>>, vector<16xi32>,
    %get3A_424 = vector.shape_cast %get3A_423 : vector<16xi32> to vector<16xi32>
    %eq3A_425 = arith.cmpi eq, %get3A_64, %get3A_424 : vector<16xi32>
    %select_n3A_426 = arith.select %eq3A_425, %broadcast_in_dim3A_4, %broadcast_in_dim3A_2 : vector<16xi1>, vector<16xi32>
    %add3A_427 = arith.addi %add3A_421, %select_n3A_426 : vector<16xi32>
    %get3A_428 = arith.constant 93 : index
    %get3A_429 = tpu.vector_load %arg11[%get3A_428] {strides = array<i32>} : memref<144xi32, #tpu.memory_space<vmem>>, vector<16xi32>,
    %get3A_430 = vector.shape_cast %get3A_429 : vector<16xi32> to vector<16xi32>
    %eq3A_431 = arith.cmpi eq, %get3A_64, %get3A_430 : vector<16xi32>
    %select_n3A_432 = arith.select %eq3A_431, %broadcast_in_dim3A_4, %broadcast_in_dim3A_2 : vector<16xi1>, vector<16xi32>
    %add3A_433 = arith.addi %add3A_427, %select_n3A_432 : vector<16xi32>
    %get3A_434 = arith.constant 92 : index
    %get3A_435 = tpu.vector_load %arg11[%get3A_434] {strides = array<i32>} : memref<144xi32, #tpu.memory_space<vmem>>, vector<16xi32>,
    %get3A_436 = vector.shape_cast %get3A_435 : vector<16xi32> to vector<16xi32>
    %eq3A_437 = arith.cmpi eq, %get3A_64, %get3A_436 : vector<16xi32>
    %select_n3A_438 = arith.select %eq3A_437, %broadcast_in_dim3A_4, %broadcast_in_dim3A_2 : vector<16xi1>, vector<16xi32>
    %add3A_439 = arith.addi %add3A_433, %select_n3A_438 : vector<16xi32>
    %get3A_440 = arith.constant 91 : index
    %get3A_441 = tpu.vector_load %arg11[%get3A_440] {strides = array<i32>} : memref<144xi32, #tpu.memory_space<vmem>>, vector<16xi32>,
    %get3A_442 = vector.shape_cast %get3A_441 : vector<16xi32> to vector<16xi32>
    %eq3A_443 = arith.cmpi eq, %get3A_64, %get3A_442 : vector<16xi32>
    %select_n3A_444 = arith.select %eq3A_443, %broadcast_in_dim3A_4, %broadcast_in_dim3A_2 : vector<16xi1>, vector<16xi32>
    %add3A_445 = arith.addi %add3A_439, %select_n3A_444 : vector<16xi32>
    %get3A_446 = arith.constant 90 : index
    %get3A_447 = tpu.vector_load %arg11[%get3A_446] {strides = array<i32>} : memref<144xi32, #tpu.memory_space<vmem>>, vector<16xi32>,
    %get3A_448 = vector.shape_cast %get3A_447 : vector<16xi32> to vector<16xi32>
    %eq3A_449 = arith.cmpi eq, %get3A_64, %get3A_448 : vector<16xi32>
    %select_n3A_450 = arith.select %eq3A_449, %broadcast_in_dim3A_4, %broadcast_in_dim3A_2 : vector<16xi1>, vector<16xi32>
    %add3A_451 = arith.addi %add3A_445, %select_n3A_450 : vector<16xi32>
    %get3A_452 = arith.constant 89 : index
    %get3A_453 = tpu.vector_load %arg11[%get3A_452] {strides = array<i32>} : memref<144xi32, #tpu.memory_space<vmem>>, vector<16xi32>,
    %get3A_454 = vector.shape_cast %get3A_453 : vector<16xi32> to vector<16xi32>
    %eq3A_455 = arith.cmpi eq, %get3A_64, %get3A_454 : vector<16xi32>
    %select_n3A_456 = arith.select %eq3A_455, %broadcast_in_dim3A_4, %broadcast_in_dim3A_2 : vector<16xi1>, vector<16xi32>
    %add3A_457 = arith.addi %add3A_451, %select_n3A_456 : vector<16xi32>
    %get3A_458 = arith.constant 88 : index
    %get3A_459 = tpu.vector_load %arg11[%get3A_458] {strides = array<i32>} : memref<144xi32, #tpu.memory_space<vmem>>, vector<16xi32>,
    %get3A_460 = vector.shape_cast %get3A_459 : vector<16xi32> to vector<16xi32>
    %eq3A_461 = arith.cmpi eq, %get3A_64, %get3A_460 : vector<16xi32>
    %select_n3A_462 = arith.select %eq3A_461, %broadcast_in_dim3A_4, %broadcast_in_dim3A_2 : vector<16xi1>, vector<16xi32>
    %add3A_463 = arith.addi %add3A_457, %select_n3A_462 : vector<16xi32>
    %get3A_464 = arith.constant 87 : index
    %get3A_465 = tpu.vector_load %arg11[%get3A_464] {strides = array<i32>} : memref<144xi32, #tpu.memory_space<vmem>>, vector<16xi32>,
    %get3A_466 = vector.shape_cast %get3A_465 : vector<16xi32> to vector<16xi32>
    %eq3A_467 = arith.cmpi eq, %get3A_64, %get3A_466 : vector<16xi32>
    %select_n3A_468 = arith.select %eq3A_467, %broadcast_in_dim3A_4, %broadcast_in_dim3A_2 : vector<16xi1>, vector<16xi32>
    %add3A_469 = arith.addi %add3A_463, %select_n3A_468 : vector<16xi32>
    %get3A_470 = arith.constant 86 : index
    %get3A_471 = tpu.vector_load %arg11[%get3A_470] {strides = array<i32>} : memref<144xi32, #tpu.memory_space<vmem>>, vector<16xi32>,
    %get3A_472 = vector.shape_cast %get3A_471 : vector<16xi32> to vector<16xi32>
    %eq3A_473 = arith.cmpi eq, %get3A_64, %get3A_472 : vector<16xi32>
    %select_n3A_474 = arith.select %eq3A_473, %broadcast_in_dim3A_4, %broadcast_in_dim3A_2 : vector<16xi1>, vector<16xi32>
    %add3A_475 = arith.addi %add3A_469, %select_n3A_474 : vector<16xi32>
    %get3A_476 = arith.constant 85 : index
    %get3A_477 = tpu.vector_load %arg11[%get3A_476] {strides = array<i32>} : memref<144xi32, #tpu.memory_space<vmem>>, vector<16xi32>,
    %get3A_478 = vector.shape_cast %get3A_477 : vector<16xi32> to vector<16xi32>
    %eq3A_479 = arith.cmpi eq, %get3A_64, %get3A_478 : vector<16xi32>
    %select_n3A_480 = arith.select %eq3A_479, %broadcast_in_dim3A_4, %broadcast_in_dim3A_2 : vector<16xi1>, vector<16xi32>
    %add3A_481 = arith.addi %add3A_475, %select_n3A_480 : vector<16xi32>
    %get3A_482 = arith.constant 84 : index
    %get3A_483 = tpu.vector_load %arg11[%get3A_482] {strides = array<i32>} : memref<144xi32, #tpu.memory_space<vmem>>, vector<16xi32>,
    %get3A_484 = vector.shape_cast %get3A_483 : vector<16xi32> to vector<16xi32>
    %eq3A_485 = arith.cmpi eq, %get3A_64, %get3A_484 : vector<16xi32>
    %select_n3A_486 = arith.select %eq3A_485, %broadcast_in_dim3A_4, %broadcast_in_dim3A_2 : vector<16xi1>, vector<16xi32>
    %add3A_487 = arith.addi %add3A_481, %select_n3A_486 : vector<16xi32>
    %get3A_488 = arith.constant 83 : index
    %get3A_489 = tpu.vector_load %arg11[%get3A_488] {strides = array<i32>} : memref<144xi32, #tpu.memory_space<vmem>>, vector<16xi32>,
    %get3A_490 = vector.shape_cast %get3A_489 : vector<16xi32> to vector<16xi32>
    %eq3A_491 = arith.cmpi eq, %get3A_64, %get3A_490 : vector<16xi32>
    %select_n3A_492 = arith.select %eq3A_491, %broadcast_in_dim3A_4, %broadcast_in_dim3A_2 : vector<16xi1>, vector<16xi32>
    %add3A_493 = arith.addi %add3A_487, %select_n3A_492 : vector<16xi32>
    %get3A_494 = arith.constant 82 : index
    %get3A_495 = tpu.vector_load %arg11[%get3A_494] {strides = array<i32>} : memref<144xi32, #tpu.memory_space<vmem>>, vector<16xi32>,
    %get3A_496 = vector.shape_cast %get3A_495 : vector<16xi32> to vector<16xi32>
    %eq3A_497 = arith.cmpi eq, %get3A_64, %get3A_496 : vector<16xi32>
    %select_n3A_498 = arith.select %eq3A_497, %broadcast_in_dim3A_4, %broadcast_in_dim3A_2 : vector<16xi1>, vector<16xi32>
    %add3A_499 = arith.addi %add3A_493, %select_n3A_498 : vector<16xi32>
    %get3A_500 = arith.constant 81 : index
    %get3A_501 = tpu.vector_load %arg11[%get3A_500] {strides = array<i32>} : memref<144xi32, #tpu.memory_space<vmem>>, vector<16xi32>,
    %get3A_502 = vector.shape_cast %get3A_501 : vector<16xi32> to vector<16xi32>
    %eq3A_503 = arith.cmpi eq, %get3A_64, %get3A_502 : vector<16xi32>
    %select_n3A_504 = arith.select %eq3A_503, %broadcast_in_dim3A_4, %broadcast_in_dim3A_2 : vector<16xi1>, vector<16xi32>
    %add3A_505 = arith.addi %add3A_499, %select_n3A_504 : vector<16xi32>
    %get3A_506 = arith.constant 80 : index
    %get3A_507 = tpu.vector_load %arg11[%get3A_506] {strides = array<i32>} : memref<144xi32, #tpu.memory_space<vmem>>, vector<16xi32>,
    %get3A_508 = vector.shape_cast %get3A_507 : vector<16xi32> to vector<16xi32>
    %eq3A_509 = arith.cmpi eq, %get3A_64, %get3A_508 : vector<16xi32>
    %select_n3A_510 = arith.select %eq3A_509, %broadcast_in_dim3A_4, %broadcast_in_dim3A_2 : vector<16xi1>, vector<16xi32>
    %add3A_511 = arith.addi %add3A_505, %select_n3A_510 : vector<16xi32>
    %get3A_512 = arith.constant 79 : index
    %get3A_513 = tpu.vector_load %arg11[%get3A_512] {strides = array<i32>} : memref<144xi32, #tpu.memory_space<vmem>>, vector<16xi32>,
    %get3A_514 = vector.shape_cast %get3A_513 : vector<16xi32> to vector<16xi32>
    %eq3A_515 = arith.cmpi eq, %get3A_64, %get3A_514 : vector<16xi32>
    %select_n3A_516 = arith.select %eq3A_515, %broadcast_in_dim3A_4, %broadcast_in_dim3A_2 : vector<16xi1>, vector<16xi32>
    %add3A_517 = arith.addi %add3A_511, %select_n3A_516 : vector<16xi32>
    %get3A_518 = arith.constant 78 : index
    %get3A_519 = tpu.vector_load %arg11[%get3A_518] {strides = array<i32>} : memref<144xi32, #tpu.memory_space<vmem>>, vector<16xi32>,
    %get3A_520 = vector.shape_cast %get3A_519 : vector<16xi32> to vector<16xi32>
    %eq3A_521 = arith.cmpi eq, %get3A_64, %get3A_520 : vector<16xi32>
    %select_n3A_522 = arith.select %eq3A_521, %broadcast_in_dim3A_4, %broadcast_in_dim3A_2 : vector<16xi1>, vector<16xi32>
    %add3A_523 = arith.addi %add3A_517, %select_n3A_522 : vector<16xi32>
    %get3A_524 = arith.constant 77 : index
    %get3A_525 = tpu.vector_load %arg11[%get3A_524] {strides = array<i32>} : memref<144xi32, #tpu.memory_space<vmem>>, vector<16xi32>,
    %get3A_526 = vector.shape_cast %get3A_525 : vector<16xi32> to vector<16xi32>
    %eq3A_527 = arith.cmpi eq, %get3A_64, %get3A_526 : vector<16xi32>
    %select_n3A_528 = arith.select %eq3A_527, %broadcast_in_dim3A_4, %broadcast_in_dim3A_2 : vector<16xi1>, vector<16xi32>
    %add3A_529 = arith.addi %add3A_523, %select_n3A_528 : vector<16xi32>
    %get3A_530 = arith.constant 76 : index
    %get3A_531 = tpu.vector_load %arg11[%get3A_530] {strides = array<i32>} : memref<144xi32, #tpu.memory_space<vmem>>, vector<16xi32>,
    %get3A_532 = vector.shape_cast %get3A_531 : vector<16xi32> to vector<16xi32>
    %eq3A_533 = arith.cmpi eq, %get3A_64, %get3A_532 : vector<16xi32>
    %select_n3A_534 = arith.select %eq3A_533, %broadcast_in_dim3A_4, %broadcast_in_dim3A_2 : vector<16xi1>, vector<16xi32>
    %add3A_535 = arith.addi %add3A_529, %select_n3A_534 : vector<16xi32>
    %get3A_536 = arith.constant 75 : index
    %get3A_537 = tpu.vector_load %arg11[%get3A_536] {strides = array<i32>} : memref<144xi32, #tpu.memory_space<vmem>>, vector<16xi32>,
    %get3A_538 = vector.shape_cast %get3A_537 : vector<16xi32> to vector<16xi32>
    %eq3A_539 = arith.cmpi eq, %get3A_64, %get3A_538 : vector<16xi32>
    %select_n3A_540 = arith.select %eq3A_539, %broadcast_in_dim3A_4, %broadcast_in_dim3A_2 : vector<16xi1>, vector<16xi32>
    %add3A_541 = arith.addi %add3A_535, %select_n3A_540 : vector<16xi32>
    %get3A_542 = arith.constant 74 : index
    %get3A_543 = tpu.vector_load %arg11[%get3A_542] {strides = array<i32>} : memref<144xi32, #tpu.memory_space<vmem>>, vector<16xi32>,
    %get3A_544 = vector.shape_cast %get3A_543 : vector<16xi32> to vector<16xi32>
    %eq3A_545 = arith.cmpi eq, %get3A_64, %get3A_544 : vector<16xi32>
    %select_n3A_546 = arith.select %eq3A_545, %broadcast_in_dim3A_4, %broadcast_in_dim3A_2 : vector<16xi1>, vector<16xi32>
    %add3A_547 = arith.addi %add3A_541, %select_n3A_546 : vector<16xi32>
    %get3A_548 = arith.constant 73 : index
    %get3A_549 = tpu.vector_load %arg11[%get3A_548] {strides = array<i32>} : memref<144xi32, #tpu.memory_space<vmem>>, vector<16xi32>,
    %get3A_550 = vector.shape_cast %get3A_549 : vector<16xi32> to vector<16xi32>
    %eq3A_551 = arith.cmpi eq, %get3A_64, %get3A_550 : vector<16xi32>
    %select_n3A_552 = arith.select %eq3A_551, %broadcast_in_dim3A_4, %broadcast_in_dim3A_2 : vector<16xi1>, vector<16xi32>
    %add3A_553 = arith.addi %add3A_547, %select_n3A_552 : vector<16xi32>
    %get3A_554 = arith.constant 72 : index
    %get3A_555 = tpu.vector_load %arg11[%get3A_554] {strides = array<i32>} : memref<144xi32, #tpu.memory_space<vmem>>, vector<16xi32>,
    %get3A_556 = vector.shape_cast %get3A_555 : vector<16xi32> to vector<16xi32>
    %eq3A_557 = arith.cmpi eq, %get3A_64, %get3A_556 : vector<16xi32>
    %select_n3A_558 = arith.select %eq3A_557, %broadcast_in_dim3A_4, %broadcast_in_dim3A_2 : vector<16xi1>, vector<16xi32>
    %add3A_559 = arith.addi %add3A_553, %select_n3A_558 : vector<16xi32>
    %get3A_560 = arith.constant 71 : index
    %get3A_561 = tpu.vector_load %arg11[%get3A_560] {strides = array<i32>} : memref<144xi32, #tpu.memory_space<vmem>>, vector<16xi32>,
    %get3A_562 = vector.shape_cast %get3A_561 : vector<16xi32> to vector<16xi32>
    %eq3A_563 = arith.cmpi eq, %get3A_64, %get3A_562 : vector<16xi32>
    %select_n3A_564 = arith.select %eq3A_563, %broadcast_in_dim3A_4, %broadcast_in_dim3A_2 : vector<16xi1>, vector<16xi32>
    %add3A_565 = arith.addi %add3A_559, %select_n3A_564 : vector<16xi32>
    %get3A_566 = arith.constant 70 : index
    %get3A_567 = tpu.vector_load %arg11[%get3A_566] {strides = array<i32>} : memref<144xi32, #tpu.memory_space<vmem>>, vector<16xi32>,
    %get3A_568 = vector.shape_cast %get3A_567 : vector<16xi32> to vector<16xi32>
    %eq3A_569 = arith.cmpi eq, %get3A_64, %get3A_568 : vector<16xi32>
    %select_n3A_570 = arith.select %eq3A_569, %broadcast_in_dim3A_4, %broadcast_in_dim3A_2 : vector<16xi1>, vector<16xi32>
    %add3A_571 = arith.addi %add3A_565, %select_n3A_570 : vector<16xi32>
    %get3A_572 = arith.constant 69 : index
    %get3A_573 = tpu.vector_load %arg11[%get3A_572] {strides = array<i32>} : memref<144xi32, #tpu.memory_space<vmem>>, vector<16xi32>,
    %get3A_574 = vector.shape_cast %get3A_573 : vector<16xi32> to vector<16xi32>
    %eq3A_575 = arith.cmpi eq, %get3A_64, %get3A_574 : vector<16xi32>
    %select_n3A_576 = arith.select %eq3A_575, %broadcast_in_dim3A_4, %broadcast_in_dim3A_2 : vector<16xi1>, vector<16xi32>
    %add3A_577 = arith.addi %add3A_571, %select_n3A_576 : vector<16xi32>
    %get3A_578 = arith.constant 68 : index
    %get3A_579 = tpu.vector_load %arg11[%get3A_578] {strides = array<i32>} : memref<144xi32, #tpu.memory_space<vmem>>, vector<16xi32>,
    %get3A_580 = vector.shape_cast %get3A_579 : vector<16xi32> to vector<16xi32>
    %eq3A_581 = arith.cmpi eq, %get3A_64, %get3A_580 : vector<16xi32>
    %select_n3A_582 = arith.select %eq3A_581, %broadcast_in_dim3A_4, %broadcast_in_dim3A_2 : vector<16xi1>, vector<16xi32>
    %add3A_583 = arith.addi %add3A_577, %select_n3A_582 : vector<16xi32>
    %get3A_584 = arith.constant 67 : index
    %get3A_585 = tpu.vector_load %arg11[%get3A_584] {strides = array<i32>} : memref<144xi32, #tpu.memory_space<vmem>>, vector<16xi32>,
    %get3A_586 = vector.shape_cast %get3A_585 : vector<16xi32> to vector<16xi32>
    %eq3A_587 = arith.cmpi eq, %get3A_64, %get3A_586 : vector<16xi32>
    %select_n3A_588 = arith.select %eq3A_587, %broadcast_in_dim3A_4, %broadcast_in_dim3A_2 : vector<16xi1>, vector<16xi32>
    %add3A_589 = arith.addi %add3A_583, %select_n3A_588 : vector<16xi32>
    %get3A_590 = arith.constant 66 : index
    %get3A_591 = tpu.vector_load %arg11[%get3A_590] {strides = array<i32>} : memref<144xi32, #tpu.memory_space<vmem>>, vector<16xi32>,
    %get3A_592 = vector.shape_cast %get3A_591 : vector<16xi32> to vector<16xi32>
    %eq3A_593 = arith.cmpi eq, %get3A_64, %get3A_592 : vector<16xi32>
    %select_n3A_594 = arith.select %eq3A_593, %broadcast_in_dim3A_4, %broadcast_in_dim3A_2 : vector<16xi1>, vector<16xi32>
    %add3A_595 = arith.addi %add3A_589, %select_n3A_594 : vector<16xi32>
    %get3A_596 = arith.constant 65 : index
    %get3A_597 = tpu.vector_load %arg11[%get3A_596] {strides = array<i32>} : memref<144xi32, #tpu.memory_space<vmem>>, vector<16xi32>,
    %get3A_598 = vector.shape_cast %get3A_597 : vector<16xi32> to vector<16xi32>
    %eq3A_599 = arith.cmpi eq, %get3A_64, %get3A_598 : vector<16xi32>
    %select_n3A_600 = arith.select %eq3A_599, %broadcast_in_dim3A_4, %broadcast_in_dim3A_2 : vector<16xi1>, vector<16xi32>
    %add3A_601 = arith.addi %add3A_595, %select_n3A_600 : vector<16xi32>
    %get3A_602 = arith.constant 64 : index
    %get3A_603 = tpu.vector_load %arg11[%get3A_602] {strides = array<i32>} : memref<144xi32, #tpu.memory_space<vmem>>, vector<16xi32>,
    %get3A_604 = vector.shape_cast %get3A_603 : vector<16xi32> to vector<16xi32>
    %eq3A_605 = arith.cmpi eq, %get3A_64, %get3A_604 : vector<16xi32>
    %select_n3A_606 = arith.select %eq3A_605, %broadcast_in_dim3A_4, %broadcast_in_dim3A_2 : vector<16xi1>, vector<16xi32>
    %add3A_607 = arith.addi %add3A_601, %select_n3A_606 : vector<16xi32>
    %get3A_608 = arith.constant 63 : index
    %get3A_609 = tpu.vector_load %arg11[%get3A_608] {strides = array<i32>} : memref<144xi32, #tpu.memory_space<vmem>>, vector<16xi32>,
    %get3A_610 = vector.shape_cast %get3A_609 : vector<16xi32> to vector<16xi32>
    %eq3A_611 = arith.cmpi eq, %get3A_64, %get3A_610 : vector<16xi32>
    %select_n3A_612 = arith.select %eq3A_611, %broadcast_in_dim3A_4, %broadcast_in_dim3A_2 : vector<16xi1>, vector<16xi32>
    %add3A_613 = arith.addi %add3A_607, %select_n3A_612 : vector<16xi32>
    %get3A_614 = arith.constant 62 : index
    %get3A_615 = tpu.vector_load %arg11[%get3A_614] {strides = array<i32>} : memref<144xi32, #tpu.memory_space<vmem>>, vector<16xi32>,
    %get3A_616 = vector.shape_cast %get3A_615 : vector<16xi32> to vector<16xi32>
    %eq3A_617 = arith.cmpi eq, %get3A_64, %get3A_616 : vector<16xi32>
    %select_n3A_618 = arith.select %eq3A_617, %broadcast_in_dim3A_4, %broadcast_in_dim3A_2 : vector<16xi1>, vector<16xi32>
    %add3A_619 = arith.addi %add3A_613, %select_n3A_618 : vector<16xi32>
    %get3A_620 = arith.constant 61 : index
    %get3A_621 = tpu.vector_load %arg11[%get3A_620] {strides = array<i32>} : memref<144xi32, #tpu.memory_space<vmem>>, vector<16xi32>,
    %get3A_622 = vector.shape_cast %get3A_621 : vector<16xi32> to vector<16xi32>
    %eq3A_623 = arith.cmpi eq, %get3A_64, %get3A_622 : vector<16xi32>
    %select_n3A_624 = arith.select %eq3A_623, %broadcast_in_dim3A_4, %broadcast_in_dim3A_2 : vector<16xi1>, vector<16xi32>
    %add3A_625 = arith.addi %add3A_619, %select_n3A_624 : vector<16xi32>
    %get3A_626 = arith.constant 60 : index
    %get3A_627 = tpu.vector_load %arg11[%get3A_626] {strides = array<i32>} : memref<144xi32, #tpu.memory_space<vmem>>, vector<16xi32>,
    %get3A_628 = vector.shape_cast %get3A_627 : vector<16xi32> to vector<16xi32>
    %eq3A_629 = arith.cmpi eq, %get3A_64, %get3A_628 : vector<16xi32>
    %select_n3A_630 = arith.select %eq3A_629, %broadcast_in_dim3A_4, %broadcast_in_dim3A_2 : vector<16xi1>, vector<16xi32>
    %add3A_631 = arith.addi %add3A_625, %select_n3A_630 : vector<16xi32>
    %get3A_632 = arith.constant 59 : index
    %get3A_633 = tpu.vector_load %arg11[%get3A_632] {strides = array<i32>} : memref<144xi32, #tpu.memory_space<vmem>>, vector<16xi32>,
    %get3A_634 = vector.shape_cast %get3A_633 : vector<16xi32> to vector<16xi32>
    %eq3A_635 = arith.cmpi eq, %get3A_64, %get3A_634 : vector<16xi32>
    %select_n3A_636 = arith.select %eq3A_635, %broadcast_in_dim3A_4, %broadcast_in_dim3A_2 : vector<16xi1>, vector<16xi32>
    %add3A_637 = arith.addi %add3A_631, %select_n3A_636 : vector<16xi32>
    %get3A_638 = arith.constant 58 : index
    %get3A_639 = tpu.vector_load %arg11[%get3A_638] {strides = array<i32>} : memref<144xi32, #tpu.memory_space<vmem>>, vector<16xi32>,
    %get3A_640 = vector.shape_cast %get3A_639 : vector<16xi32> to vector<16xi32>
    %eq3A_641 = arith.cmpi eq, %get3A_64, %get3A_640 : vector<16xi32>
    %select_n3A_642 = arith.select %eq3A_641, %broadcast_in_dim3A_4, %broadcast_in_dim3A_2 : vector<16xi1>, vector<16xi32>
    %add3A_643 = arith.addi %add3A_637, %select_n3A_642 : vector<16xi32>
    %get3A_644 = arith.constant 57 : index
    %get3A_645 = tpu.vector_load %arg11[%get3A_644] {strides = array<i32>} : memref<144xi32, #tpu.memory_space<vmem>>, vector<16xi32>,
    %get3A_646 = vector.shape_cast %get3A_645 : vector<16xi32> to vector<16xi32>
    %eq3A_647 = arith.cmpi eq, %get3A_64, %get3A_646 : vector<16xi32>
    %select_n3A_648 = arith.select %eq3A_647, %broadcast_in_dim3A_4, %broadcast_in_dim3A_2 : vector<16xi1>, vector<16xi32>
    %add3A_649 = arith.addi %add3A_643, %select_n3A_648 : vector<16xi32>
    %get3A_650 = arith.constant 56 : index
    %get3A_651 = tpu.vector_load %arg11[%get3A_650] {strides = array<i32>} : memref<144xi32, #tpu.memory_space<vmem>>, vector<16xi32>,
    %get3A_652 = vector.shape_cast %get3A_651 : vector<16xi32> to vector<16xi32>
    %eq3A_653 = arith.cmpi eq, %get3A_64, %get3A_652 : vector<16xi32>
    %select_n3A_654 = arith.select %eq3A_653, %broadcast_in_dim3A_4, %broadcast_in_dim3A_2 : vector<16xi1>, vector<16xi32>
    %add3A_655 = arith.addi %add3A_649, %select_n3A_654 : vector<16xi32>
    %get3A_656 = arith.constant 55 : index
    %get3A_657 = tpu.vector_load %arg11[%get3A_656] {strides = array<i32>} : memref<144xi32, #tpu.memory_space<vmem>>, vector<16xi32>,
    %get3A_658 = vector.shape_cast %get3A_657 : vector<16xi32> to vector<16xi32>
    %eq3A_659 = arith.cmpi eq, %get3A_64, %get3A_658 : vector<16xi32>
    %select_n3A_660 = arith.select %eq3A_659, %broadcast_in_dim3A_4, %broadcast_in_dim3A_2 : vector<16xi1>, vector<16xi32>
    %add3A_661 = arith.addi %add3A_655, %select_n3A_660 : vector<16xi32>
    %get3A_662 = arith.constant 54 : index
    %get3A_663 = tpu.vector_load %arg11[%get3A_662] {strides = array<i32>} : memref<144xi32, #tpu.memory_space<vmem>>, vector<16xi32>,
    %get3A_664 = vector.shape_cast %get3A_663 : vector<16xi32> to vector<16xi32>
    %eq3A_665 = arith.cmpi eq, %get3A_64, %get3A_664 : vector<16xi32>
    %select_n3A_666 = arith.select %eq3A_665, %broadcast_in_dim3A_4, %broadcast_in_dim3A_2 : vector<16xi1>, vector<16xi32>
    %add3A_667 = arith.addi %add3A_661, %select_n3A_666 : vector<16xi32>
    %get3A_668 = arith.constant 53 : index
    %get3A_669 = tpu.vector_load %arg11[%get3A_668] {strides = array<i32>} : memref<144xi32, #tpu.memory_space<vmem>>, vector<16xi32>,
    %get3A_670 = vector.shape_cast %get3A_669 : vector<16xi32> to vector<16xi32>
    %eq3A_671 = arith.cmpi eq, %get3A_64, %get3A_670 : vector<16xi32>
    %select_n3A_672 = arith.select %eq3A_671, %broadcast_in_dim3A_4, %broadcast_in_dim3A_2 : vector<16xi1>, vector<16xi32>
    %add3A_673 = arith.addi %add3A_667, %select_n3A_672 : vector<16xi32>
    %get3A_674 = arith.constant 52 : index
    %get3A_675 = tpu.vector_load %arg11[%get3A_674] {strides = array<i32>} : memref<144xi32, #tpu.memory_space<vmem>>, vector<16xi32>,
    %get3A_676 = vector.shape_cast %get3A_675 : vector<16xi32> to vector<16xi32>
    %eq3A_677 = arith.cmpi eq, %get3A_64, %get3A_676 : vector<16xi32>
    %select_n3A_678 = arith.select %eq3A_677, %broadcast_in_dim3A_4, %broadcast_in_dim3A_2 : vector<16xi1>, vector<16xi32>
    %add3A_679 = arith.addi %add3A_673, %select_n3A_678 : vector<16xi32>
    %get3A_680 = arith.constant 51 : index
    %get3A_681 = tpu.vector_load %arg11[%get3A_680] {strides = array<i32>} : memref<144xi32, #tpu.memory_space<vmem>>, vector<16xi32>,
    %get3A_682 = vector.shape_cast %get3A_681 : vector<16xi32> to vector<16xi32>
    %eq3A_683 = arith.cmpi eq, %get3A_64, %get3A_682 : vector<16xi32>
    %select_n3A_684 = arith.select %eq3A_683, %broadcast_in_dim3A_4, %broadcast_in_dim3A_2 : vector<16xi1>, vector<16xi32>
    %add3A_685 = arith.addi %add3A_679, %select_n3A_684 : vector<16xi32>
    %get3A_686 = arith.constant 50 : index
    %get3A_687 = tpu.vector_load %arg11[%get3A_686] {strides = array<i32>} : memref<144xi32, #tpu.memory_space<vmem>>, vector<16xi32>,
    %get3A_688 = vector.shape_cast %get3A_687 : vector<16xi32> to vector<16xi32>
    %eq3A_689 = arith.cmpi eq, %get3A_64, %get3A_688 : vector<16xi32>
    %select_n3A_690 = arith.select %eq3A_689, %broadcast_in_dim3A_4, %broadcast_in_dim3A_2 : vector<16xi1>, vector<16xi32>
    %add3A_691 = arith.addi %add3A_685, %select_n3A_690 : vector<16xi32>
    %get3A_692 = arith.constant 49 : index
    %get3A_693 = tpu.vector_load %arg11[%get3A_692] {strides = array<i32>} : memref<144xi32, #tpu.memory_space<vmem>>, vector<16xi32>,
    %get3A_694 = vector.shape_cast %get3A_693 : vector<16xi32> to vector<16xi32>
    %eq3A_695 = arith.cmpi eq, %get3A_64, %get3A_694 : vector<16xi32>
    %select_n3A_696 = arith.select %eq3A_695, %broadcast_in_dim3A_4, %broadcast_in_dim3A_2 : vector<16xi1>, vector<16xi32>
    %add3A_697 = arith.addi %add3A_691, %select_n3A_696 : vector<16xi32>
    %eq3A_698 = arith.constant 0 : i32
    %eq3A_699 = vector.broadcast %eq3A_698 : i32 to vector<16xi32>
    %eq3A_700 = arith.cmpi eq, %add3A_697, %eq3A_699 : vector<16xi32>
    %jit3A_701 = arith.constant 10008 : i32
    %broadcast_in_dim3A_702 = vector.broadcast %jit3A_701 : i32 to vector<16xi32>
    %select_n3A_703 = arith.select %eq3A_700, %get3A_64, %broadcast_in_dim3A_702 : vector<16xi1>, vector<16xi32>
    %swap3A_704 = arith.constant 0 : i32
    %swap3A_705 = arith.index_cast %swap3A_704 : i32 to index
    %swap3A_706 = arith.constant 32 : index
    %swap3A_707 = tpu.vector_load %arg9[%swap3A_705, %swap3A_706] {strides = array<i32>} : memref<2x80xi32, #tpu.memory_space<vmem>>, vector<1x16xi32>,
    %swap3A_708 = vector.shape_cast %swap3A_707 : vector<1x16xi32> to vector<16xi32>
    %swap3A_709 = vector.shape_cast %select_n3A_703 : vector<16xi32> to vector<1x16xi32>
    tpu.vector_store %arg9[%swap3A_705, %swap3A_706], %swap3A_709 {strides = array<i32>} : memref<2x80xi32, #tpu.memory_space<vmem>>, vector<1x16xi32>,
    %eq3A_710 = arith.constant 1 : i32
    %eq3A_711 = vector.broadcast %eq3A_710 : i32 to vector<16xi32>
    %eq3A_712 = arith.cmpi eq, %add3A_697, %eq3A_711 : vector<16xi32>
    %jit3A_713 = arith.constant 10008 : i32
    %broadcast_in_dim3A_714 = vector.broadcast %jit3A_713 : i32 to vector<16xi32>
    %select_n3A_715 = arith.select %eq3A_712, %get3A_64, %broadcast_in_dim3A_714 : vector<16xi1>, vector<16xi32>
    %swap3A_716 = arith.constant 0 : i32
    %swap3A_717 = arith.index_cast %swap3A_716 : i32 to index
    %swap3A_718 = arith.constant 32 : index
    %swap3A_719 = tpu.vector_load %arg10[%swap3A_717, %swap3A_718] {strides = array<i32>} : memref<2x80xi32, #tpu.memory_space<vmem>>, vector<1x16xi32>,
    %swap3A_720 = vector.shape_cast %swap3A_719 : vector<1x16xi32> to vector<16xi32>
    %swap3A_721 = vector.shape_cast %select_n3A_715 : vector<16xi32> to vector<1x16xi32>
    tpu.vector_store %arg10[%swap3A_717, %swap3A_718], %swap3A_721 {strides = array<i32>} : memref<2x80xi32, #tpu.memory_space<vmem>>, vector<1x16xi32>,
    %get3A_722 = arith.constant 111 : index
    %get3A_723 = tpu.vector_load %arg11[%get3A_722] {strides = array<i32>} : memref<144xi32, #tpu.memory_space<vmem>>, vector<16xi32>,
    %get3A_724 = vector.shape_cast %get3A_723 : vector<16xi32> to vector<16xi32>
    %eq3A_725 = arith.cmpi eq, %get3A_69, %get3A_724 : vector<16xi32>
    %select_n3A_726 = arith.select %eq3A_725, %broadcast_in_dim3A_4, %broadcast_in_dim3A_2 : vector<16xi1>, vector<16xi32>
    %add3A_727 = arith.addi %broadcast_in_dim3A_2, %select_n3A_726 : vector<16xi32>
    %get3A_728 = arith.constant 110 : index
    %get3A_729 = tpu.vector_load %arg11[%get3A_728] {strides = array<i32>} : memref<144xi32, #tpu.memory_space<vmem>>, vector<16xi32>,
    %get3A_730 = vector.shape_cast %get3A_729 : vector<16xi32> to vector<16xi32>
    %eq3A_731 = arith.cmpi eq, %get3A_69, %get3A_730 : vector<16xi32>
    %select_n3A_732 = arith.select %eq3A_731, %broadcast_in_dim3A_4, %broadcast_in_dim3A_2 : vector<16xi1>, vector<16xi32>
    %add3A_733 = arith.addi %add3A_727, %select_n3A_732 : vector<16xi32>
    %get3A_734 = arith.constant 109 : index
    %get3A_735 = tpu.vector_load %arg11[%get3A_734] {strides = array<i32>} : memref<144xi32, #tpu.memory_space<vmem>>, vector<16xi32>,
    %get3A_736 = vector.shape_cast %get3A_735 : vector<16xi32> to vector<16xi32>
    %eq3A_737 = arith.cmpi eq, %get3A_69, %get3A_736 : vector<16xi32>
    %select_n3A_738 = arith.select %eq3A_737, %broadcast_in_dim3A_4, %broadcast_in_dim3A_2 : vector<16xi1>, vector<16xi32>
    %add3A_739 = arith.addi %add3A_733, %select_n3A_738 : vector<16xi32>
    %get3A_740 = arith.constant 108 : index
    %get3A_741 = tpu.vector_load %arg11[%get3A_740] {strides = array<i32>} : memref<144xi32, #tpu.memory_space<vmem>>, vector<16xi32>,
    %get3A_742 = vector.shape_cast %get3A_741 : vector<16xi32> to vector<16xi32>
    %eq3A_743 = arith.cmpi eq, %get3A_69, %get3A_742 : vector<16xi32>
    %select_n3A_744 = arith.select %eq3A_743, %broadcast_in_dim3A_4, %broadcast_in_dim3A_2 : vector<16xi1>, vector<16xi32>
    %add3A_745 = arith.addi %add3A_739, %select_n3A_744 : vector<16xi32>
    %get3A_746 = arith.constant 107 : index
    %get3A_747 = tpu.vector_load %arg11[%get3A_746] {strides = array<i32>} : memref<144xi32, #tpu.memory_space<vmem>>, vector<16xi32>,
    %get3A_748 = vector.shape_cast %get3A_747 : vector<16xi32> to vector<16xi32>
    %eq3A_749 = arith.cmpi eq, %get3A_69, %get3A_748 : vector<16xi32>
    %select_n3A_750 = arith.select %eq3A_749, %broadcast_in_dim3A_4, %broadcast_in_dim3A_2 : vector<16xi1>, vector<16xi32>
    %add3A_751 = arith.addi %add3A_745, %select_n3A_750 : vector<16xi32>
    %get3A_752 = arith.constant 106 : index
    %get3A_753 = tpu.vector_load %arg11[%get3A_752] {strides = array<i32>} : memref<144xi32, #tpu.memory_space<vmem>>, vector<16xi32>,
    %get3A_754 = vector.shape_cast %get3A_753 : vector<16xi32> to vector<16xi32>
    %eq3A_755 = arith.cmpi eq, %get3A_69, %get3A_754 : vector<16xi32>
    %select_n3A_756 = arith.select %eq3A_755, %broadcast_in_dim3A_4, %broadcast_in_dim3A_2 : vector<16xi1>, vector<16xi32>
    %add3A_757 = arith.addi %add3A_751, %select_n3A_756 : vector<16xi32>
    %get3A_758 = arith.constant 105 : index
    %get3A_759 = tpu.vector_load %arg11[%get3A_758] {strides = array<i32>} : memref<144xi32, #tpu.memory_space<vmem>>, vector<16xi32>,
    %get3A_760 = vector.shape_cast %get3A_759 : vector<16xi32> to vector<16xi32>
    %eq3A_761 = arith.cmpi eq, %get3A_69, %get3A_760 : vector<16xi32>
    %select_n3A_762 = arith.select %eq3A_761, %broadcast_in_dim3A_4, %broadcast_in_dim3A_2 : vector<16xi1>, vector<16xi32>
    %add3A_763 = arith.addi %add3A_757, %select_n3A_762 : vector<16xi32>
    %get3A_764 = arith.constant 104 : index
    %get3A_765 = tpu.vector_load %arg11[%get3A_764] {strides = array<i32>} : memref<144xi32, #tpu.memory_space<vmem>>, vector<16xi32>,
    %get3A_766 = vector.shape_cast %get3A_765 : vector<16xi32> to vector<16xi32>
    %eq3A_767 = arith.cmpi eq, %get3A_69, %get3A_766 : vector<16xi32>
    %select_n3A_768 = arith.select %eq3A_767, %broadcast_in_dim3A_4, %broadcast_in_dim3A_2 : vector<16xi1>, vector<16xi32>
    %add3A_769 = arith.addi %add3A_763, %select_n3A_768 : vector<16xi32>
    %get3A_770 = arith.constant 103 : index
    %get3A_771 = tpu.vector_load %arg11[%get3A_770] {strides = array<i32>} : memref<144xi32, #tpu.memory_space<vmem>>, vector<16xi32>,
    %get3A_772 = vector.shape_cast %get3A_771 : vector<16xi32> to vector<16xi32>
    %eq3A_773 = arith.cmpi eq, %get3A_69, %get3A_772 : vector<16xi32>
    %select_n3A_774 = arith.select %eq3A_773, %broadcast_in_dim3A_4, %broadcast_in_dim3A_2 : vector<16xi1>, vector<16xi32>
    %add3A_775 = arith.addi %add3A_769, %select_n3A_774 : vector<16xi32>
    %get3A_776 = arith.constant 102 : index
    %get3A_777 = tpu.vector_load %arg11[%get3A_776] {strides = array<i32>} : memref<144xi32, #tpu.memory_space<vmem>>, vector<16xi32>,
    %get3A_778 = vector.shape_cast %get3A_777 : vector<16xi32> to vector<16xi32>
    %eq3A_779 = arith.cmpi eq, %get3A_69, %get3A_778 : vector<16xi32>
    %select_n3A_780 = arith.select %eq3A_779, %broadcast_in_dim3A_4, %broadcast_in_dim3A_2 : vector<16xi1>, vector<16xi32>
    %add3A_781 = arith.addi %add3A_775, %select_n3A_780 : vector<16xi32>
    %get3A_782 = arith.constant 101 : index
    %get3A_783 = tpu.vector_load %arg11[%get3A_782] {strides = array<i32>} : memref<144xi32, #tpu.memory_space<vmem>>, vector<16xi32>,
    %get3A_784 = vector.shape_cast %get3A_783 : vector<16xi32> to vector<16xi32>
    %eq3A_785 = arith.cmpi eq, %get3A_69, %get3A_784 : vector<16xi32>
    %select_n3A_786 = arith.select %eq3A_785, %broadcast_in_dim3A_4, %broadcast_in_dim3A_2 : vector<16xi1>, vector<16xi32>
    %add3A_787 = arith.addi %add3A_781, %select_n3A_786 : vector<16xi32>
    %get3A_788 = arith.constant 100 : index
    %get3A_789 = tpu.vector_load %arg11[%get3A_788] {strides = array<i32>} : memref<144xi32, #tpu.memory_space<vmem>>, vector<16xi32>,
    %get3A_790 = vector.shape_cast %get3A_789 : vector<16xi32> to vector<16xi32>
    %eq3A_791 = arith.cmpi eq, %get3A_69, %get3A_790 : vector<16xi32>
    %select_n3A_792 = arith.select %eq3A_791, %broadcast_in_dim3A_4, %broadcast_in_dim3A_2 : vector<16xi1>, vector<16xi32>
    %add3A_793 = arith.addi %add3A_787, %select_n3A_792 : vector<16xi32>
    %get3A_794 = arith.constant 99 : index
    %get3A_795 = tpu.vector_load %arg11[%get3A_794] {strides = array<i32>} : memref<144xi32, #tpu.memory_space<vmem>>, vector<16xi32>,
    %get3A_796 = vector.shape_cast %get3A_795 : vector<16xi32> to vector<16xi32>
    %eq3A_797 = arith.cmpi eq, %get3A_69, %get3A_796 : vector<16xi32>
    %select_n3A_798 = arith.select %eq3A_797, %broadcast_in_dim3A_4, %broadcast_in_dim3A_2 : vector<16xi1>, vector<16xi32>
    %add3A_799 = arith.addi %add3A_793, %select_n3A_798 : vector<16xi32>
    %get3A_800 = arith.constant 98 : index
    %get3A_801 = tpu.vector_load %arg11[%get3A_800] {strides = array<i32>} : memref<144xi32, #tpu.memory_space<vmem>>, vector<16xi32>,
    %get3A_802 = vector.shape_cast %get3A_801 : vector<16xi32> to vector<16xi32>
    %eq3A_803 = arith.cmpi eq, %get3A_69, %get3A_802 : vector<16xi32>
    %select_n3A_804 = arith.select %eq3A_803, %broadcast_in_dim3A_4, %broadcast_in_dim3A_2 : vector<16xi1>, vector<16xi32>
    %add3A_805 = arith.addi %add3A_799, %select_n3A_804 : vector<16xi32>
    %get3A_806 = arith.constant 97 : index
    %get3A_807 = tpu.vector_load %arg11[%get3A_806] {strides = array<i32>} : memref<144xi32, #tpu.memory_space<vmem>>, vector<16xi32>,
    %get3A_808 = vector.shape_cast %get3A_807 : vector<16xi32> to vector<16xi32>
    %eq3A_809 = arith.cmpi eq, %get3A_69, %get3A_808 : vector<16xi32>
    %select_n3A_810 = arith.select %eq3A_809, %broadcast_in_dim3A_4, %broadcast_in_dim3A_2 : vector<16xi1>, vector<16xi32>
    %add3A_811 = arith.addi %add3A_805, %select_n3A_810 : vector<16xi32>
    %get3A_812 = arith.constant 96 : index
    %get3A_813 = tpu.vector_load %arg11[%get3A_812] {strides = array<i32>} : memref<144xi32, #tpu.memory_space<vmem>>, vector<16xi32>,
    %get3A_814 = vector.shape_cast %get3A_813 : vector<16xi32> to vector<16xi32>
    %eq3A_815 = arith.cmpi eq, %get3A_69, %get3A_814 : vector<16xi32>
    %select_n3A_816 = arith.select %eq3A_815, %broadcast_in_dim3A_4, %broadcast_in_dim3A_2 : vector<16xi1>, vector<16xi32>
    %add3A_817 = arith.addi %add3A_811, %select_n3A_816 : vector<16xi32>
    %get3A_818 = arith.constant 95 : index
    %get3A_819 = tpu.vector_load %arg11[%get3A_818] {strides = array<i32>} : memref<144xi32, #tpu.memory_space<vmem>>, vector<16xi32>,
    %get3A_820 = vector.shape_cast %get3A_819 : vector<16xi32> to vector<16xi32>
    %eq3A_821 = arith.cmpi eq, %get3A_69, %get3A_820 : vector<16xi32>
    %select_n3A_822 = arith.select %eq3A_821, %broadcast_in_dim3A_4, %broadcast_in_dim3A_2 : vector<16xi1>, vector<16xi32>
    %add3A_823 = arith.addi %add3A_817, %select_n3A_822 : vector<16xi32>
    %get3A_824 = arith.constant 94 : index
    %get3A_825 = tpu.vector_load %arg11[%get3A_824] {strides = array<i32>} : memref<144xi32, #tpu.memory_space<vmem>>, vector<16xi32>,
    %get3A_826 = vector.shape_cast %get3A_825 : vector<16xi32> to vector<16xi32>
    %eq3A_827 = arith.cmpi eq, %get3A_69, %get3A_826 : vector<16xi32>
    %select_n3A_828 = arith.select %eq3A_827, %broadcast_in_dim3A_4, %broadcast_in_dim3A_2 : vector<16xi1>, vector<16xi32>
    %add3A_829 = arith.addi %add3A_823, %select_n3A_828 : vector<16xi32>
    %get3A_830 = arith.constant 93 : index
    %get3A_831 = tpu.vector_load %arg11[%get3A_830] {strides = array<i32>} : memref<144xi32, #tpu.memory_space<vmem>>, vector<16xi32>,
    %get3A_832 = vector.shape_cast %get3A_831 : vector<16xi32> to vector<16xi32>
    %eq3A_833 = arith.cmpi eq, %get3A_69, %get3A_832 : vector<16xi32>
    %select_n3A_834 = arith.select %eq3A_833, %broadcast_in_dim3A_4, %broadcast_in_dim3A_2 : vector<16xi1>, vector<16xi32>
    %add3A_835 = arith.addi %add3A_829, %select_n3A_834 : vector<16xi32>
    %get3A_836 = arith.constant 92 : index
    %get3A_837 = tpu.vector_load %arg11[%get3A_836] {strides = array<i32>} : memref<144xi32, #tpu.memory_space<vmem>>, vector<16xi32>,
    %get3A_838 = vector.shape_cast %get3A_837 : vector<16xi32> to vector<16xi32>
    %eq3A_839 = arith.cmpi eq, %get3A_69, %get3A_838 : vector<16xi32>
    %select_n3A_840 = arith.select %eq3A_839, %broadcast_in_dim3A_4, %broadcast_in_dim3A_2 : vector<16xi1>, vector<16xi32>
    %add3A_841 = arith.addi %add3A_835, %select_n3A_840 : vector<16xi32>
    %get3A_842 = arith.constant 91 : index
    %get3A_843 = tpu.vector_load %arg11[%get3A_842] {strides = array<i32>} : memref<144xi32, #tpu.memory_space<vmem>>, vector<16xi32>,
    %get3A_844 = vector.shape_cast %get3A_843 : vector<16xi32> to vector<16xi32>
    %eq3A_845 = arith.cmpi eq, %get3A_69, %get3A_844 : vector<16xi32>
    %select_n3A_846 = arith.select %eq3A_845, %broadcast_in_dim3A_4, %broadcast_in_dim3A_2 : vector<16xi1>, vector<16xi32>
    %add3A_847 = arith.addi %add3A_841, %select_n3A_846 : vector<16xi32>
    %get3A_848 = arith.constant 90 : index
    %get3A_849 = tpu.vector_load %arg11[%get3A_848] {strides = array<i32>} : memref<144xi32, #tpu.memory_space<vmem>>, vector<16xi32>,
    %get3A_850 = vector.shape_cast %get3A_849 : vector<16xi32> to vector<16xi32>
    %eq3A_851 = arith.cmpi eq, %get3A_69, %get3A_850 : vector<16xi32>
    %select_n3A_852 = arith.select %eq3A_851, %broadcast_in_dim3A_4, %broadcast_in_dim3A_2 : vector<16xi1>, vector<16xi32>
    %add3A_853 = arith.addi %add3A_847, %select_n3A_852 : vector<16xi32>
    %get3A_854 = arith.constant 89 : index
    %get3A_855 = tpu.vector_load %arg11[%get3A_854] {strides = array<i32>} : memref<144xi32, #tpu.memory_space<vmem>>, vector<16xi32>,
    %get3A_856 = vector.shape_cast %get3A_855 : vector<16xi32> to vector<16xi32>
    %eq3A_857 = arith.cmpi eq, %get3A_69, %get3A_856 : vector<16xi32>
    %select_n3A_858 = arith.select %eq3A_857, %broadcast_in_dim3A_4, %broadcast_in_dim3A_2 : vector<16xi1>, vector<16xi32>
    %add3A_859 = arith.addi %add3A_853, %select_n3A_858 : vector<16xi32>
    %get3A_860 = arith.constant 88 : index
    %get3A_861 = tpu.vector_load %arg11[%get3A_860] {strides = array<i32>} : memref<144xi32, #tpu.memory_space<vmem>>, vector<16xi32>,
    %get3A_862 = vector.shape_cast %get3A_861 : vector<16xi32> to vector<16xi32>
    %eq3A_863 = arith.cmpi eq, %get3A_69, %get3A_862 : vector<16xi32>
    %select_n3A_864 = arith.select %eq3A_863, %broadcast_in_dim3A_4, %broadcast_in_dim3A_2 : vector<16xi1>, vector<16xi32>
    %add3A_865 = arith.addi %add3A_859, %select_n3A_864 : vector<16xi32>
    %get3A_866 = arith.constant 87 : index
    %get3A_867 = tpu.vector_load %arg11[%get3A_866] {strides = array<i32>} : memref<144xi32, #tpu.memory_space<vmem>>, vector<16xi32>,
    %get3A_868 = vector.shape_cast %get3A_867 : vector<16xi32> to vector<16xi32>
    %eq3A_869 = arith.cmpi eq, %get3A_69, %get3A_868 : vector<16xi32>
    %select_n3A_870 = arith.select %eq3A_869, %broadcast_in_dim3A_4, %broadcast_in_dim3A_2 : vector<16xi1>, vector<16xi32>
    %add3A_871 = arith.addi %add3A_865, %select_n3A_870 : vector<16xi32>
    %get3A_872 = arith.constant 86 : index
    %get3A_873 = tpu.vector_load %arg11[%get3A_872] {strides = array<i32>} : memref<144xi32, #tpu.memory_space<vmem>>, vector<16xi32>,
    %get3A_874 = vector.shape_cast %get3A_873 : vector<16xi32> to vector<16xi32>
    %eq3A_875 = arith.cmpi eq, %get3A_69, %get3A_874 : vector<16xi32>
    %select_n3A_876 = arith.select %eq3A_875, %broadcast_in_dim3A_4, %broadcast_in_dim3A_2 : vector<16xi1>, vector<16xi32>
    %add3A_877 = arith.addi %add3A_871, %select_n3A_876 : vector<16xi32>
    %get3A_878 = arith.constant 85 : index
    %get3A_879 = tpu.vector_load %arg11[%get3A_878] {strides = array<i32>} : memref<144xi32, #tpu.memory_space<vmem>>, vector<16xi32>,
    %get3A_880 = vector.shape_cast %get3A_879 : vector<16xi32> to vector<16xi32>
    %eq3A_881 = arith.cmpi eq, %get3A_69, %get3A_880 : vector<16xi32>
    %select_n3A_882 = arith.select %eq3A_881, %broadcast_in_dim3A_4, %broadcast_in_dim3A_2 : vector<16xi1>, vector<16xi32>
    %add3A_883 = arith.addi %add3A_877, %select_n3A_882 : vector<16xi32>
    %get3A_884 = arith.constant 84 : index
    %get3A_885 = tpu.vector_load %arg11[%get3A_884] {strides = array<i32>} : memref<144xi32, #tpu.memory_space<vmem>>, vector<16xi32>,
    %get3A_886 = vector.shape_cast %get3A_885 : vector<16xi32> to vector<16xi32>
    %eq3A_887 = arith.cmpi eq, %get3A_69, %get3A_886 : vector<16xi32>
    %select_n3A_888 = arith.select %eq3A_887, %broadcast_in_dim3A_4, %broadcast_in_dim3A_2 : vector<16xi1>, vector<16xi32>
    %add3A_889 = arith.addi %add3A_883, %select_n3A_888 : vector<16xi32>
    %get3A_890 = arith.constant 83 : index
    %get3A_891 = tpu.vector_load %arg11[%get3A_890] {strides = array<i32>} : memref<144xi32, #tpu.memory_space<vmem>>, vector<16xi32>,
    %get3A_892 = vector.shape_cast %get3A_891 : vector<16xi32> to vector<16xi32>
    %eq3A_893 = arith.cmpi eq, %get3A_69, %get3A_892 : vector<16xi32>
    %select_n3A_894 = arith.select %eq3A_893, %broadcast_in_dim3A_4, %broadcast_in_dim3A_2 : vector<16xi1>, vector<16xi32>
    %add3A_895 = arith.addi %add3A_889, %select_n3A_894 : vector<16xi32>
    %get3A_896 = arith.constant 82 : index
    %get3A_897 = tpu.vector_load %arg11[%get3A_896] {strides = array<i32>} : memref<144xi32, #tpu.memory_space<vmem>>, vector<16xi32>,
    %get3A_898 = vector.shape_cast %get3A_897 : vector<16xi32> to vector<16xi32>
    %eq3A_899 = arith.cmpi eq, %get3A_69, %get3A_898 : vector<16xi32>
    %select_n3A_900 = arith.select %eq3A_899, %broadcast_in_dim3A_4, %broadcast_in_dim3A_2 : vector<16xi1>, vector<16xi32>
    %add3A_901 = arith.addi %add3A_895, %select_n3A_900 : vector<16xi32>
    %get3A_902 = arith.constant 81 : index
    %get3A_903 = tpu.vector_load %arg11[%get3A_902] {strides = array<i32>} : memref<144xi32, #tpu.memory_space<vmem>>, vector<16xi32>,
    %get3A_904 = vector.shape_cast %get3A_903 : vector<16xi32> to vector<16xi32>
    %eq3A_905 = arith.cmpi eq, %get3A_69, %get3A_904 : vector<16xi32>
    %select_n3A_906 = arith.select %eq3A_905, %broadcast_in_dim3A_4, %broadcast_in_dim3A_2 : vector<16xi1>, vector<16xi32>
    %add3A_907 = arith.addi %add3A_901, %select_n3A_906 : vector<16xi32>
    %get3A_908 = arith.constant 80 : index
    %get3A_909 = tpu.vector_load %arg11[%get3A_908] {strides = array<i32>} : memref<144xi32, #tpu.memory_space<vmem>>, vector<16xi32>,
    %get3A_910 = vector.shape_cast %get3A_909 : vector<16xi32> to vector<16xi32>
    %eq3A_911 = arith.cmpi eq, %get3A_69, %get3A_910 : vector<16xi32>
    %select_n3A_912 = arith.select %eq3A_911, %broadcast_in_dim3A_4, %broadcast_in_dim3A_2 : vector<16xi1>, vector<16xi32>
    %add3A_913 = arith.addi %add3A_907, %select_n3A_912 : vector<16xi32>
    %get3A_914 = arith.constant 79 : index
    %get3A_915 = tpu.vector_load %arg11[%get3A_914] {strides = array<i32>} : memref<144xi32, #tpu.memory_space<vmem>>, vector<16xi32>,
    %get3A_916 = vector.shape_cast %get3A_915 : vector<16xi32> to vector<16xi32>
    %eq3A_917 = arith.cmpi eq, %get3A_69, %get3A_916 : vector<16xi32>
    %select_n3A_918 = arith.select %eq3A_917, %broadcast_in_dim3A_4, %broadcast_in_dim3A_2 : vector<16xi1>, vector<16xi32>
    %add3A_919 = arith.addi %add3A_913, %select_n3A_918 : vector<16xi32>
    %get3A_920 = arith.constant 78 : index
    %get3A_921 = tpu.vector_load %arg11[%get3A_920] {strides = array<i32>} : memref<144xi32, #tpu.memory_space<vmem>>, vector<16xi32>,
    %get3A_922 = vector.shape_cast %get3A_921 : vector<16xi32> to vector<16xi32>
    %eq3A_923 = arith.cmpi eq, %get3A_69, %get3A_922 : vector<16xi32>
    %select_n3A_924 = arith.select %eq3A_923, %broadcast_in_dim3A_4, %broadcast_in_dim3A_2 : vector<16xi1>, vector<16xi32>
    %add3A_925 = arith.addi %add3A_919, %select_n3A_924 : vector<16xi32>
    %get3A_926 = arith.constant 77 : index
    %get3A_927 = tpu.vector_load %arg11[%get3A_926] {strides = array<i32>} : memref<144xi32, #tpu.memory_space<vmem>>, vector<16xi32>,
    %get3A_928 = vector.shape_cast %get3A_927 : vector<16xi32> to vector<16xi32>
    %eq3A_929 = arith.cmpi eq, %get3A_69, %get3A_928 : vector<16xi32>
    %select_n3A_930 = arith.select %eq3A_929, %broadcast_in_dim3A_4, %broadcast_in_dim3A_2 : vector<16xi1>, vector<16xi32>
    %add3A_931 = arith.addi %add3A_925, %select_n3A_930 : vector<16xi32>
    %get3A_932 = arith.constant 76 : index
    %get3A_933 = tpu.vector_load %arg11[%get3A_932] {strides = array<i32>} : memref<144xi32, #tpu.memory_space<vmem>>, vector<16xi32>,
    %get3A_934 = vector.shape_cast %get3A_933 : vector<16xi32> to vector<16xi32>
    %eq3A_935 = arith.cmpi eq, %get3A_69, %get3A_934 : vector<16xi32>
    %select_n3A_936 = arith.select %eq3A_935, %broadcast_in_dim3A_4, %broadcast_in_dim3A_2 : vector<16xi1>, vector<16xi32>
    %add3A_937 = arith.addi %add3A_931, %select_n3A_936 : vector<16xi32>
    %get3A_938 = arith.constant 75 : index
    %get3A_939 = tpu.vector_load %arg11[%get3A_938] {strides = array<i32>} : memref<144xi32, #tpu.memory_space<vmem>>, vector<16xi32>,
    %get3A_940 = vector.shape_cast %get3A_939 : vector<16xi32> to vector<16xi32>
    %eq3A_941 = arith.cmpi eq, %get3A_69, %get3A_940 : vector<16xi32>
    %select_n3A_942 = arith.select %eq3A_941, %broadcast_in_dim3A_4, %broadcast_in_dim3A_2 : vector<16xi1>, vector<16xi32>
    %add3A_943 = arith.addi %add3A_937, %select_n3A_942 : vector<16xi32>
    %get3A_944 = arith.constant 74 : index
    %get3A_945 = tpu.vector_load %arg11[%get3A_944] {strides = array<i32>} : memref<144xi32, #tpu.memory_space<vmem>>, vector<16xi32>,
    %get3A_946 = vector.shape_cast %get3A_945 : vector<16xi32> to vector<16xi32>
    %eq3A_947 = arith.cmpi eq, %get3A_69, %get3A_946 : vector<16xi32>
    %select_n3A_948 = arith.select %eq3A_947, %broadcast_in_dim3A_4, %broadcast_in_dim3A_2 : vector<16xi1>, vector<16xi32>
    %add3A_949 = arith.addi %add3A_943, %select_n3A_948 : vector<16xi32>
    %get3A_950 = arith.constant 73 : index
    %get3A_951 = tpu.vector_load %arg11[%get3A_950] {strides = array<i32>} : memref<144xi32, #tpu.memory_space<vmem>>, vector<16xi32>,
    %get3A_952 = vector.shape_cast %get3A_951 : vector<16xi32> to vector<16xi32>
    %eq3A_953 = arith.cmpi eq, %get3A_69, %get3A_952 : vector<16xi32>
    %select_n3A_954 = arith.select %eq3A_953, %broadcast_in_dim3A_4, %broadcast_in_dim3A_2 : vector<16xi1>, vector<16xi32>
    %add3A_955 = arith.addi %add3A_949, %select_n3A_954 : vector<16xi32>
    %get3A_956 = arith.constant 72 : index
    %get3A_957 = tpu.vector_load %arg11[%get3A_956] {strides = array<i32>} : memref<144xi32, #tpu.memory_space<vmem>>, vector<16xi32>,
    %get3A_958 = vector.shape_cast %get3A_957 : vector<16xi32> to vector<16xi32>
    %eq3A_959 = arith.cmpi eq, %get3A_69, %get3A_958 : vector<16xi32>
    %select_n3A_960 = arith.select %eq3A_959, %broadcast_in_dim3A_4, %broadcast_in_dim3A_2 : vector<16xi1>, vector<16xi32>
    %add3A_961 = arith.addi %add3A_955, %select_n3A_960 : vector<16xi32>
    %get3A_962 = arith.constant 71 : index
    %get3A_963 = tpu.vector_load %arg11[%get3A_962] {strides = array<i32>} : memref<144xi32, #tpu.memory_space<vmem>>, vector<16xi32>,
    %get3A_964 = vector.shape_cast %get3A_963 : vector<16xi32> to vector<16xi32>
    %eq3A_965 = arith.cmpi eq, %get3A_69, %get3A_964 : vector<16xi32>
    %select_n3A_966 = arith.select %eq3A_965, %broadcast_in_dim3A_4, %broadcast_in_dim3A_2 : vector<16xi1>, vector<16xi32>
    %add3A_967 = arith.addi %add3A_961, %select_n3A_966 : vector<16xi32>
    %get3A_968 = arith.constant 70 : index
    %get3A_969 = tpu.vector_load %arg11[%get3A_968] {strides = array<i32>} : memref<144xi32, #tpu.memory_space<vmem>>, vector<16xi32>,
    %get3A_970 = vector.shape_cast %get3A_969 : vector<16xi32> to vector<16xi32>
    %eq3A_971 = arith.cmpi eq, %get3A_69, %get3A_970 : vector<16xi32>
    %select_n3A_972 = arith.select %eq3A_971, %broadcast_in_dim3A_4, %broadcast_in_dim3A_2 : vector<16xi1>, vector<16xi32>
    %add3A_973 = arith.addi %add3A_967, %select_n3A_972 : vector<16xi32>
    %get3A_974 = arith.constant 69 : index
    %get3A_975 = tpu.vector_load %arg11[%get3A_974] {strides = array<i32>} : memref<144xi32, #tpu.memory_space<vmem>>, vector<16xi32>,
    %get3A_976 = vector.shape_cast %get3A_975 : vector<16xi32> to vector<16xi32>
    %eq3A_977 = arith.cmpi eq, %get3A_69, %get3A_976 : vector<16xi32>
    %select_n3A_978 = arith.select %eq3A_977, %broadcast_in_dim3A_4, %broadcast_in_dim3A_2 : vector<16xi1>, vector<16xi32>
    %add3A_979 = arith.addi %add3A_973, %select_n3A_978 : vector<16xi32>
    %get3A_980 = arith.constant 68 : index
    %get3A_981 = tpu.vector_load %arg11[%get3A_980] {strides = array<i32>} : memref<144xi32, #tpu.memory_space<vmem>>, vector<16xi32>,
    %get3A_982 = vector.shape_cast %get3A_981 : vector<16xi32> to vector<16xi32>
    %eq3A_983 = arith.cmpi eq, %get3A_69, %get3A_982 : vector<16xi32>
    %select_n3A_984 = arith.select %eq3A_983, %broadcast_in_dim3A_4, %broadcast_in_dim3A_2 : vector<16xi1>, vector<16xi32>
    %add3A_985 = arith.addi %add3A_979, %select_n3A_984 : vector<16xi32>
    %get3A_986 = arith.constant 67 : index
    %get3A_987 = tpu.vector_load %arg11[%get3A_986] {strides = array<i32>} : memref<144xi32, #tpu.memory_space<vmem>>, vector<16xi32>,
    %get3A_988 = vector.shape_cast %get3A_987 : vector<16xi32> to vector<16xi32>
    %eq3A_989 = arith.cmpi eq, %get3A_69, %get3A_988 : vector<16xi32>
    %select_n3A_990 = arith.select %eq3A_989, %broadcast_in_dim3A_4, %broadcast_in_dim3A_2 : vector<16xi1>, vector<16xi32>
    %add3A_991 = arith.addi %add3A_985, %select_n3A_990 : vector<16xi32>
    %get3A_992 = arith.constant 66 : index
    %get3A_993 = tpu.vector_load %arg11[%get3A_992] {strides = array<i32>} : memref<144xi32, #tpu.memory_space<vmem>>, vector<16xi32>,
    %get3A_994 = vector.shape_cast %get3A_993 : vector<16xi32> to vector<16xi32>
    %eq3A_995 = arith.cmpi eq, %get3A_69, %get3A_994 : vector<16xi32>
    %select_n3A_996 = arith.select %eq3A_995, %broadcast_in_dim3A_4, %broadcast_in_dim3A_2 : vector<16xi1>, vector<16xi32>
    %add3A_997 = arith.addi %add3A_991, %select_n3A_996 : vector<16xi32>
    %get3A_998 = arith.constant 65 : index
    %get3A_999 = tpu.vector_load %arg11[%get3A_998] {strides = array<i32>} : memref<144xi32, #tpu.memory_space<vmem>>, vector<16xi32>,
    %get3A_1000 = vector.shape_cast %get3A_999 : vector<16xi32> to vector<16xi32>
    %eq3A_1001 = arith.cmpi eq, %get3A_69, %get3A_1000 : vector<16xi32>
    %select_n3A_1002 = arith.select %eq3A_1001, %broadcast_in_dim3A_4, %broadcast_in_dim3A_2 : vector<16xi1>, vector<16xi32>
    %add3A_1003 = arith.addi %add3A_997, %select_n3A_1002 : vector<16xi32>
    %get3A_1004 = arith.constant 64 : index
    %get3A_1005 = tpu.vector_load %arg11[%get3A_1004] {strides = array<i32>} : memref<144xi32, #tpu.memory_space<vmem>>, vector<16xi32>,
    %get3A_1006 = vector.shape_cast %get3A_1005 : vector<16xi32> to vector<16xi32>
    %eq3A_1007 = arith.cmpi eq, %get3A_69, %get3A_1006 : vector<16xi32>
    %select_n3A_1008 = arith.select %eq3A_1007, %broadcast_in_dim3A_4, %broadcast_in_dim3A_2 : vector<16xi1>, vector<16xi32>
    %add3A_1009 = arith.addi %add3A_1003, %select_n3A_1008 : vector<16xi32>
    %get3A_1010 = arith.constant 63 : index
    %get3A_1011 = tpu.vector_load %arg11[%get3A_1010] {strides = array<i32>} : memref<144xi32, #tpu.memory_space<vmem>>, vector<16xi32>,
    %get3A_1012 = vector.shape_cast %get3A_1011 : vector<16xi32> to vector<16xi32>
    %eq3A_1013 = arith.cmpi eq, %get3A_69, %get3A_1012 : vector<16xi32>
    %select_n3A_1014 = arith.select %eq3A_1013, %broadcast_in_dim3A_4, %broadcast_in_dim3A_2 : vector<16xi1>, vector<16xi32>
    %add3A_1015 = arith.addi %add3A_1009, %select_n3A_1014 : vector<16xi32>
    %get3A_1016 = arith.constant 62 : index
    %get3A_1017 = tpu.vector_load %arg11[%get3A_1016] {strides = array<i32>} : memref<144xi32, #tpu.memory_space<vmem>>, vector<16xi32>,
    %get3A_1018 = vector.shape_cast %get3A_1017 : vector<16xi32> to vector<16xi32>
    %eq3A_1019 = arith.cmpi eq, %get3A_69, %get3A_1018 : vector<16xi32>
    %select_n3A_1020 = arith.select %eq3A_1019, %broadcast_in_dim3A_4, %broadcast_in_dim3A_2 : vector<16xi1>, vector<16xi32>
    %add3A_1021 = arith.addi %add3A_1015, %select_n3A_1020 : vector<16xi32>
    %get3A_1022 = arith.constant 61 : index
    %get3A_1023 = tpu.vector_load %arg11[%get3A_1022] {strides = array<i32>} : memref<144xi32, #tpu.memory_space<vmem>>, vector<16xi32>,
    %get3A_1024 = vector.shape_cast %get3A_1023 : vector<16xi32> to vector<16xi32>
    %eq3A_1025 = arith.cmpi eq, %get3A_69, %get3A_1024 : vector<16xi32>
    %select_n3A_1026 = arith.select %eq3A_1025, %broadcast_in_dim3A_4, %broadcast_in_dim3A_2 : vector<16xi1>, vector<16xi32>
    %add3A_1027 = arith.addi %add3A_1021, %select_n3A_1026 : vector<16xi32>
    %get3A_1028 = arith.constant 60 : index
    %get3A_1029 = tpu.vector_load %arg11[%get3A_1028] {strides = array<i32>} : memref<144xi32, #tpu.memory_space<vmem>>, vector<16xi32>,
    %get3A_1030 = vector.shape_cast %get3A_1029 : vector<16xi32> to vector<16xi32>
    %eq3A_1031 = arith.cmpi eq, %get3A_69, %get3A_1030 : vector<16xi32>
    %select_n3A_1032 = arith.select %eq3A_1031, %broadcast_in_dim3A_4, %broadcast_in_dim3A_2 : vector<16xi1>, vector<16xi32>
    %add3A_1033 = arith.addi %add3A_1027, %select_n3A_1032 : vector<16xi32>
    %get3A_1034 = arith.constant 59 : index
    %get3A_1035 = tpu.vector_load %arg11[%get3A_1034] {strides = array<i32>} : memref<144xi32, #tpu.memory_space<vmem>>, vector<16xi32>,
    %get3A_1036 = vector.shape_cast %get3A_1035 : vector<16xi32> to vector<16xi32>
    %eq3A_1037 = arith.cmpi eq, %get3A_69, %get3A_1036 : vector<16xi32>
    %select_n3A_1038 = arith.select %eq3A_1037, %broadcast_in_dim3A_4, %broadcast_in_dim3A_2 : vector<16xi1>, vector<16xi32>
    %add3A_1039 = arith.addi %add3A_1033, %select_n3A_1038 : vector<16xi32>
    %get3A_1040 = arith.constant 58 : index
    %get3A_1041 = tpu.vector_load %arg11[%get3A_1040] {strides = array<i32>} : memref<144xi32, #tpu.memory_space<vmem>>, vector<16xi32>,
    %get3A_1042 = vector.shape_cast %get3A_1041 : vector<16xi32> to vector<16xi32>
    %eq3A_1043 = arith.cmpi eq, %get3A_69, %get3A_1042 : vector<16xi32>
    %select_n3A_1044 = arith.select %eq3A_1043, %broadcast_in_dim3A_4, %broadcast_in_dim3A_2 : vector<16xi1>, vector<16xi32>
    %add3A_1045 = arith.addi %add3A_1039, %select_n3A_1044 : vector<16xi32>
    %get3A_1046 = arith.constant 57 : index
    %get3A_1047 = tpu.vector_load %arg11[%get3A_1046] {strides = array<i32>} : memref<144xi32, #tpu.memory_space<vmem>>, vector<16xi32>,
    %get3A_1048 = vector.shape_cast %get3A_1047 : vector<16xi32> to vector<16xi32>
    %eq3A_1049 = arith.cmpi eq, %get3A_69, %get3A_1048 : vector<16xi32>
    %select_n3A_1050 = arith.select %eq3A_1049, %broadcast_in_dim3A_4, %broadcast_in_dim3A_2 : vector<16xi1>, vector<16xi32>
    %add3A_1051 = arith.addi %add3A_1045, %select_n3A_1050 : vector<16xi32>
    %get3A_1052 = arith.constant 56 : index
    %get3A_1053 = tpu.vector_load %arg11[%get3A_1052] {strides = array<i32>} : memref<144xi32, #tpu.memory_space<vmem>>, vector<16xi32>,
    %get3A_1054 = vector.shape_cast %get3A_1053 : vector<16xi32> to vector<16xi32>
    %eq3A_1055 = arith.cmpi eq, %get3A_69, %get3A_1054 : vector<16xi32>
    %select_n3A_1056 = arith.select %eq3A_1055, %broadcast_in_dim3A_4, %broadcast_in_dim3A_2 : vector<16xi1>, vector<16xi32>
    %add3A_1057 = arith.addi %add3A_1051, %select_n3A_1056 : vector<16xi32>
    %get3A_1058 = arith.constant 55 : index
    %get3A_1059 = tpu.vector_load %arg11[%get3A_1058] {strides = array<i32>} : memref<144xi32, #tpu.memory_space<vmem>>, vector<16xi32>,
    %get3A_1060 = vector.shape_cast %get3A_1059 : vector<16xi32> to vector<16xi32>
    %eq3A_1061 = arith.cmpi eq, %get3A_69, %get3A_1060 : vector<16xi32>
    %select_n3A_1062 = arith.select %eq3A_1061, %broadcast_in_dim3A_4, %broadcast_in_dim3A_2 : vector<16xi1>, vector<16xi32>
    %add3A_1063 = arith.addi %add3A_1057, %select_n3A_1062 : vector<16xi32>
    %get3A_1064 = arith.constant 54 : index
    %get3A_1065 = tpu.vector_load %arg11[%get3A_1064] {strides = array<i32>} : memref<144xi32, #tpu.memory_space<vmem>>, vector<16xi32>,
    %get3A_1066 = vector.shape_cast %get3A_1065 : vector<16xi32> to vector<16xi32>
    %eq3A_1067 = arith.cmpi eq, %get3A_69, %get3A_1066 : vector<16xi32>
    %select_n3A_1068 = arith.select %eq3A_1067, %broadcast_in_dim3A_4, %broadcast_in_dim3A_2 : vector<16xi1>, vector<16xi32>
    %add3A_1069 = arith.addi %add3A_1063, %select_n3A_1068 : vector<16xi32>
    %get3A_1070 = arith.constant 53 : index
    %get3A_1071 = tpu.vector_load %arg11[%get3A_1070] {strides = array<i32>} : memref<144xi32, #tpu.memory_space<vmem>>, vector<16xi32>,
    %get3A_1072 = vector.shape_cast %get3A_1071 : vector<16xi32> to vector<16xi32>
    %eq3A_1073 = arith.cmpi eq, %get3A_69, %get3A_1072 : vector<16xi32>
    %select_n3A_1074 = arith.select %eq3A_1073, %broadcast_in_dim3A_4, %broadcast_in_dim3A_2 : vector<16xi1>, vector<16xi32>
    %add3A_1075 = arith.addi %add3A_1069, %select_n3A_1074 : vector<16xi32>
    %get3A_1076 = arith.constant 52 : index
    %get3A_1077 = tpu.vector_load %arg11[%get3A_1076] {strides = array<i32>} : memref<144xi32, #tpu.memory_space<vmem>>, vector<16xi32>,
    %get3A_1078 = vector.shape_cast %get3A_1077 : vector<16xi32> to vector<16xi32>
    %eq3A_1079 = arith.cmpi eq, %get3A_69, %get3A_1078 : vector<16xi32>
    %select_n3A_1080 = arith.select %eq3A_1079, %broadcast_in_dim3A_4, %broadcast_in_dim3A_2 : vector<16xi1>, vector<16xi32>
    %add3A_1081 = arith.addi %add3A_1075, %select_n3A_1080 : vector<16xi32>
    %get3A_1082 = arith.constant 51 : index
    %get3A_1083 = tpu.vector_load %arg11[%get3A_1082] {strides = array<i32>} : memref<144xi32, #tpu.memory_space<vmem>>, vector<16xi32>,
    %get3A_1084 = vector.shape_cast %get3A_1083 : vector<16xi32> to vector<16xi32>
    %eq3A_1085 = arith.cmpi eq, %get3A_69, %get3A_1084 : vector<16xi32>
    %select_n3A_1086 = arith.select %eq3A_1085, %broadcast_in_dim3A_4, %broadcast_in_dim3A_2 : vector<16xi1>, vector<16xi32>
    %add3A_1087 = arith.addi %add3A_1081, %select_n3A_1086 : vector<16xi32>
    %get3A_1088 = arith.constant 50 : index
    %get3A_1089 = tpu.vector_load %arg11[%get3A_1088] {strides = array<i32>} : memref<144xi32, #tpu.memory_space<vmem>>, vector<16xi32>,
    %get3A_1090 = vector.shape_cast %get3A_1089 : vector<16xi32> to vector<16xi32>
    %eq3A_1091 = arith.cmpi eq, %get3A_69, %get3A_1090 : vector<16xi32>
    %select_n3A_1092 = arith.select %eq3A_1091, %broadcast_in_dim3A_4, %broadcast_in_dim3A_2 : vector<16xi1>, vector<16xi32>
    %add3A_1093 = arith.addi %add3A_1087, %select_n3A_1092 : vector<16xi32>
    %get3A_1094 = arith.constant 49 : index
    %get3A_1095 = tpu.vector_load %arg11[%get3A_1094] {strides = array<i32>} : memref<144xi32, #tpu.memory_space<vmem>>, vector<16xi32>,
    %get3A_1096 = vector.shape_cast %get3A_1095 : vector<16xi32> to vector<16xi32>
    %eq3A_1097 = arith.cmpi eq, %get3A_69, %get3A_1096 : vector<16xi32>
    %select_n3A_1098 = arith.select %eq3A_1097, %broadcast_in_dim3A_4, %broadcast_in_dim3A_2 : vector<16xi1>, vector<16xi32>
    %add3A_1099 = arith.addi %add3A_1093, %select_n3A_1098 : vector<16xi32>
    %eq3A_1100 = arith.constant 0 : i32
    %eq3A_1101 = vector.broadcast %eq3A_1100 : i32 to vector<16xi32>
    %eq3A_1102 = arith.cmpi eq, %add3A_1099, %eq3A_1101 : vector<16xi32>
    %jit3A_1103 = arith.constant 10008 : i32
    %broadcast_in_dim3A_1104 = vector.broadcast %jit3A_1103 : i32 to vector<16xi32>
    %select_n3A_1105 = arith.select %eq3A_1102, %get3A_69, %broadcast_in_dim3A_1104 : vector<16xi1>, vector<16xi32>
    %swap3A_1106 = arith.constant 0 : i32
    %swap3A_1107 = arith.index_cast %swap3A_1106 : i32 to index
    %swap3A_1108 = arith.constant 48 : index
    %swap3A_1109 = tpu.vector_load %arg9[%swap3A_1107, %swap3A_1108] {strides = array<i32>} : memref<2x80xi32, #tpu.memory_space<vmem>>, vector<1x16xi32>,
    %swap3A_1110 = vector.shape_cast %swap3A_1109 : vector<1x16xi32> to vector<16xi32>
    %swap3A_1111 = vector.shape_cast %select_n3A_1105 : vector<16xi32> to vector<1x16xi32>
    tpu.vector_store %arg9[%swap3A_1107, %swap3A_1108], %swap3A_1111 {strides = array<i32>} : memref<2x80xi32, #tpu.memory_space<vmem>>, vector<1x16xi32>,
    %eq3A_1112 = arith.constant 1 : i32
    %eq3A_1113 = vector.broadcast %eq3A_1112 : i32 to vector<16xi32>
    %eq3A_1114 = arith.cmpi eq, %add3A_1099, %eq3A_1113 : vector<16xi32>
    %jit3A_1115 = arith.constant 10008 : i32
    %broadcast_in_dim3A_1116 = vector.broadcast %jit3A_1115 : i32 to vector<16xi32>
    %select_n3A_1117 = arith.select %eq3A_1114, %get3A_69, %broadcast_in_dim3A_1116 : vector<16xi1>, vector<16xi32>
    %swap3A_1118 = arith.constant 0 : i32
    %swap3A_1119 = arith.index_cast %swap3A_1118 : i32 to index
    %swap3A_1120 = arith.constant 48 : index
    %swap3A_1121 = tpu.vector_load %arg10[%swap3A_1119, %swap3A_1120] {strides = array<i32>} : memref<2x80xi32, #tpu.memory_space<vmem>>, vector<1x16xi32>,
    %swap3A_1122 = vector.shape_cast %swap3A_1121 : vector<1x16xi32> to vector<16xi32>
    %swap3A_1123 = vector.shape_cast %select_n3A_1117 : vector<16xi32> to vector<1x16xi32>
    tpu.vector_store %arg10[%swap3A_1119, %swap3A_1120], %swap3A_1123 {strides = array<i32>} : memref<2x80xi32, #tpu.memory_space<vmem>>, vector<1x16xi32>,
    %get3A_1124 = arith.constant 127 : index
    %get3A_1125 = tpu.vector_load %arg11[%get3A_1124] {strides = array<i32>} : memref<144xi32, #tpu.memory_space<vmem>>, vector<16xi32>,
    %get3A_1126 = vector.shape_cast %get3A_1125 : vector<16xi32> to vector<16xi32>
    %eq3A_1127 = arith.cmpi eq, %get3A_74, %get3A_1126 : vector<16xi32>
    %select_n3A_1128 = arith.select %eq3A_1127, %broadcast_in_dim3A_4, %broadcast_in_dim3A_2 : vector<16xi1>, vector<16xi32>
    %add3A_1129 = arith.addi %broadcast_in_dim3A_2, %select_n3A_1128 : vector<16xi32>
    %get3A_1130 = arith.constant 126 : index
    %get3A_1131 = tpu.vector_load %arg11[%get3A_1130] {strides = array<i32>} : memref<144xi32, #tpu.memory_space<vmem>>, vector<16xi32>,
    %get3A_1132 = vector.shape_cast %get3A_1131 : vector<16xi32> to vector<16xi32>
    %eq3A_1133 = arith.cmpi eq, %get3A_74, %get3A_1132 : vector<16xi32>
    %select_n3A_1134 = arith.select %eq3A_1133, %broadcast_in_dim3A_4, %broadcast_in_dim3A_2 : vector<16xi1>, vector<16xi32>
    %add3A_1135 = arith.addi %add3A_1129, %select_n3A_1134 : vector<16xi32>
    %get3A_1136 = arith.constant 125 : index
    %get3A_1137 = tpu.vector_load %arg11[%get3A_1136] {strides = array<i32>} : memref<144xi32, #tpu.memory_space<vmem>>, vector<16xi32>,
    %get3A_1138 = vector.shape_cast %get3A_1137 : vector<16xi32> to vector<16xi32>
    %eq3A_1139 = arith.cmpi eq, %get3A_74, %get3A_1138 : vector<16xi32>
    %select_n3A_1140 = arith.select %eq3A_1139, %broadcast_in_dim3A_4, %broadcast_in_dim3A_2 : vector<16xi1>, vector<16xi32>
    %add3A_1141 = arith.addi %add3A_1135, %select_n3A_1140 : vector<16xi32>
    %get3A_1142 = arith.constant 124 : index
    %get3A_1143 = tpu.vector_load %arg11[%get3A_1142] {strides = array<i32>} : memref<144xi32, #tpu.memory_space<vmem>>, vector<16xi32>,
    %get3A_1144 = vector.shape_cast %get3A_1143 : vector<16xi32> to vector<16xi32>
    %eq3A_1145 = arith.cmpi eq, %get3A_74, %get3A_1144 : vector<16xi32>
    %select_n3A_1146 = arith.select %eq3A_1145, %broadcast_in_dim3A_4, %broadcast_in_dim3A_2 : vector<16xi1>, vector<16xi32>
    %add3A_1147 = arith.addi %add3A_1141, %select_n3A_1146 : vector<16xi32>
    %get3A_1148 = arith.constant 123 : index
    %get3A_1149 = tpu.vector_load %arg11[%get3A_1148] {strides = array<i32>} : memref<144xi32, #tpu.memory_space<vmem>>, vector<16xi32>,
    %get3A_1150 = vector.shape_cast %get3A_1149 : vector<16xi32> to vector<16xi32>
    %eq3A_1151 = arith.cmpi eq, %get3A_74, %get3A_1150 : vector<16xi32>
    %select_n3A_1152 = arith.select %eq3A_1151, %broadcast_in_dim3A_4, %broadcast_in_dim3A_2 : vector<16xi1>, vector<16xi32>
    %add3A_1153 = arith.addi %add3A_1147, %select_n3A_1152 : vector<16xi32>
    %get3A_1154 = arith.constant 122 : index
    %get3A_1155 = tpu.vector_load %arg11[%get3A_1154] {strides = array<i32>} : memref<144xi32, #tpu.memory_space<vmem>>, vector<16xi32>,
    %get3A_1156 = vector.shape_cast %get3A_1155 : vector<16xi32> to vector<16xi32>
    %eq3A_1157 = arith.cmpi eq, %get3A_74, %get3A_1156 : vector<16xi32>
    %select_n3A_1158 = arith.select %eq3A_1157, %broadcast_in_dim3A_4, %broadcast_in_dim3A_2 : vector<16xi1>, vector<16xi32>
    %add3A_1159 = arith.addi %add3A_1153, %select_n3A_1158 : vector<16xi32>
    %get3A_1160 = arith.constant 121 : index
    %get3A_1161 = tpu.vector_load %arg11[%get3A_1160] {strides = array<i32>} : memref<144xi32, #tpu.memory_space<vmem>>, vector<16xi32>,
    %get3A_1162 = vector.shape_cast %get3A_1161 : vector<16xi32> to vector<16xi32>
    %eq3A_1163 = arith.cmpi eq, %get3A_74, %get3A_1162 : vector<16xi32>
    %select_n3A_1164 = arith.select %eq3A_1163, %broadcast_in_dim3A_4, %broadcast_in_dim3A_2 : vector<16xi1>, vector<16xi32>
    %add3A_1165 = arith.addi %add3A_1159, %select_n3A_1164 : vector<16xi32>
    %get3A_1166 = arith.constant 120 : index
    %get3A_1167 = tpu.vector_load %arg11[%get3A_1166] {strides = array<i32>} : memref<144xi32, #tpu.memory_space<vmem>>, vector<16xi32>,
    %get3A_1168 = vector.shape_cast %get3A_1167 : vector<16xi32> to vector<16xi32>
    %eq3A_1169 = arith.cmpi eq, %get3A_74, %get3A_1168 : vector<16xi32>
    %select_n3A_1170 = arith.select %eq3A_1169, %broadcast_in_dim3A_4, %broadcast_in_dim3A_2 : vector<16xi1>, vector<16xi32>
    %add3A_1171 = arith.addi %add3A_1165, %select_n3A_1170 : vector<16xi32>
    %get3A_1172 = arith.constant 119 : index
    %get3A_1173 = tpu.vector_load %arg11[%get3A_1172] {strides = array<i32>} : memref<144xi32, #tpu.memory_space<vmem>>, vector<16xi32>,
    %get3A_1174 = vector.shape_cast %get3A_1173 : vector<16xi32> to vector<16xi32>
    %eq3A_1175 = arith.cmpi eq, %get3A_74, %get3A_1174 : vector<16xi32>
    %select_n3A_1176 = arith.select %eq3A_1175, %broadcast_in_dim3A_4, %broadcast_in_dim3A_2 : vector<16xi1>, vector<16xi32>
    %add3A_1177 = arith.addi %add3A_1171, %select_n3A_1176 : vector<16xi32>
    %get3A_1178 = arith.constant 118 : index
    %get3A_1179 = tpu.vector_load %arg11[%get3A_1178] {strides = array<i32>} : memref<144xi32, #tpu.memory_space<vmem>>, vector<16xi32>,
    %get3A_1180 = vector.shape_cast %get3A_1179 : vector<16xi32> to vector<16xi32>
    %eq3A_1181 = arith.cmpi eq, %get3A_74, %get3A_1180 : vector<16xi32>
    %select_n3A_1182 = arith.select %eq3A_1181, %broadcast_in_dim3A_4, %broadcast_in_dim3A_2 : vector<16xi1>, vector<16xi32>
    %add3A_1183 = arith.addi %add3A_1177, %select_n3A_1182 : vector<16xi32>
    %get3A_1184 = arith.constant 117 : index
    %get3A_1185 = tpu.vector_load %arg11[%get3A_1184] {strides = array<i32>} : memref<144xi32, #tpu.memory_space<vmem>>, vector<16xi32>,
    %get3A_1186 = vector.shape_cast %get3A_1185 : vector<16xi32> to vector<16xi32>
    %eq3A_1187 = arith.cmpi eq, %get3A_74, %get3A_1186 : vector<16xi32>
    %select_n3A_1188 = arith.select %eq3A_1187, %broadcast_in_dim3A_4, %broadcast_in_dim3A_2 : vector<16xi1>, vector<16xi32>
    %add3A_1189 = arith.addi %add3A_1183, %select_n3A_1188 : vector<16xi32>
    %get3A_1190 = arith.constant 116 : index
    %get3A_1191 = tpu.vector_load %arg11[%get3A_1190] {strides = array<i32>} : memref<144xi32, #tpu.memory_space<vmem>>, vector<16xi32>,
    %get3A_1192 = vector.shape_cast %get3A_1191 : vector<16xi32> to vector<16xi32>
    %eq3A_1193 = arith.cmpi eq, %get3A_74, %get3A_1192 : vector<16xi32>
    %select_n3A_1194 = arith.select %eq3A_1193, %broadcast_in_dim3A_4, %broadcast_in_dim3A_2 : vector<16xi1>, vector<16xi32>
    %add3A_1195 = arith.addi %add3A_1189, %select_n3A_1194 : vector<16xi32>
    %get3A_1196 = arith.constant 115 : index
    %get3A_1197 = tpu.vector_load %arg11[%get3A_1196] {strides = array<i32>} : memref<144xi32, #tpu.memory_space<vmem>>, vector<16xi32>,
    %get3A_1198 = vector.shape_cast %get3A_1197 : vector<16xi32> to vector<16xi32>
    %eq3A_1199 = arith.cmpi eq, %get3A_74, %get3A_1198 : vector<16xi32>
    %select_n3A_1200 = arith.select %eq3A_1199, %broadcast_in_dim3A_4, %broadcast_in_dim3A_2 : vector<16xi1>, vector<16xi32>
    %add3A_1201 = arith.addi %add3A_1195, %select_n3A_1200 : vector<16xi32>
    %get3A_1202 = arith.constant 114 : index
    %get3A_1203 = tpu.vector_load %arg11[%get3A_1202] {strides = array<i32>} : memref<144xi32, #tpu.memory_space<vmem>>, vector<16xi32>,
    %get3A_1204 = vector.shape_cast %get3A_1203 : vector<16xi32> to vector<16xi32>
    %eq3A_1205 = arith.cmpi eq, %get3A_74, %get3A_1204 : vector<16xi32>
    %select_n3A_1206 = arith.select %eq3A_1205, %broadcast_in_dim3A_4, %broadcast_in_dim3A_2 : vector<16xi1>, vector<16xi32>
    %add3A_1207 = arith.addi %add3A_1201, %select_n3A_1206 : vector<16xi32>
    %get3A_1208 = arith.constant 113 : index
    %get3A_1209 = tpu.vector_load %arg11[%get3A_1208] {strides = array<i32>} : memref<144xi32, #tpu.memory_space<vmem>>, vector<16xi32>,
    %get3A_1210 = vector.shape_cast %get3A_1209 : vector<16xi32> to vector<16xi32>
    %eq3A_1211 = arith.cmpi eq, %get3A_74, %get3A_1210 : vector<16xi32>
    %select_n3A_1212 = arith.select %eq3A_1211, %broadcast_in_dim3A_4, %broadcast_in_dim3A_2 : vector<16xi1>, vector<16xi32>
    %add3A_1213 = arith.addi %add3A_1207, %select_n3A_1212 : vector<16xi32>
    %get3A_1214 = arith.constant 112 : index
    %get3A_1215 = tpu.vector_load %arg11[%get3A_1214] {strides = array<i32>} : memref<144xi32, #tpu.memory_space<vmem>>, vector<16xi32>,
    %get3A_1216 = vector.shape_cast %get3A_1215 : vector<16xi32> to vector<16xi32>
    %eq3A_1217 = arith.cmpi eq, %get3A_74, %get3A_1216 : vector<16xi32>
    %select_n3A_1218 = arith.select %eq3A_1217, %broadcast_in_dim3A_4, %broadcast_in_dim3A_2 : vector<16xi1>, vector<16xi32>
    %add3A_1219 = arith.addi %add3A_1213, %select_n3A_1218 : vector<16xi32>
    %get3A_1220 = arith.constant 111 : index
    %get3A_1221 = tpu.vector_load %arg11[%get3A_1220] {strides = array<i32>} : memref<144xi32, #tpu.memory_space<vmem>>, vector<16xi32>,
    %get3A_1222 = vector.shape_cast %get3A_1221 : vector<16xi32> to vector<16xi32>
    %eq3A_1223 = arith.cmpi eq, %get3A_74, %get3A_1222 : vector<16xi32>
    %select_n3A_1224 = arith.select %eq3A_1223, %broadcast_in_dim3A_4, %broadcast_in_dim3A_2 : vector<16xi1>, vector<16xi32>
    %add3A_1225 = arith.addi %add3A_1219, %select_n3A_1224 : vector<16xi32>
    %get3A_1226 = arith.constant 110 : index
    %get3A_1227 = tpu.vector_load %arg11[%get3A_1226] {strides = array<i32>} : memref<144xi32, #tpu.memory_space<vmem>>, vector<16xi32>,
    %get3A_1228 = vector.shape_cast %get3A_1227 : vector<16xi32> to vector<16xi32>
    %eq3A_1229 = arith.cmpi eq, %get3A_74, %get3A_1228 : vector<16xi32>
    %select_n3A_1230 = arith.select %eq3A_1229, %broadcast_in_dim3A_4, %broadcast_in_dim3A_2 : vector<16xi1>, vector<16xi32>
    %add3A_1231 = arith.addi %add3A_1225, %select_n3A_1230 : vector<16xi32>
    %get3A_1232 = arith.constant 109 : index
    %get3A_1233 = tpu.vector_load %arg11[%get3A_1232] {strides = array<i32>} : memref<144xi32, #tpu.memory_space<vmem>>, vector<16xi32>,
    %get3A_1234 = vector.shape_cast %get3A_1233 : vector<16xi32> to vector<16xi32>
    %eq3A_1235 = arith.cmpi eq, %get3A_74, %get3A_1234 : vector<16xi32>
    %select_n3A_1236 = arith.select %eq3A_1235, %broadcast_in_dim3A_4, %broadcast_in_dim3A_2 : vector<16xi1>, vector<16xi32>
    %add3A_1237 = arith.addi %add3A_1231, %select_n3A_1236 : vector<16xi32>
    %get3A_1238 = arith.constant 108 : index
    %get3A_1239 = tpu.vector_load %arg11[%get3A_1238] {strides = array<i32>} : memref<144xi32, #tpu.memory_space<vmem>>, vector<16xi32>,
    %get3A_1240 = vector.shape_cast %get3A_1239 : vector<16xi32> to vector<16xi32>
    %eq3A_1241 = arith.cmpi eq, %get3A_74, %get3A_1240 : vector<16xi32>
    %select_n3A_1242 = arith.select %eq3A_1241, %broadcast_in_dim3A_4, %broadcast_in_dim3A_2 : vector<16xi1>, vector<16xi32>
    %add3A_1243 = arith.addi %add3A_1237, %select_n3A_1242 : vector<16xi32>
    %get3A_1244 = arith.constant 107 : index
    %get3A_1245 = tpu.vector_load %arg11[%get3A_1244] {strides = array<i32>} : memref<144xi32, #tpu.memory_space<vmem>>, vector<16xi32>,
    %get3A_1246 = vector.shape_cast %get3A_1245 : vector<16xi32> to vector<16xi32>
    %eq3A_1247 = arith.cmpi eq, %get3A_74, %get3A_1246 : vector<16xi32>
    %select_n3A_1248 = arith.select %eq3A_1247, %broadcast_in_dim3A_4, %broadcast_in_dim3A_2 : vector<16xi1>, vector<16xi32>
    %add3A_1249 = arith.addi %add3A_1243, %select_n3A_1248 : vector<16xi32>
    %get3A_1250 = arith.constant 106 : index
    %get3A_1251 = tpu.vector_load %arg11[%get3A_1250] {strides = array<i32>} : memref<144xi32, #tpu.memory_space<vmem>>, vector<16xi32>,
    %get3A_1252 = vector.shape_cast %get3A_1251 : vector<16xi32> to vector<16xi32>
    %eq3A_1253 = arith.cmpi eq, %get3A_74, %get3A_1252 : vector<16xi32>
    %select_n3A_1254 = arith.select %eq3A_1253, %broadcast_in_dim3A_4, %broadcast_in_dim3A_2 : vector<16xi1>, vector<16xi32>
    %add3A_1255 = arith.addi %add3A_1249, %select_n3A_1254 : vector<16xi32>
    %get3A_1256 = arith.constant 105 : index
    %get3A_1257 = tpu.vector_load %arg11[%get3A_1256] {strides = array<i32>} : memref<144xi32, #tpu.memory_space<vmem>>, vector<16xi32>,
    %get3A_1258 = vector.shape_cast %get3A_1257 : vector<16xi32> to vector<16xi32>
    %eq3A_1259 = arith.cmpi eq, %get3A_74, %get3A_1258 : vector<16xi32>
    %select_n3A_1260 = arith.select %eq3A_1259, %broadcast_in_dim3A_4, %broadcast_in_dim3A_2 : vector<16xi1>, vector<16xi32>
    %add3A_1261 = arith.addi %add3A_1255, %select_n3A_1260 : vector<16xi32>
    %get3A_1262 = arith.constant 104 : index
    %get3A_1263 = tpu.vector_load %arg11[%get3A_1262] {strides = array<i32>} : memref<144xi32, #tpu.memory_space<vmem>>, vector<16xi32>,
    %get3A_1264 = vector.shape_cast %get3A_1263 : vector<16xi32> to vector<16xi32>
    %eq3A_1265 = arith.cmpi eq, %get3A_74, %get3A_1264 : vector<16xi32>
    %select_n3A_1266 = arith.select %eq3A_1265, %broadcast_in_dim3A_4, %broadcast_in_dim3A_2 : vector<16xi1>, vector<16xi32>
    %add3A_1267 = arith.addi %add3A_1261, %select_n3A_1266 : vector<16xi32>
    %get3A_1268 = arith.constant 103 : index
    %get3A_1269 = tpu.vector_load %arg11[%get3A_1268] {strides = array<i32>} : memref<144xi32, #tpu.memory_space<vmem>>, vector<16xi32>,
    %get3A_1270 = vector.shape_cast %get3A_1269 : vector<16xi32> to vector<16xi32>
    %eq3A_1271 = arith.cmpi eq, %get3A_74, %get3A_1270 : vector<16xi32>
    %select_n3A_1272 = arith.select %eq3A_1271, %broadcast_in_dim3A_4, %broadcast_in_dim3A_2 : vector<16xi1>, vector<16xi32>
    %add3A_1273 = arith.addi %add3A_1267, %select_n3A_1272 : vector<16xi32>
    %get3A_1274 = arith.constant 102 : index
    %get3A_1275 = tpu.vector_load %arg11[%get3A_1274] {strides = array<i32>} : memref<144xi32, #tpu.memory_space<vmem>>, vector<16xi32>,
    %get3A_1276 = vector.shape_cast %get3A_1275 : vector<16xi32> to vector<16xi32>
    %eq3A_1277 = arith.cmpi eq, %get3A_74, %get3A_1276 : vector<16xi32>
    %select_n3A_1278 = arith.select %eq3A_1277, %broadcast_in_dim3A_4, %broadcast_in_dim3A_2 : vector<16xi1>, vector<16xi32>
    %add3A_1279 = arith.addi %add3A_1273, %select_n3A_1278 : vector<16xi32>
    %get3A_1280 = arith.constant 101 : index
    %get3A_1281 = tpu.vector_load %arg11[%get3A_1280] {strides = array<i32>} : memref<144xi32, #tpu.memory_space<vmem>>, vector<16xi32>,
    %get3A_1282 = vector.shape_cast %get3A_1281 : vector<16xi32> to vector<16xi32>
    %eq3A_1283 = arith.cmpi eq, %get3A_74, %get3A_1282 : vector<16xi32>
    %select_n3A_1284 = arith.select %eq3A_1283, %broadcast_in_dim3A_4, %broadcast_in_dim3A_2 : vector<16xi1>, vector<16xi32>
    %add3A_1285 = arith.addi %add3A_1279, %select_n3A_1284 : vector<16xi32>
    %get3A_1286 = arith.constant 100 : index
    %get3A_1287 = tpu.vector_load %arg11[%get3A_1286] {strides = array<i32>} : memref<144xi32, #tpu.memory_space<vmem>>, vector<16xi32>,
    %get3A_1288 = vector.shape_cast %get3A_1287 : vector<16xi32> to vector<16xi32>
    %eq3A_1289 = arith.cmpi eq, %get3A_74, %get3A_1288 : vector<16xi32>
    %select_n3A_1290 = arith.select %eq3A_1289, %broadcast_in_dim3A_4, %broadcast_in_dim3A_2 : vector<16xi1>, vector<16xi32>
    %add3A_1291 = arith.addi %add3A_1285, %select_n3A_1290 : vector<16xi32>
    %get3A_1292 = arith.constant 99 : index
    %get3A_1293 = tpu.vector_load %arg11[%get3A_1292] {strides = array<i32>} : memref<144xi32, #tpu.memory_space<vmem>>, vector<16xi32>,
    %get3A_1294 = vector.shape_cast %get3A_1293 : vector<16xi32> to vector<16xi32>
    %eq3A_1295 = arith.cmpi eq, %get3A_74, %get3A_1294 : vector<16xi32>
    %select_n3A_1296 = arith.select %eq3A_1295, %broadcast_in_dim3A_4, %broadcast_in_dim3A_2 : vector<16xi1>, vector<16xi32>
    %add3A_1297 = arith.addi %add3A_1291, %select_n3A_1296 : vector<16xi32>
    %get3A_1298 = arith.constant 98 : index
    %get3A_1299 = tpu.vector_load %arg11[%get3A_1298] {strides = array<i32>} : memref<144xi32, #tpu.memory_space<vmem>>, vector<16xi32>,
    %get3A_1300 = vector.shape_cast %get3A_1299 : vector<16xi32> to vector<16xi32>
    %eq3A_1301 = arith.cmpi eq, %get3A_74, %get3A_1300 : vector<16xi32>
    %select_n3A_1302 = arith.select %eq3A_1301, %broadcast_in_dim3A_4, %broadcast_in_dim3A_2 : vector<16xi1>, vector<16xi32>
    %add3A_1303 = arith.addi %add3A_1297, %select_n3A_1302 : vector<16xi32>
    %get3A_1304 = arith.constant 97 : index
    %get3A_1305 = tpu.vector_load %arg11[%get3A_1304] {strides = array<i32>} : memref<144xi32, #tpu.memory_space<vmem>>, vector<16xi32>,
    %get3A_1306 = vector.shape_cast %get3A_1305 : vector<16xi32> to vector<16xi32>
    %eq3A_1307 = arith.cmpi eq, %get3A_74, %get3A_1306 : vector<16xi32>
    %select_n3A_1308 = arith.select %eq3A_1307, %broadcast_in_dim3A_4, %broadcast_in_dim3A_2 : vector<16xi1>, vector<16xi32>
    %add3A_1309 = arith.addi %add3A_1303, %select_n3A_1308 : vector<16xi32>
    %get3A_1310 = arith.constant 96 : index
    %get3A_1311 = tpu.vector_load %arg11[%get3A_1310] {strides = array<i32>} : memref<144xi32, #tpu.memory_space<vmem>>, vector<16xi32>,
    %get3A_1312 = vector.shape_cast %get3A_1311 : vector<16xi32> to vector<16xi32>
    %eq3A_1313 = arith.cmpi eq, %get3A_74, %get3A_1312 : vector<16xi32>
    %select_n3A_1314 = arith.select %eq3A_1313, %broadcast_in_dim3A_4, %broadcast_in_dim3A_2 : vector<16xi1>, vector<16xi32>
    %add3A_1315 = arith.addi %add3A_1309, %select_n3A_1314 : vector<16xi32>
    %get3A_1316 = arith.constant 95 : index
    %get3A_1317 = tpu.vector_load %arg11[%get3A_1316] {strides = array<i32>} : memref<144xi32, #tpu.memory_space<vmem>>, vector<16xi32>,
    %get3A_1318 = vector.shape_cast %get3A_1317 : vector<16xi32> to vector<16xi32>
    %eq3A_1319 = arith.cmpi eq, %get3A_74, %get3A_1318 : vector<16xi32>
    %select_n3A_1320 = arith.select %eq3A_1319, %broadcast_in_dim3A_4, %broadcast_in_dim3A_2 : vector<16xi1>, vector<16xi32>
    %add3A_1321 = arith.addi %add3A_1315, %select_n3A_1320 : vector<16xi32>
    %get3A_1322 = arith.constant 94 : index
    %get3A_1323 = tpu.vector_load %arg11[%get3A_1322] {strides = array<i32>} : memref<144xi32, #tpu.memory_space<vmem>>, vector<16xi32>,
    %get3A_1324 = vector.shape_cast %get3A_1323 : vector<16xi32> to vector<16xi32>
    %eq3A_1325 = arith.cmpi eq, %get3A_74, %get3A_1324 : vector<16xi32>
    %select_n3A_1326 = arith.select %eq3A_1325, %broadcast_in_dim3A_4, %broadcast_in_dim3A_2 : vector<16xi1>, vector<16xi32>
    %add3A_1327 = arith.addi %add3A_1321, %select_n3A_1326 : vector<16xi32>
    %get3A_1328 = arith.constant 93 : index
    %get3A_1329 = tpu.vector_load %arg11[%get3A_1328] {strides = array<i32>} : memref<144xi32, #tpu.memory_space<vmem>>, vector<16xi32>,
    %get3A_1330 = vector.shape_cast %get3A_1329 : vector<16xi32> to vector<16xi32>
    %eq3A_1331 = arith.cmpi eq, %get3A_74, %get3A_1330 : vector<16xi32>
    %select_n3A_1332 = arith.select %eq3A_1331, %broadcast_in_dim3A_4, %broadcast_in_dim3A_2 : vector<16xi1>, vector<16xi32>
    %add3A_1333 = arith.addi %add3A_1327, %select_n3A_1332 : vector<16xi32>
    %get3A_1334 = arith.constant 92 : index
    %get3A_1335 = tpu.vector_load %arg11[%get3A_1334] {strides = array<i32>} : memref<144xi32, #tpu.memory_space<vmem>>, vector<16xi32>,
    %get3A_1336 = vector.shape_cast %get3A_1335 : vector<16xi32> to vector<16xi32>
    %eq3A_1337 = arith.cmpi eq, %get3A_74, %get3A_1336 : vector<16xi32>
    %select_n3A_1338 = arith.select %eq3A_1337, %broadcast_in_dim3A_4, %broadcast_in_dim3A_2 : vector<16xi1>, vector<16xi32>
    %add3A_1339 = arith.addi %add3A_1333, %select_n3A_1338 : vector<16xi32>
    %get3A_1340 = arith.constant 91 : index
    %get3A_1341 = tpu.vector_load %arg11[%get3A_1340] {strides = array<i32>} : memref<144xi32, #tpu.memory_space<vmem>>, vector<16xi32>,
    %get3A_1342 = vector.shape_cast %get3A_1341 : vector<16xi32> to vector<16xi32>
    %eq3A_1343 = arith.cmpi eq, %get3A_74, %get3A_1342 : vector<16xi32>
    %select_n3A_1344 = arith.select %eq3A_1343, %broadcast_in_dim3A_4, %broadcast_in_dim3A_2 : vector<16xi1>, vector<16xi32>
    %add3A_1345 = arith.addi %add3A_1339, %select_n3A_1344 : vector<16xi32>
    %get3A_1346 = arith.constant 90 : index
    %get3A_1347 = tpu.vector_load %arg11[%get3A_1346] {strides = array<i32>} : memref<144xi32, #tpu.memory_space<vmem>>, vector<16xi32>,
    %get3A_1348 = vector.shape_cast %get3A_1347 : vector<16xi32> to vector<16xi32>
    %eq3A_1349 = arith.cmpi eq, %get3A_74, %get3A_1348 : vector<16xi32>
    %select_n3A_1350 = arith.select %eq3A_1349, %broadcast_in_dim3A_4, %broadcast_in_dim3A_2 : vector<16xi1>, vector<16xi32>
    %add3A_1351 = arith.addi %add3A_1345, %select_n3A_1350 : vector<16xi32>
    %get3A_1352 = arith.constant 89 : index
    %get3A_1353 = tpu.vector_load %arg11[%get3A_1352] {strides = array<i32>} : memref<144xi32, #tpu.memory_space<vmem>>, vector<16xi32>,
    %get3A_1354 = vector.shape_cast %get3A_1353 : vector<16xi32> to vector<16xi32>
    %eq3A_1355 = arith.cmpi eq, %get3A_74, %get3A_1354 : vector<16xi32>
    %select_n3A_1356 = arith.select %eq3A_1355, %broadcast_in_dim3A_4, %broadcast_in_dim3A_2 : vector<16xi1>, vector<16xi32>
    %add3A_1357 = arith.addi %add3A_1351, %select_n3A_1356 : vector<16xi32>
    %get3A_1358 = arith.constant 88 : index
    %get3A_1359 = tpu.vector_load %arg11[%get3A_1358] {strides = array<i32>} : memref<144xi32, #tpu.memory_space<vmem>>, vector<16xi32>,
    %get3A_1360 = vector.shape_cast %get3A_1359 : vector<16xi32> to vector<16xi32>
    %eq3A_1361 = arith.cmpi eq, %get3A_74, %get3A_1360 : vector<16xi32>
    %select_n3A_1362 = arith.select %eq3A_1361, %broadcast_in_dim3A_4, %broadcast_in_dim3A_2 : vector<16xi1>, vector<16xi32>
    %add3A_1363 = arith.addi %add3A_1357, %select_n3A_1362 : vector<16xi32>
    %get3A_1364 = arith.constant 87 : index
    %get3A_1365 = tpu.vector_load %arg11[%get3A_1364] {strides = array<i32>} : memref<144xi32, #tpu.memory_space<vmem>>, vector<16xi32>,
    %get3A_1366 = vector.shape_cast %get3A_1365 : vector<16xi32> to vector<16xi32>
    %eq3A_1367 = arith.cmpi eq, %get3A_74, %get3A_1366 : vector<16xi32>
    %select_n3A_1368 = arith.select %eq3A_1367, %broadcast_in_dim3A_4, %broadcast_in_dim3A_2 : vector<16xi1>, vector<16xi32>
    %add3A_1369 = arith.addi %add3A_1363, %select_n3A_1368 : vector<16xi32>
    %get3A_1370 = arith.constant 86 : index
    %get3A_1371 = tpu.vector_load %arg11[%get3A_1370] {strides = array<i32>} : memref<144xi32, #tpu.memory_space<vmem>>, vector<16xi32>,
    %get3A_1372 = vector.shape_cast %get3A_1371 : vector<16xi32> to vector<16xi32>
    %eq3A_1373 = arith.cmpi eq, %get3A_74, %get3A_1372 : vector<16xi32>
    %select_n3A_1374 = arith.select %eq3A_1373, %broadcast_in_dim3A_4, %broadcast_in_dim3A_2 : vector<16xi1>, vector<16xi32>
    %add3A_1375 = arith.addi %add3A_1369, %select_n3A_1374 : vector<16xi32>
    %get3A_1376 = arith.constant 85 : index
    %get3A_1377 = tpu.vector_load %arg11[%get3A_1376] {strides = array<i32>} : memref<144xi32, #tpu.memory_space<vmem>>, vector<16xi32>,
    %get3A_1378 = vector.shape_cast %get3A_1377 : vector<16xi32> to vector<16xi32>
    %eq3A_1379 = arith.cmpi eq, %get3A_74, %get3A_1378 : vector<16xi32>
    %select_n3A_1380 = arith.select %eq3A_1379, %broadcast_in_dim3A_4, %broadcast_in_dim3A_2 : vector<16xi1>, vector<16xi32>
    %add3A_1381 = arith.addi %add3A_1375, %select_n3A_1380 : vector<16xi32>
    %get3A_1382 = arith.constant 84 : index
    %get3A_1383 = tpu.vector_load %arg11[%get3A_1382] {strides = array<i32>} : memref<144xi32, #tpu.memory_space<vmem>>, vector<16xi32>,
    %get3A_1384 = vector.shape_cast %get3A_1383 : vector<16xi32> to vector<16xi32>
    %eq3A_1385 = arith.cmpi eq, %get3A_74, %get3A_1384 : vector<16xi32>
    %select_n3A_1386 = arith.select %eq3A_1385, %broadcast_in_dim3A_4, %broadcast_in_dim3A_2 : vector<16xi1>, vector<16xi32>
    %add3A_1387 = arith.addi %add3A_1381, %select_n3A_1386 : vector<16xi32>
    %get3A_1388 = arith.constant 83 : index
    %get3A_1389 = tpu.vector_load %arg11[%get3A_1388] {strides = array<i32>} : memref<144xi32, #tpu.memory_space<vmem>>, vector<16xi32>,
    %get3A_1390 = vector.shape_cast %get3A_1389 : vector<16xi32> to vector<16xi32>
    %eq3A_1391 = arith.cmpi eq, %get3A_74, %get3A_1390 : vector<16xi32>
    %select_n3A_1392 = arith.select %eq3A_1391, %broadcast_in_dim3A_4, %broadcast_in_dim3A_2 : vector<16xi1>, vector<16xi32>
    %add3A_1393 = arith.addi %add3A_1387, %select_n3A_1392 : vector<16xi32>
    %get3A_1394 = arith.constant 82 : index
    %get3A_1395 = tpu.vector_load %arg11[%get3A_1394] {strides = array<i32>} : memref<144xi32, #tpu.memory_space<vmem>>, vector<16xi32>,
    %get3A_1396 = vector.shape_cast %get3A_1395 : vector<16xi32> to vector<16xi32>
    %eq3A_1397 = arith.cmpi eq, %get3A_74, %get3A_1396 : vector<16xi32>
    %select_n3A_1398 = arith.select %eq3A_1397, %broadcast_in_dim3A_4, %broadcast_in_dim3A_2 : vector<16xi1>, vector<16xi32>
    %add3A_1399 = arith.addi %add3A_1393, %select_n3A_1398 : vector<16xi32>
    %get3A_1400 = arith.constant 81 : index
    %get3A_1401 = tpu.vector_load %arg11[%get3A_1400] {strides = array<i32>} : memref<144xi32, #tpu.memory_space<vmem>>, vector<16xi32>,
    %get3A_1402 = vector.shape_cast %get3A_1401 : vector<16xi32> to vector<16xi32>
    %eq3A_1403 = arith.cmpi eq, %get3A_74, %get3A_1402 : vector<16xi32>
    %select_n3A_1404 = arith.select %eq3A_1403, %broadcast_in_dim3A_4, %broadcast_in_dim3A_2 : vector<16xi1>, vector<16xi32>
    %add3A_1405 = arith.addi %add3A_1399, %select_n3A_1404 : vector<16xi32>
    %get3A_1406 = arith.constant 80 : index
    %get3A_1407 = tpu.vector_load %arg11[%get3A_1406] {strides = array<i32>} : memref<144xi32, #tpu.memory_space<vmem>>, vector<16xi32>,
    %get3A_1408 = vector.shape_cast %get3A_1407 : vector<16xi32> to vector<16xi32>
    %eq3A_1409 = arith.cmpi eq, %get3A_74, %get3A_1408 : vector<16xi32>
    %select_n3A_1410 = arith.select %eq3A_1409, %broadcast_in_dim3A_4, %broadcast_in_dim3A_2 : vector<16xi1>, vector<16xi32>
    %add3A_1411 = arith.addi %add3A_1405, %select_n3A_1410 : vector<16xi32>
    %get3A_1412 = arith.constant 79 : index
    %get3A_1413 = tpu.vector_load %arg11[%get3A_1412] {strides = array<i32>} : memref<144xi32, #tpu.memory_space<vmem>>, vector<16xi32>,
    %get3A_1414 = vector.shape_cast %get3A_1413 : vector<16xi32> to vector<16xi32>
    %eq3A_1415 = arith.cmpi eq, %get3A_74, %get3A_1414 : vector<16xi32>
    %select_n3A_1416 = arith.select %eq3A_1415, %broadcast_in_dim3A_4, %broadcast_in_dim3A_2 : vector<16xi1>, vector<16xi32>
    %add3A_1417 = arith.addi %add3A_1411, %select_n3A_1416 : vector<16xi32>
    %get3A_1418 = arith.constant 78 : index
    %get3A_1419 = tpu.vector_load %arg11[%get3A_1418] {strides = array<i32>} : memref<144xi32, #tpu.memory_space<vmem>>, vector<16xi32>,
    %get3A_1420 = vector.shape_cast %get3A_1419 : vector<16xi32> to vector<16xi32>
    %eq3A_1421 = arith.cmpi eq, %get3A_74, %get3A_1420 : vector<16xi32>
    %select_n3A_1422 = arith.select %eq3A_1421, %broadcast_in_dim3A_4, %broadcast_in_dim3A_2 : vector<16xi1>, vector<16xi32>
    %add3A_1423 = arith.addi %add3A_1417, %select_n3A_1422 : vector<16xi32>
    %get3A_1424 = arith.constant 77 : index
    %get3A_1425 = tpu.vector_load %arg11[%get3A_1424] {strides = array<i32>} : memref<144xi32, #tpu.memory_space<vmem>>, vector<16xi32>,
    %get3A_1426 = vector.shape_cast %get3A_1425 : vector<16xi32> to vector<16xi32>
    %eq3A_1427 = arith.cmpi eq, %get3A_74, %get3A_1426 : vector<16xi32>
    %select_n3A_1428 = arith.select %eq3A_1427, %broadcast_in_dim3A_4, %broadcast_in_dim3A_2 : vector<16xi1>, vector<16xi32>
    %add3A_1429 = arith.addi %add3A_1423, %select_n3A_1428 : vector<16xi32>
    %get3A_1430 = arith.constant 76 : index
    %get3A_1431 = tpu.vector_load %arg11[%get3A_1430] {strides = array<i32>} : memref<144xi32, #tpu.memory_space<vmem>>, vector<16xi32>,
    %get3A_1432 = vector.shape_cast %get3A_1431 : vector<16xi32> to vector<16xi32>
    %eq3A_1433 = arith.cmpi eq, %get3A_74, %get3A_1432 : vector<16xi32>
    %select_n3A_1434 = arith.select %eq3A_1433, %broadcast_in_dim3A_4, %broadcast_in_dim3A_2 : vector<16xi1>, vector<16xi32>
    %add3A_1435 = arith.addi %add3A_1429, %select_n3A_1434 : vector<16xi32>
    %get3A_1436 = arith.constant 75 : index
    %get3A_1437 = tpu.vector_load %arg11[%get3A_1436] {strides = array<i32>} : memref<144xi32, #tpu.memory_space<vmem>>, vector<16xi32>,
    %get3A_1438 = vector.shape_cast %get3A_1437 : vector<16xi32> to vector<16xi32>
    %eq3A_1439 = arith.cmpi eq, %get3A_74, %get3A_1438 : vector<16xi32>
    %select_n3A_1440 = arith.select %eq3A_1439, %broadcast_in_dim3A_4, %broadcast_in_dim3A_2 : vector<16xi1>, vector<16xi32>
    %add3A_1441 = arith.addi %add3A_1435, %select_n3A_1440 : vector<16xi32>
    %get3A_1442 = arith.constant 74 : index
    %get3A_1443 = tpu.vector_load %arg11[%get3A_1442] {strides = array<i32>} : memref<144xi32, #tpu.memory_space<vmem>>, vector<16xi32>,
    %get3A_1444 = vector.shape_cast %get3A_1443 : vector<16xi32> to vector<16xi32>
    %eq3A_1445 = arith.cmpi eq, %get3A_74, %get3A_1444 : vector<16xi32>
    %select_n3A_1446 = arith.select %eq3A_1445, %broadcast_in_dim3A_4, %broadcast_in_dim3A_2 : vector<16xi1>, vector<16xi32>
    %add3A_1447 = arith.addi %add3A_1441, %select_n3A_1446 : vector<16xi32>
    %get3A_1448 = arith.constant 73 : index
    %get3A_1449 = tpu.vector_load %arg11[%get3A_1448] {strides = array<i32>} : memref<144xi32, #tpu.memory_space<vmem>>, vector<16xi32>,
    %get3A_1450 = vector.shape_cast %get3A_1449 : vector<16xi32> to vector<16xi32>
    %eq3A_1451 = arith.cmpi eq, %get3A_74, %get3A_1450 : vector<16xi32>
    %select_n3A_1452 = arith.select %eq3A_1451, %broadcast_in_dim3A_4, %broadcast_in_dim3A_2 : vector<16xi1>, vector<16xi32>
    %add3A_1453 = arith.addi %add3A_1447, %select_n3A_1452 : vector<16xi32>
    %get3A_1454 = arith.constant 72 : index
    %get3A_1455 = tpu.vector_load %arg11[%get3A_1454] {strides = array<i32>} : memref<144xi32, #tpu.memory_space<vmem>>, vector<16xi32>,
    %get3A_1456 = vector.shape_cast %get3A_1455 : vector<16xi32> to vector<16xi32>
    %eq3A_1457 = arith.cmpi eq, %get3A_74, %get3A_1456 : vector<16xi32>
    %select_n3A_1458 = arith.select %eq3A_1457, %broadcast_in_dim3A_4, %broadcast_in_dim3A_2 : vector<16xi1>, vector<16xi32>
    %add3A_1459 = arith.addi %add3A_1453, %select_n3A_1458 : vector<16xi32>
    %get3A_1460 = arith.constant 71 : index
    %get3A_1461 = tpu.vector_load %arg11[%get3A_1460] {strides = array<i32>} : memref<144xi32, #tpu.memory_space<vmem>>, vector<16xi32>,
    %get3A_1462 = vector.shape_cast %get3A_1461 : vector<16xi32> to vector<16xi32>
    %eq3A_1463 = arith.cmpi eq, %get3A_74, %get3A_1462 : vector<16xi32>
    %select_n3A_1464 = arith.select %eq3A_1463, %broadcast_in_dim3A_4, %broadcast_in_dim3A_2 : vector<16xi1>, vector<16xi32>
    %add3A_1465 = arith.addi %add3A_1459, %select_n3A_1464 : vector<16xi32>
    %get3A_1466 = arith.constant 70 : index
    %get3A_1467 = tpu.vector_load %arg11[%get3A_1466] {strides = array<i32>} : memref<144xi32, #tpu.memory_space<vmem>>, vector<16xi32>,
    %get3A_1468 = vector.shape_cast %get3A_1467 : vector<16xi32> to vector<16xi32>
    %eq3A_1469 = arith.cmpi eq, %get3A_74, %get3A_1468 : vector<16xi32>
    %select_n3A_1470 = arith.select %eq3A_1469, %broadcast_in_dim3A_4, %broadcast_in_dim3A_2 : vector<16xi1>, vector<16xi32>
    %add3A_1471 = arith.addi %add3A_1465, %select_n3A_1470 : vector<16xi32>
    %get3A_1472 = arith.constant 69 : index
    %get3A_1473 = tpu.vector_load %arg11[%get3A_1472] {strides = array<i32>} : memref<144xi32, #tpu.memory_space<vmem>>, vector<16xi32>,
    %get3A_1474 = vector.shape_cast %get3A_1473 : vector<16xi32> to vector<16xi32>
    %eq3A_1475 = arith.cmpi eq, %get3A_74, %get3A_1474 : vector<16xi32>
    %select_n3A_1476 = arith.select %eq3A_1475, %broadcast_in_dim3A_4, %broadcast_in_dim3A_2 : vector<16xi1>, vector<16xi32>
    %add3A_1477 = arith.addi %add3A_1471, %select_n3A_1476 : vector<16xi32>
    %get3A_1478 = arith.constant 68 : index
    %get3A_1479 = tpu.vector_load %arg11[%get3A_1478] {strides = array<i32>} : memref<144xi32, #tpu.memory_space<vmem>>, vector<16xi32>,
    %get3A_1480 = vector.shape_cast %get3A_1479 : vector<16xi32> to vector<16xi32>
    %eq3A_1481 = arith.cmpi eq, %get3A_74, %get3A_1480 : vector<16xi32>
    %select_n3A_1482 = arith.select %eq3A_1481, %broadcast_in_dim3A_4, %broadcast_in_dim3A_2 : vector<16xi1>, vector<16xi32>
    %add3A_1483 = arith.addi %add3A_1477, %select_n3A_1482 : vector<16xi32>
    %get3A_1484 = arith.constant 67 : index
    %get3A_1485 = tpu.vector_load %arg11[%get3A_1484] {strides = array<i32>} : memref<144xi32, #tpu.memory_space<vmem>>, vector<16xi32>,
    %get3A_1486 = vector.shape_cast %get3A_1485 : vector<16xi32> to vector<16xi32>
    %eq3A_1487 = arith.cmpi eq, %get3A_74, %get3A_1486 : vector<16xi32>
    %select_n3A_1488 = arith.select %eq3A_1487, %broadcast_in_dim3A_4, %broadcast_in_dim3A_2 : vector<16xi1>, vector<16xi32>
    %add3A_1489 = arith.addi %add3A_1483, %select_n3A_1488 : vector<16xi32>
    %get3A_1490 = arith.constant 66 : index
    %get3A_1491 = tpu.vector_load %arg11[%get3A_1490] {strides = array<i32>} : memref<144xi32, #tpu.memory_space<vmem>>, vector<16xi32>,
    %get3A_1492 = vector.shape_cast %get3A_1491 : vector<16xi32> to vector<16xi32>
    %eq3A_1493 = arith.cmpi eq, %get3A_74, %get3A_1492 : vector<16xi32>
    %select_n3A_1494 = arith.select %eq3A_1493, %broadcast_in_dim3A_4, %broadcast_in_dim3A_2 : vector<16xi1>, vector<16xi32>
    %add3A_1495 = arith.addi %add3A_1489, %select_n3A_1494 : vector<16xi32>
    %get3A_1496 = arith.constant 65 : index
    %get3A_1497 = tpu.vector_load %arg11[%get3A_1496] {strides = array<i32>} : memref<144xi32, #tpu.memory_space<vmem>>, vector<16xi32>,
    %get3A_1498 = vector.shape_cast %get3A_1497 : vector<16xi32> to vector<16xi32>
    %eq3A_1499 = arith.cmpi eq, %get3A_74, %get3A_1498 : vector<16xi32>
    %select_n3A_1500 = arith.select %eq3A_1499, %broadcast_in_dim3A_4, %broadcast_in_dim3A_2 : vector<16xi1>, vector<16xi32>
    %add3A_1501 = arith.addi %add3A_1495, %select_n3A_1500 : vector<16xi32>
    %get3A_1502 = arith.constant 64 : index
    %get3A_1503 = tpu.vector_load %arg11[%get3A_1502] {strides = array<i32>} : memref<144xi32, #tpu.memory_space<vmem>>, vector<16xi32>,
    %get3A_1504 = vector.shape_cast %get3A_1503 : vector<16xi32> to vector<16xi32>
    %eq3A_1505 = arith.cmpi eq, %get3A_74, %get3A_1504 : vector<16xi32>
    %select_n3A_1506 = arith.select %eq3A_1505, %broadcast_in_dim3A_4, %broadcast_in_dim3A_2 : vector<16xi1>, vector<16xi32>
    %add3A_1507 = arith.addi %add3A_1501, %select_n3A_1506 : vector<16xi32>
    %get3A_1508 = arith.constant 63 : index
    %get3A_1509 = tpu.vector_load %arg11[%get3A_1508] {strides = array<i32>} : memref<144xi32, #tpu.memory_space<vmem>>, vector<16xi32>,
    %get3A_1510 = vector.shape_cast %get3A_1509 : vector<16xi32> to vector<16xi32>
    %eq3A_1511 = arith.cmpi eq, %get3A_74, %get3A_1510 : vector<16xi32>
    %select_n3A_1512 = arith.select %eq3A_1511, %broadcast_in_dim3A_4, %broadcast_in_dim3A_2 : vector<16xi1>, vector<16xi32>
    %add3A_1513 = arith.addi %add3A_1507, %select_n3A_1512 : vector<16xi32>
    %get3A_1514 = arith.constant 62 : index
    %get3A_1515 = tpu.vector_load %arg11[%get3A_1514] {strides = array<i32>} : memref<144xi32, #tpu.memory_space<vmem>>, vector<16xi32>,
    %get3A_1516 = vector.shape_cast %get3A_1515 : vector<16xi32> to vector<16xi32>
    %eq3A_1517 = arith.cmpi eq, %get3A_74, %get3A_1516 : vector<16xi32>
    %select_n3A_1518 = arith.select %eq3A_1517, %broadcast_in_dim3A_4, %broadcast_in_dim3A_2 : vector<16xi1>, vector<16xi32>
    %add3A_1519 = arith.addi %add3A_1513, %select_n3A_1518 : vector<16xi32>
    %get3A_1520 = arith.constant 61 : index
    %get3A_1521 = tpu.vector_load %arg11[%get3A_1520] {strides = array<i32>} : memref<144xi32, #tpu.memory_space<vmem>>, vector<16xi32>,
    %get3A_1522 = vector.shape_cast %get3A_1521 : vector<16xi32> to vector<16xi32>
    %eq3A_1523 = arith.cmpi eq, %get3A_74, %get3A_1522 : vector<16xi32>
    %select_n3A_1524 = arith.select %eq3A_1523, %broadcast_in_dim3A_4, %broadcast_in_dim3A_2 : vector<16xi1>, vector<16xi32>
    %add3A_1525 = arith.addi %add3A_1519, %select_n3A_1524 : vector<16xi32>
    %get3A_1526 = arith.constant 60 : index
    %get3A_1527 = tpu.vector_load %arg11[%get3A_1526] {strides = array<i32>} : memref<144xi32, #tpu.memory_space<vmem>>, vector<16xi32>,
    %get3A_1528 = vector.shape_cast %get3A_1527 : vector<16xi32> to vector<16xi32>
    %eq3A_1529 = arith.cmpi eq, %get3A_74, %get3A_1528 : vector<16xi32>
    %select_n3A_1530 = arith.select %eq3A_1529, %broadcast_in_dim3A_4, %broadcast_in_dim3A_2 : vector<16xi1>, vector<16xi32>
    %add3A_1531 = arith.addi %add3A_1525, %select_n3A_1530 : vector<16xi32>
    %get3A_1532 = arith.constant 59 : index
    %get3A_1533 = tpu.vector_load %arg11[%get3A_1532] {strides = array<i32>} : memref<144xi32, #tpu.memory_space<vmem>>, vector<16xi32>,
    %get3A_1534 = vector.shape_cast %get3A_1533 : vector<16xi32> to vector<16xi32>
    %eq3A_1535 = arith.cmpi eq, %get3A_74, %get3A_1534 : vector<16xi32>
    %select_n3A_1536 = arith.select %eq3A_1535, %broadcast_in_dim3A_4, %broadcast_in_dim3A_2 : vector<16xi1>, vector<16xi32>
    %add3A_1537 = arith.addi %add3A_1531, %select_n3A_1536 : vector<16xi32>
    %get3A_1538 = arith.constant 58 : index
    %get3A_1539 = tpu.vector_load %arg11[%get3A_1538] {strides = array<i32>} : memref<144xi32, #tpu.memory_space<vmem>>, vector<16xi32>,
    %get3A_1540 = vector.shape_cast %get3A_1539 : vector<16xi32> to vector<16xi32>
    %eq3A_1541 = arith.cmpi eq, %get3A_74, %get3A_1540 : vector<16xi32>
    %select_n3A_1542 = arith.select %eq3A_1541, %broadcast_in_dim3A_4, %broadcast_in_dim3A_2 : vector<16xi1>, vector<16xi32>
    %add3A_1543 = arith.addi %add3A_1537, %select_n3A_1542 : vector<16xi32>
    %get3A_1544 = arith.constant 57 : index
    %get3A_1545 = tpu.vector_load %arg11[%get3A_1544] {strides = array<i32>} : memref<144xi32, #tpu.memory_space<vmem>>, vector<16xi32>,
    %get3A_1546 = vector.shape_cast %get3A_1545 : vector<16xi32> to vector<16xi32>
    %eq3A_1547 = arith.cmpi eq, %get3A_74, %get3A_1546 : vector<16xi32>
    %select_n3A_1548 = arith.select %eq3A_1547, %broadcast_in_dim3A_4, %broadcast_in_dim3A_2 : vector<16xi1>, vector<16xi32>
    %add3A_1549 = arith.addi %add3A_1543, %select_n3A_1548 : vector<16xi32>
    %get3A_1550 = arith.constant 56 : index
    %get3A_1551 = tpu.vector_load %arg11[%get3A_1550] {strides = array<i32>} : memref<144xi32, #tpu.memory_space<vmem>>, vector<16xi32>,
    %get3A_1552 = vector.shape_cast %get3A_1551 : vector<16xi32> to vector<16xi32>
    %eq3A_1553 = arith.cmpi eq, %get3A_74, %get3A_1552 : vector<16xi32>
    %select_n3A_1554 = arith.select %eq3A_1553, %broadcast_in_dim3A_4, %broadcast_in_dim3A_2 : vector<16xi1>, vector<16xi32>
    %add3A_1555 = arith.addi %add3A_1549, %select_n3A_1554 : vector<16xi32>
    %get3A_1556 = arith.constant 55 : index
    %get3A_1557 = tpu.vector_load %arg11[%get3A_1556] {strides = array<i32>} : memref<144xi32, #tpu.memory_space<vmem>>, vector<16xi32>,
    %get3A_1558 = vector.shape_cast %get3A_1557 : vector<16xi32> to vector<16xi32>
    %eq3A_1559 = arith.cmpi eq, %get3A_74, %get3A_1558 : vector<16xi32>
    %select_n3A_1560 = arith.select %eq3A_1559, %broadcast_in_dim3A_4, %broadcast_in_dim3A_2 : vector<16xi1>, vector<16xi32>
    %add3A_1561 = arith.addi %add3A_1555, %select_n3A_1560 : vector<16xi32>
    %get3A_1562 = arith.constant 54 : index
    %get3A_1563 = tpu.vector_load %arg11[%get3A_1562] {strides = array<i32>} : memref<144xi32, #tpu.memory_space<vmem>>, vector<16xi32>,
    %get3A_1564 = vector.shape_cast %get3A_1563 : vector<16xi32> to vector<16xi32>
    %eq3A_1565 = arith.cmpi eq, %get3A_74, %get3A_1564 : vector<16xi32>
    %select_n3A_1566 = arith.select %eq3A_1565, %broadcast_in_dim3A_4, %broadcast_in_dim3A_2 : vector<16xi1>, vector<16xi32>
    %add3A_1567 = arith.addi %add3A_1561, %select_n3A_1566 : vector<16xi32>
    %get3A_1568 = arith.constant 53 : index
    %get3A_1569 = tpu.vector_load %arg11[%get3A_1568] {strides = array<i32>} : memref<144xi32, #tpu.memory_space<vmem>>, vector<16xi32>,
    %get3A_1570 = vector.shape_cast %get3A_1569 : vector<16xi32> to vector<16xi32>
    %eq3A_1571 = arith.cmpi eq, %get3A_74, %get3A_1570 : vector<16xi32>
    %select_n3A_1572 = arith.select %eq3A_1571, %broadcast_in_dim3A_4, %broadcast_in_dim3A_2 : vector<16xi1>, vector<16xi32>
    %add3A_1573 = arith.addi %add3A_1567, %select_n3A_1572 : vector<16xi32>
    %get3A_1574 = arith.constant 52 : index
    %get3A_1575 = tpu.vector_load %arg11[%get3A_1574] {strides = array<i32>} : memref<144xi32, #tpu.memory_space<vmem>>, vector<16xi32>,
    %get3A_1576 = vector.shape_cast %get3A_1575 : vector<16xi32> to vector<16xi32>
    %eq3A_1577 = arith.cmpi eq, %get3A_74, %get3A_1576 : vector<16xi32>
    %select_n3A_1578 = arith.select %eq3A_1577, %broadcast_in_dim3A_4, %broadcast_in_dim3A_2 : vector<16xi1>, vector<16xi32>
    %add3A_1579 = arith.addi %add3A_1573, %select_n3A_1578 : vector<16xi32>
    %get3A_1580 = arith.constant 51 : index
    %get3A_1581 = tpu.vector_load %arg11[%get3A_1580] {strides = array<i32>} : memref<144xi32, #tpu.memory_space<vmem>>, vector<16xi32>,
    %get3A_1582 = vector.shape_cast %get3A_1581 : vector<16xi32> to vector<16xi32>
    %eq3A_1583 = arith.cmpi eq, %get3A_74, %get3A_1582 : vector<16xi32>
    %select_n3A_1584 = arith.select %eq3A_1583, %broadcast_in_dim3A_4, %broadcast_in_dim3A_2 : vector<16xi1>, vector<16xi32>
    %add3A_1585 = arith.addi %add3A_1579, %select_n3A_1584 : vector<16xi32>
    %get3A_1586 = arith.constant 50 : index
    %get3A_1587 = tpu.vector_load %arg11[%get3A_1586] {strides = array<i32>} : memref<144xi32, #tpu.memory_space<vmem>>, vector<16xi32>,
    %get3A_1588 = vector.shape_cast %get3A_1587 : vector<16xi32> to vector<16xi32>
    %eq3A_1589 = arith.cmpi eq, %get3A_74, %get3A_1588 : vector<16xi32>
    %select_n3A_1590 = arith.select %eq3A_1589, %broadcast_in_dim3A_4, %broadcast_in_dim3A_2 : vector<16xi1>, vector<16xi32>
    %add3A_1591 = arith.addi %add3A_1585, %select_n3A_1590 : vector<16xi32>
    %get3A_1592 = arith.constant 49 : index
    %get3A_1593 = tpu.vector_load %arg11[%get3A_1592] {strides = array<i32>} : memref<144xi32, #tpu.memory_space<vmem>>, vector<16xi32>,
    %get3A_1594 = vector.shape_cast %get3A_1593 : vector<16xi32> to vector<16xi32>
    %eq3A_1595 = arith.cmpi eq, %get3A_74, %get3A_1594 : vector<16xi32>
    %select_n3A_1596 = arith.select %eq3A_1595, %broadcast_in_dim3A_4, %broadcast_in_dim3A_2 : vector<16xi1>, vector<16xi32>
    %add3A_1597 = arith.addi %add3A_1591, %select_n3A_1596 : vector<16xi32>
    %eq3A_1598 = arith.constant 0 : i32
    %eq3A_1599 = vector.broadcast %eq3A_1598 : i32 to vector<16xi32>
    %eq3A_1600 = arith.cmpi eq, %add3A_1597, %eq3A_1599 : vector<16xi32>
    %jit3A_1601 = arith.constant 10008 : i32
    %broadcast_in_dim3A_1602 = vector.broadcast %jit3A_1601 : i32 to vector<16xi32>
    %select_n3A_1603 = arith.select %eq3A_1600, %get3A_74, %broadcast_in_dim3A_1602 : vector<16xi1>, vector<16xi32>
    %swap3A_1604 = arith.constant 0 : i32
    %swap3A_1605 = arith.index_cast %swap3A_1604 : i32 to index
    %swap3A_1606 = arith.constant 64 : index
    %swap3A_1607 = tpu.vector_load %arg9[%swap3A_1605, %swap3A_1606] {strides = array<i32>} : memref<2x80xi32, #tpu.memory_space<vmem>>, vector<1x16xi32>,
    %swap3A_1608 = vector.shape_cast %swap3A_1607 : vector<1x16xi32> to vector<16xi32>
    %swap3A_1609 = vector.shape_cast %select_n3A_1603 : vector<16xi32> to vector<1x16xi32>
    tpu.vector_store %arg9[%swap3A_1605, %swap3A_1606], %swap3A_1609 {strides = array<i32>} : memref<2x80xi32, #tpu.memory_space<vmem>>, vector<1x16xi32>,
    %eq3A_1610 = arith.constant 1 : i32
    %eq3A_1611 = vector.broadcast %eq3A_1610 : i32 to vector<16xi32>
    %eq3A_1612 = arith.cmpi eq, %add3A_1597, %eq3A_1611 : vector<16xi32>
    %jit3A_1613 = arith.constant 10008 : i32
    %broadcast_in_dim3A_1614 = vector.broadcast %jit3A_1613 : i32 to vector<16xi32>
    %select_n3A_1615 = arith.select %eq3A_1612, %get3A_74, %broadcast_in_dim3A_1614 : vector<16xi1>, vector<16xi32>
    %swap3A_1616 = arith.constant 0 : i32
    %swap3A_1617 = arith.index_cast %swap3A_1616 : i32 to index
    %swap3A_1618 = arith.constant 64 : index
    %swap3A_1619 = tpu.vector_load %arg10[%swap3A_1617, %swap3A_1618] {strides = array<i32>} : memref<2x80xi32, #tpu.memory_space<vmem>>, vector<1x16xi32>,
    %swap3A_1620 = vector.shape_cast %swap3A_1619 : vector<1x16xi32> to vector<16xi32>
    %swap3A_1621 = vector.shape_cast %select_n3A_1615 : vector<16xi32> to vector<1x16xi32>
    tpu.vector_store %arg10[%swap3A_1617, %swap3A_1618], %swap3A_1621 {strides = array<i32>} : memref<2x80xi32, #tpu.memory_space<vmem>>, vector<1x16xi32>,
    %dma_start3A = arith.constant 0 : i32
    %dma_start3A_1622 = arith.constant 0 : i32
    %dma_start3A_1623 = arith.constant 0 : i32
    %dma_start3A_1624 = tpu.memref_slice %arg12[%dma_start3A_1622, %dma_start3A_1623] : memref<160x128xf32, #tpu.memory_space<vmem>> -> memref<80x128xf32, #tpu.memory_space<vmem>>
    %dma_start3A_1625 = arith.constant 0 : i32
    %dma_start3A_1626 = tpu.memref_slice %arg7[%dma_start3A, %dma_start3A_1625] : memref<2x80xi32, #tpu.memory_space<vmem>> -> memref<1x80xi32, #tpu.memory_space<vmem>>
    %dma_start3A_1627 = tpu.memref_squeeze %dma_start3A_1626 : memref<1x80xi32, #tpu.memory_space<vmem>> -> memref<80xi32, #tpu.memory_space<vmem>>
    %dma_start3A_1628 = arith.constant 0 : i32
    %dma_start3A_1629 = arith.constant 0 : i32
    %dma_start3A_1630 = tpu.memref_slice %arg4[%dma_start3A_1628, %dma_start3A_1629] : memref<10000x128xf32, #tpu.memory_space<hbm>> -> memref<10000x128xf32, #tpu.memory_space<hbm>>
    tpu.enqueue_indirect_dma source(%dma_start3A_1630 : memref<10000x128xf32, #tpu.memory_space<hbm>>) target(%dma_start3A_1624 : memref<80x128xf32, #tpu.memory_space<vmem>>) offsets(%dma_start3A_1627 : memref<80xi32, #tpu.memory_space<vmem>>) semaphore(%arg15 : memref<!tpu.dma_semaphore, #tpu.memory_space<semaphore_mem>>)
    %scan3A_1631 = arith.constant 0 : i32
    %scan3A_1632 = arith.constant 0 : i32
    %scan3A_1633 = arith.constant 125 : i32
    %scan3A_1634 = arith.addi %scan3A_1632, %scan3A_1633 : i32
    %scan3A_1635 = arith.constant 1 : i32
    scf.for %scan3A_1648 = %scan3A_1632 to %scan3A_1634 step %scan3A_1635  : i32 {
      %and3A = arith.constant 1 : i32
      %and3A_1649 = arith.andi %scan3A_1648, %and3A : i32
      %sub3A = arith.constant 1 : i32
      %sub3A_1650 = arith.subi %sub3A, %and3A_1649 : i32
      %mul3A_1651 = arith.constant 80 : i32
      %mul3A_1652 = arith.muli %and3A_1649, %mul3A_1651 : i32
      %dma_wait3A = arith.constant 0 : i32
      %dma_wait3A_1653 = tpu.memref_slice %arg12[%mul3A_1652, %dma_wait3A] : memref<160x128xf32, #tpu.memory_space<vmem>> -> memref<80x128xf32, #tpu.memory_space<vmem>>
      %dma_wait3A_1654 = arith.constant 0 : i32
      %dma_wait3A_1655 = tpu.memref_slice %arg7[%and3A_1649, %dma_wait3A_1654] : memref<2x80xi32, #tpu.memory_space<vmem>> -> memref<1x80xi32, #tpu.memory_space<vmem>>
      %dma_wait3A_1656 = tpu.memref_squeeze %dma_wait3A_1655 : memref<1x80xi32, #tpu.memory_space<vmem>> -> memref<80xi32, #tpu.memory_space<vmem>>
      %dma_wait3A_1657 = arith.constant 0 : i32
      %dma_wait3A_1658 = arith.constant 0 : i32
      %dma_wait3A_1659 = tpu.memref_slice %arg4[%dma_wait3A_1657, %dma_wait3A_1658] : memref<10000x128xf32, #tpu.memory_space<hbm>> -> memref<10000x128xf32, #tpu.memory_space<hbm>>
      tpu.wait_indirect_dma semaphore(%arg15 : memref<!tpu.dma_semaphore, #tpu.memory_space<semaphore_mem>>) src(%dma_wait3A_1659 : memref<10000x128xf32, #tpu.memory_space<hbm>>) dst(%dma_wait3A_1653 : memref<80x128xf32, #tpu.memory_space<vmem>>)
      %mul3A_1660 = arith.constant 80 : i32
      %mul3A_1661 = arith.muli %and3A_1649, %mul3A_1660 : i32
      %dma_start3A_1662 = arith.constant 0 : i32
      %dma_start3A_1663 = tpu.memref_slice %arg12[%mul3A_1661, %dma_start3A_1662] : memref<160x128xf32, #tpu.memory_space<vmem>> -> memref<80x128xf32, #tpu.memory_space<vmem>>
      %dma_start3A_1664 = arith.constant 0 : i32
      %dma_start3A_1665 = tpu.memref_slice %arg9[%and3A_1649, %dma_start3A_1664] : memref<2x80xi32, #tpu.memory_space<vmem>> -> memref<1x80xi32, #tpu.memory_space<vmem>>
      %dma_start3A_1666 = tpu.memref_squeeze %dma_start3A_1665 : memref<1x80xi32, #tpu.memory_space<vmem>> -> memref<80xi32, #tpu.memory_space<vmem>>
      %dma_start3A_1667 = arith.constant 0 : i32
      %dma_start3A_1668 = arith.constant 0 : i32
      %dma_start3A_1669 = tpu.memref_slice %arg14[%dma_start3A_1667, %dma_start3A_1668] : memref<10240x128xf32, #tpu.memory_space<vmem_shared>> -> memref<10240x128xf32, #tpu.memory_space<vmem_shared>>
      tpu.enqueue_indirect_dma source(%dma_start3A_1663 : memref<80x128xf32, #tpu.memory_space<vmem>>) target(%dma_start3A_1669 : memref<10240x128xf32, #tpu.memory_space<vmem_shared>>) offsets(%dma_start3A_1666 : memref<80xi32, #tpu.memory_space<vmem>>) semaphore(%arg16 : memref<!tpu.dma_semaphore, #tpu.memory_space<semaphore_mem>>) {add = true}
      %add3A_1670 = arith.constant 1 : i32
      %add3A_1671 = arith.addi %scan3A_1648, %add3A_1670 : i32
      %lt3A = arith.constant 125 : i32
      %lt3A_1672 = arith.cmpi slt, %add3A_1671, %lt3A : i32
      %convert_element_type3A_1673 = arith.extui %lt3A_1672 : i1 to i32
      %cond3A_1674 = arith.constant 0 : i32
      %cond3A_1675 = arith.cmpi ne, %convert_element_type3A_1673, %cond3A_1674 : i32
      scf.if %cond3A_1675 {
        %add3A_1707 = arith.constant 1 : i32
        %add3A_1708 = arith.addi %scan3A_1648, %add3A_1707 : i32
        %mul3A_1709 = arith.constant 80 : i32
        %mul3A_1710 = arith.muli %add3A_1708, %mul3A_1709 : i32
        %add3A_1711 = arith.addi %mul3A_47, %mul3A_1710 : i32
        "tpu.region"() ({
          %run_scoped3A_3272 = tpu.sem_alloc : memref<!tpu.dma_semaphore, #tpu.memory_space<semaphore_mem>>
          %dma_start3A_3273 = arith.constant 0 : i32
          %dma_start3A_3274 = tpu.memref_slice %arg7[%sub3A_1650, %dma_start3A_3273] : memref<2x80xi32, #tpu.memory_space<vmem>> -> memref<1x80xi32, #tpu.memory_space<vmem>>
          %dma_start3A_3275 = tpu.memref_squeeze %dma_start3A_3274 : memref<1x80xi32, #tpu.memory_space<vmem>> -> memref<80xi32, #tpu.memory_space<vmem>>
          %dma_start3A_3276 = tpu.memref_slice %arg2[%add3A_1711] : memref<320000xi32, #tpu.memory_space<hbm>> -> memref<80xi32, #tpu.memory_space<hbm>>
          %dma_start3A_3277 = arith.constant 0 : i32
          %dma_start3A_3278 = tpu.memref_slice %arg7[%sub3A_1650, %dma_start3A_3277] : memref<2x80xi32, #tpu.memory_space<vmem>> -> memref<1x80xi32, #tpu.memory_space<vmem>>
          %dma_start3A_3279 = tpu.memref_squeeze %dma_start3A_3278 : memref<1x80xi32, #tpu.memory_space<vmem>> -> memref<80xi32, #tpu.memory_space<vmem>>
          %dma_start3A_3280 = tpu.memref_slice %arg2[%add3A_1711] : memref<320000xi32, #tpu.memory_space<hbm>> -> memref<80xi32, #tpu.memory_space<hbm>>
          tpu.enqueue_dma source(%dma_start3A_3280 : memref<80xi32, #tpu.memory_space<hbm>>) target(%dma_start3A_3279 : memref<80xi32, #tpu.memory_space<vmem>>) target_semaphore(%run_scoped3A_3272 : memref<!tpu.dma_semaphore, #tpu.memory_space<semaphore_mem>>)
          %dma_wait3A_3281 = arith.constant 0 : i32
          %dma_wait3A_3282 = tpu.memref_slice %arg7[%sub3A_1650, %dma_wait3A_3281] : memref<2x80xi32, #tpu.memory_space<vmem>> -> memref<1x80xi32, #tpu.memory_space<vmem>>
          %dma_wait3A_3283 = tpu.memref_squeeze %dma_wait3A_3282 : memref<1x80xi32, #tpu.memory_space<vmem>> -> memref<80xi32, #tpu.memory_space<vmem>>
          %dma_wait3A_3284 = tpu.memref_slice %arg2[%add3A_1711] : memref<320000xi32, #tpu.memory_space<hbm>> -> memref<80xi32, #tpu.memory_space<hbm>>
          %dma_wait3A_3285 = arith.constant 0 : i32
          %dma_wait3A_3286 = tpu.memref_slice %arg7[%sub3A_1650, %dma_wait3A_3285] : memref<2x80xi32, #tpu.memory_space<vmem>> -> memref<1x80xi32, #tpu.memory_space<vmem>>
          %dma_wait3A_3287 = tpu.memref_squeeze %dma_wait3A_3286 : memref<1x80xi32, #tpu.memory_space<vmem>> -> memref<80xi32, #tpu.memory_space<vmem>>
          %dma_wait3A_3288 = tpu.memref_slice %arg2[%add3A_1711] : memref<320000xi32, #tpu.memory_space<hbm>> -> memref<80xi32, #tpu.memory_space<hbm>>
          tpu.wait_dma2 semaphore(%run_scoped3A_3272 : memref<!tpu.dma_semaphore, #tpu.memory_space<semaphore_mem>>) src(%dma_wait3A_3288 : memref<80xi32, #tpu.memory_space<hbm>>) dst(%dma_wait3A_3287 : memref<80xi32, #tpu.memory_space<vmem>>)
          tpu.yield
        }) : () -> ()
        "tpu.region"() ({
          %run_scoped3A_3272 = tpu.sem_alloc : memref<!tpu.dma_semaphore, #tpu.memory_space<semaphore_mem>>
          %dma_start3A_3273 = arith.constant 0 : i32
          %dma_start3A_3274 = tpu.memref_slice %arg8[%sub3A_1650, %dma_start3A_3273] : memref<2x80xi32, #tpu.memory_space<vmem>> -> memref<1x80xi32, #tpu.memory_space<vmem>>
          %dma_start3A_3275 = tpu.memref_squeeze %dma_start3A_3274 : memref<1x80xi32, #tpu.memory_space<vmem>> -> memref<80xi32, #tpu.memory_space<vmem>>
          %dma_start3A_3276 = tpu.memref_slice %arg3[%add3A_1711] : memref<320000xi32, #tpu.memory_space<hbm>> -> memref<80xi32, #tpu.memory_space<hbm>>
          %dma_start3A_3277 = arith.constant 0 : i32
          %dma_start3A_3278 = tpu.memref_slice %arg8[%sub3A_1650, %dma_start3A_3277] : memref<2x80xi32, #tpu.memory_space<vmem>> -> memref<1x80xi32, #tpu.memory_space<vmem>>
          %dma_start3A_3279 = tpu.memref_squeeze %dma_start3A_3278 : memref<1x80xi32, #tpu.memory_space<vmem>> -> memref<80xi32, #tpu.memory_space<vmem>>
          %dma_start3A_3280 = tpu.memref_slice %arg3[%add3A_1711] : memref<320000xi32, #tpu.memory_space<hbm>> -> memref<80xi32, #tpu.memory_space<hbm>>
          tpu.enqueue_dma source(%dma_start3A_3280 : memref<80xi32, #tpu.memory_space<hbm>>) target(%dma_start3A_3279 : memref<80xi32, #tpu.memory_space<vmem>>) target_semaphore(%run_scoped3A_3272 : memref<!tpu.dma_semaphore, #tpu.memory_space<semaphore_mem>>)
          %dma_wait3A_3281 = arith.constant 0 : i32
          %dma_wait3A_3282 = tpu.memref_slice %arg8[%sub3A_1650, %dma_wait3A_3281] : memref<2x80xi32, #tpu.memory_space<vmem>> -> memref<1x80xi32, #tpu.memory_space<vmem>>
          %dma_wait3A_3283 = tpu.memref_squeeze %dma_wait3A_3282 : memref<1x80xi32, #tpu.memory_space<vmem>> -> memref<80xi32, #tpu.memory_space<vmem>>
          %dma_wait3A_3284 = tpu.memref_slice %arg3[%add3A_1711] : memref<320000xi32, #tpu.memory_space<hbm>> -> memref<80xi32, #tpu.memory_space<hbm>>
          %dma_wait3A_3285 = arith.constant 0 : i32
          %dma_wait3A_3286 = tpu.memref_slice %arg8[%sub3A_1650, %dma_wait3A_3285] : memref<2x80xi32, #tpu.memory_space<vmem>> -> memref<1x80xi32, #tpu.memory_space<vmem>>
          %dma_wait3A_3287 = tpu.memref_squeeze %dma_wait3A_3286 : memref<1x80xi32, #tpu.memory_space<vmem>> -> memref<80xi32, #tpu.memory_space<vmem>>
          %dma_wait3A_3288 = tpu.memref_slice %arg3[%add3A_1711] : memref<320000xi32, #tpu.memory_space<hbm>> -> memref<80xi32, #tpu.memory_space<hbm>>
          tpu.wait_dma2 semaphore(%run_scoped3A_3272 : memref<!tpu.dma_semaphore, #tpu.memory_space<semaphore_mem>>) src(%dma_wait3A_3288 : memref<80xi32, #tpu.memory_space<hbm>>) dst(%dma_wait3A_3287 : memref<80xi32, #tpu.memory_space<vmem>>)
          tpu.yield
        }) : () -> ()
        %get3A_1712 = arith.index_cast %sub3A_1650 : i32 to index
        %get3A_1713 = arith.constant 0 : index
        %get3A_1714 = tpu.vector_load %arg8[%get3A_1712, %get3A_1713] {strides = array<i32>} : memref<2x80xi32, #tpu.memory_space<vmem>>, vector<1x16xi32>,
        %get3A_1715 = vector.shape_cast %get3A_1714 : vector<1x16xi32> to vector<16xi32>
        %get3A_1716 = arith.index_cast %sub3A_1650 : i32 to index
        %get3A_1717 = arith.constant 16 : index
        %get3A_1718 = tpu.vector_load %arg8[%get3A_1716, %get3A_1717] {strides = array<i32>} : memref<2x80xi32, #tpu.memory_space<vmem>>, vector<1x16xi32>,
        %get3A_1719 = vector.shape_cast %get3A_1718 : vector<1x16xi32> to vector<16xi32>
        %get3A_1720 = arith.index_cast %sub3A_1650 : i32 to index
        %get3A_1721 = arith.constant 32 : index
        %get3A_1722 = tpu.vector_load %arg8[%get3A_1720, %get3A_1721] {strides = array<i32>} : memref<2x80xi32, #tpu.memory_space<vmem>>, vector<1x16xi32>,
        %get3A_1723 = vector.shape_cast %get3A_1722 : vector<1x16xi32> to vector<16xi32>
        %get3A_1724 = arith.index_cast %sub3A_1650 : i32 to index
        %get3A_1725 = arith.constant 48 : index
        %get3A_1726 = tpu.vector_load %arg8[%get3A_1724, %get3A_1725] {strides = array<i32>} : memref<2x80xi32, #tpu.memory_space<vmem>>, vector<1x16xi32>,
        %get3A_1727 = vector.shape_cast %get3A_1726 : vector<1x16xi32> to vector<16xi32>
        %get3A_1728 = arith.index_cast %sub3A_1650 : i32 to index
        %get3A_1729 = arith.constant 64 : index
        %get3A_1730 = tpu.vector_load %arg8[%get3A_1728, %get3A_1729] {strides = array<i32>} : memref<2x80xi32, #tpu.memory_space<vmem>>, vector<1x16xi32>,
        %get3A_1731 = vector.shape_cast %get3A_1730 : vector<1x16xi32> to vector<16xi32>
        %swap3A_1732 = arith.constant 64 : index
        %swap3A_1733 = tpu.vector_load %arg11[%swap3A_1732] {strides = array<i32>} : memref<144xi32, #tpu.memory_space<vmem>>, vector<16xi32>,
        %swap3A_1734 = vector.shape_cast %swap3A_1733 : vector<16xi32> to vector<16xi32>
        %swap3A_1735 = vector.shape_cast %get3A_1715 : vector<16xi32> to vector<16xi32>
        tpu.vector_store %arg11[%swap3A_1732], %swap3A_1735 {strides = array<i32>} : memref<144xi32, #tpu.memory_space<vmem>>, vector<16xi32>,
        %swap3A_1736 = arith.constant 80 : index
        %swap3A_1737 = tpu.vector_load %arg11[%swap3A_1736] {strides = array<i32>} : memref<144xi32, #tpu.memory_space<vmem>>, vector<16xi32>,
        %swap3A_1738 = vector.shape_cast %swap3A_1737 : vector<16xi32> to vector<16xi32>
        %swap3A_1739 = vector.shape_cast %get3A_1719 : vector<16xi32> to vector<16xi32>
        tpu.vector_store %arg11[%swap3A_1736], %swap3A_1739 {strides = array<i32>} : memref<144xi32, #tpu.memory_space<vmem>>, vector<16xi32>,
        %swap3A_1740 = arith.constant 96 : index
        %swap3A_1741 = tpu.vector_load %arg11[%swap3A_1740] {strides = array<i32>} : memref<144xi32, #tpu.memory_space<vmem>>, vector<16xi32>,
        %swap3A_1742 = vector.shape_cast %swap3A_1741 : vector<16xi32> to vector<16xi32>
        %swap3A_1743 = vector.shape_cast %get3A_1723 : vector<16xi32> to vector<16xi32>
        tpu.vector_store %arg11[%swap3A_1740], %swap3A_1743 {strides = array<i32>} : memref<144xi32, #tpu.memory_space<vmem>>, vector<16xi32>,
        %swap3A_1744 = arith.constant 112 : index
        %swap3A_1745 = tpu.vector_load %arg11[%swap3A_1744] {strides = array<i32>} : memref<144xi32, #tpu.memory_space<vmem>>, vector<16xi32>,
        %swap3A_1746 = vector.shape_cast %swap3A_1745 : vector<16xi32> to vector<16xi32>
        %swap3A_1747 = vector.shape_cast %get3A_1727 : vector<16xi32> to vector<16xi32>
        tpu.vector_store %arg11[%swap3A_1744], %swap3A_1747 {strides = array<i32>} : memref<144xi32, #tpu.memory_space<vmem>>, vector<16xi32>,
        %swap3A_1748 = arith.constant 128 : index
        %swap3A_1749 = tpu.vector_load %arg11[%swap3A_1748] {strides = array<i32>} : memref<144xi32, #tpu.memory_space<vmem>>, vector<16xi32>,
        %swap3A_1750 = vector.shape_cast %swap3A_1749 : vector<16xi32> to vector<16xi32>
        %swap3A_1751 = vector.shape_cast %get3A_1731 : vector<16xi32> to vector<16xi32>
        tpu.vector_store %arg11[%swap3A_1748], %swap3A_1751 {strides = array<i32>} : memref<144xi32, #tpu.memory_space<vmem>>, vector<16xi32>,
        %get3A_1752 = arith.constant 63 : index
        %get3A_1753 = tpu.vector_load %arg11[%get3A_1752] {strides = array<i32>} : memref<144xi32, #tpu.memory_space<vmem>>, vector<16xi32>,
        %get3A_1754 = vector.shape_cast %get3A_1753 : vector<16xi32> to vector<16xi32>
        %eq3A_1755 = arith.cmpi eq, %get3A_1715, %get3A_1754 : vector<16xi32>
        %select_n3A_1756 = arith.select %eq3A_1755, %broadcast_in_dim3A_4, %broadcast_in_dim3A_2 : vector<16xi1>, vector<16xi32>
        %add3A_1757 = arith.addi %broadcast_in_dim3A_2, %select_n3A_1756 : vector<16xi32>
        %get3A_1758 = arith.constant 62 : index
        %get3A_1759 = tpu.vector_load %arg11[%get3A_1758] {strides = array<i32>} : memref<144xi32, #tpu.memory_space<vmem>>, vector<16xi32>,
        %get3A_1760 = vector.shape_cast %get3A_1759 : vector<16xi32> to vector<16xi32>
        %eq3A_1761 = arith.cmpi eq, %get3A_1715, %get3A_1760 : vector<16xi32>
        %select_n3A_1762 = arith.select %eq3A_1761, %broadcast_in_dim3A_4, %broadcast_in_dim3A_2 : vector<16xi1>, vector<16xi32>
        %add3A_1763 = arith.addi %add3A_1757, %select_n3A_1762 : vector<16xi32>
        %get3A_1764 = arith.constant 61 : index
        %get3A_1765 = tpu.vector_load %arg11[%get3A_1764] {strides = array<i32>} : memref<144xi32, #tpu.memory_space<vmem>>, vector<16xi32>,
        %get3A_1766 = vector.shape_cast %get3A_1765 : vector<16xi32> to vector<16xi32>
        %eq3A_1767 = arith.cmpi eq, %get3A_1715, %get3A_1766 : vector<16xi32>
        %select_n3A_1768 = arith.select %eq3A_1767, %broadcast_in_dim3A_4, %broadcast_in_dim3A_2 : vector<16xi1>, vector<16xi32>
        %add3A_1769 = arith.addi %add3A_1763, %select_n3A_1768 : vector<16xi32>
        %get3A_1770 = arith.constant 60 : index
        %get3A_1771 = tpu.vector_load %arg11[%get3A_1770] {strides = array<i32>} : memref<144xi32, #tpu.memory_space<vmem>>, vector<16xi32>,
        %get3A_1772 = vector.shape_cast %get3A_1771 : vector<16xi32> to vector<16xi32>
        %eq3A_1773 = arith.cmpi eq, %get3A_1715, %get3A_1772 : vector<16xi32>
        %select_n3A_1774 = arith.select %eq3A_1773, %broadcast_in_dim3A_4, %broadcast_in_dim3A_2 : vector<16xi1>, vector<16xi32>
        %add3A_1775 = arith.addi %add3A_1769, %select_n3A_1774 : vector<16xi32>
        %get3A_1776 = arith.constant 59 : index
        %get3A_1777 = tpu.vector_load %arg11[%get3A_1776] {strides = array<i32>} : memref<144xi32, #tpu.memory_space<vmem>>, vector<16xi32>,
        %get3A_1778 = vector.shape_cast %get3A_1777 : vector<16xi32> to vector<16xi32>
        %eq3A_1779 = arith.cmpi eq, %get3A_1715, %get3A_1778 : vector<16xi32>
        %select_n3A_1780 = arith.select %eq3A_1779, %broadcast_in_dim3A_4, %broadcast_in_dim3A_2 : vector<16xi1>, vector<16xi32>
        %add3A_1781 = arith.addi %add3A_1775, %select_n3A_1780 : vector<16xi32>
        %get3A_1782 = arith.constant 58 : index
        %get3A_1783 = tpu.vector_load %arg11[%get3A_1782] {strides = array<i32>} : memref<144xi32, #tpu.memory_space<vmem>>, vector<16xi32>,
        %get3A_1784 = vector.shape_cast %get3A_1783 : vector<16xi32> to vector<16xi32>
        %eq3A_1785 = arith.cmpi eq, %get3A_1715, %get3A_1784 : vector<16xi32>
        %select_n3A_1786 = arith.select %eq3A_1785, %broadcast_in_dim3A_4, %broadcast_in_dim3A_2 : vector<16xi1>, vector<16xi32>
        %add3A_1787 = arith.addi %add3A_1781, %select_n3A_1786 : vector<16xi32>
        %get3A_1788 = arith.constant 57 : index
        %get3A_1789 = tpu.vector_load %arg11[%get3A_1788] {strides = array<i32>} : memref<144xi32, #tpu.memory_space<vmem>>, vector<16xi32>,
        %get3A_1790 = vector.shape_cast %get3A_1789 : vector<16xi32> to vector<16xi32>
        %eq3A_1791 = arith.cmpi eq, %get3A_1715, %get3A_1790 : vector<16xi32>
        %select_n3A_1792 = arith.select %eq3A_1791, %broadcast_in_dim3A_4, %broadcast_in_dim3A_2 : vector<16xi1>, vector<16xi32>
        %add3A_1793 = arith.addi %add3A_1787, %select_n3A_1792 : vector<16xi32>
        %get3A_1794 = arith.constant 56 : index
        %get3A_1795 = tpu.vector_load %arg11[%get3A_1794] {strides = array<i32>} : memref<144xi32, #tpu.memory_space<vmem>>, vector<16xi32>,
        %get3A_1796 = vector.shape_cast %get3A_1795 : vector<16xi32> to vector<16xi32>
        %eq3A_1797 = arith.cmpi eq, %get3A_1715, %get3A_1796 : vector<16xi32>
        %select_n3A_1798 = arith.select %eq3A_1797, %broadcast_in_dim3A_4, %broadcast_in_dim3A_2 : vector<16xi1>, vector<16xi32>
        %add3A_1799 = arith.addi %add3A_1793, %select_n3A_1798 : vector<16xi32>
        %get3A_1800 = arith.constant 55 : index
        %get3A_1801 = tpu.vector_load %arg11[%get3A_1800] {strides = array<i32>} : memref<144xi32, #tpu.memory_space<vmem>>, vector<16xi32>,
        %get3A_1802 = vector.shape_cast %get3A_1801 : vector<16xi32> to vector<16xi32>
        %eq3A_1803 = arith.cmpi eq, %get3A_1715, %get3A_1802 : vector<16xi32>
        %select_n3A_1804 = arith.select %eq3A_1803, %broadcast_in_dim3A_4, %broadcast_in_dim3A_2 : vector<16xi1>, vector<16xi32>
        %add3A_1805 = arith.addi %add3A_1799, %select_n3A_1804 : vector<16xi32>
        %get3A_1806 = arith.constant 54 : index
        %get3A_1807 = tpu.vector_load %arg11[%get3A_1806] {strides = array<i32>} : memref<144xi32, #tpu.memory_space<vmem>>, vector<16xi32>,
        %get3A_1808 = vector.shape_cast %get3A_1807 : vector<16xi32> to vector<16xi32>
        %eq3A_1809 = arith.cmpi eq, %get3A_1715, %get3A_1808 : vector<16xi32>
        %select_n3A_1810 = arith.select %eq3A_1809, %broadcast_in_dim3A_4, %broadcast_in_dim3A_2 : vector<16xi1>, vector<16xi32>
        %add3A_1811 = arith.addi %add3A_1805, %select_n3A_1810 : vector<16xi32>
        %get3A_1812 = arith.constant 53 : index
        %get3A_1813 = tpu.vector_load %arg11[%get3A_1812] {strides = array<i32>} : memref<144xi32, #tpu.memory_space<vmem>>, vector<16xi32>,
        %get3A_1814 = vector.shape_cast %get3A_1813 : vector<16xi32> to vector<16xi32>
        %eq3A_1815 = arith.cmpi eq, %get3A_1715, %get3A_1814 : vector<16xi32>
        %select_n3A_1816 = arith.select %eq3A_1815, %broadcast_in_dim3A_4, %broadcast_in_dim3A_2 : vector<16xi1>, vector<16xi32>
        %add3A_1817 = arith.addi %add3A_1811, %select_n3A_1816 : vector<16xi32>
        %get3A_1818 = arith.constant 52 : index
        %get3A_1819 = tpu.vector_load %arg11[%get3A_1818] {strides = array<i32>} : memref<144xi32, #tpu.memory_space<vmem>>, vector<16xi32>,
        %get3A_1820 = vector.shape_cast %get3A_1819 : vector<16xi32> to vector<16xi32>
        %eq3A_1821 = arith.cmpi eq, %get3A_1715, %get3A_1820 : vector<16xi32>
        %select_n3A_1822 = arith.select %eq3A_1821, %broadcast_in_dim3A_4, %broadcast_in_dim3A_2 : vector<16xi1>, vector<16xi32>
        %add3A_1823 = arith.addi %add3A_1817, %select_n3A_1822 : vector<16xi32>
        %get3A_1824 = arith.constant 51 : index
        %get3A_1825 = tpu.vector_load %arg11[%get3A_1824] {strides = array<i32>} : memref<144xi32, #tpu.memory_space<vmem>>, vector<16xi32>,
        %get3A_1826 = vector.shape_cast %get3A_1825 : vector<16xi32> to vector<16xi32>
        %eq3A_1827 = arith.cmpi eq, %get3A_1715, %get3A_1826 : vector<16xi32>
        %select_n3A_1828 = arith.select %eq3A_1827, %broadcast_in_dim3A_4, %broadcast_in_dim3A_2 : vector<16xi1>, vector<16xi32>
        %add3A_1829 = arith.addi %add3A_1823, %select_n3A_1828 : vector<16xi32>
        %get3A_1830 = arith.constant 50 : index
        %get3A_1831 = tpu.vector_load %arg11[%get3A_1830] {strides = array<i32>} : memref<144xi32, #tpu.memory_space<vmem>>, vector<16xi32>,
        %get3A_1832 = vector.shape_cast %get3A_1831 : vector<16xi32> to vector<16xi32>
        %eq3A_1833 = arith.cmpi eq, %get3A_1715, %get3A_1832 : vector<16xi32>
        %select_n3A_1834 = arith.select %eq3A_1833, %broadcast_in_dim3A_4, %broadcast_in_dim3A_2 : vector<16xi1>, vector<16xi32>
        %add3A_1835 = arith.addi %add3A_1829, %select_n3A_1834 : vector<16xi32>
        %get3A_1836 = arith.constant 49 : index
        %get3A_1837 = tpu.vector_load %arg11[%get3A_1836] {strides = array<i32>} : memref<144xi32, #tpu.memory_space<vmem>>, vector<16xi32>,
        %get3A_1838 = vector.shape_cast %get3A_1837 : vector<16xi32> to vector<16xi32>
        %eq3A_1839 = arith.cmpi eq, %get3A_1715, %get3A_1838 : vector<16xi32>
        %select_n3A_1840 = arith.select %eq3A_1839, %broadcast_in_dim3A_4, %broadcast_in_dim3A_2 : vector<16xi1>, vector<16xi32>
        %add3A_1841 = arith.addi %add3A_1835, %select_n3A_1840 : vector<16xi32>
        %eq3A_1842 = arith.constant 0 : i32
        %eq3A_1843 = vector.broadcast %eq3A_1842 : i32 to vector<16xi32>
        %eq3A_1844 = arith.cmpi eq, %add3A_1841, %eq3A_1843 : vector<16xi32>
        %jit3A_1845 = arith.constant 10008 : i32
        %broadcast_in_dim3A_1846 = vector.broadcast %jit3A_1845 : i32 to vector<16xi32>
        %select_n3A_1847 = arith.select %eq3A_1844, %get3A_1715, %broadcast_in_dim3A_1846 : vector<16xi1>, vector<16xi32>
        %swap3A_1848 = arith.index_cast %sub3A_1650 : i32 to index
        %swap3A_1849 = arith.constant 0 : index
        %swap3A_1850 = tpu.vector_load %arg9[%swap3A_1848, %swap3A_1849] {strides = array<i32>} : memref<2x80xi32, #tpu.memory_space<vmem>>, vector<1x16xi32>,
        %swap3A_1851 = vector.shape_cast %swap3A_1850 : vector<1x16xi32> to vector<16xi32>
        %swap3A_1852 = vector.shape_cast %select_n3A_1847 : vector<16xi32> to vector<1x16xi32>
        tpu.vector_store %arg9[%swap3A_1848, %swap3A_1849], %swap3A_1852 {strides = array<i32>} : memref<2x80xi32, #tpu.memory_space<vmem>>, vector<1x16xi32>,
        %eq3A_1853 = arith.constant 1 : i32
        %eq3A_1854 = vector.broadcast %eq3A_1853 : i32 to vector<16xi32>
        %eq3A_1855 = arith.cmpi eq, %add3A_1841, %eq3A_1854 : vector<16xi32>
        %jit3A_1856 = arith.constant 10008 : i32
        %broadcast_in_dim3A_1857 = vector.broadcast %jit3A_1856 : i32 to vector<16xi32>
        %select_n3A_1858 = arith.select %eq3A_1855, %get3A_1715, %broadcast_in_dim3A_1857 : vector<16xi1>, vector<16xi32>
        %swap3A_1859 = arith.index_cast %sub3A_1650 : i32 to index
        %swap3A_1860 = arith.constant 0 : index
        %swap3A_1861 = tpu.vector_load %arg10[%swap3A_1859, %swap3A_1860] {strides = array<i32>} : memref<2x80xi32, #tpu.memory_space<vmem>>, vector<1x16xi32>,
        %swap3A_1862 = vector.shape_cast %swap3A_1861 : vector<1x16xi32> to vector<16xi32>
        %swap3A_1863 = vector.shape_cast %select_n3A_1858 : vector<16xi32> to vector<1x16xi32>
        tpu.vector_store %arg10[%swap3A_1859, %swap3A_1860], %swap3A_1863 {strides = array<i32>} : memref<2x80xi32, #tpu.memory_space<vmem>>, vector<1x16xi32>,
        %get3A_1864 = arith.constant 79 : index
        %get3A_1865 = tpu.vector_load %arg11[%get3A_1864] {strides = array<i32>} : memref<144xi32, #tpu.memory_space<vmem>>, vector<16xi32>,
        %get3A_1866 = vector.shape_cast %get3A_1865 : vector<16xi32> to vector<16xi32>
        %eq3A_1867 = arith.cmpi eq, %get3A_1719, %get3A_1866 : vector<16xi32>
        %select_n3A_1868 = arith.select %eq3A_1867, %broadcast_in_dim3A_4, %broadcast_in_dim3A_2 : vector<16xi1>, vector<16xi32>
        %add3A_1869 = arith.addi %broadcast_in_dim3A_2, %select_n3A_1868 : vector<16xi32>
        %get3A_1870 = arith.constant 78 : index
        %get3A_1871 = tpu.vector_load %arg11[%get3A_1870] {strides = array<i32>} : memref<144xi32, #tpu.memory_space<vmem>>, vector<16xi32>,
        %get3A_1872 = vector.shape_cast %get3A_1871 : vector<16xi32> to vector<16xi32>
        %eq3A_1873 = arith.cmpi eq, %get3A_1719, %get3A_1872 : vector<16xi32>
        %select_n3A_1874 = arith.select %eq3A_1873, %broadcast_in_dim3A_4, %broadcast_in_dim3A_2 : vector<16xi1>, vector<16xi32>
        %add3A_1875 = arith.addi %add3A_1869, %select_n3A_1874 : vector<16xi32>
        %get3A_1876 = arith.constant 77 : index
        %get3A_1877 = tpu.vector_load %arg11[%get3A_1876] {strides = array<i32>} : memref<144xi32, #tpu.memory_space<vmem>>, vector<16xi32>,
        %get3A_1878 = vector.shape_cast %get3A_1877 : vector<16xi32> to vector<16xi32>
        %eq3A_1879 = arith.cmpi eq, %get3A_1719, %get3A_1878 : vector<16xi32>
        %select_n3A_1880 = arith.select %eq3A_1879, %broadcast_in_dim3A_4, %broadcast_in_dim3A_2 : vector<16xi1>, vector<16xi32>
        %add3A_1881 = arith.addi %add3A_1875, %select_n3A_1880 : vector<16xi32>
        %get3A_1882 = arith.constant 76 : index
        %get3A_1883 = tpu.vector_load %arg11[%get3A_1882] {strides = array<i32>} : memref<144xi32, #tpu.memory_space<vmem>>, vector<16xi32>,
        %get3A_1884 = vector.shape_cast %get3A_1883 : vector<16xi32> to vector<16xi32>
        %eq3A_1885 = arith.cmpi eq, %get3A_1719, %get3A_1884 : vector<16xi32>
        %select_n3A_1886 = arith.select %eq3A_1885, %broadcast_in_dim3A_4, %broadcast_in_dim3A_2 : vector<16xi1>, vector<16xi32>
        %add3A_1887 = arith.addi %add3A_1881, %select_n3A_1886 : vector<16xi32>
        %get3A_1888 = arith.constant 75 : index
        %get3A_1889 = tpu.vector_load %arg11[%get3A_1888] {strides = array<i32>} : memref<144xi32, #tpu.memory_space<vmem>>, vector<16xi32>,
        %get3A_1890 = vector.shape_cast %get3A_1889 : vector<16xi32> to vector<16xi32>
        %eq3A_1891 = arith.cmpi eq, %get3A_1719, %get3A_1890 : vector<16xi32>
        %select_n3A_1892 = arith.select %eq3A_1891, %broadcast_in_dim3A_4, %broadcast_in_dim3A_2 : vector<16xi1>, vector<16xi32>
        %add3A_1893 = arith.addi %add3A_1887, %select_n3A_1892 : vector<16xi32>
        %get3A_1894 = arith.constant 74 : index
        %get3A_1895 = tpu.vector_load %arg11[%get3A_1894] {strides = array<i32>} : memref<144xi32, #tpu.memory_space<vmem>>, vector<16xi32>,
        %get3A_1896 = vector.shape_cast %get3A_1895 : vector<16xi32> to vector<16xi32>
        %eq3A_1897 = arith.cmpi eq, %get3A_1719, %get3A_1896 : vector<16xi32>
        %select_n3A_1898 = arith.select %eq3A_1897, %broadcast_in_dim3A_4, %broadcast_in_dim3A_2 : vector<16xi1>, vector<16xi32>
        %add3A_1899 = arith.addi %add3A_1893, %select_n3A_1898 : vector<16xi32>
        %get3A_1900 = arith.constant 73 : index
        %get3A_1901 = tpu.vector_load %arg11[%get3A_1900] {strides = array<i32>} : memref<144xi32, #tpu.memory_space<vmem>>, vector<16xi32>,
        %get3A_1902 = vector.shape_cast %get3A_1901 : vector<16xi32> to vector<16xi32>
        %eq3A_1903 = arith.cmpi eq, %get3A_1719, %get3A_1902 : vector<16xi32>
        %select_n3A_1904 = arith.select %eq3A_1903, %broadcast_in_dim3A_4, %broadcast_in_dim3A_2 : vector<16xi1>, vector<16xi32>
        %add3A_1905 = arith.addi %add3A_1899, %select_n3A_1904 : vector<16xi32>
        %get3A_1906 = arith.constant 72 : index
        %get3A_1907 = tpu.vector_load %arg11[%get3A_1906] {strides = array<i32>} : memref<144xi32, #tpu.memory_space<vmem>>, vector<16xi32>,
        %get3A_1908 = vector.shape_cast %get3A_1907 : vector<16xi32> to vector<16xi32>
        %eq3A_1909 = arith.cmpi eq, %get3A_1719, %get3A_1908 : vector<16xi32>
        %select_n3A_1910 = arith.select %eq3A_1909, %broadcast_in_dim3A_4, %broadcast_in_dim3A_2 : vector<16xi1>, vector<16xi32>
        %add3A_1911 = arith.addi %add3A_1905, %select_n3A_1910 : vector<16xi32>
        %get3A_1912 = arith.constant 71 : index
        %get3A_1913 = tpu.vector_load %arg11[%get3A_1912] {strides = array<i32>} : memref<144xi32, #tpu.memory_space<vmem>>, vector<16xi32>,
        %get3A_1914 = vector.shape_cast %get3A_1913 : vector<16xi32> to vector<16xi32>
        %eq3A_1915 = arith.cmpi eq, %get3A_1719, %get3A_1914 : vector<16xi32>
        %select_n3A_1916 = arith.select %eq3A_1915, %broadcast_in_dim3A_4, %broadcast_in_dim3A_2 : vector<16xi1>, vector<16xi32>
        %add3A_1917 = arith.addi %add3A_1911, %select_n3A_1916 : vector<16xi32>
        %get3A_1918 = arith.constant 70 : index
        %get3A_1919 = tpu.vector_load %arg11[%get3A_1918] {strides = array<i32>} : memref<144xi32, #tpu.memory_space<vmem>>, vector<16xi32>,
        %get3A_1920 = vector.shape_cast %get3A_1919 : vector<16xi32> to vector<16xi32>
        %eq3A_1921 = arith.cmpi eq, %get3A_1719, %get3A_1920 : vector<16xi32>
        %select_n3A_1922 = arith.select %eq3A_1921, %broadcast_in_dim3A_4, %broadcast_in_dim3A_2 : vector<16xi1>, vector<16xi32>
        %add3A_1923 = arith.addi %add3A_1917, %select_n3A_1922 : vector<16xi32>
        %get3A_1924 = arith.constant 69 : index
        %get3A_1925 = tpu.vector_load %arg11[%get3A_1924] {strides = array<i32>} : memref<144xi32, #tpu.memory_space<vmem>>, vector<16xi32>,
        %get3A_1926 = vector.shape_cast %get3A_1925 : vector<16xi32> to vector<16xi32>
        %eq3A_1927 = arith.cmpi eq, %get3A_1719, %get3A_1926 : vector<16xi32>
        %select_n3A_1928 = arith.select %eq3A_1927, %broadcast_in_dim3A_4, %broadcast_in_dim3A_2 : vector<16xi1>, vector<16xi32>
        %add3A_1929 = arith.addi %add3A_1923, %select_n3A_1928 : vector<16xi32>
        %get3A_1930 = arith.constant 68 : index
        %get3A_1931 = tpu.vector_load %arg11[%get3A_1930] {strides = array<i32>} : memref<144xi32, #tpu.memory_space<vmem>>, vector<16xi32>,
        %get3A_1932 = vector.shape_cast %get3A_1931 : vector<16xi32> to vector<16xi32>
        %eq3A_1933 = arith.cmpi eq, %get3A_1719, %get3A_1932 : vector<16xi32>
        %select_n3A_1934 = arith.select %eq3A_1933, %broadcast_in_dim3A_4, %broadcast_in_dim3A_2 : vector<16xi1>, vector<16xi32>
        %add3A_1935 = arith.addi %add3A_1929, %select_n3A_1934 : vector<16xi32>
        %get3A_1936 = arith.constant 67 : index
        %get3A_1937 = tpu.vector_load %arg11[%get3A_1936] {strides = array<i32>} : memref<144xi32, #tpu.memory_space<vmem>>, vector<16xi32>,
        %get3A_1938 = vector.shape_cast %get3A_1937 : vector<16xi32> to vector<16xi32>
        %eq3A_1939 = arith.cmpi eq, %get3A_1719, %get3A_1938 : vector<16xi32>
        %select_n3A_1940 = arith.select %eq3A_1939, %broadcast_in_dim3A_4, %broadcast_in_dim3A_2 : vector<16xi1>, vector<16xi32>
        %add3A_1941 = arith.addi %add3A_1935, %select_n3A_1940 : vector<16xi32>
        %get3A_1942 = arith.constant 66 : index
        %get3A_1943 = tpu.vector_load %arg11[%get3A_1942] {strides = array<i32>} : memref<144xi32, #tpu.memory_space<vmem>>, vector<16xi32>,
        %get3A_1944 = vector.shape_cast %get3A_1943 : vector<16xi32> to vector<16xi32>
        %eq3A_1945 = arith.cmpi eq, %get3A_1719, %get3A_1944 : vector<16xi32>
        %select_n3A_1946 = arith.select %eq3A_1945, %broadcast_in_dim3A_4, %broadcast_in_dim3A_2 : vector<16xi1>, vector<16xi32>
        %add3A_1947 = arith.addi %add3A_1941, %select_n3A_1946 : vector<16xi32>
        %get3A_1948 = arith.constant 65 : index
        %get3A_1949 = tpu.vector_load %arg11[%get3A_1948] {strides = array<i32>} : memref<144xi32, #tpu.memory_space<vmem>>, vector<16xi32>,
        %get3A_1950 = vector.shape_cast %get3A_1949 : vector<16xi32> to vector<16xi32>
        %eq3A_1951 = arith.cmpi eq, %get3A_1719, %get3A_1950 : vector<16xi32>
        %select_n3A_1952 = arith.select %eq3A_1951, %broadcast_in_dim3A_4, %broadcast_in_dim3A_2 : vector<16xi1>, vector<16xi32>
        %add3A_1953 = arith.addi %add3A_1947, %select_n3A_1952 : vector<16xi32>
        %get3A_1954 = arith.constant 64 : index
        %get3A_1955 = tpu.vector_load %arg11[%get3A_1954] {strides = array<i32>} : memref<144xi32, #tpu.memory_space<vmem>>, vector<16xi32>,
        %get3A_1956 = vector.shape_cast %get3A_1955 : vector<16xi32> to vector<16xi32>
        %eq3A_1957 = arith.cmpi eq, %get3A_1719, %get3A_1956 : vector<16xi32>
        %select_n3A_1958 = arith.select %eq3A_1957, %broadcast_in_dim3A_4, %broadcast_in_dim3A_2 : vector<16xi1>, vector<16xi32>
        %add3A_1959 = arith.addi %add3A_1953, %select_n3A_1958 : vector<16xi32>
        %get3A_1960 = arith.constant 63 : index
        %get3A_1961 = tpu.vector_load %arg11[%get3A_1960] {strides = array<i32>} : memref<144xi32, #tpu.memory_space<vmem>>, vector<16xi32>,
        %get3A_1962 = vector.shape_cast %get3A_1961 : vector<16xi32> to vector<16xi32>
        %eq3A_1963 = arith.cmpi eq, %get3A_1719, %get3A_1962 : vector<16xi32>
        %select_n3A_1964 = arith.select %eq3A_1963, %broadcast_in_dim3A_4, %broadcast_in_dim3A_2 : vector<16xi1>, vector<16xi32>
        %add3A_1965 = arith.addi %add3A_1959, %select_n3A_1964 : vector<16xi32>
        %get3A_1966 = arith.constant 62 : index
        %get3A_1967 = tpu.vector_load %arg11[%get3A_1966] {strides = array<i32>} : memref<144xi32, #tpu.memory_space<vmem>>, vector<16xi32>,
        %get3A_1968 = vector.shape_cast %get3A_1967 : vector<16xi32> to vector<16xi32>
        %eq3A_1969 = arith.cmpi eq, %get3A_1719, %get3A_1968 : vector<16xi32>
        %select_n3A_1970 = arith.select %eq3A_1969, %broadcast_in_dim3A_4, %broadcast_in_dim3A_2 : vector<16xi1>, vector<16xi32>
        %add3A_1971 = arith.addi %add3A_1965, %select_n3A_1970 : vector<16xi32>
        %get3A_1972 = arith.constant 61 : index
        %get3A_1973 = tpu.vector_load %arg11[%get3A_1972] {strides = array<i32>} : memref<144xi32, #tpu.memory_space<vmem>>, vector<16xi32>,
        %get3A_1974 = vector.shape_cast %get3A_1973 : vector<16xi32> to vector<16xi32>
        %eq3A_1975 = arith.cmpi eq, %get3A_1719, %get3A_1974 : vector<16xi32>
        %select_n3A_1976 = arith.select %eq3A_1975, %broadcast_in_dim3A_4, %broadcast_in_dim3A_2 : vector<16xi1>, vector<16xi32>
        %add3A_1977 = arith.addi %add3A_1971, %select_n3A_1976 : vector<16xi32>
        %get3A_1978 = arith.constant 60 : index
        %get3A_1979 = tpu.vector_load %arg11[%get3A_1978] {strides = array<i32>} : memref<144xi32, #tpu.memory_space<vmem>>, vector<16xi32>,
        %get3A_1980 = vector.shape_cast %get3A_1979 : vector<16xi32> to vector<16xi32>
        %eq3A_1981 = arith.cmpi eq, %get3A_1719, %get3A_1980 : vector<16xi32>
        %select_n3A_1982 = arith.select %eq3A_1981, %broadcast_in_dim3A_4, %broadcast_in_dim3A_2 : vector<16xi1>, vector<16xi32>
        %add3A_1983 = arith.addi %add3A_1977, %select_n3A_1982 : vector<16xi32>
        %get3A_1984 = arith.constant 59 : index
        %get3A_1985 = tpu.vector_load %arg11[%get3A_1984] {strides = array<i32>} : memref<144xi32, #tpu.memory_space<vmem>>, vector<16xi32>,
        %get3A_1986 = vector.shape_cast %get3A_1985 : vector<16xi32> to vector<16xi32>
        %eq3A_1987 = arith.cmpi eq, %get3A_1719, %get3A_1986 : vector<16xi32>
        %select_n3A_1988 = arith.select %eq3A_1987, %broadcast_in_dim3A_4, %broadcast_in_dim3A_2 : vector<16xi1>, vector<16xi32>
        %add3A_1989 = arith.addi %add3A_1983, %select_n3A_1988 : vector<16xi32>
        %get3A_1990 = arith.constant 58 : index
        %get3A_1991 = tpu.vector_load %arg11[%get3A_1990] {strides = array<i32>} : memref<144xi32, #tpu.memory_space<vmem>>, vector<16xi32>,
        %get3A_1992 = vector.shape_cast %get3A_1991 : vector<16xi32> to vector<16xi32>
        %eq3A_1993 = arith.cmpi eq, %get3A_1719, %get3A_1992 : vector<16xi32>
        %select_n3A_1994 = arith.select %eq3A_1993, %broadcast_in_dim3A_4, %broadcast_in_dim3A_2 : vector<16xi1>, vector<16xi32>
        %add3A_1995 = arith.addi %add3A_1989, %select_n3A_1994 : vector<16xi32>
        %get3A_1996 = arith.constant 57 : index
        %get3A_1997 = tpu.vector_load %arg11[%get3A_1996] {strides = array<i32>} : memref<144xi32, #tpu.memory_space<vmem>>, vector<16xi32>,
        %get3A_1998 = vector.shape_cast %get3A_1997 : vector<16xi32> to vector<16xi32>
        %eq3A_1999 = arith.cmpi eq, %get3A_1719, %get3A_1998 : vector<16xi32>
        %select_n3A_2000 = arith.select %eq3A_1999, %broadcast_in_dim3A_4, %broadcast_in_dim3A_2 : vector<16xi1>, vector<16xi32>
        %add3A_2001 = arith.addi %add3A_1995, %select_n3A_2000 : vector<16xi32>
        %get3A_2002 = arith.constant 56 : index
        %get3A_2003 = tpu.vector_load %arg11[%get3A_2002] {strides = array<i32>} : memref<144xi32, #tpu.memory_space<vmem>>, vector<16xi32>,
        %get3A_2004 = vector.shape_cast %get3A_2003 : vector<16xi32> to vector<16xi32>
        %eq3A_2005 = arith.cmpi eq, %get3A_1719, %get3A_2004 : vector<16xi32>
        %select_n3A_2006 = arith.select %eq3A_2005, %broadcast_in_dim3A_4, %broadcast_in_dim3A_2 : vector<16xi1>, vector<16xi32>
        %add3A_2007 = arith.addi %add3A_2001, %select_n3A_2006 : vector<16xi32>
        %get3A_2008 = arith.constant 55 : index
        %get3A_2009 = tpu.vector_load %arg11[%get3A_2008] {strides = array<i32>} : memref<144xi32, #tpu.memory_space<vmem>>, vector<16xi32>,
        %get3A_2010 = vector.shape_cast %get3A_2009 : vector<16xi32> to vector<16xi32>
        %eq3A_2011 = arith.cmpi eq, %get3A_1719, %get3A_2010 : vector<16xi32>
        %select_n3A_2012 = arith.select %eq3A_2011, %broadcast_in_dim3A_4, %broadcast_in_dim3A_2 : vector<16xi1>, vector<16xi32>
        %add3A_2013 = arith.addi %add3A_2007, %select_n3A_2012 : vector<16xi32>
        %get3A_2014 = arith.constant 54 : index
        %get3A_2015 = tpu.vector_load %arg11[%get3A_2014] {strides = array<i32>} : memref<144xi32, #tpu.memory_space<vmem>>, vector<16xi32>,
        %get3A_2016 = vector.shape_cast %get3A_2015 : vector<16xi32> to vector<16xi32>
        %eq3A_2017 = arith.cmpi eq, %get3A_1719, %get3A_2016 : vector<16xi32>
        %select_n3A_2018 = arith.select %eq3A_2017, %broadcast_in_dim3A_4, %broadcast_in_dim3A_2 : vector<16xi1>, vector<16xi32>
        %add3A_2019 = arith.addi %add3A_2013, %select_n3A_2018 : vector<16xi32>
        %get3A_2020 = arith.constant 53 : index
        %get3A_2021 = tpu.vector_load %arg11[%get3A_2020] {strides = array<i32>} : memref<144xi32, #tpu.memory_space<vmem>>, vector<16xi32>,
        %get3A_2022 = vector.shape_cast %get3A_2021 : vector<16xi32> to vector<16xi32>
        %eq3A_2023 = arith.cmpi eq, %get3A_1719, %get3A_2022 : vector<16xi32>
        %select_n3A_2024 = arith.select %eq3A_2023, %broadcast_in_dim3A_4, %broadcast_in_dim3A_2 : vector<16xi1>, vector<16xi32>
        %add3A_2025 = arith.addi %add3A_2019, %select_n3A_2024 : vector<16xi32>
        %get3A_2026 = arith.constant 52 : index
        %get3A_2027 = tpu.vector_load %arg11[%get3A_2026] {strides = array<i32>} : memref<144xi32, #tpu.memory_space<vmem>>, vector<16xi32>,
        %get3A_2028 = vector.shape_cast %get3A_2027 : vector<16xi32> to vector<16xi32>
        %eq3A_2029 = arith.cmpi eq, %get3A_1719, %get3A_2028 : vector<16xi32>
        %select_n3A_2030 = arith.select %eq3A_2029, %broadcast_in_dim3A_4, %broadcast_in_dim3A_2 : vector<16xi1>, vector<16xi32>
        %add3A_2031 = arith.addi %add3A_2025, %select_n3A_2030 : vector<16xi32>
        %get3A_2032 = arith.constant 51 : index
        %get3A_2033 = tpu.vector_load %arg11[%get3A_2032] {strides = array<i32>} : memref<144xi32, #tpu.memory_space<vmem>>, vector<16xi32>,
        %get3A_2034 = vector.shape_cast %get3A_2033 : vector<16xi32> to vector<16xi32>
        %eq3A_2035 = arith.cmpi eq, %get3A_1719, %get3A_2034 : vector<16xi32>
        %select_n3A_2036 = arith.select %eq3A_2035, %broadcast_in_dim3A_4, %broadcast_in_dim3A_2 : vector<16xi1>, vector<16xi32>
        %add3A_2037 = arith.addi %add3A_2031, %select_n3A_2036 : vector<16xi32>
        %get3A_2038 = arith.constant 50 : index
        %get3A_2039 = tpu.vector_load %arg11[%get3A_2038] {strides = array<i32>} : memref<144xi32, #tpu.memory_space<vmem>>, vector<16xi32>,
        %get3A_2040 = vector.shape_cast %get3A_2039 : vector<16xi32> to vector<16xi32>
        %eq3A_2041 = arith.cmpi eq, %get3A_1719, %get3A_2040 : vector<16xi32>
        %select_n3A_2042 = arith.select %eq3A_2041, %broadcast_in_dim3A_4, %broadcast_in_dim3A_2 : vector<16xi1>, vector<16xi32>
        %add3A_2043 = arith.addi %add3A_2037, %select_n3A_2042 : vector<16xi32>
        %get3A_2044 = arith.constant 49 : index
        %get3A_2045 = tpu.vector_load %arg11[%get3A_2044] {strides = array<i32>} : memref<144xi32, #tpu.memory_space<vmem>>, vector<16xi32>,
        %get3A_2046 = vector.shape_cast %get3A_2045 : vector<16xi32> to vector<16xi32>
        %eq3A_2047 = arith.cmpi eq, %get3A_1719, %get3A_2046 : vector<16xi32>
        %select_n3A_2048 = arith.select %eq3A_2047, %broadcast_in_dim3A_4, %broadcast_in_dim3A_2 : vector<16xi1>, vector<16xi32>
        %add3A_2049 = arith.addi %add3A_2043, %select_n3A_2048 : vector<16xi32>
        %eq3A_2050 = arith.constant 0 : i32
        %eq3A_2051 = vector.broadcast %eq3A_2050 : i32 to vector<16xi32>
        %eq3A_2052 = arith.cmpi eq, %add3A_2049, %eq3A_2051 : vector<16xi32>
        %jit3A_2053 = arith.constant 10008 : i32
        %broadcast_in_dim3A_2054 = vector.broadcast %jit3A_2053 : i32 to vector<16xi32>
        %select_n3A_2055 = arith.select %eq3A_2052, %get3A_1719, %broadcast_in_dim3A_2054 : vector<16xi1>, vector<16xi32>
        %swap3A_2056 = arith.index_cast %sub3A_1650 : i32 to index
        %swap3A_2057 = arith.constant 16 : index
        %swap3A_2058 = tpu.vector_load %arg9[%swap3A_2056, %swap3A_2057] {strides = array<i32>} : memref<2x80xi32, #tpu.memory_space<vmem>>, vector<1x16xi32>,
        %swap3A_2059 = vector.shape_cast %swap3A_2058 : vector<1x16xi32> to vector<16xi32>
        %swap3A_2060 = vector.shape_cast %select_n3A_2055 : vector<16xi32> to vector<1x16xi32>
        tpu.vector_store %arg9[%swap3A_2056, %swap3A_2057], %swap3A_2060 {strides = array<i32>} : memref<2x80xi32, #tpu.memory_space<vmem>>, vector<1x16xi32>,
        %eq3A_2061 = arith.constant 1 : i32
        %eq3A_2062 = vector.broadcast %eq3A_2061 : i32 to vector<16xi32>
        %eq3A_2063 = arith.cmpi eq, %add3A_2049, %eq3A_2062 : vector<16xi32>
        %jit3A_2064 = arith.constant 10008 : i32
        %broadcast_in_dim3A_2065 = vector.broadcast %jit3A_2064 : i32 to vector<16xi32>
        %select_n3A_2066 = arith.select %eq3A_2063, %get3A_1719, %broadcast_in_dim3A_2065 : vector<16xi1>, vector<16xi32>
        %swap3A_2067 = arith.index_cast %sub3A_1650 : i32 to index
        %swap3A_2068 = arith.constant 16 : index
        %swap3A_2069 = tpu.vector_load %arg10[%swap3A_2067, %swap3A_2068] {strides = array<i32>} : memref<2x80xi32, #tpu.memory_space<vmem>>, vector<1x16xi32>,
        %swap3A_2070 = vector.shape_cast %swap3A_2069 : vector<1x16xi32> to vector<16xi32>
        %swap3A_2071 = vector.shape_cast %select_n3A_2066 : vector<16xi32> to vector<1x16xi32>
        tpu.vector_store %arg10[%swap3A_2067, %swap3A_2068], %swap3A_2071 {strides = array<i32>} : memref<2x80xi32, #tpu.memory_space<vmem>>, vector<1x16xi32>,
        %get3A_2072 = arith.constant 95 : index
        %get3A_2073 = tpu.vector_load %arg11[%get3A_2072] {strides = array<i32>} : memref<144xi32, #tpu.memory_space<vmem>>, vector<16xi32>,
        %get3A_2074 = vector.shape_cast %get3A_2073 : vector<16xi32> to vector<16xi32>
        %eq3A_2075 = arith.cmpi eq, %get3A_1723, %get3A_2074 : vector<16xi32>
        %select_n3A_2076 = arith.select %eq3A_2075, %broadcast_in_dim3A_4, %broadcast_in_dim3A_2 : vector<16xi1>, vector<16xi32>
        %add3A_2077 = arith.addi %broadcast_in_dim3A_2, %select_n3A_2076 : vector<16xi32>
        %get3A_2078 = arith.constant 94 : index
        %get3A_2079 = tpu.vector_load %arg11[%get3A_2078] {strides = array<i32>} : memref<144xi32, #tpu.memory_space<vmem>>, vector<16xi32>,
        %get3A_2080 = vector.shape_cast %get3A_2079 : vector<16xi32> to vector<16xi32>
        %eq3A_2081 = arith.cmpi eq, %get3A_1723, %get3A_2080 : vector<16xi32>
        %select_n3A_2082 = arith.select %eq3A_2081, %broadcast_in_dim3A_4, %broadcast_in_dim3A_2 : vector<16xi1>, vector<16xi32>
        %add3A_2083 = arith.addi %add3A_2077, %select_n3A_2082 : vector<16xi32>
        %get3A_2084 = arith.constant 93 : index
        %get3A_2085 = tpu.vector_load %arg11[%get3A_2084] {strides = array<i32>} : memref<144xi32, #tpu.memory_space<vmem>>, vector<16xi32>,
        %get3A_2086 = vector.shape_cast %get3A_2085 : vector<16xi32> to vector<16xi32>
        %eq3A_2087 = arith.cmpi eq, %get3A_1723, %get3A_2086 : vector<16xi32>
        %select_n3A_2088 = arith.select %eq3A_2087, %broadcast_in_dim3A_4, %broadcast_in_dim3A_2 : vector<16xi1>, vector<16xi32>
        %add3A_2089 = arith.addi %add3A_2083, %select_n3A_2088 : vector<16xi32>
        %get3A_2090 = arith.constant 92 : index
        %get3A_2091 = tpu.vector_load %arg11[%get3A_2090] {strides = array<i32>} : memref<144xi32, #tpu.memory_space<vmem>>, vector<16xi32>,
        %get3A_2092 = vector.shape_cast %get3A_2091 : vector<16xi32> to vector<16xi32>
        %eq3A_2093 = arith.cmpi eq, %get3A_1723, %get3A_2092 : vector<16xi32>
        %select_n3A_2094 = arith.select %eq3A_2093, %broadcast_in_dim3A_4, %broadcast_in_dim3A_2 : vector<16xi1>, vector<16xi32>
        %add3A_2095 = arith.addi %add3A_2089, %select_n3A_2094 : vector<16xi32>
        %get3A_2096 = arith.constant 91 : index
        %get3A_2097 = tpu.vector_load %arg11[%get3A_2096] {strides = array<i32>} : memref<144xi32, #tpu.memory_space<vmem>>, vector<16xi32>,
        %get3A_2098 = vector.shape_cast %get3A_2097 : vector<16xi32> to vector<16xi32>
        %eq3A_2099 = arith.cmpi eq, %get3A_1723, %get3A_2098 : vector<16xi32>
        %select_n3A_2100 = arith.select %eq3A_2099, %broadcast_in_dim3A_4, %broadcast_in_dim3A_2 : vector<16xi1>, vector<16xi32>
        %add3A_2101 = arith.addi %add3A_2095, %select_n3A_2100 : vector<16xi32>
        %get3A_2102 = arith.constant 90 : index
        %get3A_2103 = tpu.vector_load %arg11[%get3A_2102] {strides = array<i32>} : memref<144xi32, #tpu.memory_space<vmem>>, vector<16xi32>,
        %get3A_2104 = vector.shape_cast %get3A_2103 : vector<16xi32> to vector<16xi32>
        %eq3A_2105 = arith.cmpi eq, %get3A_1723, %get3A_2104 : vector<16xi32>
        %select_n3A_2106 = arith.select %eq3A_2105, %broadcast_in_dim3A_4, %broadcast_in_dim3A_2 : vector<16xi1>, vector<16xi32>
        %add3A_2107 = arith.addi %add3A_2101, %select_n3A_2106 : vector<16xi32>
        %get3A_2108 = arith.constant 89 : index
        %get3A_2109 = tpu.vector_load %arg11[%get3A_2108] {strides = array<i32>} : memref<144xi32, #tpu.memory_space<vmem>>, vector<16xi32>,
        %get3A_2110 = vector.shape_cast %get3A_2109 : vector<16xi32> to vector<16xi32>
        %eq3A_2111 = arith.cmpi eq, %get3A_1723, %get3A_2110 : vector<16xi32>
        %select_n3A_2112 = arith.select %eq3A_2111, %broadcast_in_dim3A_4, %broadcast_in_dim3A_2 : vector<16xi1>, vector<16xi32>
        %add3A_2113 = arith.addi %add3A_2107, %select_n3A_2112 : vector<16xi32>
        %get3A_2114 = arith.constant 88 : index
        %get3A_2115 = tpu.vector_load %arg11[%get3A_2114] {strides = array<i32>} : memref<144xi32, #tpu.memory_space<vmem>>, vector<16xi32>,
        %get3A_2116 = vector.shape_cast %get3A_2115 : vector<16xi32> to vector<16xi32>
        %eq3A_2117 = arith.cmpi eq, %get3A_1723, %get3A_2116 : vector<16xi32>
        %select_n3A_2118 = arith.select %eq3A_2117, %broadcast_in_dim3A_4, %broadcast_in_dim3A_2 : vector<16xi1>, vector<16xi32>
        %add3A_2119 = arith.addi %add3A_2113, %select_n3A_2118 : vector<16xi32>
        %get3A_2120 = arith.constant 87 : index
        %get3A_2121 = tpu.vector_load %arg11[%get3A_2120] {strides = array<i32>} : memref<144xi32, #tpu.memory_space<vmem>>, vector<16xi32>,
        %get3A_2122 = vector.shape_cast %get3A_2121 : vector<16xi32> to vector<16xi32>
        %eq3A_2123 = arith.cmpi eq, %get3A_1723, %get3A_2122 : vector<16xi32>
        %select_n3A_2124 = arith.select %eq3A_2123, %broadcast_in_dim3A_4, %broadcast_in_dim3A_2 : vector<16xi1>, vector<16xi32>
        %add3A_2125 = arith.addi %add3A_2119, %select_n3A_2124 : vector<16xi32>
        %get3A_2126 = arith.constant 86 : index
        %get3A_2127 = tpu.vector_load %arg11[%get3A_2126] {strides = array<i32>} : memref<144xi32, #tpu.memory_space<vmem>>, vector<16xi32>,
        %get3A_2128 = vector.shape_cast %get3A_2127 : vector<16xi32> to vector<16xi32>
        %eq3A_2129 = arith.cmpi eq, %get3A_1723, %get3A_2128 : vector<16xi32>
        %select_n3A_2130 = arith.select %eq3A_2129, %broadcast_in_dim3A_4, %broadcast_in_dim3A_2 : vector<16xi1>, vector<16xi32>
        %add3A_2131 = arith.addi %add3A_2125, %select_n3A_2130 : vector<16xi32>
        %get3A_2132 = arith.constant 85 : index
        %get3A_2133 = tpu.vector_load %arg11[%get3A_2132] {strides = array<i32>} : memref<144xi32, #tpu.memory_space<vmem>>, vector<16xi32>,
        %get3A_2134 = vector.shape_cast %get3A_2133 : vector<16xi32> to vector<16xi32>
        %eq3A_2135 = arith.cmpi eq, %get3A_1723, %get3A_2134 : vector<16xi32>
        %select_n3A_2136 = arith.select %eq3A_2135, %broadcast_in_dim3A_4, %broadcast_in_dim3A_2 : vector<16xi1>, vector<16xi32>
        %add3A_2137 = arith.addi %add3A_2131, %select_n3A_2136 : vector<16xi32>
        %get3A_2138 = arith.constant 84 : index
        %get3A_2139 = tpu.vector_load %arg11[%get3A_2138] {strides = array<i32>} : memref<144xi32, #tpu.memory_space<vmem>>, vector<16xi32>,
        %get3A_2140 = vector.shape_cast %get3A_2139 : vector<16xi32> to vector<16xi32>
        %eq3A_2141 = arith.cmpi eq, %get3A_1723, %get3A_2140 : vector<16xi32>
        %select_n3A_2142 = arith.select %eq3A_2141, %broadcast_in_dim3A_4, %broadcast_in_dim3A_2 : vector<16xi1>, vector<16xi32>
        %add3A_2143 = arith.addi %add3A_2137, %select_n3A_2142 : vector<16xi32>
        %get3A_2144 = arith.constant 83 : index
        %get3A_2145 = tpu.vector_load %arg11[%get3A_2144] {strides = array<i32>} : memref<144xi32, #tpu.memory_space<vmem>>, vector<16xi32>,
        %get3A_2146 = vector.shape_cast %get3A_2145 : vector<16xi32> to vector<16xi32>
        %eq3A_2147 = arith.cmpi eq, %get3A_1723, %get3A_2146 : vector<16xi32>
        %select_n3A_2148 = arith.select %eq3A_2147, %broadcast_in_dim3A_4, %broadcast_in_dim3A_2 : vector<16xi1>, vector<16xi32>
        %add3A_2149 = arith.addi %add3A_2143, %select_n3A_2148 : vector<16xi32>
        %get3A_2150 = arith.constant 82 : index
        %get3A_2151 = tpu.vector_load %arg11[%get3A_2150] {strides = array<i32>} : memref<144xi32, #tpu.memory_space<vmem>>, vector<16xi32>,
        %get3A_2152 = vector.shape_cast %get3A_2151 : vector<16xi32> to vector<16xi32>
        %eq3A_2153 = arith.cmpi eq, %get3A_1723, %get3A_2152 : vector<16xi32>
        %select_n3A_2154 = arith.select %eq3A_2153, %broadcast_in_dim3A_4, %broadcast_in_dim3A_2 : vector<16xi1>, vector<16xi32>
        %add3A_2155 = arith.addi %add3A_2149, %select_n3A_2154 : vector<16xi32>
        %get3A_2156 = arith.constant 81 : index
        %get3A_2157 = tpu.vector_load %arg11[%get3A_2156] {strides = array<i32>} : memref<144xi32, #tpu.memory_space<vmem>>, vector<16xi32>,
        %get3A_2158 = vector.shape_cast %get3A_2157 : vector<16xi32> to vector<16xi32>
        %eq3A_2159 = arith.cmpi eq, %get3A_1723, %get3A_2158 : vector<16xi32>
        %select_n3A_2160 = arith.select %eq3A_2159, %broadcast_in_dim3A_4, %broadcast_in_dim3A_2 : vector<16xi1>, vector<16xi32>
        %add3A_2161 = arith.addi %add3A_2155, %select_n3A_2160 : vector<16xi32>
        %get3A_2162 = arith.constant 80 : index
        %get3A_2163 = tpu.vector_load %arg11[%get3A_2162] {strides = array<i32>} : memref<144xi32, #tpu.memory_space<vmem>>, vector<16xi32>,
        %get3A_2164 = vector.shape_cast %get3A_2163 : vector<16xi32> to vector<16xi32>
        %eq3A_2165 = arith.cmpi eq, %get3A_1723, %get3A_2164 : vector<16xi32>
        %select_n3A_2166 = arith.select %eq3A_2165, %broadcast_in_dim3A_4, %broadcast_in_dim3A_2 : vector<16xi1>, vector<16xi32>
        %add3A_2167 = arith.addi %add3A_2161, %select_n3A_2166 : vector<16xi32>
        %get3A_2168 = arith.constant 79 : index
        %get3A_2169 = tpu.vector_load %arg11[%get3A_2168] {strides = array<i32>} : memref<144xi32, #tpu.memory_space<vmem>>, vector<16xi32>,
        %get3A_2170 = vector.shape_cast %get3A_2169 : vector<16xi32> to vector<16xi32>
        %eq3A_2171 = arith.cmpi eq, %get3A_1723, %get3A_2170 : vector<16xi32>
        %select_n3A_2172 = arith.select %eq3A_2171, %broadcast_in_dim3A_4, %broadcast_in_dim3A_2 : vector<16xi1>, vector<16xi32>
        %add3A_2173 = arith.addi %add3A_2167, %select_n3A_2172 : vector<16xi32>
        %get3A_2174 = arith.constant 78 : index
        %get3A_2175 = tpu.vector_load %arg11[%get3A_2174] {strides = array<i32>} : memref<144xi32, #tpu.memory_space<vmem>>, vector<16xi32>,
        %get3A_2176 = vector.shape_cast %get3A_2175 : vector<16xi32> to vector<16xi32>
        %eq3A_2177 = arith.cmpi eq, %get3A_1723, %get3A_2176 : vector<16xi32>
        %select_n3A_2178 = arith.select %eq3A_2177, %broadcast_in_dim3A_4, %broadcast_in_dim3A_2 : vector<16xi1>, vector<16xi32>
        %add3A_2179 = arith.addi %add3A_2173, %select_n3A_2178 : vector<16xi32>
        %get3A_2180 = arith.constant 77 : index
        %get3A_2181 = tpu.vector_load %arg11[%get3A_2180] {strides = array<i32>} : memref<144xi32, #tpu.memory_space<vmem>>, vector<16xi32>,
        %get3A_2182 = vector.shape_cast %get3A_2181 : vector<16xi32> to vector<16xi32>
        %eq3A_2183 = arith.cmpi eq, %get3A_1723, %get3A_2182 : vector<16xi32>
        %select_n3A_2184 = arith.select %eq3A_2183, %broadcast_in_dim3A_4, %broadcast_in_dim3A_2 : vector<16xi1>, vector<16xi32>
        %add3A_2185 = arith.addi %add3A_2179, %select_n3A_2184 : vector<16xi32>
        %get3A_2186 = arith.constant 76 : index
        %get3A_2187 = tpu.vector_load %arg11[%get3A_2186] {strides = array<i32>} : memref<144xi32, #tpu.memory_space<vmem>>, vector<16xi32>,
        %get3A_2188 = vector.shape_cast %get3A_2187 : vector<16xi32> to vector<16xi32>
        %eq3A_2189 = arith.cmpi eq, %get3A_1723, %get3A_2188 : vector<16xi32>
        %select_n3A_2190 = arith.select %eq3A_2189, %broadcast_in_dim3A_4, %broadcast_in_dim3A_2 : vector<16xi1>, vector<16xi32>
        %add3A_2191 = arith.addi %add3A_2185, %select_n3A_2190 : vector<16xi32>
        %get3A_2192 = arith.constant 75 : index
        %get3A_2193 = tpu.vector_load %arg11[%get3A_2192] {strides = array<i32>} : memref<144xi32, #tpu.memory_space<vmem>>, vector<16xi32>,
        %get3A_2194 = vector.shape_cast %get3A_2193 : vector<16xi32> to vector<16xi32>
        %eq3A_2195 = arith.cmpi eq, %get3A_1723, %get3A_2194 : vector<16xi32>
        %select_n3A_2196 = arith.select %eq3A_2195, %broadcast_in_dim3A_4, %broadcast_in_dim3A_2 : vector<16xi1>, vector<16xi32>
        %add3A_2197 = arith.addi %add3A_2191, %select_n3A_2196 : vector<16xi32>
        %get3A_2198 = arith.constant 74 : index
        %get3A_2199 = tpu.vector_load %arg11[%get3A_2198] {strides = array<i32>} : memref<144xi32, #tpu.memory_space<vmem>>, vector<16xi32>,
        %get3A_2200 = vector.shape_cast %get3A_2199 : vector<16xi32> to vector<16xi32>
        %eq3A_2201 = arith.cmpi eq, %get3A_1723, %get3A_2200 : vector<16xi32>
        %select_n3A_2202 = arith.select %eq3A_2201, %broadcast_in_dim3A_4, %broadcast_in_dim3A_2 : vector<16xi1>, vector<16xi32>
        %add3A_2203 = arith.addi %add3A_2197, %select_n3A_2202 : vector<16xi32>
        %get3A_2204 = arith.constant 73 : index
        %get3A_2205 = tpu.vector_load %arg11[%get3A_2204] {strides = array<i32>} : memref<144xi32, #tpu.memory_space<vmem>>, vector<16xi32>,
        %get3A_2206 = vector.shape_cast %get3A_2205 : vector<16xi32> to vector<16xi32>
        %eq3A_2207 = arith.cmpi eq, %get3A_1723, %get3A_2206 : vector<16xi32>
        %select_n3A_2208 = arith.select %eq3A_2207, %broadcast_in_dim3A_4, %broadcast_in_dim3A_2 : vector<16xi1>, vector<16xi32>
        %add3A_2209 = arith.addi %add3A_2203, %select_n3A_2208 : vector<16xi32>
        %get3A_2210 = arith.constant 72 : index
        %get3A_2211 = tpu.vector_load %arg11[%get3A_2210] {strides = array<i32>} : memref<144xi32, #tpu.memory_space<vmem>>, vector<16xi32>,
        %get3A_2212 = vector.shape_cast %get3A_2211 : vector<16xi32> to vector<16xi32>
        %eq3A_2213 = arith.cmpi eq, %get3A_1723, %get3A_2212 : vector<16xi32>
        %select_n3A_2214 = arith.select %eq3A_2213, %broadcast_in_dim3A_4, %broadcast_in_dim3A_2 : vector<16xi1>, vector<16xi32>
        %add3A_2215 = arith.addi %add3A_2209, %select_n3A_2214 : vector<16xi32>
        %get3A_2216 = arith.constant 71 : index
        %get3A_2217 = tpu.vector_load %arg11[%get3A_2216] {strides = array<i32>} : memref<144xi32, #tpu.memory_space<vmem>>, vector<16xi32>,
        %get3A_2218 = vector.shape_cast %get3A_2217 : vector<16xi32> to vector<16xi32>
        %eq3A_2219 = arith.cmpi eq, %get3A_1723, %get3A_2218 : vector<16xi32>
        %select_n3A_2220 = arith.select %eq3A_2219, %broadcast_in_dim3A_4, %broadcast_in_dim3A_2 : vector<16xi1>, vector<16xi32>
        %add3A_2221 = arith.addi %add3A_2215, %select_n3A_2220 : vector<16xi32>
        %get3A_2222 = arith.constant 70 : index
        %get3A_2223 = tpu.vector_load %arg11[%get3A_2222] {strides = array<i32>} : memref<144xi32, #tpu.memory_space<vmem>>, vector<16xi32>,
        %get3A_2224 = vector.shape_cast %get3A_2223 : vector<16xi32> to vector<16xi32>
        %eq3A_2225 = arith.cmpi eq, %get3A_1723, %get3A_2224 : vector<16xi32>
        %select_n3A_2226 = arith.select %eq3A_2225, %broadcast_in_dim3A_4, %broadcast_in_dim3A_2 : vector<16xi1>, vector<16xi32>
        %add3A_2227 = arith.addi %add3A_2221, %select_n3A_2226 : vector<16xi32>
        %get3A_2228 = arith.constant 69 : index
        %get3A_2229 = tpu.vector_load %arg11[%get3A_2228] {strides = array<i32>} : memref<144xi32, #tpu.memory_space<vmem>>, vector<16xi32>,
        %get3A_2230 = vector.shape_cast %get3A_2229 : vector<16xi32> to vector<16xi32>
        %eq3A_2231 = arith.cmpi eq, %get3A_1723, %get3A_2230 : vector<16xi32>
        %select_n3A_2232 = arith.select %eq3A_2231, %broadcast_in_dim3A_4, %broadcast_in_dim3A_2 : vector<16xi1>, vector<16xi32>
        %add3A_2233 = arith.addi %add3A_2227, %select_n3A_2232 : vector<16xi32>
        %get3A_2234 = arith.constant 68 : index
        %get3A_2235 = tpu.vector_load %arg11[%get3A_2234] {strides = array<i32>} : memref<144xi32, #tpu.memory_space<vmem>>, vector<16xi32>,
        %get3A_2236 = vector.shape_cast %get3A_2235 : vector<16xi32> to vector<16xi32>
        %eq3A_2237 = arith.cmpi eq, %get3A_1723, %get3A_2236 : vector<16xi32>
        %select_n3A_2238 = arith.select %eq3A_2237, %broadcast_in_dim3A_4, %broadcast_in_dim3A_2 : vector<16xi1>, vector<16xi32>
        %add3A_2239 = arith.addi %add3A_2233, %select_n3A_2238 : vector<16xi32>
        %get3A_2240 = arith.constant 67 : index
        %get3A_2241 = tpu.vector_load %arg11[%get3A_2240] {strides = array<i32>} : memref<144xi32, #tpu.memory_space<vmem>>, vector<16xi32>,
        %get3A_2242 = vector.shape_cast %get3A_2241 : vector<16xi32> to vector<16xi32>
        %eq3A_2243 = arith.cmpi eq, %get3A_1723, %get3A_2242 : vector<16xi32>
        %select_n3A_2244 = arith.select %eq3A_2243, %broadcast_in_dim3A_4, %broadcast_in_dim3A_2 : vector<16xi1>, vector<16xi32>
        %add3A_2245 = arith.addi %add3A_2239, %select_n3A_2244 : vector<16xi32>
        %get3A_2246 = arith.constant 66 : index
        %get3A_2247 = tpu.vector_load %arg11[%get3A_2246] {strides = array<i32>} : memref<144xi32, #tpu.memory_space<vmem>>, vector<16xi32>,
        %get3A_2248 = vector.shape_cast %get3A_2247 : vector<16xi32> to vector<16xi32>
        %eq3A_2249 = arith.cmpi eq, %get3A_1723, %get3A_2248 : vector<16xi32>
        %select_n3A_2250 = arith.select %eq3A_2249, %broadcast_in_dim3A_4, %broadcast_in_dim3A_2 : vector<16xi1>, vector<16xi32>
        %add3A_2251 = arith.addi %add3A_2245, %select_n3A_2250 : vector<16xi32>
        %get3A_2252 = arith.constant 65 : index
        %get3A_2253 = tpu.vector_load %arg11[%get3A_2252] {strides = array<i32>} : memref<144xi32, #tpu.memory_space<vmem>>, vector<16xi32>,
        %get3A_2254 = vector.shape_cast %get3A_2253 : vector<16xi32> to vector<16xi32>
        %eq3A_2255 = arith.cmpi eq, %get3A_1723, %get3A_2254 : vector<16xi32>
        %select_n3A_2256 = arith.select %eq3A_2255, %broadcast_in_dim3A_4, %broadcast_in_dim3A_2 : vector<16xi1>, vector<16xi32>
        %add3A_2257 = arith.addi %add3A_2251, %select_n3A_2256 : vector<16xi32>
        %get3A_2258 = arith.constant 64 : index
        %get3A_2259 = tpu.vector_load %arg11[%get3A_2258] {strides = array<i32>} : memref<144xi32, #tpu.memory_space<vmem>>, vector<16xi32>,
        %get3A_2260 = vector.shape_cast %get3A_2259 : vector<16xi32> to vector<16xi32>
        %eq3A_2261 = arith.cmpi eq, %get3A_1723, %get3A_2260 : vector<16xi32>
        %select_n3A_2262 = arith.select %eq3A_2261, %broadcast_in_dim3A_4, %broadcast_in_dim3A_2 : vector<16xi1>, vector<16xi32>
        %add3A_2263 = arith.addi %add3A_2257, %select_n3A_2262 : vector<16xi32>
        %get3A_2264 = arith.constant 63 : index
        %get3A_2265 = tpu.vector_load %arg11[%get3A_2264] {strides = array<i32>} : memref<144xi32, #tpu.memory_space<vmem>>, vector<16xi32>,
        %get3A_2266 = vector.shape_cast %get3A_2265 : vector<16xi32> to vector<16xi32>
        %eq3A_2267 = arith.cmpi eq, %get3A_1723, %get3A_2266 : vector<16xi32>
        %select_n3A_2268 = arith.select %eq3A_2267, %broadcast_in_dim3A_4, %broadcast_in_dim3A_2 : vector<16xi1>, vector<16xi32>
        %add3A_2269 = arith.addi %add3A_2263, %select_n3A_2268 : vector<16xi32>
        %get3A_2270 = arith.constant 62 : index
        %get3A_2271 = tpu.vector_load %arg11[%get3A_2270] {strides = array<i32>} : memref<144xi32, #tpu.memory_space<vmem>>, vector<16xi32>,
        %get3A_2272 = vector.shape_cast %get3A_2271 : vector<16xi32> to vector<16xi32>
        %eq3A_2273 = arith.cmpi eq, %get3A_1723, %get3A_2272 : vector<16xi32>
        %select_n3A_2274 = arith.select %eq3A_2273, %broadcast_in_dim3A_4, %broadcast_in_dim3A_2 : vector<16xi1>, vector<16xi32>
        %add3A_2275 = arith.addi %add3A_2269, %select_n3A_2274 : vector<16xi32>
        %get3A_2276 = arith.constant 61 : index
        %get3A_2277 = tpu.vector_load %arg11[%get3A_2276] {strides = array<i32>} : memref<144xi32, #tpu.memory_space<vmem>>, vector<16xi32>,
        %get3A_2278 = vector.shape_cast %get3A_2277 : vector<16xi32> to vector<16xi32>
        %eq3A_2279 = arith.cmpi eq, %get3A_1723, %get3A_2278 : vector<16xi32>
        %select_n3A_2280 = arith.select %eq3A_2279, %broadcast_in_dim3A_4, %broadcast_in_dim3A_2 : vector<16xi1>, vector<16xi32>
        %add3A_2281 = arith.addi %add3A_2275, %select_n3A_2280 : vector<16xi32>
        %get3A_2282 = arith.constant 60 : index
        %get3A_2283 = tpu.vector_load %arg11[%get3A_2282] {strides = array<i32>} : memref<144xi32, #tpu.memory_space<vmem>>, vector<16xi32>,
        %get3A_2284 = vector.shape_cast %get3A_2283 : vector<16xi32> to vector<16xi32>
        %eq3A_2285 = arith.cmpi eq, %get3A_1723, %get3A_2284 : vector<16xi32>
        %select_n3A_2286 = arith.select %eq3A_2285, %broadcast_in_dim3A_4, %broadcast_in_dim3A_2 : vector<16xi1>, vector<16xi32>
        %add3A_2287 = arith.addi %add3A_2281, %select_n3A_2286 : vector<16xi32>
        %get3A_2288 = arith.constant 59 : index
        %get3A_2289 = tpu.vector_load %arg11[%get3A_2288] {strides = array<i32>} : memref<144xi32, #tpu.memory_space<vmem>>, vector<16xi32>,
        %get3A_2290 = vector.shape_cast %get3A_2289 : vector<16xi32> to vector<16xi32>
        %eq3A_2291 = arith.cmpi eq, %get3A_1723, %get3A_2290 : vector<16xi32>
        %select_n3A_2292 = arith.select %eq3A_2291, %broadcast_in_dim3A_4, %broadcast_in_dim3A_2 : vector<16xi1>, vector<16xi32>
        %add3A_2293 = arith.addi %add3A_2287, %select_n3A_2292 : vector<16xi32>
        %get3A_2294 = arith.constant 58 : index
        %get3A_2295 = tpu.vector_load %arg11[%get3A_2294] {strides = array<i32>} : memref<144xi32, #tpu.memory_space<vmem>>, vector<16xi32>,
        %get3A_2296 = vector.shape_cast %get3A_2295 : vector<16xi32> to vector<16xi32>
        %eq3A_2297 = arith.cmpi eq, %get3A_1723, %get3A_2296 : vector<16xi32>
        %select_n3A_2298 = arith.select %eq3A_2297, %broadcast_in_dim3A_4, %broadcast_in_dim3A_2 : vector<16xi1>, vector<16xi32>
        %add3A_2299 = arith.addi %add3A_2293, %select_n3A_2298 : vector<16xi32>
        %get3A_2300 = arith.constant 57 : index
        %get3A_2301 = tpu.vector_load %arg11[%get3A_2300] {strides = array<i32>} : memref<144xi32, #tpu.memory_space<vmem>>, vector<16xi32>,
        %get3A_2302 = vector.shape_cast %get3A_2301 : vector<16xi32> to vector<16xi32>
        %eq3A_2303 = arith.cmpi eq, %get3A_1723, %get3A_2302 : vector<16xi32>
        %select_n3A_2304 = arith.select %eq3A_2303, %broadcast_in_dim3A_4, %broadcast_in_dim3A_2 : vector<16xi1>, vector<16xi32>
        %add3A_2305 = arith.addi %add3A_2299, %select_n3A_2304 : vector<16xi32>
        %get3A_2306 = arith.constant 56 : index
        %get3A_2307 = tpu.vector_load %arg11[%get3A_2306] {strides = array<i32>} : memref<144xi32, #tpu.memory_space<vmem>>, vector<16xi32>,
        %get3A_2308 = vector.shape_cast %get3A_2307 : vector<16xi32> to vector<16xi32>
        %eq3A_2309 = arith.cmpi eq, %get3A_1723, %get3A_2308 : vector<16xi32>
        %select_n3A_2310 = arith.select %eq3A_2309, %broadcast_in_dim3A_4, %broadcast_in_dim3A_2 : vector<16xi1>, vector<16xi32>
        %add3A_2311 = arith.addi %add3A_2305, %select_n3A_2310 : vector<16xi32>
        %get3A_2312 = arith.constant 55 : index
        %get3A_2313 = tpu.vector_load %arg11[%get3A_2312] {strides = array<i32>} : memref<144xi32, #tpu.memory_space<vmem>>, vector<16xi32>,
        %get3A_2314 = vector.shape_cast %get3A_2313 : vector<16xi32> to vector<16xi32>
        %eq3A_2315 = arith.cmpi eq, %get3A_1723, %get3A_2314 : vector<16xi32>
        %select_n3A_2316 = arith.select %eq3A_2315, %broadcast_in_dim3A_4, %broadcast_in_dim3A_2 : vector<16xi1>, vector<16xi32>
        %add3A_2317 = arith.addi %add3A_2311, %select_n3A_2316 : vector<16xi32>
        %get3A_2318 = arith.constant 54 : index
        %get3A_2319 = tpu.vector_load %arg11[%get3A_2318] {strides = array<i32>} : memref<144xi32, #tpu.memory_space<vmem>>, vector<16xi32>,
        %get3A_2320 = vector.shape_cast %get3A_2319 : vector<16xi32> to vector<16xi32>
        %eq3A_2321 = arith.cmpi eq, %get3A_1723, %get3A_2320 : vector<16xi32>
        %select_n3A_2322 = arith.select %eq3A_2321, %broadcast_in_dim3A_4, %broadcast_in_dim3A_2 : vector<16xi1>, vector<16xi32>
        %add3A_2323 = arith.addi %add3A_2317, %select_n3A_2322 : vector<16xi32>
        %get3A_2324 = arith.constant 53 : index
        %get3A_2325 = tpu.vector_load %arg11[%get3A_2324] {strides = array<i32>} : memref<144xi32, #tpu.memory_space<vmem>>, vector<16xi32>,
        %get3A_2326 = vector.shape_cast %get3A_2325 : vector<16xi32> to vector<16xi32>
        %eq3A_2327 = arith.cmpi eq, %get3A_1723, %get3A_2326 : vector<16xi32>
        %select_n3A_2328 = arith.select %eq3A_2327, %broadcast_in_dim3A_4, %broadcast_in_dim3A_2 : vector<16xi1>, vector<16xi32>
        %add3A_2329 = arith.addi %add3A_2323, %select_n3A_2328 : vector<16xi32>
        %get3A_2330 = arith.constant 52 : index
        %get3A_2331 = tpu.vector_load %arg11[%get3A_2330] {strides = array<i32>} : memref<144xi32, #tpu.memory_space<vmem>>, vector<16xi32>,
        %get3A_2332 = vector.shape_cast %get3A_2331 : vector<16xi32> to vector<16xi32>
        %eq3A_2333 = arith.cmpi eq, %get3A_1723, %get3A_2332 : vector<16xi32>
        %select_n3A_2334 = arith.select %eq3A_2333, %broadcast_in_dim3A_4, %broadcast_in_dim3A_2 : vector<16xi1>, vector<16xi32>
        %add3A_2335 = arith.addi %add3A_2329, %select_n3A_2334 : vector<16xi32>
        %get3A_2336 = arith.constant 51 : index
        %get3A_2337 = tpu.vector_load %arg11[%get3A_2336] {strides = array<i32>} : memref<144xi32, #tpu.memory_space<vmem>>, vector<16xi32>,
        %get3A_2338 = vector.shape_cast %get3A_2337 : vector<16xi32> to vector<16xi32>
        %eq3A_2339 = arith.cmpi eq, %get3A_1723, %get3A_2338 : vector<16xi32>
        %select_n3A_2340 = arith.select %eq3A_2339, %broadcast_in_dim3A_4, %broadcast_in_dim3A_2 : vector<16xi1>, vector<16xi32>
        %add3A_2341 = arith.addi %add3A_2335, %select_n3A_2340 : vector<16xi32>
        %get3A_2342 = arith.constant 50 : index
        %get3A_2343 = tpu.vector_load %arg11[%get3A_2342] {strides = array<i32>} : memref<144xi32, #tpu.memory_space<vmem>>, vector<16xi32>,
        %get3A_2344 = vector.shape_cast %get3A_2343 : vector<16xi32> to vector<16xi32>
        %eq3A_2345 = arith.cmpi eq, %get3A_1723, %get3A_2344 : vector<16xi32>
        %select_n3A_2346 = arith.select %eq3A_2345, %broadcast_in_dim3A_4, %broadcast_in_dim3A_2 : vector<16xi1>, vector<16xi32>
        %add3A_2347 = arith.addi %add3A_2341, %select_n3A_2346 : vector<16xi32>
        %get3A_2348 = arith.constant 49 : index
        %get3A_2349 = tpu.vector_load %arg11[%get3A_2348] {strides = array<i32>} : memref<144xi32, #tpu.memory_space<vmem>>, vector<16xi32>,
        %get3A_2350 = vector.shape_cast %get3A_2349 : vector<16xi32> to vector<16xi32>
        %eq3A_2351 = arith.cmpi eq, %get3A_1723, %get3A_2350 : vector<16xi32>
        %select_n3A_2352 = arith.select %eq3A_2351, %broadcast_in_dim3A_4, %broadcast_in_dim3A_2 : vector<16xi1>, vector<16xi32>
        %add3A_2353 = arith.addi %add3A_2347, %select_n3A_2352 : vector<16xi32>
        %eq3A_2354 = arith.constant 0 : i32
        %eq3A_2355 = vector.broadcast %eq3A_2354 : i32 to vector<16xi32>
        %eq3A_2356 = arith.cmpi eq, %add3A_2353, %eq3A_2355 : vector<16xi32>
        %jit3A_2357 = arith.constant 10008 : i32
        %broadcast_in_dim3A_2358 = vector.broadcast %jit3A_2357 : i32 to vector<16xi32>
        %select_n3A_2359 = arith.select %eq3A_2356, %get3A_1723, %broadcast_in_dim3A_2358 : vector<16xi1>, vector<16xi32>
        %swap3A_2360 = arith.index_cast %sub3A_1650 : i32 to index
        %swap3A_2361 = arith.constant 32 : index
        %swap3A_2362 = tpu.vector_load %arg9[%swap3A_2360, %swap3A_2361] {strides = array<i32>} : memref<2x80xi32, #tpu.memory_space<vmem>>, vector<1x16xi32>,
        %swap3A_2363 = vector.shape_cast %swap3A_2362 : vector<1x16xi32> to vector<16xi32>
        %swap3A_2364 = vector.shape_cast %select_n3A_2359 : vector<16xi32> to vector<1x16xi32>
        tpu.vector_store %arg9[%swap3A_2360, %swap3A_2361], %swap3A_2364 {strides = array<i32>} : memref<2x80xi32, #tpu.memory_space<vmem>>, vector<1x16xi32>,
        %eq3A_2365 = arith.constant 1 : i32
        %eq3A_2366 = vector.broadcast %eq3A_2365 : i32 to vector<16xi32>
        %eq3A_2367 = arith.cmpi eq, %add3A_2353, %eq3A_2366 : vector<16xi32>
        %jit3A_2368 = arith.constant 10008 : i32
        %broadcast_in_dim3A_2369 = vector.broadcast %jit3A_2368 : i32 to vector<16xi32>
        %select_n3A_2370 = arith.select %eq3A_2367, %get3A_1723, %broadcast_in_dim3A_2369 : vector<16xi1>, vector<16xi32>
        %swap3A_2371 = arith.index_cast %sub3A_1650 : i32 to index
        %swap3A_2372 = arith.constant 32 : index
        %swap3A_2373 = tpu.vector_load %arg10[%swap3A_2371, %swap3A_2372] {strides = array<i32>} : memref<2x80xi32, #tpu.memory_space<vmem>>, vector<1x16xi32>,
        %swap3A_2374 = vector.shape_cast %swap3A_2373 : vector<1x16xi32> to vector<16xi32>
        %swap3A_2375 = vector.shape_cast %select_n3A_2370 : vector<16xi32> to vector<1x16xi32>
        tpu.vector_store %arg10[%swap3A_2371, %swap3A_2372], %swap3A_2375 {strides = array<i32>} : memref<2x80xi32, #tpu.memory_space<vmem>>, vector<1x16xi32>,
        %get3A_2376 = arith.constant 111 : index
        %get3A_2377 = tpu.vector_load %arg11[%get3A_2376] {strides = array<i32>} : memref<144xi32, #tpu.memory_space<vmem>>, vector<16xi32>,
        %get3A_2378 = vector.shape_cast %get3A_2377 : vector<16xi32> to vector<16xi32>
        %eq3A_2379 = arith.cmpi eq, %get3A_1727, %get3A_2378 : vector<16xi32>
        %select_n3A_2380 = arith.select %eq3A_2379, %broadcast_in_dim3A_4, %broadcast_in_dim3A_2 : vector<16xi1>, vector<16xi32>
        %add3A_2381 = arith.addi %broadcast_in_dim3A_2, %select_n3A_2380 : vector<16xi32>
        %get3A_2382 = arith.constant 110 : index
        %get3A_2383 = tpu.vector_load %arg11[%get3A_2382] {strides = array<i32>} : memref<144xi32, #tpu.memory_space<vmem>>, vector<16xi32>,
        %get3A_2384 = vector.shape_cast %get3A_2383 : vector<16xi32> to vector<16xi32>
        %eq3A_2385 = arith.cmpi eq, %get3A_1727, %get3A_2384 : vector<16xi32>
        %select_n3A_2386 = arith.select %eq3A_2385, %broadcast_in_dim3A_4, %broadcast_in_dim3A_2 : vector<16xi1>, vector<16xi32>
        %add3A_2387 = arith.addi %add3A_2381, %select_n3A_2386 : vector<16xi32>
        %get3A_2388 = arith.constant 109 : index
        %get3A_2389 = tpu.vector_load %arg11[%get3A_2388] {strides = array<i32>} : memref<144xi32, #tpu.memory_space<vmem>>, vector<16xi32>,
        %get3A_2390 = vector.shape_cast %get3A_2389 : vector<16xi32> to vector<16xi32>
        %eq3A_2391 = arith.cmpi eq, %get3A_1727, %get3A_2390 : vector<16xi32>
        %select_n3A_2392 = arith.select %eq3A_2391, %broadcast_in_dim3A_4, %broadcast_in_dim3A_2 : vector<16xi1>, vector<16xi32>
        %add3A_2393 = arith.addi %add3A_2387, %select_n3A_2392 : vector<16xi32>
        %get3A_2394 = arith.constant 108 : index
        %get3A_2395 = tpu.vector_load %arg11[%get3A_2394] {strides = array<i32>} : memref<144xi32, #tpu.memory_space<vmem>>, vector<16xi32>,
        %get3A_2396 = vector.shape_cast %get3A_2395 : vector<16xi32> to vector<16xi32>
        %eq3A_2397 = arith.cmpi eq, %get3A_1727, %get3A_2396 : vector<16xi32>
        %select_n3A_2398 = arith.select %eq3A_2397, %broadcast_in_dim3A_4, %broadcast_in_dim3A_2 : vector<16xi1>, vector<16xi32>
        %add3A_2399 = arith.addi %add3A_2393, %select_n3A_2398 : vector<16xi32>
        %get3A_2400 = arith.constant 107 : index
        %get3A_2401 = tpu.vector_load %arg11[%get3A_2400] {strides = array<i32>} : memref<144xi32, #tpu.memory_space<vmem>>, vector<16xi32>,
        %get3A_2402 = vector.shape_cast %get3A_2401 : vector<16xi32> to vector<16xi32>
        %eq3A_2403 = arith.cmpi eq, %get3A_1727, %get3A_2402 : vector<16xi32>
        %select_n3A_2404 = arith.select %eq3A_2403, %broadcast_in_dim3A_4, %broadcast_in_dim3A_2 : vector<16xi1>, vector<16xi32>
        %add3A_2405 = arith.addi %add3A_2399, %select_n3A_2404 : vector<16xi32>
        %get3A_2406 = arith.constant 106 : index
        %get3A_2407 = tpu.vector_load %arg11[%get3A_2406] {strides = array<i32>} : memref<144xi32, #tpu.memory_space<vmem>>, vector<16xi32>,
        %get3A_2408 = vector.shape_cast %get3A_2407 : vector<16xi32> to vector<16xi32>
        %eq3A_2409 = arith.cmpi eq, %get3A_1727, %get3A_2408 : vector<16xi32>
        %select_n3A_2410 = arith.select %eq3A_2409, %broadcast_in_dim3A_4, %broadcast_in_dim3A_2 : vector<16xi1>, vector<16xi32>
        %add3A_2411 = arith.addi %add3A_2405, %select_n3A_2410 : vector<16xi32>
        %get3A_2412 = arith.constant 105 : index
        %get3A_2413 = tpu.vector_load %arg11[%get3A_2412] {strides = array<i32>} : memref<144xi32, #tpu.memory_space<vmem>>, vector<16xi32>,
        %get3A_2414 = vector.shape_cast %get3A_2413 : vector<16xi32> to vector<16xi32>
        %eq3A_2415 = arith.cmpi eq, %get3A_1727, %get3A_2414 : vector<16xi32>
        %select_n3A_2416 = arith.select %eq3A_2415, %broadcast_in_dim3A_4, %broadcast_in_dim3A_2 : vector<16xi1>, vector<16xi32>
        %add3A_2417 = arith.addi %add3A_2411, %select_n3A_2416 : vector<16xi32>
        %get3A_2418 = arith.constant 104 : index
        %get3A_2419 = tpu.vector_load %arg11[%get3A_2418] {strides = array<i32>} : memref<144xi32, #tpu.memory_space<vmem>>, vector<16xi32>,
        %get3A_2420 = vector.shape_cast %get3A_2419 : vector<16xi32> to vector<16xi32>
        %eq3A_2421 = arith.cmpi eq, %get3A_1727, %get3A_2420 : vector<16xi32>
        %select_n3A_2422 = arith.select %eq3A_2421, %broadcast_in_dim3A_4, %broadcast_in_dim3A_2 : vector<16xi1>, vector<16xi32>
        %add3A_2423 = arith.addi %add3A_2417, %select_n3A_2422 : vector<16xi32>
        %get3A_2424 = arith.constant 103 : index
        %get3A_2425 = tpu.vector_load %arg11[%get3A_2424] {strides = array<i32>} : memref<144xi32, #tpu.memory_space<vmem>>, vector<16xi32>,
        %get3A_2426 = vector.shape_cast %get3A_2425 : vector<16xi32> to vector<16xi32>
        %eq3A_2427 = arith.cmpi eq, %get3A_1727, %get3A_2426 : vector<16xi32>
        %select_n3A_2428 = arith.select %eq3A_2427, %broadcast_in_dim3A_4, %broadcast_in_dim3A_2 : vector<16xi1>, vector<16xi32>
        %add3A_2429 = arith.addi %add3A_2423, %select_n3A_2428 : vector<16xi32>
        %get3A_2430 = arith.constant 102 : index
        %get3A_2431 = tpu.vector_load %arg11[%get3A_2430] {strides = array<i32>} : memref<144xi32, #tpu.memory_space<vmem>>, vector<16xi32>,
        %get3A_2432 = vector.shape_cast %get3A_2431 : vector<16xi32> to vector<16xi32>
        %eq3A_2433 = arith.cmpi eq, %get3A_1727, %get3A_2432 : vector<16xi32>
        %select_n3A_2434 = arith.select %eq3A_2433, %broadcast_in_dim3A_4, %broadcast_in_dim3A_2 : vector<16xi1>, vector<16xi32>
        %add3A_2435 = arith.addi %add3A_2429, %select_n3A_2434 : vector<16xi32>
        %get3A_2436 = arith.constant 101 : index
        %get3A_2437 = tpu.vector_load %arg11[%get3A_2436] {strides = array<i32>} : memref<144xi32, #tpu.memory_space<vmem>>, vector<16xi32>,
        %get3A_2438 = vector.shape_cast %get3A_2437 : vector<16xi32> to vector<16xi32>
        %eq3A_2439 = arith.cmpi eq, %get3A_1727, %get3A_2438 : vector<16xi32>
        %select_n3A_2440 = arith.select %eq3A_2439, %broadcast_in_dim3A_4, %broadcast_in_dim3A_2 : vector<16xi1>, vector<16xi32>
        %add3A_2441 = arith.addi %add3A_2435, %select_n3A_2440 : vector<16xi32>
        %get3A_2442 = arith.constant 100 : index
        %get3A_2443 = tpu.vector_load %arg11[%get3A_2442] {strides = array<i32>} : memref<144xi32, #tpu.memory_space<vmem>>, vector<16xi32>,
        %get3A_2444 = vector.shape_cast %get3A_2443 : vector<16xi32> to vector<16xi32>
        %eq3A_2445 = arith.cmpi eq, %get3A_1727, %get3A_2444 : vector<16xi32>
        %select_n3A_2446 = arith.select %eq3A_2445, %broadcast_in_dim3A_4, %broadcast_in_dim3A_2 : vector<16xi1>, vector<16xi32>
        %add3A_2447 = arith.addi %add3A_2441, %select_n3A_2446 : vector<16xi32>
        %get3A_2448 = arith.constant 99 : index
        %get3A_2449 = tpu.vector_load %arg11[%get3A_2448] {strides = array<i32>} : memref<144xi32, #tpu.memory_space<vmem>>, vector<16xi32>,
        %get3A_2450 = vector.shape_cast %get3A_2449 : vector<16xi32> to vector<16xi32>
        %eq3A_2451 = arith.cmpi eq, %get3A_1727, %get3A_2450 : vector<16xi32>
        %select_n3A_2452 = arith.select %eq3A_2451, %broadcast_in_dim3A_4, %broadcast_in_dim3A_2 : vector<16xi1>, vector<16xi32>
        %add3A_2453 = arith.addi %add3A_2447, %select_n3A_2452 : vector<16xi32>
        %get3A_2454 = arith.constant 98 : index
        %get3A_2455 = tpu.vector_load %arg11[%get3A_2454] {strides = array<i32>} : memref<144xi32, #tpu.memory_space<vmem>>, vector<16xi32>,
        %get3A_2456 = vector.shape_cast %get3A_2455 : vector<16xi32> to vector<16xi32>
        %eq3A_2457 = arith.cmpi eq, %get3A_1727, %get3A_2456 : vector<16xi32>
        %select_n3A_2458 = arith.select %eq3A_2457, %broadcast_in_dim3A_4, %broadcast_in_dim3A_2 : vector<16xi1>, vector<16xi32>
        %add3A_2459 = arith.addi %add3A_2453, %select_n3A_2458 : vector<16xi32>
        %get3A_2460 = arith.constant 97 : index
        %get3A_2461 = tpu.vector_load %arg11[%get3A_2460] {strides = array<i32>} : memref<144xi32, #tpu.memory_space<vmem>>, vector<16xi32>,
        %get3A_2462 = vector.shape_cast %get3A_2461 : vector<16xi32> to vector<16xi32>
        %eq3A_2463 = arith.cmpi eq, %get3A_1727, %get3A_2462 : vector<16xi32>
        %select_n3A_2464 = arith.select %eq3A_2463, %broadcast_in_dim3A_4, %broadcast_in_dim3A_2 : vector<16xi1>, vector<16xi32>
        %add3A_2465 = arith.addi %add3A_2459, %select_n3A_2464 : vector<16xi32>
        %get3A_2466 = arith.constant 96 : index
        %get3A_2467 = tpu.vector_load %arg11[%get3A_2466] {strides = array<i32>} : memref<144xi32, #tpu.memory_space<vmem>>, vector<16xi32>,
        %get3A_2468 = vector.shape_cast %get3A_2467 : vector<16xi32> to vector<16xi32>
        %eq3A_2469 = arith.cmpi eq, %get3A_1727, %get3A_2468 : vector<16xi32>
        %select_n3A_2470 = arith.select %eq3A_2469, %broadcast_in_dim3A_4, %broadcast_in_dim3A_2 : vector<16xi1>, vector<16xi32>
        %add3A_2471 = arith.addi %add3A_2465, %select_n3A_2470 : vector<16xi32>
        %get3A_2472 = arith.constant 95 : index
        %get3A_2473 = tpu.vector_load %arg11[%get3A_2472] {strides = array<i32>} : memref<144xi32, #tpu.memory_space<vmem>>, vector<16xi32>,
        %get3A_2474 = vector.shape_cast %get3A_2473 : vector<16xi32> to vector<16xi32>
        %eq3A_2475 = arith.cmpi eq, %get3A_1727, %get3A_2474 : vector<16xi32>
        %select_n3A_2476 = arith.select %eq3A_2475, %broadcast_in_dim3A_4, %broadcast_in_dim3A_2 : vector<16xi1>, vector<16xi32>
        %add3A_2477 = arith.addi %add3A_2471, %select_n3A_2476 : vector<16xi32>
        %get3A_2478 = arith.constant 94 : index
        %get3A_2479 = tpu.vector_load %arg11[%get3A_2478] {strides = array<i32>} : memref<144xi32, #tpu.memory_space<vmem>>, vector<16xi32>,
        %get3A_2480 = vector.shape_cast %get3A_2479 : vector<16xi32> to vector<16xi32>
        %eq3A_2481 = arith.cmpi eq, %get3A_1727, %get3A_2480 : vector<16xi32>
        %select_n3A_2482 = arith.select %eq3A_2481, %broadcast_in_dim3A_4, %broadcast_in_dim3A_2 : vector<16xi1>, vector<16xi32>
        %add3A_2483 = arith.addi %add3A_2477, %select_n3A_2482 : vector<16xi32>
        %get3A_2484 = arith.constant 93 : index
        %get3A_2485 = tpu.vector_load %arg11[%get3A_2484] {strides = array<i32>} : memref<144xi32, #tpu.memory_space<vmem>>, vector<16xi32>,
        %get3A_2486 = vector.shape_cast %get3A_2485 : vector<16xi32> to vector<16xi32>
        %eq3A_2487 = arith.cmpi eq, %get3A_1727, %get3A_2486 : vector<16xi32>
        %select_n3A_2488 = arith.select %eq3A_2487, %broadcast_in_dim3A_4, %broadcast_in_dim3A_2 : vector<16xi1>, vector<16xi32>
        %add3A_2489 = arith.addi %add3A_2483, %select_n3A_2488 : vector<16xi32>
        %get3A_2490 = arith.constant 92 : index
        %get3A_2491 = tpu.vector_load %arg11[%get3A_2490] {strides = array<i32>} : memref<144xi32, #tpu.memory_space<vmem>>, vector<16xi32>,
        %get3A_2492 = vector.shape_cast %get3A_2491 : vector<16xi32> to vector<16xi32>
        %eq3A_2493 = arith.cmpi eq, %get3A_1727, %get3A_2492 : vector<16xi32>
        %select_n3A_2494 = arith.select %eq3A_2493, %broadcast_in_dim3A_4, %broadcast_in_dim3A_2 : vector<16xi1>, vector<16xi32>
        %add3A_2495 = arith.addi %add3A_2489, %select_n3A_2494 : vector<16xi32>
        %get3A_2496 = arith.constant 91 : index
        %get3A_2497 = tpu.vector_load %arg11[%get3A_2496] {strides = array<i32>} : memref<144xi32, #tpu.memory_space<vmem>>, vector<16xi32>,
        %get3A_2498 = vector.shape_cast %get3A_2497 : vector<16xi32> to vector<16xi32>
        %eq3A_2499 = arith.cmpi eq, %get3A_1727, %get3A_2498 : vector<16xi32>
        %select_n3A_2500 = arith.select %eq3A_2499, %broadcast_in_dim3A_4, %broadcast_in_dim3A_2 : vector<16xi1>, vector<16xi32>
        %add3A_2501 = arith.addi %add3A_2495, %select_n3A_2500 : vector<16xi32>
        %get3A_2502 = arith.constant 90 : index
        %get3A_2503 = tpu.vector_load %arg11[%get3A_2502] {strides = array<i32>} : memref<144xi32, #tpu.memory_space<vmem>>, vector<16xi32>,
        %get3A_2504 = vector.shape_cast %get3A_2503 : vector<16xi32> to vector<16xi32>
        %eq3A_2505 = arith.cmpi eq, %get3A_1727, %get3A_2504 : vector<16xi32>
        %select_n3A_2506 = arith.select %eq3A_2505, %broadcast_in_dim3A_4, %broadcast_in_dim3A_2 : vector<16xi1>, vector<16xi32>
        %add3A_2507 = arith.addi %add3A_2501, %select_n3A_2506 : vector<16xi32>
        %get3A_2508 = arith.constant 89 : index
        %get3A_2509 = tpu.vector_load %arg11[%get3A_2508] {strides = array<i32>} : memref<144xi32, #tpu.memory_space<vmem>>, vector<16xi32>,
        %get3A_2510 = vector.shape_cast %get3A_2509 : vector<16xi32> to vector<16xi32>
        %eq3A_2511 = arith.cmpi eq, %get3A_1727, %get3A_2510 : vector<16xi32>
        %select_n3A_2512 = arith.select %eq3A_2511, %broadcast_in_dim3A_4, %broadcast_in_dim3A_2 : vector<16xi1>, vector<16xi32>
        %add3A_2513 = arith.addi %add3A_2507, %select_n3A_2512 : vector<16xi32>
        %get3A_2514 = arith.constant 88 : index
        %get3A_2515 = tpu.vector_load %arg11[%get3A_2514] {strides = array<i32>} : memref<144xi32, #tpu.memory_space<vmem>>, vector<16xi32>,
        %get3A_2516 = vector.shape_cast %get3A_2515 : vector<16xi32> to vector<16xi32>
        %eq3A_2517 = arith.cmpi eq, %get3A_1727, %get3A_2516 : vector<16xi32>
        %select_n3A_2518 = arith.select %eq3A_2517, %broadcast_in_dim3A_4, %broadcast_in_dim3A_2 : vector<16xi1>, vector<16xi32>
        %add3A_2519 = arith.addi %add3A_2513, %select_n3A_2518 : vector<16xi32>
        %get3A_2520 = arith.constant 87 : index
        %get3A_2521 = tpu.vector_load %arg11[%get3A_2520] {strides = array<i32>} : memref<144xi32, #tpu.memory_space<vmem>>, vector<16xi32>,
        %get3A_2522 = vector.shape_cast %get3A_2521 : vector<16xi32> to vector<16xi32>
        %eq3A_2523 = arith.cmpi eq, %get3A_1727, %get3A_2522 : vector<16xi32>
        %select_n3A_2524 = arith.select %eq3A_2523, %broadcast_in_dim3A_4, %broadcast_in_dim3A_2 : vector<16xi1>, vector<16xi32>
        %add3A_2525 = arith.addi %add3A_2519, %select_n3A_2524 : vector<16xi32>
        %get3A_2526 = arith.constant 86 : index
        %get3A_2527 = tpu.vector_load %arg11[%get3A_2526] {strides = array<i32>} : memref<144xi32, #tpu.memory_space<vmem>>, vector<16xi32>,
        %get3A_2528 = vector.shape_cast %get3A_2527 : vector<16xi32> to vector<16xi32>
        %eq3A_2529 = arith.cmpi eq, %get3A_1727, %get3A_2528 : vector<16xi32>
        %select_n3A_2530 = arith.select %eq3A_2529, %broadcast_in_dim3A_4, %broadcast_in_dim3A_2 : vector<16xi1>, vector<16xi32>
        %add3A_2531 = arith.addi %add3A_2525, %select_n3A_2530 : vector<16xi32>
        %get3A_2532 = arith.constant 85 : index
        %get3A_2533 = tpu.vector_load %arg11[%get3A_2532] {strides = array<i32>} : memref<144xi32, #tpu.memory_space<vmem>>, vector<16xi32>,
        %get3A_2534 = vector.shape_cast %get3A_2533 : vector<16xi32> to vector<16xi32>
        %eq3A_2535 = arith.cmpi eq, %get3A_1727, %get3A_2534 : vector<16xi32>
        %select_n3A_2536 = arith.select %eq3A_2535, %broadcast_in_dim3A_4, %broadcast_in_dim3A_2 : vector<16xi1>, vector<16xi32>
        %add3A_2537 = arith.addi %add3A_2531, %select_n3A_2536 : vector<16xi32>
        %get3A_2538 = arith.constant 84 : index
        %get3A_2539 = tpu.vector_load %arg11[%get3A_2538] {strides = array<i32>} : memref<144xi32, #tpu.memory_space<vmem>>, vector<16xi32>,
        %get3A_2540 = vector.shape_cast %get3A_2539 : vector<16xi32> to vector<16xi32>
        %eq3A_2541 = arith.cmpi eq, %get3A_1727, %get3A_2540 : vector<16xi32>
        %select_n3A_2542 = arith.select %eq3A_2541, %broadcast_in_dim3A_4, %broadcast_in_dim3A_2 : vector<16xi1>, vector<16xi32>
        %add3A_2543 = arith.addi %add3A_2537, %select_n3A_2542 : vector<16xi32>
        %get3A_2544 = arith.constant 83 : index
        %get3A_2545 = tpu.vector_load %arg11[%get3A_2544] {strides = array<i32>} : memref<144xi32, #tpu.memory_space<vmem>>, vector<16xi32>,
        %get3A_2546 = vector.shape_cast %get3A_2545 : vector<16xi32> to vector<16xi32>
        %eq3A_2547 = arith.cmpi eq, %get3A_1727, %get3A_2546 : vector<16xi32>
        %select_n3A_2548 = arith.select %eq3A_2547, %broadcast_in_dim3A_4, %broadcast_in_dim3A_2 : vector<16xi1>, vector<16xi32>
        %add3A_2549 = arith.addi %add3A_2543, %select_n3A_2548 : vector<16xi32>
        %get3A_2550 = arith.constant 82 : index
        %get3A_2551 = tpu.vector_load %arg11[%get3A_2550] {strides = array<i32>} : memref<144xi32, #tpu.memory_space<vmem>>, vector<16xi32>,
        %get3A_2552 = vector.shape_cast %get3A_2551 : vector<16xi32> to vector<16xi32>
        %eq3A_2553 = arith.cmpi eq, %get3A_1727, %get3A_2552 : vector<16xi32>
        %select_n3A_2554 = arith.select %eq3A_2553, %broadcast_in_dim3A_4, %broadcast_in_dim3A_2 : vector<16xi1>, vector<16xi32>
        %add3A_2555 = arith.addi %add3A_2549, %select_n3A_2554 : vector<16xi32>
        %get3A_2556 = arith.constant 81 : index
        %get3A_2557 = tpu.vector_load %arg11[%get3A_2556] {strides = array<i32>} : memref<144xi32, #tpu.memory_space<vmem>>, vector<16xi32>,
        %get3A_2558 = vector.shape_cast %get3A_2557 : vector<16xi32> to vector<16xi32>
        %eq3A_2559 = arith.cmpi eq, %get3A_1727, %get3A_2558 : vector<16xi32>
        %select_n3A_2560 = arith.select %eq3A_2559, %broadcast_in_dim3A_4, %broadcast_in_dim3A_2 : vector<16xi1>, vector<16xi32>
        %add3A_2561 = arith.addi %add3A_2555, %select_n3A_2560 : vector<16xi32>
        %get3A_2562 = arith.constant 80 : index
        %get3A_2563 = tpu.vector_load %arg11[%get3A_2562] {strides = array<i32>} : memref<144xi32, #tpu.memory_space<vmem>>, vector<16xi32>,
        %get3A_2564 = vector.shape_cast %get3A_2563 : vector<16xi32> to vector<16xi32>
        %eq3A_2565 = arith.cmpi eq, %get3A_1727, %get3A_2564 : vector<16xi32>
        %select_n3A_2566 = arith.select %eq3A_2565, %broadcast_in_dim3A_4, %broadcast_in_dim3A_2 : vector<16xi1>, vector<16xi32>
        %add3A_2567 = arith.addi %add3A_2561, %select_n3A_2566 : vector<16xi32>
        %get3A_2568 = arith.constant 79 : index
        %get3A_2569 = tpu.vector_load %arg11[%get3A_2568] {strides = array<i32>} : memref<144xi32, #tpu.memory_space<vmem>>, vector<16xi32>,
        %get3A_2570 = vector.shape_cast %get3A_2569 : vector<16xi32> to vector<16xi32>
        %eq3A_2571 = arith.cmpi eq, %get3A_1727, %get3A_2570 : vector<16xi32>
        %select_n3A_2572 = arith.select %eq3A_2571, %broadcast_in_dim3A_4, %broadcast_in_dim3A_2 : vector<16xi1>, vector<16xi32>
        %add3A_2573 = arith.addi %add3A_2567, %select_n3A_2572 : vector<16xi32>
        %get3A_2574 = arith.constant 78 : index
        %get3A_2575 = tpu.vector_load %arg11[%get3A_2574] {strides = array<i32>} : memref<144xi32, #tpu.memory_space<vmem>>, vector<16xi32>,
        %get3A_2576 = vector.shape_cast %get3A_2575 : vector<16xi32> to vector<16xi32>
        %eq3A_2577 = arith.cmpi eq, %get3A_1727, %get3A_2576 : vector<16xi32>
        %select_n3A_2578 = arith.select %eq3A_2577, %broadcast_in_dim3A_4, %broadcast_in_dim3A_2 : vector<16xi1>, vector<16xi32>
        %add3A_2579 = arith.addi %add3A_2573, %select_n3A_2578 : vector<16xi32>
        %get3A_2580 = arith.constant 77 : index
        %get3A_2581 = tpu.vector_load %arg11[%get3A_2580] {strides = array<i32>} : memref<144xi32, #tpu.memory_space<vmem>>, vector<16xi32>,
        %get3A_2582 = vector.shape_cast %get3A_2581 : vector<16xi32> to vector<16xi32>
        %eq3A_2583 = arith.cmpi eq, %get3A_1727, %get3A_2582 : vector<16xi32>
        %select_n3A_2584 = arith.select %eq3A_2583, %broadcast_in_dim3A_4, %broadcast_in_dim3A_2 : vector<16xi1>, vector<16xi32>
        %add3A_2585 = arith.addi %add3A_2579, %select_n3A_2584 : vector<16xi32>
        %get3A_2586 = arith.constant 76 : index
        %get3A_2587 = tpu.vector_load %arg11[%get3A_2586] {strides = array<i32>} : memref<144xi32, #tpu.memory_space<vmem>>, vector<16xi32>,
        %get3A_2588 = vector.shape_cast %get3A_2587 : vector<16xi32> to vector<16xi32>
        %eq3A_2589 = arith.cmpi eq, %get3A_1727, %get3A_2588 : vector<16xi32>
        %select_n3A_2590 = arith.select %eq3A_2589, %broadcast_in_dim3A_4, %broadcast_in_dim3A_2 : vector<16xi1>, vector<16xi32>
        %add3A_2591 = arith.addi %add3A_2585, %select_n3A_2590 : vector<16xi32>
        %get3A_2592 = arith.constant 75 : index
        %get3A_2593 = tpu.vector_load %arg11[%get3A_2592] {strides = array<i32>} : memref<144xi32, #tpu.memory_space<vmem>>, vector<16xi32>,
        %get3A_2594 = vector.shape_cast %get3A_2593 : vector<16xi32> to vector<16xi32>
        %eq3A_2595 = arith.cmpi eq, %get3A_1727, %get3A_2594 : vector<16xi32>
        %select_n3A_2596 = arith.select %eq3A_2595, %broadcast_in_dim3A_4, %broadcast_in_dim3A_2 : vector<16xi1>, vector<16xi32>
        %add3A_2597 = arith.addi %add3A_2591, %select_n3A_2596 : vector<16xi32>
        %get3A_2598 = arith.constant 74 : index
        %get3A_2599 = tpu.vector_load %arg11[%get3A_2598] {strides = array<i32>} : memref<144xi32, #tpu.memory_space<vmem>>, vector<16xi32>,
        %get3A_2600 = vector.shape_cast %get3A_2599 : vector<16xi32> to vector<16xi32>
        %eq3A_2601 = arith.cmpi eq, %get3A_1727, %get3A_2600 : vector<16xi32>
        %select_n3A_2602 = arith.select %eq3A_2601, %broadcast_in_dim3A_4, %broadcast_in_dim3A_2 : vector<16xi1>, vector<16xi32>
        %add3A_2603 = arith.addi %add3A_2597, %select_n3A_2602 : vector<16xi32>
        %get3A_2604 = arith.constant 73 : index
        %get3A_2605 = tpu.vector_load %arg11[%get3A_2604] {strides = array<i32>} : memref<144xi32, #tpu.memory_space<vmem>>, vector<16xi32>,
        %get3A_2606 = vector.shape_cast %get3A_2605 : vector<16xi32> to vector<16xi32>
        %eq3A_2607 = arith.cmpi eq, %get3A_1727, %get3A_2606 : vector<16xi32>
        %select_n3A_2608 = arith.select %eq3A_2607, %broadcast_in_dim3A_4, %broadcast_in_dim3A_2 : vector<16xi1>, vector<16xi32>
        %add3A_2609 = arith.addi %add3A_2603, %select_n3A_2608 : vector<16xi32>
        %get3A_2610 = arith.constant 72 : index
        %get3A_2611 = tpu.vector_load %arg11[%get3A_2610] {strides = array<i32>} : memref<144xi32, #tpu.memory_space<vmem>>, vector<16xi32>,
        %get3A_2612 = vector.shape_cast %get3A_2611 : vector<16xi32> to vector<16xi32>
        %eq3A_2613 = arith.cmpi eq, %get3A_1727, %get3A_2612 : vector<16xi32>
        %select_n3A_2614 = arith.select %eq3A_2613, %broadcast_in_dim3A_4, %broadcast_in_dim3A_2 : vector<16xi1>, vector<16xi32>
        %add3A_2615 = arith.addi %add3A_2609, %select_n3A_2614 : vector<16xi32>
        %get3A_2616 = arith.constant 71 : index
        %get3A_2617 = tpu.vector_load %arg11[%get3A_2616] {strides = array<i32>} : memref<144xi32, #tpu.memory_space<vmem>>, vector<16xi32>,
        %get3A_2618 = vector.shape_cast %get3A_2617 : vector<16xi32> to vector<16xi32>
        %eq3A_2619 = arith.cmpi eq, %get3A_1727, %get3A_2618 : vector<16xi32>
        %select_n3A_2620 = arith.select %eq3A_2619, %broadcast_in_dim3A_4, %broadcast_in_dim3A_2 : vector<16xi1>, vector<16xi32>
        %add3A_2621 = arith.addi %add3A_2615, %select_n3A_2620 : vector<16xi32>
        %get3A_2622 = arith.constant 70 : index
        %get3A_2623 = tpu.vector_load %arg11[%get3A_2622] {strides = array<i32>} : memref<144xi32, #tpu.memory_space<vmem>>, vector<16xi32>,
        %get3A_2624 = vector.shape_cast %get3A_2623 : vector<16xi32> to vector<16xi32>
        %eq3A_2625 = arith.cmpi eq, %get3A_1727, %get3A_2624 : vector<16xi32>
        %select_n3A_2626 = arith.select %eq3A_2625, %broadcast_in_dim3A_4, %broadcast_in_dim3A_2 : vector<16xi1>, vector<16xi32>
        %add3A_2627 = arith.addi %add3A_2621, %select_n3A_2626 : vector<16xi32>
        %get3A_2628 = arith.constant 69 : index
        %get3A_2629 = tpu.vector_load %arg11[%get3A_2628] {strides = array<i32>} : memref<144xi32, #tpu.memory_space<vmem>>, vector<16xi32>,
        %get3A_2630 = vector.shape_cast %get3A_2629 : vector<16xi32> to vector<16xi32>
        %eq3A_2631 = arith.cmpi eq, %get3A_1727, %get3A_2630 : vector<16xi32>
        %select_n3A_2632 = arith.select %eq3A_2631, %broadcast_in_dim3A_4, %broadcast_in_dim3A_2 : vector<16xi1>, vector<16xi32>
        %add3A_2633 = arith.addi %add3A_2627, %select_n3A_2632 : vector<16xi32>
        %get3A_2634 = arith.constant 68 : index
        %get3A_2635 = tpu.vector_load %arg11[%get3A_2634] {strides = array<i32>} : memref<144xi32, #tpu.memory_space<vmem>>, vector<16xi32>,
        %get3A_2636 = vector.shape_cast %get3A_2635 : vector<16xi32> to vector<16xi32>
        %eq3A_2637 = arith.cmpi eq, %get3A_1727, %get3A_2636 : vector<16xi32>
        %select_n3A_2638 = arith.select %eq3A_2637, %broadcast_in_dim3A_4, %broadcast_in_dim3A_2 : vector<16xi1>, vector<16xi32>
        %add3A_2639 = arith.addi %add3A_2633, %select_n3A_2638 : vector<16xi32>
        %get3A_2640 = arith.constant 67 : index
        %get3A_2641 = tpu.vector_load %arg11[%get3A_2640] {strides = array<i32>} : memref<144xi32, #tpu.memory_space<vmem>>, vector<16xi32>,
        %get3A_2642 = vector.shape_cast %get3A_2641 : vector<16xi32> to vector<16xi32>
        %eq3A_2643 = arith.cmpi eq, %get3A_1727, %get3A_2642 : vector<16xi32>
        %select_n3A_2644 = arith.select %eq3A_2643, %broadcast_in_dim3A_4, %broadcast_in_dim3A_2 : vector<16xi1>, vector<16xi32>
        %add3A_2645 = arith.addi %add3A_2639, %select_n3A_2644 : vector<16xi32>
        %get3A_2646 = arith.constant 66 : index
        %get3A_2647 = tpu.vector_load %arg11[%get3A_2646] {strides = array<i32>} : memref<144xi32, #tpu.memory_space<vmem>>, vector<16xi32>,
        %get3A_2648 = vector.shape_cast %get3A_2647 : vector<16xi32> to vector<16xi32>
        %eq3A_2649 = arith.cmpi eq, %get3A_1727, %get3A_2648 : vector<16xi32>
        %select_n3A_2650 = arith.select %eq3A_2649, %broadcast_in_dim3A_4, %broadcast_in_dim3A_2 : vector<16xi1>, vector<16xi32>
        %add3A_2651 = arith.addi %add3A_2645, %select_n3A_2650 : vector<16xi32>
        %get3A_2652 = arith.constant 65 : index
        %get3A_2653 = tpu.vector_load %arg11[%get3A_2652] {strides = array<i32>} : memref<144xi32, #tpu.memory_space<vmem>>, vector<16xi32>,
        %get3A_2654 = vector.shape_cast %get3A_2653 : vector<16xi32> to vector<16xi32>
        %eq3A_2655 = arith.cmpi eq, %get3A_1727, %get3A_2654 : vector<16xi32>
        %select_n3A_2656 = arith.select %eq3A_2655, %broadcast_in_dim3A_4, %broadcast_in_dim3A_2 : vector<16xi1>, vector<16xi32>
        %add3A_2657 = arith.addi %add3A_2651, %select_n3A_2656 : vector<16xi32>
        %get3A_2658 = arith.constant 64 : index
        %get3A_2659 = tpu.vector_load %arg11[%get3A_2658] {strides = array<i32>} : memref<144xi32, #tpu.memory_space<vmem>>, vector<16xi32>,
        %get3A_2660 = vector.shape_cast %get3A_2659 : vector<16xi32> to vector<16xi32>
        %eq3A_2661 = arith.cmpi eq, %get3A_1727, %get3A_2660 : vector<16xi32>
        %select_n3A_2662 = arith.select %eq3A_2661, %broadcast_in_dim3A_4, %broadcast_in_dim3A_2 : vector<16xi1>, vector<16xi32>
        %add3A_2663 = arith.addi %add3A_2657, %select_n3A_2662 : vector<16xi32>
        %get3A_2664 = arith.constant 63 : index
        %get3A_2665 = tpu.vector_load %arg11[%get3A_2664] {strides = array<i32>} : memref<144xi32, #tpu.memory_space<vmem>>, vector<16xi32>,
        %get3A_2666 = vector.shape_cast %get3A_2665 : vector<16xi32> to vector<16xi32>
        %eq3A_2667 = arith.cmpi eq, %get3A_1727, %get3A_2666 : vector<16xi32>
        %select_n3A_2668 = arith.select %eq3A_2667, %broadcast_in_dim3A_4, %broadcast_in_dim3A_2 : vector<16xi1>, vector<16xi32>
        %add3A_2669 = arith.addi %add3A_2663, %select_n3A_2668 : vector<16xi32>
        %get3A_2670 = arith.constant 62 : index
        %get3A_2671 = tpu.vector_load %arg11[%get3A_2670] {strides = array<i32>} : memref<144xi32, #tpu.memory_space<vmem>>, vector<16xi32>,
        %get3A_2672 = vector.shape_cast %get3A_2671 : vector<16xi32> to vector<16xi32>
        %eq3A_2673 = arith.cmpi eq, %get3A_1727, %get3A_2672 : vector<16xi32>
        %select_n3A_2674 = arith.select %eq3A_2673, %broadcast_in_dim3A_4, %broadcast_in_dim3A_2 : vector<16xi1>, vector<16xi32>
        %add3A_2675 = arith.addi %add3A_2669, %select_n3A_2674 : vector<16xi32>
        %get3A_2676 = arith.constant 61 : index
        %get3A_2677 = tpu.vector_load %arg11[%get3A_2676] {strides = array<i32>} : memref<144xi32, #tpu.memory_space<vmem>>, vector<16xi32>,
        %get3A_2678 = vector.shape_cast %get3A_2677 : vector<16xi32> to vector<16xi32>
        %eq3A_2679 = arith.cmpi eq, %get3A_1727, %get3A_2678 : vector<16xi32>
        %select_n3A_2680 = arith.select %eq3A_2679, %broadcast_in_dim3A_4, %broadcast_in_dim3A_2 : vector<16xi1>, vector<16xi32>
        %add3A_2681 = arith.addi %add3A_2675, %select_n3A_2680 : vector<16xi32>
        %get3A_2682 = arith.constant 60 : index
        %get3A_2683 = tpu.vector_load %arg11[%get3A_2682] {strides = array<i32>} : memref<144xi32, #tpu.memory_space<vmem>>, vector<16xi32>,
        %get3A_2684 = vector.shape_cast %get3A_2683 : vector<16xi32> to vector<16xi32>
        %eq3A_2685 = arith.cmpi eq, %get3A_1727, %get3A_2684 : vector<16xi32>
        %select_n3A_2686 = arith.select %eq3A_2685, %broadcast_in_dim3A_4, %broadcast_in_dim3A_2 : vector<16xi1>, vector<16xi32>
        %add3A_2687 = arith.addi %add3A_2681, %select_n3A_2686 : vector<16xi32>
        %get3A_2688 = arith.constant 59 : index
        %get3A_2689 = tpu.vector_load %arg11[%get3A_2688] {strides = array<i32>} : memref<144xi32, #tpu.memory_space<vmem>>, vector<16xi32>,
        %get3A_2690 = vector.shape_cast %get3A_2689 : vector<16xi32> to vector<16xi32>
        %eq3A_2691 = arith.cmpi eq, %get3A_1727, %get3A_2690 : vector<16xi32>
        %select_n3A_2692 = arith.select %eq3A_2691, %broadcast_in_dim3A_4, %broadcast_in_dim3A_2 : vector<16xi1>, vector<16xi32>
        %add3A_2693 = arith.addi %add3A_2687, %select_n3A_2692 : vector<16xi32>
        %get3A_2694 = arith.constant 58 : index
        %get3A_2695 = tpu.vector_load %arg11[%get3A_2694] {strides = array<i32>} : memref<144xi32, #tpu.memory_space<vmem>>, vector<16xi32>,
        %get3A_2696 = vector.shape_cast %get3A_2695 : vector<16xi32> to vector<16xi32>
        %eq3A_2697 = arith.cmpi eq, %get3A_1727, %get3A_2696 : vector<16xi32>
        %select_n3A_2698 = arith.select %eq3A_2697, %broadcast_in_dim3A_4, %broadcast_in_dim3A_2 : vector<16xi1>, vector<16xi32>
        %add3A_2699 = arith.addi %add3A_2693, %select_n3A_2698 : vector<16xi32>
        %get3A_2700 = arith.constant 57 : index
        %get3A_2701 = tpu.vector_load %arg11[%get3A_2700] {strides = array<i32>} : memref<144xi32, #tpu.memory_space<vmem>>, vector<16xi32>,
        %get3A_2702 = vector.shape_cast %get3A_2701 : vector<16xi32> to vector<16xi32>
        %eq3A_2703 = arith.cmpi eq, %get3A_1727, %get3A_2702 : vector<16xi32>
        %select_n3A_2704 = arith.select %eq3A_2703, %broadcast_in_dim3A_4, %broadcast_in_dim3A_2 : vector<16xi1>, vector<16xi32>
        %add3A_2705 = arith.addi %add3A_2699, %select_n3A_2704 : vector<16xi32>
        %get3A_2706 = arith.constant 56 : index
        %get3A_2707 = tpu.vector_load %arg11[%get3A_2706] {strides = array<i32>} : memref<144xi32, #tpu.memory_space<vmem>>, vector<16xi32>,
        %get3A_2708 = vector.shape_cast %get3A_2707 : vector<16xi32> to vector<16xi32>
        %eq3A_2709 = arith.cmpi eq, %get3A_1727, %get3A_2708 : vector<16xi32>
        %select_n3A_2710 = arith.select %eq3A_2709, %broadcast_in_dim3A_4, %broadcast_in_dim3A_2 : vector<16xi1>, vector<16xi32>
        %add3A_2711 = arith.addi %add3A_2705, %select_n3A_2710 : vector<16xi32>
        %get3A_2712 = arith.constant 55 : index
        %get3A_2713 = tpu.vector_load %arg11[%get3A_2712] {strides = array<i32>} : memref<144xi32, #tpu.memory_space<vmem>>, vector<16xi32>,
        %get3A_2714 = vector.shape_cast %get3A_2713 : vector<16xi32> to vector<16xi32>
        %eq3A_2715 = arith.cmpi eq, %get3A_1727, %get3A_2714 : vector<16xi32>
        %select_n3A_2716 = arith.select %eq3A_2715, %broadcast_in_dim3A_4, %broadcast_in_dim3A_2 : vector<16xi1>, vector<16xi32>
        %add3A_2717 = arith.addi %add3A_2711, %select_n3A_2716 : vector<16xi32>
        %get3A_2718 = arith.constant 54 : index
        %get3A_2719 = tpu.vector_load %arg11[%get3A_2718] {strides = array<i32>} : memref<144xi32, #tpu.memory_space<vmem>>, vector<16xi32>,
        %get3A_2720 = vector.shape_cast %get3A_2719 : vector<16xi32> to vector<16xi32>
        %eq3A_2721 = arith.cmpi eq, %get3A_1727, %get3A_2720 : vector<16xi32>
        %select_n3A_2722 = arith.select %eq3A_2721, %broadcast_in_dim3A_4, %broadcast_in_dim3A_2 : vector<16xi1>, vector<16xi32>
        %add3A_2723 = arith.addi %add3A_2717, %select_n3A_2722 : vector<16xi32>
        %get3A_2724 = arith.constant 53 : index
        %get3A_2725 = tpu.vector_load %arg11[%get3A_2724] {strides = array<i32>} : memref<144xi32, #tpu.memory_space<vmem>>, vector<16xi32>,
        %get3A_2726 = vector.shape_cast %get3A_2725 : vector<16xi32> to vector<16xi32>
        %eq3A_2727 = arith.cmpi eq, %get3A_1727, %get3A_2726 : vector<16xi32>
        %select_n3A_2728 = arith.select %eq3A_2727, %broadcast_in_dim3A_4, %broadcast_in_dim3A_2 : vector<16xi1>, vector<16xi32>
        %add3A_2729 = arith.addi %add3A_2723, %select_n3A_2728 : vector<16xi32>
        %get3A_2730 = arith.constant 52 : index
        %get3A_2731 = tpu.vector_load %arg11[%get3A_2730] {strides = array<i32>} : memref<144xi32, #tpu.memory_space<vmem>>, vector<16xi32>,
        %get3A_2732 = vector.shape_cast %get3A_2731 : vector<16xi32> to vector<16xi32>
        %eq3A_2733 = arith.cmpi eq, %get3A_1727, %get3A_2732 : vector<16xi32>
        %select_n3A_2734 = arith.select %eq3A_2733, %broadcast_in_dim3A_4, %broadcast_in_dim3A_2 : vector<16xi1>, vector<16xi32>
        %add3A_2735 = arith.addi %add3A_2729, %select_n3A_2734 : vector<16xi32>
        %get3A_2736 = arith.constant 51 : index
        %get3A_2737 = tpu.vector_load %arg11[%get3A_2736] {strides = array<i32>} : memref<144xi32, #tpu.memory_space<vmem>>, vector<16xi32>,
        %get3A_2738 = vector.shape_cast %get3A_2737 : vector<16xi32> to vector<16xi32>
        %eq3A_2739 = arith.cmpi eq, %get3A_1727, %get3A_2738 : vector<16xi32>
        %select_n3A_2740 = arith.select %eq3A_2739, %broadcast_in_dim3A_4, %broadcast_in_dim3A_2 : vector<16xi1>, vector<16xi32>
        %add3A_2741 = arith.addi %add3A_2735, %select_n3A_2740 : vector<16xi32>
        %get3A_2742 = arith.constant 50 : index
        %get3A_2743 = tpu.vector_load %arg11[%get3A_2742] {strides = array<i32>} : memref<144xi32, #tpu.memory_space<vmem>>, vector<16xi32>,
        %get3A_2744 = vector.shape_cast %get3A_2743 : vector<16xi32> to vector<16xi32>
        %eq3A_2745 = arith.cmpi eq, %get3A_1727, %get3A_2744 : vector<16xi32>
        %select_n3A_2746 = arith.select %eq3A_2745, %broadcast_in_dim3A_4, %broadcast_in_dim3A_2 : vector<16xi1>, vector<16xi32>
        %add3A_2747 = arith.addi %add3A_2741, %select_n3A_2746 : vector<16xi32>
        %get3A_2748 = arith.constant 49 : index
        %get3A_2749 = tpu.vector_load %arg11[%get3A_2748] {strides = array<i32>} : memref<144xi32, #tpu.memory_space<vmem>>, vector<16xi32>,
        %get3A_2750 = vector.shape_cast %get3A_2749 : vector<16xi32> to vector<16xi32>
        %eq3A_2751 = arith.cmpi eq, %get3A_1727, %get3A_2750 : vector<16xi32>
        %select_n3A_2752 = arith.select %eq3A_2751, %broadcast_in_dim3A_4, %broadcast_in_dim3A_2 : vector<16xi1>, vector<16xi32>
        %add3A_2753 = arith.addi %add3A_2747, %select_n3A_2752 : vector<16xi32>
        %eq3A_2754 = arith.constant 0 : i32
        %eq3A_2755 = vector.broadcast %eq3A_2754 : i32 to vector<16xi32>
        %eq3A_2756 = arith.cmpi eq, %add3A_2753, %eq3A_2755 : vector<16xi32>
        %jit3A_2757 = arith.constant 10008 : i32
        %broadcast_in_dim3A_2758 = vector.broadcast %jit3A_2757 : i32 to vector<16xi32>
        %select_n3A_2759 = arith.select %eq3A_2756, %get3A_1727, %broadcast_in_dim3A_2758 : vector<16xi1>, vector<16xi32>
        %swap3A_2760 = arith.index_cast %sub3A_1650 : i32 to index
        %swap3A_2761 = arith.constant 48 : index
        %swap3A_2762 = tpu.vector_load %arg9[%swap3A_2760, %swap3A_2761] {strides = array<i32>} : memref<2x80xi32, #tpu.memory_space<vmem>>, vector<1x16xi32>,
        %swap3A_2763 = vector.shape_cast %swap3A_2762 : vector<1x16xi32> to vector<16xi32>
        %swap3A_2764 = vector.shape_cast %select_n3A_2759 : vector<16xi32> to vector<1x16xi32>
        tpu.vector_store %arg9[%swap3A_2760, %swap3A_2761], %swap3A_2764 {strides = array<i32>} : memref<2x80xi32, #tpu.memory_space<vmem>>, vector<1x16xi32>,
        %eq3A_2765 = arith.constant 1 : i32
        %eq3A_2766 = vector.broadcast %eq3A_2765 : i32 to vector<16xi32>
        %eq3A_2767 = arith.cmpi eq, %add3A_2753, %eq3A_2766 : vector<16xi32>
        %jit3A_2768 = arith.constant 10008 : i32
        %broadcast_in_dim3A_2769 = vector.broadcast %jit3A_2768 : i32 to vector<16xi32>
        %select_n3A_2770 = arith.select %eq3A_2767, %get3A_1727, %broadcast_in_dim3A_2769 : vector<16xi1>, vector<16xi32>
        %swap3A_2771 = arith.index_cast %sub3A_1650 : i32 to index
        %swap3A_2772 = arith.constant 48 : index
        %swap3A_2773 = tpu.vector_load %arg10[%swap3A_2771, %swap3A_2772] {strides = array<i32>} : memref<2x80xi32, #tpu.memory_space<vmem>>, vector<1x16xi32>,
        %swap3A_2774 = vector.shape_cast %swap3A_2773 : vector<1x16xi32> to vector<16xi32>
        %swap3A_2775 = vector.shape_cast %select_n3A_2770 : vector<16xi32> to vector<1x16xi32>
        tpu.vector_store %arg10[%swap3A_2771, %swap3A_2772], %swap3A_2775 {strides = array<i32>} : memref<2x80xi32, #tpu.memory_space<vmem>>, vector<1x16xi32>,
        %get3A_2776 = arith.constant 127 : index
        %get3A_2777 = tpu.vector_load %arg11[%get3A_2776] {strides = array<i32>} : memref<144xi32, #tpu.memory_space<vmem>>, vector<16xi32>,
        %get3A_2778 = vector.shape_cast %get3A_2777 : vector<16xi32> to vector<16xi32>
        %eq3A_2779 = arith.cmpi eq, %get3A_1731, %get3A_2778 : vector<16xi32>
        %select_n3A_2780 = arith.select %eq3A_2779, %broadcast_in_dim3A_4, %broadcast_in_dim3A_2 : vector<16xi1>, vector<16xi32>
        %add3A_2781 = arith.addi %broadcast_in_dim3A_2, %select_n3A_2780 : vector<16xi32>
        %get3A_2782 = arith.constant 126 : index
        %get3A_2783 = tpu.vector_load %arg11[%get3A_2782] {strides = array<i32>} : memref<144xi32, #tpu.memory_space<vmem>>, vector<16xi32>,
        %get3A_2784 = vector.shape_cast %get3A_2783 : vector<16xi32> to vector<16xi32>
        %eq3A_2785 = arith.cmpi eq, %get3A_1731, %get3A_2784 : vector<16xi32>
        %select_n3A_2786 = arith.select %eq3A_2785, %broadcast_in_dim3A_4, %broadcast_in_dim3A_2 : vector<16xi1>, vector<16xi32>
        %add3A_2787 = arith.addi %add3A_2781, %select_n3A_2786 : vector<16xi32>
        %get3A_2788 = arith.constant 125 : index
        %get3A_2789 = tpu.vector_load %arg11[%get3A_2788] {strides = array<i32>} : memref<144xi32, #tpu.memory_space<vmem>>, vector<16xi32>,
        %get3A_2790 = vector.shape_cast %get3A_2789 : vector<16xi32> to vector<16xi32>
        %eq3A_2791 = arith.cmpi eq, %get3A_1731, %get3A_2790 : vector<16xi32>
        %select_n3A_2792 = arith.select %eq3A_2791, %broadcast_in_dim3A_4, %broadcast_in_dim3A_2 : vector<16xi1>, vector<16xi32>
        %add3A_2793 = arith.addi %add3A_2787, %select_n3A_2792 : vector<16xi32>
        %get3A_2794 = arith.constant 124 : index
        %get3A_2795 = tpu.vector_load %arg11[%get3A_2794] {strides = array<i32>} : memref<144xi32, #tpu.memory_space<vmem>>, vector<16xi32>,
        %get3A_2796 = vector.shape_cast %get3A_2795 : vector<16xi32> to vector<16xi32>
        %eq3A_2797 = arith.cmpi eq, %get3A_1731, %get3A_2796 : vector<16xi32>
        %select_n3A_2798 = arith.select %eq3A_2797, %broadcast_in_dim3A_4, %broadcast_in_dim3A_2 : vector<16xi1>, vector<16xi32>
        %add3A_2799 = arith.addi %add3A_2793, %select_n3A_2798 : vector<16xi32>
        %get3A_2800 = arith.constant 123 : index
        %get3A_2801 = tpu.vector_load %arg11[%get3A_2800] {strides = array<i32>} : memref<144xi32, #tpu.memory_space<vmem>>, vector<16xi32>,
        %get3A_2802 = vector.shape_cast %get3A_2801 : vector<16xi32> to vector<16xi32>
        %eq3A_2803 = arith.cmpi eq, %get3A_1731, %get3A_2802 : vector<16xi32>
        %select_n3A_2804 = arith.select %eq3A_2803, %broadcast_in_dim3A_4, %broadcast_in_dim3A_2 : vector<16xi1>, vector<16xi32>
        %add3A_2805 = arith.addi %add3A_2799, %select_n3A_2804 : vector<16xi32>
        %get3A_2806 = arith.constant 122 : index
        %get3A_2807 = tpu.vector_load %arg11[%get3A_2806] {strides = array<i32>} : memref<144xi32, #tpu.memory_space<vmem>>, vector<16xi32>,
        %get3A_2808 = vector.shape_cast %get3A_2807 : vector<16xi32> to vector<16xi32>
        %eq3A_2809 = arith.cmpi eq, %get3A_1731, %get3A_2808 : vector<16xi32>
        %select_n3A_2810 = arith.select %eq3A_2809, %broadcast_in_dim3A_4, %broadcast_in_dim3A_2 : vector<16xi1>, vector<16xi32>
        %add3A_2811 = arith.addi %add3A_2805, %select_n3A_2810 : vector<16xi32>
        %get3A_2812 = arith.constant 121 : index
        %get3A_2813 = tpu.vector_load %arg11[%get3A_2812] {strides = array<i32>} : memref<144xi32, #tpu.memory_space<vmem>>, vector<16xi32>,
        %get3A_2814 = vector.shape_cast %get3A_2813 : vector<16xi32> to vector<16xi32>
        %eq3A_2815 = arith.cmpi eq, %get3A_1731, %get3A_2814 : vector<16xi32>
        %select_n3A_2816 = arith.select %eq3A_2815, %broadcast_in_dim3A_4, %broadcast_in_dim3A_2 : vector<16xi1>, vector<16xi32>
        %add3A_2817 = arith.addi %add3A_2811, %select_n3A_2816 : vector<16xi32>
        %get3A_2818 = arith.constant 120 : index
        %get3A_2819 = tpu.vector_load %arg11[%get3A_2818] {strides = array<i32>} : memref<144xi32, #tpu.memory_space<vmem>>, vector<16xi32>,
        %get3A_2820 = vector.shape_cast %get3A_2819 : vector<16xi32> to vector<16xi32>
        %eq3A_2821 = arith.cmpi eq, %get3A_1731, %get3A_2820 : vector<16xi32>
        %select_n3A_2822 = arith.select %eq3A_2821, %broadcast_in_dim3A_4, %broadcast_in_dim3A_2 : vector<16xi1>, vector<16xi32>
        %add3A_2823 = arith.addi %add3A_2817, %select_n3A_2822 : vector<16xi32>
        %get3A_2824 = arith.constant 119 : index
        %get3A_2825 = tpu.vector_load %arg11[%get3A_2824] {strides = array<i32>} : memref<144xi32, #tpu.memory_space<vmem>>, vector<16xi32>,
        %get3A_2826 = vector.shape_cast %get3A_2825 : vector<16xi32> to vector<16xi32>
        %eq3A_2827 = arith.cmpi eq, %get3A_1731, %get3A_2826 : vector<16xi32>
        %select_n3A_2828 = arith.select %eq3A_2827, %broadcast_in_dim3A_4, %broadcast_in_dim3A_2 : vector<16xi1>, vector<16xi32>
        %add3A_2829 = arith.addi %add3A_2823, %select_n3A_2828 : vector<16xi32>
        %get3A_2830 = arith.constant 118 : index
        %get3A_2831 = tpu.vector_load %arg11[%get3A_2830] {strides = array<i32>} : memref<144xi32, #tpu.memory_space<vmem>>, vector<16xi32>,
        %get3A_2832 = vector.shape_cast %get3A_2831 : vector<16xi32> to vector<16xi32>
        %eq3A_2833 = arith.cmpi eq, %get3A_1731, %get3A_2832 : vector<16xi32>
        %select_n3A_2834 = arith.select %eq3A_2833, %broadcast_in_dim3A_4, %broadcast_in_dim3A_2 : vector<16xi1>, vector<16xi32>
        %add3A_2835 = arith.addi %add3A_2829, %select_n3A_2834 : vector<16xi32>
        %get3A_2836 = arith.constant 117 : index
        %get3A_2837 = tpu.vector_load %arg11[%get3A_2836] {strides = array<i32>} : memref<144xi32, #tpu.memory_space<vmem>>, vector<16xi32>,
        %get3A_2838 = vector.shape_cast %get3A_2837 : vector<16xi32> to vector<16xi32>
        %eq3A_2839 = arith.cmpi eq, %get3A_1731, %get3A_2838 : vector<16xi32>
        %select_n3A_2840 = arith.select %eq3A_2839, %broadcast_in_dim3A_4, %broadcast_in_dim3A_2 : vector<16xi1>, vector<16xi32>
        %add3A_2841 = arith.addi %add3A_2835, %select_n3A_2840 : vector<16xi32>
        %get3A_2842 = arith.constant 116 : index
        %get3A_2843 = tpu.vector_load %arg11[%get3A_2842] {strides = array<i32>} : memref<144xi32, #tpu.memory_space<vmem>>, vector<16xi32>,
        %get3A_2844 = vector.shape_cast %get3A_2843 : vector<16xi32> to vector<16xi32>
        %eq3A_2845 = arith.cmpi eq, %get3A_1731, %get3A_2844 : vector<16xi32>
        %select_n3A_2846 = arith.select %eq3A_2845, %broadcast_in_dim3A_4, %broadcast_in_dim3A_2 : vector<16xi1>, vector<16xi32>
        %add3A_2847 = arith.addi %add3A_2841, %select_n3A_2846 : vector<16xi32>
        %get3A_2848 = arith.constant 115 : index
        %get3A_2849 = tpu.vector_load %arg11[%get3A_2848] {strides = array<i32>} : memref<144xi32, #tpu.memory_space<vmem>>, vector<16xi32>,
        %get3A_2850 = vector.shape_cast %get3A_2849 : vector<16xi32> to vector<16xi32>
        %eq3A_2851 = arith.cmpi eq, %get3A_1731, %get3A_2850 : vector<16xi32>
        %select_n3A_2852 = arith.select %eq3A_2851, %broadcast_in_dim3A_4, %broadcast_in_dim3A_2 : vector<16xi1>, vector<16xi32>
        %add3A_2853 = arith.addi %add3A_2847, %select_n3A_2852 : vector<16xi32>
        %get3A_2854 = arith.constant 114 : index
        %get3A_2855 = tpu.vector_load %arg11[%get3A_2854] {strides = array<i32>} : memref<144xi32, #tpu.memory_space<vmem>>, vector<16xi32>,
        %get3A_2856 = vector.shape_cast %get3A_2855 : vector<16xi32> to vector<16xi32>
        %eq3A_2857 = arith.cmpi eq, %get3A_1731, %get3A_2856 : vector<16xi32>
        %select_n3A_2858 = arith.select %eq3A_2857, %broadcast_in_dim3A_4, %broadcast_in_dim3A_2 : vector<16xi1>, vector<16xi32>
        %add3A_2859 = arith.addi %add3A_2853, %select_n3A_2858 : vector<16xi32>
        %get3A_2860 = arith.constant 113 : index
        %get3A_2861 = tpu.vector_load %arg11[%get3A_2860] {strides = array<i32>} : memref<144xi32, #tpu.memory_space<vmem>>, vector<16xi32>,
        %get3A_2862 = vector.shape_cast %get3A_2861 : vector<16xi32> to vector<16xi32>
        %eq3A_2863 = arith.cmpi eq, %get3A_1731, %get3A_2862 : vector<16xi32>
        %select_n3A_2864 = arith.select %eq3A_2863, %broadcast_in_dim3A_4, %broadcast_in_dim3A_2 : vector<16xi1>, vector<16xi32>
        %add3A_2865 = arith.addi %add3A_2859, %select_n3A_2864 : vector<16xi32>
        %get3A_2866 = arith.constant 112 : index
        %get3A_2867 = tpu.vector_load %arg11[%get3A_2866] {strides = array<i32>} : memref<144xi32, #tpu.memory_space<vmem>>, vector<16xi32>,
        %get3A_2868 = vector.shape_cast %get3A_2867 : vector<16xi32> to vector<16xi32>
        %eq3A_2869 = arith.cmpi eq, %get3A_1731, %get3A_2868 : vector<16xi32>
        %select_n3A_2870 = arith.select %eq3A_2869, %broadcast_in_dim3A_4, %broadcast_in_dim3A_2 : vector<16xi1>, vector<16xi32>
        %add3A_2871 = arith.addi %add3A_2865, %select_n3A_2870 : vector<16xi32>
        %get3A_2872 = arith.constant 111 : index
        %get3A_2873 = tpu.vector_load %arg11[%get3A_2872] {strides = array<i32>} : memref<144xi32, #tpu.memory_space<vmem>>, vector<16xi32>,
        %get3A_2874 = vector.shape_cast %get3A_2873 : vector<16xi32> to vector<16xi32>
        %eq3A_2875 = arith.cmpi eq, %get3A_1731, %get3A_2874 : vector<16xi32>
        %select_n3A_2876 = arith.select %eq3A_2875, %broadcast_in_dim3A_4, %broadcast_in_dim3A_2 : vector<16xi1>, vector<16xi32>
        %add3A_2877 = arith.addi %add3A_2871, %select_n3A_2876 : vector<16xi32>
        %get3A_2878 = arith.constant 110 : index
        %get3A_2879 = tpu.vector_load %arg11[%get3A_2878] {strides = array<i32>} : memref<144xi32, #tpu.memory_space<vmem>>, vector<16xi32>,
        %get3A_2880 = vector.shape_cast %get3A_2879 : vector<16xi32> to vector<16xi32>
        %eq3A_2881 = arith.cmpi eq, %get3A_1731, %get3A_2880 : vector<16xi32>
        %select_n3A_2882 = arith.select %eq3A_2881, %broadcast_in_dim3A_4, %broadcast_in_dim3A_2 : vector<16xi1>, vector<16xi32>
        %add3A_2883 = arith.addi %add3A_2877, %select_n3A_2882 : vector<16xi32>
        %get3A_2884 = arith.constant 109 : index
        %get3A_2885 = tpu.vector_load %arg11[%get3A_2884] {strides = array<i32>} : memref<144xi32, #tpu.memory_space<vmem>>, vector<16xi32>,
        %get3A_2886 = vector.shape_cast %get3A_2885 : vector<16xi32> to vector<16xi32>
        %eq3A_2887 = arith.cmpi eq, %get3A_1731, %get3A_2886 : vector<16xi32>
        %select_n3A_2888 = arith.select %eq3A_2887, %broadcast_in_dim3A_4, %broadcast_in_dim3A_2 : vector<16xi1>, vector<16xi32>
        %add3A_2889 = arith.addi %add3A_2883, %select_n3A_2888 : vector<16xi32>
        %get3A_2890 = arith.constant 108 : index
        %get3A_2891 = tpu.vector_load %arg11[%get3A_2890] {strides = array<i32>} : memref<144xi32, #tpu.memory_space<vmem>>, vector<16xi32>,
        %get3A_2892 = vector.shape_cast %get3A_2891 : vector<16xi32> to vector<16xi32>
        %eq3A_2893 = arith.cmpi eq, %get3A_1731, %get3A_2892 : vector<16xi32>
        %select_n3A_2894 = arith.select %eq3A_2893, %broadcast_in_dim3A_4, %broadcast_in_dim3A_2 : vector<16xi1>, vector<16xi32>
        %add3A_2895 = arith.addi %add3A_2889, %select_n3A_2894 : vector<16xi32>
        %get3A_2896 = arith.constant 107 : index
        %get3A_2897 = tpu.vector_load %arg11[%get3A_2896] {strides = array<i32>} : memref<144xi32, #tpu.memory_space<vmem>>, vector<16xi32>,
        %get3A_2898 = vector.shape_cast %get3A_2897 : vector<16xi32> to vector<16xi32>
        %eq3A_2899 = arith.cmpi eq, %get3A_1731, %get3A_2898 : vector<16xi32>
        %select_n3A_2900 = arith.select %eq3A_2899, %broadcast_in_dim3A_4, %broadcast_in_dim3A_2 : vector<16xi1>, vector<16xi32>
        %add3A_2901 = arith.addi %add3A_2895, %select_n3A_2900 : vector<16xi32>
        %get3A_2902 = arith.constant 106 : index
        %get3A_2903 = tpu.vector_load %arg11[%get3A_2902] {strides = array<i32>} : memref<144xi32, #tpu.memory_space<vmem>>, vector<16xi32>,
        %get3A_2904 = vector.shape_cast %get3A_2903 : vector<16xi32> to vector<16xi32>
        %eq3A_2905 = arith.cmpi eq, %get3A_1731, %get3A_2904 : vector<16xi32>
        %select_n3A_2906 = arith.select %eq3A_2905, %broadcast_in_dim3A_4, %broadcast_in_dim3A_2 : vector<16xi1>, vector<16xi32>
        %add3A_2907 = arith.addi %add3A_2901, %select_n3A_2906 : vector<16xi32>
        %get3A_2908 = arith.constant 105 : index
        %get3A_2909 = tpu.vector_load %arg11[%get3A_2908] {strides = array<i32>} : memref<144xi32, #tpu.memory_space<vmem>>, vector<16xi32>,
        %get3A_2910 = vector.shape_cast %get3A_2909 : vector<16xi32> to vector<16xi32>
        %eq3A_2911 = arith.cmpi eq, %get3A_1731, %get3A_2910 : vector<16xi32>
        %select_n3A_2912 = arith.select %eq3A_2911, %broadcast_in_dim3A_4, %broadcast_in_dim3A_2 : vector<16xi1>, vector<16xi32>
        %add3A_2913 = arith.addi %add3A_2907, %select_n3A_2912 : vector<16xi32>
        %get3A_2914 = arith.constant 104 : index
        %get3A_2915 = tpu.vector_load %arg11[%get3A_2914] {strides = array<i32>} : memref<144xi32, #tpu.memory_space<vmem>>, vector<16xi32>,
        %get3A_2916 = vector.shape_cast %get3A_2915 : vector<16xi32> to vector<16xi32>
        %eq3A_2917 = arith.cmpi eq, %get3A_1731, %get3A_2916 : vector<16xi32>
        %select_n3A_2918 = arith.select %eq3A_2917, %broadcast_in_dim3A_4, %broadcast_in_dim3A_2 : vector<16xi1>, vector<16xi32>
        %add3A_2919 = arith.addi %add3A_2913, %select_n3A_2918 : vector<16xi32>
        %get3A_2920 = arith.constant 103 : index
        %get3A_2921 = tpu.vector_load %arg11[%get3A_2920] {strides = array<i32>} : memref<144xi32, #tpu.memory_space<vmem>>, vector<16xi32>,
        %get3A_2922 = vector.shape_cast %get3A_2921 : vector<16xi32> to vector<16xi32>
        %eq3A_2923 = arith.cmpi eq, %get3A_1731, %get3A_2922 : vector<16xi32>
        %select_n3A_2924 = arith.select %eq3A_2923, %broadcast_in_dim3A_4, %broadcast_in_dim3A_2 : vector<16xi1>, vector<16xi32>
        %add3A_2925 = arith.addi %add3A_2919, %select_n3A_2924 : vector<16xi32>
        %get3A_2926 = arith.constant 102 : index
        %get3A_2927 = tpu.vector_load %arg11[%get3A_2926] {strides = array<i32>} : memref<144xi32, #tpu.memory_space<vmem>>, vector<16xi32>,
        %get3A_2928 = vector.shape_cast %get3A_2927 : vector<16xi32> to vector<16xi32>
        %eq3A_2929 = arith.cmpi eq, %get3A_1731, %get3A_2928 : vector<16xi32>
        %select_n3A_2930 = arith.select %eq3A_2929, %broadcast_in_dim3A_4, %broadcast_in_dim3A_2 : vector<16xi1>, vector<16xi32>
        %add3A_2931 = arith.addi %add3A_2925, %select_n3A_2930 : vector<16xi32>
        %get3A_2932 = arith.constant 101 : index
        %get3A_2933 = tpu.vector_load %arg11[%get3A_2932] {strides = array<i32>} : memref<144xi32, #tpu.memory_space<vmem>>, vector<16xi32>,
        %get3A_2934 = vector.shape_cast %get3A_2933 : vector<16xi32> to vector<16xi32>
        %eq3A_2935 = arith.cmpi eq, %get3A_1731, %get3A_2934 : vector<16xi32>
        %select_n3A_2936 = arith.select %eq3A_2935, %broadcast_in_dim3A_4, %broadcast_in_dim3A_2 : vector<16xi1>, vector<16xi32>
        %add3A_2937 = arith.addi %add3A_2931, %select_n3A_2936 : vector<16xi32>
        %get3A_2938 = arith.constant 100 : index
        %get3A_2939 = tpu.vector_load %arg11[%get3A_2938] {strides = array<i32>} : memref<144xi32, #tpu.memory_space<vmem>>, vector<16xi32>,
        %get3A_2940 = vector.shape_cast %get3A_2939 : vector<16xi32> to vector<16xi32>
        %eq3A_2941 = arith.cmpi eq, %get3A_1731, %get3A_2940 : vector<16xi32>
        %select_n3A_2942 = arith.select %eq3A_2941, %broadcast_in_dim3A_4, %broadcast_in_dim3A_2 : vector<16xi1>, vector<16xi32>
        %add3A_2943 = arith.addi %add3A_2937, %select_n3A_2942 : vector<16xi32>
        %get3A_2944 = arith.constant 99 : index
        %get3A_2945 = tpu.vector_load %arg11[%get3A_2944] {strides = array<i32>} : memref<144xi32, #tpu.memory_space<vmem>>, vector<16xi32>,
        %get3A_2946 = vector.shape_cast %get3A_2945 : vector<16xi32> to vector<16xi32>
        %eq3A_2947 = arith.cmpi eq, %get3A_1731, %get3A_2946 : vector<16xi32>
        %select_n3A_2948 = arith.select %eq3A_2947, %broadcast_in_dim3A_4, %broadcast_in_dim3A_2 : vector<16xi1>, vector<16xi32>
        %add3A_2949 = arith.addi %add3A_2943, %select_n3A_2948 : vector<16xi32>
        %get3A_2950 = arith.constant 98 : index
        %get3A_2951 = tpu.vector_load %arg11[%get3A_2950] {strides = array<i32>} : memref<144xi32, #tpu.memory_space<vmem>>, vector<16xi32>,
        %get3A_2952 = vector.shape_cast %get3A_2951 : vector<16xi32> to vector<16xi32>
        %eq3A_2953 = arith.cmpi eq, %get3A_1731, %get3A_2952 : vector<16xi32>
        %select_n3A_2954 = arith.select %eq3A_2953, %broadcast_in_dim3A_4, %broadcast_in_dim3A_2 : vector<16xi1>, vector<16xi32>
        %add3A_2955 = arith.addi %add3A_2949, %select_n3A_2954 : vector<16xi32>
        %get3A_2956 = arith.constant 97 : index
        %get3A_2957 = tpu.vector_load %arg11[%get3A_2956] {strides = array<i32>} : memref<144xi32, #tpu.memory_space<vmem>>, vector<16xi32>,
        %get3A_2958 = vector.shape_cast %get3A_2957 : vector<16xi32> to vector<16xi32>
        %eq3A_2959 = arith.cmpi eq, %get3A_1731, %get3A_2958 : vector<16xi32>
        %select_n3A_2960 = arith.select %eq3A_2959, %broadcast_in_dim3A_4, %broadcast_in_dim3A_2 : vector<16xi1>, vector<16xi32>
        %add3A_2961 = arith.addi %add3A_2955, %select_n3A_2960 : vector<16xi32>
        %get3A_2962 = arith.constant 96 : index
        %get3A_2963 = tpu.vector_load %arg11[%get3A_2962] {strides = array<i32>} : memref<144xi32, #tpu.memory_space<vmem>>, vector<16xi32>,
        %get3A_2964 = vector.shape_cast %get3A_2963 : vector<16xi32> to vector<16xi32>
        %eq3A_2965 = arith.cmpi eq, %get3A_1731, %get3A_2964 : vector<16xi32>
        %select_n3A_2966 = arith.select %eq3A_2965, %broadcast_in_dim3A_4, %broadcast_in_dim3A_2 : vector<16xi1>, vector<16xi32>
        %add3A_2967 = arith.addi %add3A_2961, %select_n3A_2966 : vector<16xi32>
        %get3A_2968 = arith.constant 95 : index
        %get3A_2969 = tpu.vector_load %arg11[%get3A_2968] {strides = array<i32>} : memref<144xi32, #tpu.memory_space<vmem>>, vector<16xi32>,
        %get3A_2970 = vector.shape_cast %get3A_2969 : vector<16xi32> to vector<16xi32>
        %eq3A_2971 = arith.cmpi eq, %get3A_1731, %get3A_2970 : vector<16xi32>
        %select_n3A_2972 = arith.select %eq3A_2971, %broadcast_in_dim3A_4, %broadcast_in_dim3A_2 : vector<16xi1>, vector<16xi32>
        %add3A_2973 = arith.addi %add3A_2967, %select_n3A_2972 : vector<16xi32>
        %get3A_2974 = arith.constant 94 : index
        %get3A_2975 = tpu.vector_load %arg11[%get3A_2974] {strides = array<i32>} : memref<144xi32, #tpu.memory_space<vmem>>, vector<16xi32>,
        %get3A_2976 = vector.shape_cast %get3A_2975 : vector<16xi32> to vector<16xi32>
        %eq3A_2977 = arith.cmpi eq, %get3A_1731, %get3A_2976 : vector<16xi32>
        %select_n3A_2978 = arith.select %eq3A_2977, %broadcast_in_dim3A_4, %broadcast_in_dim3A_2 : vector<16xi1>, vector<16xi32>
        %add3A_2979 = arith.addi %add3A_2973, %select_n3A_2978 : vector<16xi32>
        %get3A_2980 = arith.constant 93 : index
        %get3A_2981 = tpu.vector_load %arg11[%get3A_2980] {strides = array<i32>} : memref<144xi32, #tpu.memory_space<vmem>>, vector<16xi32>,
        %get3A_2982 = vector.shape_cast %get3A_2981 : vector<16xi32> to vector<16xi32>
        %eq3A_2983 = arith.cmpi eq, %get3A_1731, %get3A_2982 : vector<16xi32>
        %select_n3A_2984 = arith.select %eq3A_2983, %broadcast_in_dim3A_4, %broadcast_in_dim3A_2 : vector<16xi1>, vector<16xi32>
        %add3A_2985 = arith.addi %add3A_2979, %select_n3A_2984 : vector<16xi32>
        %get3A_2986 = arith.constant 92 : index
        %get3A_2987 = tpu.vector_load %arg11[%get3A_2986] {strides = array<i32>} : memref<144xi32, #tpu.memory_space<vmem>>, vector<16xi32>,
        %get3A_2988 = vector.shape_cast %get3A_2987 : vector<16xi32> to vector<16xi32>
        %eq3A_2989 = arith.cmpi eq, %get3A_1731, %get3A_2988 : vector<16xi32>
        %select_n3A_2990 = arith.select %eq3A_2989, %broadcast_in_dim3A_4, %broadcast_in_dim3A_2 : vector<16xi1>, vector<16xi32>
        %add3A_2991 = arith.addi %add3A_2985, %select_n3A_2990 : vector<16xi32>
        %get3A_2992 = arith.constant 91 : index
        %get3A_2993 = tpu.vector_load %arg11[%get3A_2992] {strides = array<i32>} : memref<144xi32, #tpu.memory_space<vmem>>, vector<16xi32>,
        %get3A_2994 = vector.shape_cast %get3A_2993 : vector<16xi32> to vector<16xi32>
        %eq3A_2995 = arith.cmpi eq, %get3A_1731, %get3A_2994 : vector<16xi32>
        %select_n3A_2996 = arith.select %eq3A_2995, %broadcast_in_dim3A_4, %broadcast_in_dim3A_2 : vector<16xi1>, vector<16xi32>
        %add3A_2997 = arith.addi %add3A_2991, %select_n3A_2996 : vector<16xi32>
        %get3A_2998 = arith.constant 90 : index
        %get3A_2999 = tpu.vector_load %arg11[%get3A_2998] {strides = array<i32>} : memref<144xi32, #tpu.memory_space<vmem>>, vector<16xi32>,
        %get3A_3000 = vector.shape_cast %get3A_2999 : vector<16xi32> to vector<16xi32>
        %eq3A_3001 = arith.cmpi eq, %get3A_1731, %get3A_3000 : vector<16xi32>
        %select_n3A_3002 = arith.select %eq3A_3001, %broadcast_in_dim3A_4, %broadcast_in_dim3A_2 : vector<16xi1>, vector<16xi32>
        %add3A_3003 = arith.addi %add3A_2997, %select_n3A_3002 : vector<16xi32>
        %get3A_3004 = arith.constant 89 : index
        %get3A_3005 = tpu.vector_load %arg11[%get3A_3004] {strides = array<i32>} : memref<144xi32, #tpu.memory_space<vmem>>, vector<16xi32>,
        %get3A_3006 = vector.shape_cast %get3A_3005 : vector<16xi32> to vector<16xi32>
        %eq3A_3007 = arith.cmpi eq, %get3A_1731, %get3A_3006 : vector<16xi32>
        %select_n3A_3008 = arith.select %eq3A_3007, %broadcast_in_dim3A_4, %broadcast_in_dim3A_2 : vector<16xi1>, vector<16xi32>
        %add3A_3009 = arith.addi %add3A_3003, %select_n3A_3008 : vector<16xi32>
        %get3A_3010 = arith.constant 88 : index
        %get3A_3011 = tpu.vector_load %arg11[%get3A_3010] {strides = array<i32>} : memref<144xi32, #tpu.memory_space<vmem>>, vector<16xi32>,
        %get3A_3012 = vector.shape_cast %get3A_3011 : vector<16xi32> to vector<16xi32>
        %eq3A_3013 = arith.cmpi eq, %get3A_1731, %get3A_3012 : vector<16xi32>
        %select_n3A_3014 = arith.select %eq3A_3013, %broadcast_in_dim3A_4, %broadcast_in_dim3A_2 : vector<16xi1>, vector<16xi32>
        %add3A_3015 = arith.addi %add3A_3009, %select_n3A_3014 : vector<16xi32>
        %get3A_3016 = arith.constant 87 : index
        %get3A_3017 = tpu.vector_load %arg11[%get3A_3016] {strides = array<i32>} : memref<144xi32, #tpu.memory_space<vmem>>, vector<16xi32>,
        %get3A_3018 = vector.shape_cast %get3A_3017 : vector<16xi32> to vector<16xi32>
        %eq3A_3019 = arith.cmpi eq, %get3A_1731, %get3A_3018 : vector<16xi32>
        %select_n3A_3020 = arith.select %eq3A_3019, %broadcast_in_dim3A_4, %broadcast_in_dim3A_2 : vector<16xi1>, vector<16xi32>
        %add3A_3021 = arith.addi %add3A_3015, %select_n3A_3020 : vector<16xi32>
        %get3A_3022 = arith.constant 86 : index
        %get3A_3023 = tpu.vector_load %arg11[%get3A_3022] {strides = array<i32>} : memref<144xi32, #tpu.memory_space<vmem>>, vector<16xi32>,
        %get3A_3024 = vector.shape_cast %get3A_3023 : vector<16xi32> to vector<16xi32>
        %eq3A_3025 = arith.cmpi eq, %get3A_1731, %get3A_3024 : vector<16xi32>
        %select_n3A_3026 = arith.select %eq3A_3025, %broadcast_in_dim3A_4, %broadcast_in_dim3A_2 : vector<16xi1>, vector<16xi32>
        %add3A_3027 = arith.addi %add3A_3021, %select_n3A_3026 : vector<16xi32>
        %get3A_3028 = arith.constant 85 : index
        %get3A_3029 = tpu.vector_load %arg11[%get3A_3028] {strides = array<i32>} : memref<144xi32, #tpu.memory_space<vmem>>, vector<16xi32>,
        %get3A_3030 = vector.shape_cast %get3A_3029 : vector<16xi32> to vector<16xi32>
        %eq3A_3031 = arith.cmpi eq, %get3A_1731, %get3A_3030 : vector<16xi32>
        %select_n3A_3032 = arith.select %eq3A_3031, %broadcast_in_dim3A_4, %broadcast_in_dim3A_2 : vector<16xi1>, vector<16xi32>
        %add3A_3033 = arith.addi %add3A_3027, %select_n3A_3032 : vector<16xi32>
        %get3A_3034 = arith.constant 84 : index
        %get3A_3035 = tpu.vector_load %arg11[%get3A_3034] {strides = array<i32>} : memref<144xi32, #tpu.memory_space<vmem>>, vector<16xi32>,
        %get3A_3036 = vector.shape_cast %get3A_3035 : vector<16xi32> to vector<16xi32>
        %eq3A_3037 = arith.cmpi eq, %get3A_1731, %get3A_3036 : vector<16xi32>
        %select_n3A_3038 = arith.select %eq3A_3037, %broadcast_in_dim3A_4, %broadcast_in_dim3A_2 : vector<16xi1>, vector<16xi32>
        %add3A_3039 = arith.addi %add3A_3033, %select_n3A_3038 : vector<16xi32>
        %get3A_3040 = arith.constant 83 : index
        %get3A_3041 = tpu.vector_load %arg11[%get3A_3040] {strides = array<i32>} : memref<144xi32, #tpu.memory_space<vmem>>, vector<16xi32>,
        %get3A_3042 = vector.shape_cast %get3A_3041 : vector<16xi32> to vector<16xi32>
        %eq3A_3043 = arith.cmpi eq, %get3A_1731, %get3A_3042 : vector<16xi32>
        %select_n3A_3044 = arith.select %eq3A_3043, %broadcast_in_dim3A_4, %broadcast_in_dim3A_2 : vector<16xi1>, vector<16xi32>
        %add3A_3045 = arith.addi %add3A_3039, %select_n3A_3044 : vector<16xi32>
        %get3A_3046 = arith.constant 82 : index
        %get3A_3047 = tpu.vector_load %arg11[%get3A_3046] {strides = array<i32>} : memref<144xi32, #tpu.memory_space<vmem>>, vector<16xi32>,
        %get3A_3048 = vector.shape_cast %get3A_3047 : vector<16xi32> to vector<16xi32>
        %eq3A_3049 = arith.cmpi eq, %get3A_1731, %get3A_3048 : vector<16xi32>
        %select_n3A_3050 = arith.select %eq3A_3049, %broadcast_in_dim3A_4, %broadcast_in_dim3A_2 : vector<16xi1>, vector<16xi32>
        %add3A_3051 = arith.addi %add3A_3045, %select_n3A_3050 : vector<16xi32>
        %get3A_3052 = arith.constant 81 : index
        %get3A_3053 = tpu.vector_load %arg11[%get3A_3052] {strides = array<i32>} : memref<144xi32, #tpu.memory_space<vmem>>, vector<16xi32>,
        %get3A_3054 = vector.shape_cast %get3A_3053 : vector<16xi32> to vector<16xi32>
        %eq3A_3055 = arith.cmpi eq, %get3A_1731, %get3A_3054 : vector<16xi32>
        %select_n3A_3056 = arith.select %eq3A_3055, %broadcast_in_dim3A_4, %broadcast_in_dim3A_2 : vector<16xi1>, vector<16xi32>
        %add3A_3057 = arith.addi %add3A_3051, %select_n3A_3056 : vector<16xi32>
        %get3A_3058 = arith.constant 80 : index
        %get3A_3059 = tpu.vector_load %arg11[%get3A_3058] {strides = array<i32>} : memref<144xi32, #tpu.memory_space<vmem>>, vector<16xi32>,
        %get3A_3060 = vector.shape_cast %get3A_3059 : vector<16xi32> to vector<16xi32>
        %eq3A_3061 = arith.cmpi eq, %get3A_1731, %get3A_3060 : vector<16xi32>
        %select_n3A_3062 = arith.select %eq3A_3061, %broadcast_in_dim3A_4, %broadcast_in_dim3A_2 : vector<16xi1>, vector<16xi32>
        %add3A_3063 = arith.addi %add3A_3057, %select_n3A_3062 : vector<16xi32>
        %get3A_3064 = arith.constant 79 : index
        %get3A_3065 = tpu.vector_load %arg11[%get3A_3064] {strides = array<i32>} : memref<144xi32, #tpu.memory_space<vmem>>, vector<16xi32>,
        %get3A_3066 = vector.shape_cast %get3A_3065 : vector<16xi32> to vector<16xi32>
        %eq3A_3067 = arith.cmpi eq, %get3A_1731, %get3A_3066 : vector<16xi32>
        %select_n3A_3068 = arith.select %eq3A_3067, %broadcast_in_dim3A_4, %broadcast_in_dim3A_2 : vector<16xi1>, vector<16xi32>
        %add3A_3069 = arith.addi %add3A_3063, %select_n3A_3068 : vector<16xi32>
        %get3A_3070 = arith.constant 78 : index
        %get3A_3071 = tpu.vector_load %arg11[%get3A_3070] {strides = array<i32>} : memref<144xi32, #tpu.memory_space<vmem>>, vector<16xi32>,
        %get3A_3072 = vector.shape_cast %get3A_3071 : vector<16xi32> to vector<16xi32>
        %eq3A_3073 = arith.cmpi eq, %get3A_1731, %get3A_3072 : vector<16xi32>
        %select_n3A_3074 = arith.select %eq3A_3073, %broadcast_in_dim3A_4, %broadcast_in_dim3A_2 : vector<16xi1>, vector<16xi32>
        %add3A_3075 = arith.addi %add3A_3069, %select_n3A_3074 : vector<16xi32>
        %get3A_3076 = arith.constant 77 : index
        %get3A_3077 = tpu.vector_load %arg11[%get3A_3076] {strides = array<i32>} : memref<144xi32, #tpu.memory_space<vmem>>, vector<16xi32>,
        %get3A_3078 = vector.shape_cast %get3A_3077 : vector<16xi32> to vector<16xi32>
        %eq3A_3079 = arith.cmpi eq, %get3A_1731, %get3A_3078 : vector<16xi32>
        %select_n3A_3080 = arith.select %eq3A_3079, %broadcast_in_dim3A_4, %broadcast_in_dim3A_2 : vector<16xi1>, vector<16xi32>
        %add3A_3081 = arith.addi %add3A_3075, %select_n3A_3080 : vector<16xi32>
        %get3A_3082 = arith.constant 76 : index
        %get3A_3083 = tpu.vector_load %arg11[%get3A_3082] {strides = array<i32>} : memref<144xi32, #tpu.memory_space<vmem>>, vector<16xi32>,
        %get3A_3084 = vector.shape_cast %get3A_3083 : vector<16xi32> to vector<16xi32>
        %eq3A_3085 = arith.cmpi eq, %get3A_1731, %get3A_3084 : vector<16xi32>
        %select_n3A_3086 = arith.select %eq3A_3085, %broadcast_in_dim3A_4, %broadcast_in_dim3A_2 : vector<16xi1>, vector<16xi32>
        %add3A_3087 = arith.addi %add3A_3081, %select_n3A_3086 : vector<16xi32>
        %get3A_3088 = arith.constant 75 : index
        %get3A_3089 = tpu.vector_load %arg11[%get3A_3088] {strides = array<i32>} : memref<144xi32, #tpu.memory_space<vmem>>, vector<16xi32>,
        %get3A_3090 = vector.shape_cast %get3A_3089 : vector<16xi32> to vector<16xi32>
        %eq3A_3091 = arith.cmpi eq, %get3A_1731, %get3A_3090 : vector<16xi32>
        %select_n3A_3092 = arith.select %eq3A_3091, %broadcast_in_dim3A_4, %broadcast_in_dim3A_2 : vector<16xi1>, vector<16xi32>
        %add3A_3093 = arith.addi %add3A_3087, %select_n3A_3092 : vector<16xi32>
        %get3A_3094 = arith.constant 74 : index
        %get3A_3095 = tpu.vector_load %arg11[%get3A_3094] {strides = array<i32>} : memref<144xi32, #tpu.memory_space<vmem>>, vector<16xi32>,
        %get3A_3096 = vector.shape_cast %get3A_3095 : vector<16xi32> to vector<16xi32>
        %eq3A_3097 = arith.cmpi eq, %get3A_1731, %get3A_3096 : vector<16xi32>
        %select_n3A_3098 = arith.select %eq3A_3097, %broadcast_in_dim3A_4, %broadcast_in_dim3A_2 : vector<16xi1>, vector<16xi32>
        %add3A_3099 = arith.addi %add3A_3093, %select_n3A_3098 : vector<16xi32>
        %get3A_3100 = arith.constant 73 : index
        %get3A_3101 = tpu.vector_load %arg11[%get3A_3100] {strides = array<i32>} : memref<144xi32, #tpu.memory_space<vmem>>, vector<16xi32>,
        %get3A_3102 = vector.shape_cast %get3A_3101 : vector<16xi32> to vector<16xi32>
        %eq3A_3103 = arith.cmpi eq, %get3A_1731, %get3A_3102 : vector<16xi32>
        %select_n3A_3104 = arith.select %eq3A_3103, %broadcast_in_dim3A_4, %broadcast_in_dim3A_2 : vector<16xi1>, vector<16xi32>
        %add3A_3105 = arith.addi %add3A_3099, %select_n3A_3104 : vector<16xi32>
        %get3A_3106 = arith.constant 72 : index
        %get3A_3107 = tpu.vector_load %arg11[%get3A_3106] {strides = array<i32>} : memref<144xi32, #tpu.memory_space<vmem>>, vector<16xi32>,
        %get3A_3108 = vector.shape_cast %get3A_3107 : vector<16xi32> to vector<16xi32>
        %eq3A_3109 = arith.cmpi eq, %get3A_1731, %get3A_3108 : vector<16xi32>
        %select_n3A_3110 = arith.select %eq3A_3109, %broadcast_in_dim3A_4, %broadcast_in_dim3A_2 : vector<16xi1>, vector<16xi32>
        %add3A_3111 = arith.addi %add3A_3105, %select_n3A_3110 : vector<16xi32>
        %get3A_3112 = arith.constant 71 : index
        %get3A_3113 = tpu.vector_load %arg11[%get3A_3112] {strides = array<i32>} : memref<144xi32, #tpu.memory_space<vmem>>, vector<16xi32>,
        %get3A_3114 = vector.shape_cast %get3A_3113 : vector<16xi32> to vector<16xi32>
        %eq3A_3115 = arith.cmpi eq, %get3A_1731, %get3A_3114 : vector<16xi32>
        %select_n3A_3116 = arith.select %eq3A_3115, %broadcast_in_dim3A_4, %broadcast_in_dim3A_2 : vector<16xi1>, vector<16xi32>
        %add3A_3117 = arith.addi %add3A_3111, %select_n3A_3116 : vector<16xi32>
        %get3A_3118 = arith.constant 70 : index
        %get3A_3119 = tpu.vector_load %arg11[%get3A_3118] {strides = array<i32>} : memref<144xi32, #tpu.memory_space<vmem>>, vector<16xi32>,
        %get3A_3120 = vector.shape_cast %get3A_3119 : vector<16xi32> to vector<16xi32>
        %eq3A_3121 = arith.cmpi eq, %get3A_1731, %get3A_3120 : vector<16xi32>
        %select_n3A_3122 = arith.select %eq3A_3121, %broadcast_in_dim3A_4, %broadcast_in_dim3A_2 : vector<16xi1>, vector<16xi32>
        %add3A_3123 = arith.addi %add3A_3117, %select_n3A_3122 : vector<16xi32>
        %get3A_3124 = arith.constant 69 : index
        %get3A_3125 = tpu.vector_load %arg11[%get3A_3124] {strides = array<i32>} : memref<144xi32, #tpu.memory_space<vmem>>, vector<16xi32>,
        %get3A_3126 = vector.shape_cast %get3A_3125 : vector<16xi32> to vector<16xi32>
        %eq3A_3127 = arith.cmpi eq, %get3A_1731, %get3A_3126 : vector<16xi32>
        %select_n3A_3128 = arith.select %eq3A_3127, %broadcast_in_dim3A_4, %broadcast_in_dim3A_2 : vector<16xi1>, vector<16xi32>
        %add3A_3129 = arith.addi %add3A_3123, %select_n3A_3128 : vector<16xi32>
        %get3A_3130 = arith.constant 68 : index
        %get3A_3131 = tpu.vector_load %arg11[%get3A_3130] {strides = array<i32>} : memref<144xi32, #tpu.memory_space<vmem>>, vector<16xi32>,
        %get3A_3132 = vector.shape_cast %get3A_3131 : vector<16xi32> to vector<16xi32>
        %eq3A_3133 = arith.cmpi eq, %get3A_1731, %get3A_3132 : vector<16xi32>
        %select_n3A_3134 = arith.select %eq3A_3133, %broadcast_in_dim3A_4, %broadcast_in_dim3A_2 : vector<16xi1>, vector<16xi32>
        %add3A_3135 = arith.addi %add3A_3129, %select_n3A_3134 : vector<16xi32>
        %get3A_3136 = arith.constant 67 : index
        %get3A_3137 = tpu.vector_load %arg11[%get3A_3136] {strides = array<i32>} : memref<144xi32, #tpu.memory_space<vmem>>, vector<16xi32>,
        %get3A_3138 = vector.shape_cast %get3A_3137 : vector<16xi32> to vector<16xi32>
        %eq3A_3139 = arith.cmpi eq, %get3A_1731, %get3A_3138 : vector<16xi32>
        %select_n3A_3140 = arith.select %eq3A_3139, %broadcast_in_dim3A_4, %broadcast_in_dim3A_2 : vector<16xi1>, vector<16xi32>
        %add3A_3141 = arith.addi %add3A_3135, %select_n3A_3140 : vector<16xi32>
        %get3A_3142 = arith.constant 66 : index
        %get3A_3143 = tpu.vector_load %arg11[%get3A_3142] {strides = array<i32>} : memref<144xi32, #tpu.memory_space<vmem>>, vector<16xi32>,
        %get3A_3144 = vector.shape_cast %get3A_3143 : vector<16xi32> to vector<16xi32>
        %eq3A_3145 = arith.cmpi eq, %get3A_1731, %get3A_3144 : vector<16xi32>
        %select_n3A_3146 = arith.select %eq3A_3145, %broadcast_in_dim3A_4, %broadcast_in_dim3A_2 : vector<16xi1>, vector<16xi32>
        %add3A_3147 = arith.addi %add3A_3141, %select_n3A_3146 : vector<16xi32>
        %get3A_3148 = arith.constant 65 : index
        %get3A_3149 = tpu.vector_load %arg11[%get3A_3148] {strides = array<i32>} : memref<144xi32, #tpu.memory_space<vmem>>, vector<16xi32>,
        %get3A_3150 = vector.shape_cast %get3A_3149 : vector<16xi32> to vector<16xi32>
        %eq3A_3151 = arith.cmpi eq, %get3A_1731, %get3A_3150 : vector<16xi32>
        %select_n3A_3152 = arith.select %eq3A_3151, %broadcast_in_dim3A_4, %broadcast_in_dim3A_2 : vector<16xi1>, vector<16xi32>
        %add3A_3153 = arith.addi %add3A_3147, %select_n3A_3152 : vector<16xi32>
        %get3A_3154 = arith.constant 64 : index
        %get3A_3155 = tpu.vector_load %arg11[%get3A_3154] {strides = array<i32>} : memref<144xi32, #tpu.memory_space<vmem>>, vector<16xi32>,
        %get3A_3156 = vector.shape_cast %get3A_3155 : vector<16xi32> to vector<16xi32>
        %eq3A_3157 = arith.cmpi eq, %get3A_1731, %get3A_3156 : vector<16xi32>
        %select_n3A_3158 = arith.select %eq3A_3157, %broadcast_in_dim3A_4, %broadcast_in_dim3A_2 : vector<16xi1>, vector<16xi32>
        %add3A_3159 = arith.addi %add3A_3153, %select_n3A_3158 : vector<16xi32>
        %get3A_3160 = arith.constant 63 : index
        %get3A_3161 = tpu.vector_load %arg11[%get3A_3160] {strides = array<i32>} : memref<144xi32, #tpu.memory_space<vmem>>, vector<16xi32>,
        %get3A_3162 = vector.shape_cast %get3A_3161 : vector<16xi32> to vector<16xi32>
        %eq3A_3163 = arith.cmpi eq, %get3A_1731, %get3A_3162 : vector<16xi32>
        %select_n3A_3164 = arith.select %eq3A_3163, %broadcast_in_dim3A_4, %broadcast_in_dim3A_2 : vector<16xi1>, vector<16xi32>
        %add3A_3165 = arith.addi %add3A_3159, %select_n3A_3164 : vector<16xi32>
        %get3A_3166 = arith.constant 62 : index
        %get3A_3167 = tpu.vector_load %arg11[%get3A_3166] {strides = array<i32>} : memref<144xi32, #tpu.memory_space<vmem>>, vector<16xi32>,
        %get3A_3168 = vector.shape_cast %get3A_3167 : vector<16xi32> to vector<16xi32>
        %eq3A_3169 = arith.cmpi eq, %get3A_1731, %get3A_3168 : vector<16xi32>
        %select_n3A_3170 = arith.select %eq3A_3169, %broadcast_in_dim3A_4, %broadcast_in_dim3A_2 : vector<16xi1>, vector<16xi32>
        %add3A_3171 = arith.addi %add3A_3165, %select_n3A_3170 : vector<16xi32>
        %get3A_3172 = arith.constant 61 : index
        %get3A_3173 = tpu.vector_load %arg11[%get3A_3172] {strides = array<i32>} : memref<144xi32, #tpu.memory_space<vmem>>, vector<16xi32>,
        %get3A_3174 = vector.shape_cast %get3A_3173 : vector<16xi32> to vector<16xi32>
        %eq3A_3175 = arith.cmpi eq, %get3A_1731, %get3A_3174 : vector<16xi32>
        %select_n3A_3176 = arith.select %eq3A_3175, %broadcast_in_dim3A_4, %broadcast_in_dim3A_2 : vector<16xi1>, vector<16xi32>
        %add3A_3177 = arith.addi %add3A_3171, %select_n3A_3176 : vector<16xi32>
        %get3A_3178 = arith.constant 60 : index
        %get3A_3179 = tpu.vector_load %arg11[%get3A_3178] {strides = array<i32>} : memref<144xi32, #tpu.memory_space<vmem>>, vector<16xi32>,
        %get3A_3180 = vector.shape_cast %get3A_3179 : vector<16xi32> to vector<16xi32>
        %eq3A_3181 = arith.cmpi eq, %get3A_1731, %get3A_3180 : vector<16xi32>
        %select_n3A_3182 = arith.select %eq3A_3181, %broadcast_in_dim3A_4, %broadcast_in_dim3A_2 : vector<16xi1>, vector<16xi32>
        %add3A_3183 = arith.addi %add3A_3177, %select_n3A_3182 : vector<16xi32>
        %get3A_3184 = arith.constant 59 : index
        %get3A_3185 = tpu.vector_load %arg11[%get3A_3184] {strides = array<i32>} : memref<144xi32, #tpu.memory_space<vmem>>, vector<16xi32>,
        %get3A_3186 = vector.shape_cast %get3A_3185 : vector<16xi32> to vector<16xi32>
        %eq3A_3187 = arith.cmpi eq, %get3A_1731, %get3A_3186 : vector<16xi32>
        %select_n3A_3188 = arith.select %eq3A_3187, %broadcast_in_dim3A_4, %broadcast_in_dim3A_2 : vector<16xi1>, vector<16xi32>
        %add3A_3189 = arith.addi %add3A_3183, %select_n3A_3188 : vector<16xi32>
        %get3A_3190 = arith.constant 58 : index
        %get3A_3191 = tpu.vector_load %arg11[%get3A_3190] {strides = array<i32>} : memref<144xi32, #tpu.memory_space<vmem>>, vector<16xi32>,
        %get3A_3192 = vector.shape_cast %get3A_3191 : vector<16xi32> to vector<16xi32>
        %eq3A_3193 = arith.cmpi eq, %get3A_1731, %get3A_3192 : vector<16xi32>
        %select_n3A_3194 = arith.select %eq3A_3193, %broadcast_in_dim3A_4, %broadcast_in_dim3A_2 : vector<16xi1>, vector<16xi32>
        %add3A_3195 = arith.addi %add3A_3189, %select_n3A_3194 : vector<16xi32>
        %get3A_3196 = arith.constant 57 : index
        %get3A_3197 = tpu.vector_load %arg11[%get3A_3196] {strides = array<i32>} : memref<144xi32, #tpu.memory_space<vmem>>, vector<16xi32>,
        %get3A_3198 = vector.shape_cast %get3A_3197 : vector<16xi32> to vector<16xi32>
        %eq3A_3199 = arith.cmpi eq, %get3A_1731, %get3A_3198 : vector<16xi32>
        %select_n3A_3200 = arith.select %eq3A_3199, %broadcast_in_dim3A_4, %broadcast_in_dim3A_2 : vector<16xi1>, vector<16xi32>
        %add3A_3201 = arith.addi %add3A_3195, %select_n3A_3200 : vector<16xi32>
        %get3A_3202 = arith.constant 56 : index
        %get3A_3203 = tpu.vector_load %arg11[%get3A_3202] {strides = array<i32>} : memref<144xi32, #tpu.memory_space<vmem>>, vector<16xi32>,
        %get3A_3204 = vector.shape_cast %get3A_3203 : vector<16xi32> to vector<16xi32>
        %eq3A_3205 = arith.cmpi eq, %get3A_1731, %get3A_3204 : vector<16xi32>
        %select_n3A_3206 = arith.select %eq3A_3205, %broadcast_in_dim3A_4, %broadcast_in_dim3A_2 : vector<16xi1>, vector<16xi32>
        %add3A_3207 = arith.addi %add3A_3201, %select_n3A_3206 : vector<16xi32>
        %get3A_3208 = arith.constant 55 : index
        %get3A_3209 = tpu.vector_load %arg11[%get3A_3208] {strides = array<i32>} : memref<144xi32, #tpu.memory_space<vmem>>, vector<16xi32>,
        %get3A_3210 = vector.shape_cast %get3A_3209 : vector<16xi32> to vector<16xi32>
        %eq3A_3211 = arith.cmpi eq, %get3A_1731, %get3A_3210 : vector<16xi32>
        %select_n3A_3212 = arith.select %eq3A_3211, %broadcast_in_dim3A_4, %broadcast_in_dim3A_2 : vector<16xi1>, vector<16xi32>
        %add3A_3213 = arith.addi %add3A_3207, %select_n3A_3212 : vector<16xi32>
        %get3A_3214 = arith.constant 54 : index
        %get3A_3215 = tpu.vector_load %arg11[%get3A_3214] {strides = array<i32>} : memref<144xi32, #tpu.memory_space<vmem>>, vector<16xi32>,
        %get3A_3216 = vector.shape_cast %get3A_3215 : vector<16xi32> to vector<16xi32>
        %eq3A_3217 = arith.cmpi eq, %get3A_1731, %get3A_3216 : vector<16xi32>
        %select_n3A_3218 = arith.select %eq3A_3217, %broadcast_in_dim3A_4, %broadcast_in_dim3A_2 : vector<16xi1>, vector<16xi32>
        %add3A_3219 = arith.addi %add3A_3213, %select_n3A_3218 : vector<16xi32>
        %get3A_3220 = arith.constant 53 : index
        %get3A_3221 = tpu.vector_load %arg11[%get3A_3220] {strides = array<i32>} : memref<144xi32, #tpu.memory_space<vmem>>, vector<16xi32>,
        %get3A_3222 = vector.shape_cast %get3A_3221 : vector<16xi32> to vector<16xi32>
        %eq3A_3223 = arith.cmpi eq, %get3A_1731, %get3A_3222 : vector<16xi32>
        %select_n3A_3224 = arith.select %eq3A_3223, %broadcast_in_dim3A_4, %broadcast_in_dim3A_2 : vector<16xi1>, vector<16xi32>
        %add3A_3225 = arith.addi %add3A_3219, %select_n3A_3224 : vector<16xi32>
        %get3A_3226 = arith.constant 52 : index
        %get3A_3227 = tpu.vector_load %arg11[%get3A_3226] {strides = array<i32>} : memref<144xi32, #tpu.memory_space<vmem>>, vector<16xi32>,
        %get3A_3228 = vector.shape_cast %get3A_3227 : vector<16xi32> to vector<16xi32>
        %eq3A_3229 = arith.cmpi eq, %get3A_1731, %get3A_3228 : vector<16xi32>
        %select_n3A_3230 = arith.select %eq3A_3229, %broadcast_in_dim3A_4, %broadcast_in_dim3A_2 : vector<16xi1>, vector<16xi32>
        %add3A_3231 = arith.addi %add3A_3225, %select_n3A_3230 : vector<16xi32>
        %get3A_3232 = arith.constant 51 : index
        %get3A_3233 = tpu.vector_load %arg11[%get3A_3232] {strides = array<i32>} : memref<144xi32, #tpu.memory_space<vmem>>, vector<16xi32>,
        %get3A_3234 = vector.shape_cast %get3A_3233 : vector<16xi32> to vector<16xi32>
        %eq3A_3235 = arith.cmpi eq, %get3A_1731, %get3A_3234 : vector<16xi32>
        %select_n3A_3236 = arith.select %eq3A_3235, %broadcast_in_dim3A_4, %broadcast_in_dim3A_2 : vector<16xi1>, vector<16xi32>
        %add3A_3237 = arith.addi %add3A_3231, %select_n3A_3236 : vector<16xi32>
        %get3A_3238 = arith.constant 50 : index
        %get3A_3239 = tpu.vector_load %arg11[%get3A_3238] {strides = array<i32>} : memref<144xi32, #tpu.memory_space<vmem>>, vector<16xi32>,
        %get3A_3240 = vector.shape_cast %get3A_3239 : vector<16xi32> to vector<16xi32>
        %eq3A_3241 = arith.cmpi eq, %get3A_1731, %get3A_3240 : vector<16xi32>
        %select_n3A_3242 = arith.select %eq3A_3241, %broadcast_in_dim3A_4, %broadcast_in_dim3A_2 : vector<16xi1>, vector<16xi32>
        %add3A_3243 = arith.addi %add3A_3237, %select_n3A_3242 : vector<16xi32>
        %get3A_3244 = arith.constant 49 : index
        %get3A_3245 = tpu.vector_load %arg11[%get3A_3244] {strides = array<i32>} : memref<144xi32, #tpu.memory_space<vmem>>, vector<16xi32>,
        %get3A_3246 = vector.shape_cast %get3A_3245 : vector<16xi32> to vector<16xi32>
        %eq3A_3247 = arith.cmpi eq, %get3A_1731, %get3A_3246 : vector<16xi32>
        %select_n3A_3248 = arith.select %eq3A_3247, %broadcast_in_dim3A_4, %broadcast_in_dim3A_2 : vector<16xi1>, vector<16xi32>
        %add3A_3249 = arith.addi %add3A_3243, %select_n3A_3248 : vector<16xi32>
        %eq3A_3250 = arith.constant 0 : i32
        %eq3A_3251 = vector.broadcast %eq3A_3250 : i32 to vector<16xi32>
        %eq3A_3252 = arith.cmpi eq, %add3A_3249, %eq3A_3251 : vector<16xi32>
        %jit3A_3253 = arith.constant 10008 : i32
        %broadcast_in_dim3A_3254 = vector.broadcast %jit3A_3253 : i32 to vector<16xi32>
        %select_n3A_3255 = arith.select %eq3A_3252, %get3A_1731, %broadcast_in_dim3A_3254 : vector<16xi1>, vector<16xi32>
        %swap3A_3256 = arith.index_cast %sub3A_1650 : i32 to index
        %swap3A_3257 = arith.constant 64 : index
        %swap3A_3258 = tpu.vector_load %arg9[%swap3A_3256, %swap3A_3257] {strides = array<i32>} : memref<2x80xi32, #tpu.memory_space<vmem>>, vector<1x16xi32>,
        %swap3A_3259 = vector.shape_cast %swap3A_3258 : vector<1x16xi32> to vector<16xi32>
        %swap3A_3260 = vector.shape_cast %select_n3A_3255 : vector<16xi32> to vector<1x16xi32>
        tpu.vector_store %arg9[%swap3A_3256, %swap3A_3257], %swap3A_3260 {strides = array<i32>} : memref<2x80xi32, #tpu.memory_space<vmem>>, vector<1x16xi32>,
        %eq3A_3261 = arith.constant 1 : i32
        %eq3A_3262 = vector.broadcast %eq3A_3261 : i32 to vector<16xi32>
        %eq3A_3263 = arith.cmpi eq, %add3A_3249, %eq3A_3262 : vector<16xi32>
        %jit3A_3264 = arith.constant 10008 : i32
        %broadcast_in_dim3A_3265 = vector.broadcast %jit3A_3264 : i32 to vector<16xi32>
        %select_n3A_3266 = arith.select %eq3A_3263, %get3A_1731, %broadcast_in_dim3A_3265 : vector<16xi1>, vector<16xi32>
        %swap3A_3267 = arith.index_cast %sub3A_1650 : i32 to index
        %swap3A_3268 = arith.constant 64 : index
        %swap3A_3269 = tpu.vector_load %arg10[%swap3A_3267, %swap3A_3268] {strides = array<i32>} : memref<2x80xi32, #tpu.memory_space<vmem>>, vector<1x16xi32>,
        %swap3A_3270 = vector.shape_cast %swap3A_3269 : vector<1x16xi32> to vector<16xi32>
        %swap3A_3271 = vector.shape_cast %select_n3A_3266 : vector<16xi32> to vector<1x16xi32>
        tpu.vector_store %arg10[%swap3A_3267, %swap3A_3268], %swap3A_3271 {strides = array<i32>} : memref<2x80xi32, #tpu.memory_space<vmem>>, vector<1x16xi32>,
      } else {
      }
      %dma_wait3A_1676 = arith.constant 0 : i32
      %dma_wait3A_1677 = tpu.memref_slice %arg12[%mul3A_1661, %dma_wait3A_1676] : memref<160x128xf32, #tpu.memory_space<vmem>> -> memref<80x128xf32, #tpu.memory_space<vmem>>
      %dma_wait3A_1678 = arith.constant 0 : i32
      %dma_wait3A_1679 = tpu.memref_slice %arg9[%and3A_1649, %dma_wait3A_1678] : memref<2x80xi32, #tpu.memory_space<vmem>> -> memref<1x80xi32, #tpu.memory_space<vmem>>
      %dma_wait3A_1680 = tpu.memref_squeeze %dma_wait3A_1679 : memref<1x80xi32, #tpu.memory_space<vmem>> -> memref<80xi32, #tpu.memory_space<vmem>>
      %dma_wait3A_1681 = arith.constant 0 : i32
      %dma_wait3A_1682 = arith.constant 0 : i32
      %dma_wait3A_1683 = tpu.memref_slice %arg14[%dma_wait3A_1681, %dma_wait3A_1682] : memref<10240x128xf32, #tpu.memory_space<vmem_shared>> -> memref<10240x128xf32, #tpu.memory_space<vmem_shared>>
      tpu.wait_indirect_dma semaphore(%arg16 : memref<!tpu.dma_semaphore, #tpu.memory_space<semaphore_mem>>) src(%dma_wait3A_1677 : memref<80x128xf32, #tpu.memory_space<vmem>>) dst(%dma_wait3A_1683 : memref<10240x128xf32, #tpu.memory_space<vmem_shared>>)
      %dma_start3A_1684 = arith.constant 0 : i32
      %dma_start3A_1685 = tpu.memref_slice %arg12[%mul3A_1661, %dma_start3A_1684] : memref<160x128xf32, #tpu.memory_space<vmem>> -> memref<80x128xf32, #tpu.memory_space<vmem>>
      %dma_start3A_1686 = arith.constant 0 : i32
      %dma_start3A_1687 = tpu.memref_slice %arg10[%and3A_1649, %dma_start3A_1686] : memref<2x80xi32, #tpu.memory_space<vmem>> -> memref<1x80xi32, #tpu.memory_space<vmem>>
      %dma_start3A_1688 = tpu.memref_squeeze %dma_start3A_1687 : memref<1x80xi32, #tpu.memory_space<vmem>> -> memref<80xi32, #tpu.memory_space<vmem>>
      %dma_start3A_1689 = arith.constant 0 : i32
      %dma_start3A_1690 = arith.constant 0 : i32
      %dma_start3A_1691 = tpu.memref_slice %arg14[%dma_start3A_1689, %dma_start3A_1690] : memref<10240x128xf32, #tpu.memory_space<vmem_shared>> -> memref<10240x128xf32, #tpu.memory_space<vmem_shared>>
      tpu.enqueue_indirect_dma source(%dma_start3A_1685 : memref<80x128xf32, #tpu.memory_space<vmem>>) target(%dma_start3A_1691 : memref<10240x128xf32, #tpu.memory_space<vmem_shared>>) offsets(%dma_start3A_1688 : memref<80xi32, #tpu.memory_space<vmem>>) semaphore(%arg16 : memref<!tpu.dma_semaphore, #tpu.memory_space<semaphore_mem>>) {add = true}
      %add3A_1692 = arith.constant 1 : i32
      %add3A_1693 = arith.addi %scan3A_1648, %add3A_1692 : i32
      %lt3A_1694 = arith.constant 125 : i32
      %lt3A_1695 = arith.cmpi slt, %add3A_1693, %lt3A_1694 : i32
      %convert_element_type3A_1696 = arith.extui %lt3A_1695 : i1 to i32
      %cond3A_1697 = arith.constant 0 : i32
      %cond3A_1698 = arith.cmpi ne, %convert_element_type3A_1696, %cond3A_1697 : i32
      scf.if %cond3A_1698 {
        %mul3A_1707 = arith.constant 80 : i32
        %mul3A_1708 = arith.muli %sub3A_1650, %mul3A_1707 : i32
        %dma_start3A_1709 = arith.constant 0 : i32
        %dma_start3A_1710 = tpu.memref_slice %arg12[%mul3A_1708, %dma_start3A_1709] : memref<160x128xf32, #tpu.memory_space<vmem>> -> memref<80x128xf32, #tpu.memory_space<vmem>>
        %dma_start3A_1711 = arith.constant 0 : i32
        %dma_start3A_1712 = tpu.memref_slice %arg7[%sub3A_1650, %dma_start3A_1711] : memref<2x80xi32, #tpu.memory_space<vmem>> -> memref<1x80xi32, #tpu.memory_space<vmem>>
        %dma_start3A_1713 = tpu.memref_squeeze %dma_start3A_1712 : memref<1x80xi32, #tpu.memory_space<vmem>> -> memref<80xi32, #tpu.memory_space<vmem>>
        %dma_start3A_1714 = arith.constant 0 : i32
        %dma_start3A_1715 = arith.constant 0 : i32
        %dma_start3A_1716 = tpu.memref_slice %arg4[%dma_start3A_1714, %dma_start3A_1715] : memref<10000x128xf32, #tpu.memory_space<hbm>> -> memref<10000x128xf32, #tpu.memory_space<hbm>>
        tpu.enqueue_indirect_dma source(%dma_start3A_1716 : memref<10000x128xf32, #tpu.memory_space<hbm>>) target(%dma_start3A_1710 : memref<80x128xf32, #tpu.memory_space<vmem>>) offsets(%dma_start3A_1713 : memref<80xi32, #tpu.memory_space<vmem>>) semaphore(%arg15 : memref<!tpu.dma_semaphore, #tpu.memory_space<semaphore_mem>>)
      } else {
      }
      %dma_wait3A_1699 = arith.constant 0 : i32
      %dma_wait3A_1700 = tpu.memref_slice %arg12[%mul3A_1661, %dma_wait3A_1699] : memref<160x128xf32, #tpu.memory_space<vmem>> -> memref<80x128xf32, #tpu.memory_space<vmem>>
      %dma_wait3A_1701 = arith.constant 0 : i32
      %dma_wait3A_1702 = tpu.memref_slice %arg10[%and3A_1649, %dma_wait3A_1701] : memref<2x80xi32, #tpu.memory_space<vmem>> -> memref<1x80xi32, #tpu.memory_space<vmem>>
      %dma_wait3A_1703 = tpu.memref_squeeze %dma_wait3A_1702 : memref<1x80xi32, #tpu.memory_space<vmem>> -> memref<80xi32, #tpu.memory_space<vmem>>
      %dma_wait3A_1704 = arith.constant 0 : i32
      %dma_wait3A_1705 = arith.constant 0 : i32
      %dma_wait3A_1706 = tpu.memref_slice %arg14[%dma_wait3A_1704, %dma_wait3A_1705] : memref<10240x128xf32, #tpu.memory_space<vmem_shared>> -> memref<10240x128xf32, #tpu.memory_space<vmem_shared>>
      tpu.wait_indirect_dma semaphore(%arg16 : memref<!tpu.dma_semaphore, #tpu.memory_space<semaphore_mem>>) src(%dma_wait3A_1700 : memref<80x128xf32, #tpu.memory_space<vmem>>) dst(%dma_wait3A_1706 : memref<10240x128xf32, #tpu.memory_space<vmem_shared>>)
    }
    %scan3A_1636 = arith.constant 125 : i32
    %barrier3A_1637 = arith.constant 0 : index
    tpu.barrier barrier_id(%barrier3A_1637)
    %mul3A_1638 = arith.constant 624 : i32
    %mul3A_1639 = arith.muli %arg1, %mul3A_1638 : i32
    %eq3A_1640 = arith.constant 0 : i32
    %eq3A_1641 = arith.cmpi eq, %arg0, %eq3A_1640 : i32
    %convert_element_type3A = arith.extui %eq3A_1641 : i1 to i32
    %cond3A = arith.constant 0 : i32
    %cond3A_1642 = arith.cmpi ne, %convert_element_type3A, %cond3A : i32
    scf.if %cond3A_1642 {
      %add3A_1648 = arith.constant 0 : i32
      %add3A_1649 = arith.addi %mul3A_1639, %add3A_1648 : i32
      "tpu.region"() ({
        %run_scoped3A_1663 = tpu.sem_alloc : memref<!tpu.dma_semaphore, #tpu.memory_space<semaphore_mem>>
        %dma_start3A_1664 = arith.constant 0 : i32
        %dma_start3A_1665 = arith.constant 0 : i32
        %dma_start3A_1666 = tpu.memref_slice %arg13[%dma_start3A_1664, %dma_start3A_1665] : memref<128x128xf32, #tpu.memory_space<vmem>> -> memref<128x128xf32, #tpu.memory_space<vmem>>
        %dma_start3A_1667 = arith.constant 0 : i32
        %dma_start3A_1668 = tpu.memref_slice %arg14[%add3A_1649, %dma_start3A_1667] : memref<10240x128xf32, #tpu.memory_space<vmem_shared>> -> memref<128x128xf32, #tpu.memory_space<vmem_shared>>
        %dma_start3A_1669 = arith.constant 0 : i32
        %dma_start3A_1670 = arith.constant 0 : i32
        %dma_start3A_1671 = tpu.memref_slice %arg13[%dma_start3A_1669, %dma_start3A_1670] : memref<128x128xf32, #tpu.memory_space<vmem>> -> memref<128x128xf32, #tpu.memory_space<vmem>>
        %dma_start3A_1672 = arith.constant 0 : i32
        %dma_start3A_1673 = tpu.memref_slice %arg14[%add3A_1649, %dma_start3A_1672] : memref<10240x128xf32, #tpu.memory_space<vmem_shared>> -> memref<128x128xf32, #tpu.memory_space<vmem_shared>>
        tpu.enqueue_dma source(%dma_start3A_1673 : memref<128x128xf32, #tpu.memory_space<vmem_shared>>) target(%dma_start3A_1671 : memref<128x128xf32, #tpu.memory_space<vmem>>) target_semaphore(%run_scoped3A_1663 : memref<!tpu.dma_semaphore, #tpu.memory_space<semaphore_mem>>)
        %dma_wait3A = arith.constant 0 : i32
        %dma_wait3A_1674 = arith.constant 0 : i32
        %dma_wait3A_1675 = tpu.memref_slice %arg13[%dma_wait3A, %dma_wait3A_1674] : memref<128x128xf32, #tpu.memory_space<vmem>> -> memref<128x128xf32, #tpu.memory_space<vmem>>
        %dma_wait3A_1676 = arith.constant 0 : i32
        %dma_wait3A_1677 = tpu.memref_slice %arg14[%add3A_1649, %dma_wait3A_1676] : memref<10240x128xf32, #tpu.memory_space<vmem_shared>> -> memref<128x128xf32, #tpu.memory_space<vmem_shared>>
        %dma_wait3A_1678 = arith.constant 0 : i32
        %dma_wait3A_1679 = arith.constant 0 : i32
        %dma_wait3A_1680 = tpu.memref_slice %arg13[%dma_wait3A_1678, %dma_wait3A_1679] : memref<128x128xf32, #tpu.memory_space<vmem>> -> memref<128x128xf32, #tpu.memory_space<vmem>>
        %dma_wait3A_1681 = arith.constant 0 : i32
        %dma_wait3A_1682 = tpu.memref_slice %arg14[%add3A_1649, %dma_wait3A_1681] : memref<10240x128xf32, #tpu.memory_space<vmem_shared>> -> memref<128x128xf32, #tpu.memory_space<vmem_shared>>
        tpu.wait_dma2 semaphore(%run_scoped3A_1663 : memref<!tpu.dma_semaphore, #tpu.memory_space<semaphore_mem>>) src(%dma_wait3A_1682 : memref<128x128xf32, #tpu.memory_space<vmem_shared>>) dst(%dma_wait3A_1680 : memref<128x128xf32, #tpu.memory_space<vmem>>)
        tpu.yield
      }) : () -> ()
      "tpu.region"() ({
        %run_scoped3A_1663 = tpu.sem_alloc : memref<!tpu.dma_semaphore, #tpu.memory_space<semaphore_mem>>
        %dma_start3A_1664 = arith.constant 0 : i32
        %dma_start3A_1665 = arith.constant 0 : i32
        %dma_start3A_1666 = tpu.memref_slice %arg13[%dma_start3A_1664, %dma_start3A_1665] : memref<128x128xf32, #tpu.memory_space<vmem>> -> memref<128x128xf32, #tpu.memory_space<vmem>>
        %dma_start3A_1667 = arith.constant 0 : i32
        %dma_start3A_1668 = tpu.memref_slice %arg5[%add3A_1649, %dma_start3A_1667] : memref<10000x128xf32, #tpu.memory_space<hbm>> -> memref<128x128xf32, #tpu.memory_space<hbm>>
        %dma_start3A_1669 = arith.constant 0 : i32
        %dma_start3A_1670 = tpu.memref_slice %arg5[%add3A_1649, %dma_start3A_1669] : memref<10000x128xf32, #tpu.memory_space<hbm>> -> memref<128x128xf32, #tpu.memory_space<hbm>>
        %dma_start3A_1671 = arith.constant 0 : i32
        %dma_start3A_1672 = arith.constant 0 : i32
        %dma_start3A_1673 = tpu.memref_slice %arg13[%dma_start3A_1671, %dma_start3A_1672] : memref<128x128xf32, #tpu.memory_space<vmem>> -> memref<128x128xf32, #tpu.memory_space<vmem>>
        tpu.enqueue_dma source(%dma_start3A_1673 : memref<128x128xf32, #tpu.memory_space<vmem>>) target(%dma_start3A_1670 : memref<128x128xf32, #tpu.memory_space<hbm>>) target_semaphore(%run_scoped3A_1663 : memref<!tpu.dma_semaphore, #tpu.memory_space<semaphore_mem>>)
        %dma_wait3A = arith.constant 0 : i32
        %dma_wait3A_1674 = arith.constant 0 : i32
        %dma_wait3A_1675 = tpu.memref_slice %arg13[%dma_wait3A, %dma_wait3A_1674] : memref<128x128xf32, #tpu.memory_space<vmem>> -> memref<128x128xf32, #tpu.memory_space<vmem>>
        %dma_wait3A_1676 = arith.constant 0 : i32
        %dma_wait3A_1677 = tpu.memref_slice %arg5[%add3A_1649, %dma_wait3A_1676] : memref<10000x128xf32, #tpu.memory_space<hbm>> -> memref<128x128xf32, #tpu.memory_space<hbm>>
        %dma_wait3A_1678 = arith.constant 0 : i32
        %dma_wait3A_1679 = tpu.memref_slice %arg5[%add3A_1649, %dma_wait3A_1678] : memref<10000x128xf32, #tpu.memory_space<hbm>> -> memref<128x128xf32, #tpu.memory_space<hbm>>
        %dma_wait3A_1680 = arith.constant 0 : i32
        %dma_wait3A_1681 = arith.constant 0 : i32
        %dma_wait3A_1682 = tpu.memref_slice %arg13[%dma_wait3A_1680, %dma_wait3A_1681] : memref<128x128xf32, #tpu.memory_space<vmem>> -> memref<128x128xf32, #tpu.memory_space<vmem>>
        tpu.wait_dma2 semaphore(%run_scoped3A_1663 : memref<!tpu.dma_semaphore, #tpu.memory_space<semaphore_mem>>) src(%dma_wait3A_1682 : memref<128x128xf32, #tpu.memory_space<vmem>>) dst(%dma_wait3A_1679 : memref<128x128xf32, #tpu.memory_space<hbm>>)
        tpu.yield
      }) : () -> ()
      %add3A_1650 = arith.constant 128 : i32
      %add3A_1651 = arith.addi %mul3A_1639, %add3A_1650 : i32
      "tpu.region"() ({
        %run_scoped3A_1663 = tpu.sem_alloc : memref<!tpu.dma_semaphore, #tpu.memory_space<semaphore_mem>>
        %dma_start3A_1664 = arith.constant 0 : i32
        %dma_start3A_1665 = arith.constant 0 : i32
        %dma_start3A_1666 = tpu.memref_slice %arg13[%dma_start3A_1664, %dma_start3A_1665] : memref<128x128xf32, #tpu.memory_space<vmem>> -> memref<128x128xf32, #tpu.memory_space<vmem>>
        %dma_start3A_1667 = arith.constant 0 : i32
        %dma_start3A_1668 = tpu.memref_slice %arg14[%add3A_1651, %dma_start3A_1667] : memref<10240x128xf32, #tpu.memory_space<vmem_shared>> -> memref<128x128xf32, #tpu.memory_space<vmem_shared>>
        %dma_start3A_1669 = arith.constant 0 : i32
        %dma_start3A_1670 = arith.constant 0 : i32
        %dma_start3A_1671 = tpu.memref_slice %arg13[%dma_start3A_1669, %dma_start3A_1670] : memref<128x128xf32, #tpu.memory_space<vmem>> -> memref<128x128xf32, #tpu.memory_space<vmem>>
        %dma_start3A_1672 = arith.constant 0 : i32
        %dma_start3A_1673 = tpu.memref_slice %arg14[%add3A_1651, %dma_start3A_1672] : memref<10240x128xf32, #tpu.memory_space<vmem_shared>> -> memref<128x128xf32, #tpu.memory_space<vmem_shared>>
        tpu.enqueue_dma source(%dma_start3A_1673 : memref<128x128xf32, #tpu.memory_space<vmem_shared>>) target(%dma_start3A_1671 : memref<128x128xf32, #tpu.memory_space<vmem>>) target_semaphore(%run_scoped3A_1663 : memref<!tpu.dma_semaphore, #tpu.memory_space<semaphore_mem>>)
        %dma_wait3A = arith.constant 0 : i32
        %dma_wait3A_1674 = arith.constant 0 : i32
        %dma_wait3A_1675 = tpu.memref_slice %arg13[%dma_wait3A, %dma_wait3A_1674] : memref<128x128xf32, #tpu.memory_space<vmem>> -> memref<128x128xf32, #tpu.memory_space<vmem>>
        %dma_wait3A_1676 = arith.constant 0 : i32
        %dma_wait3A_1677 = tpu.memref_slice %arg14[%add3A_1651, %dma_wait3A_1676] : memref<10240x128xf32, #tpu.memory_space<vmem_shared>> -> memref<128x128xf32, #tpu.memory_space<vmem_shared>>
        %dma_wait3A_1678 = arith.constant 0 : i32
        %dma_wait3A_1679 = arith.constant 0 : i32
        %dma_wait3A_1680 = tpu.memref_slice %arg13[%dma_wait3A_1678, %dma_wait3A_1679] : memref<128x128xf32, #tpu.memory_space<vmem>> -> memref<128x128xf32, #tpu.memory_space<vmem>>
        %dma_wait3A_1681 = arith.constant 0 : i32
        %dma_wait3A_1682 = tpu.memref_slice %arg14[%add3A_1651, %dma_wait3A_1681] : memref<10240x128xf32, #tpu.memory_space<vmem_shared>> -> memref<128x128xf32, #tpu.memory_space<vmem_shared>>
        tpu.wait_dma2 semaphore(%run_scoped3A_1663 : memref<!tpu.dma_semaphore, #tpu.memory_space<semaphore_mem>>) src(%dma_wait3A_1682 : memref<128x128xf32, #tpu.memory_space<vmem_shared>>) dst(%dma_wait3A_1680 : memref<128x128xf32, #tpu.memory_space<vmem>>)
        tpu.yield
      }) : () -> ()
      "tpu.region"() ({
        %run_scoped3A_1663 = tpu.sem_alloc : memref<!tpu.dma_semaphore, #tpu.memory_space<semaphore_mem>>
        %dma_start3A_1664 = arith.constant 0 : i32
        %dma_start3A_1665 = arith.constant 0 : i32
        %dma_start3A_1666 = tpu.memref_slice %arg13[%dma_start3A_1664, %dma_start3A_1665] : memref<128x128xf32, #tpu.memory_space<vmem>> -> memref<128x128xf32, #tpu.memory_space<vmem>>
        %dma_start3A_1667 = arith.constant 0 : i32
        %dma_start3A_1668 = tpu.memref_slice %arg5[%add3A_1651, %dma_start3A_1667] : memref<10000x128xf32, #tpu.memory_space<hbm>> -> memref<128x128xf32, #tpu.memory_space<hbm>>
        %dma_start3A_1669 = arith.constant 0 : i32
        %dma_start3A_1670 = tpu.memref_slice %arg5[%add3A_1651, %dma_start3A_1669] : memref<10000x128xf32, #tpu.memory_space<hbm>> -> memref<128x128xf32, #tpu.memory_space<hbm>>
        %dma_start3A_1671 = arith.constant 0 : i32
        %dma_start3A_1672 = arith.constant 0 : i32
        %dma_start3A_1673 = tpu.memref_slice %arg13[%dma_start3A_1671, %dma_start3A_1672] : memref<128x128xf32, #tpu.memory_space<vmem>> -> memref<128x128xf32, #tpu.memory_space<vmem>>
        tpu.enqueue_dma source(%dma_start3A_1673 : memref<128x128xf32, #tpu.memory_space<vmem>>) target(%dma_start3A_1670 : memref<128x128xf32, #tpu.memory_space<hbm>>) target_semaphore(%run_scoped3A_1663 : memref<!tpu.dma_semaphore, #tpu.memory_space<semaphore_mem>>)
        %dma_wait3A = arith.constant 0 : i32
        %dma_wait3A_1674 = arith.constant 0 : i32
        %dma_wait3A_1675 = tpu.memref_slice %arg13[%dma_wait3A, %dma_wait3A_1674] : memref<128x128xf32, #tpu.memory_space<vmem>> -> memref<128x128xf32, #tpu.memory_space<vmem>>
        %dma_wait3A_1676 = arith.constant 0 : i32
        %dma_wait3A_1677 = tpu.memref_slice %arg5[%add3A_1651, %dma_wait3A_1676] : memref<10000x128xf32, #tpu.memory_space<hbm>> -> memref<128x128xf32, #tpu.memory_space<hbm>>
        %dma_wait3A_1678 = arith.constant 0 : i32
        %dma_wait3A_1679 = tpu.memref_slice %arg5[%add3A_1651, %dma_wait3A_1678] : memref<10000x128xf32, #tpu.memory_space<hbm>> -> memref<128x128xf32, #tpu.memory_space<hbm>>
        %dma_wait3A_1680 = arith.constant 0 : i32
        %dma_wait3A_1681 = arith.constant 0 : i32
        %dma_wait3A_1682 = tpu.memref_slice %arg13[%dma_wait3A_1680, %dma_wait3A_1681] : memref<128x128xf32, #tpu.memory_space<vmem>> -> memref<128x128xf32, #tpu.memory_space<vmem>>
        tpu.wait_dma2 semaphore(%run_scoped3A_1663 : memref<!tpu.dma_semaphore, #tpu.memory_space<semaphore_mem>>) src(%dma_wait3A_1682 : memref<128x128xf32, #tpu.memory_space<vmem>>) dst(%dma_wait3A_1679 : memref<128x128xf32, #tpu.memory_space<hbm>>)
        tpu.yield
      }) : () -> ()
      %add3A_1652 = arith.constant 256 : i32
      %add3A_1653 = arith.addi %mul3A_1639, %add3A_1652 : i32
      "tpu.region"() ({
        %run_scoped3A_1663 = tpu.sem_alloc : memref<!tpu.dma_semaphore, #tpu.memory_space<semaphore_mem>>
        %dma_start3A_1664 = arith.constant 0 : i32
        %dma_start3A_1665 = arith.constant 0 : i32
        %dma_start3A_1666 = tpu.memref_slice %arg13[%dma_start3A_1664, %dma_start3A_1665] : memref<128x128xf32, #tpu.memory_space<vmem>> -> memref<128x128xf32, #tpu.memory_space<vmem>>
        %dma_start3A_1667 = arith.constant 0 : i32
        %dma_start3A_1668 = tpu.memref_slice %arg14[%add3A_1653, %dma_start3A_1667] : memref<10240x128xf32, #tpu.memory_space<vmem_shared>> -> memref<128x128xf32, #tpu.memory_space<vmem_shared>>
        %dma_start3A_1669 = arith.constant 0 : i32
        %dma_start3A_1670 = arith.constant 0 : i32
        %dma_start3A_1671 = tpu.memref_slice %arg13[%dma_start3A_1669, %dma_start3A_1670] : memref<128x128xf32, #tpu.memory_space<vmem>> -> memref<128x128xf32, #tpu.memory_space<vmem>>
        %dma_start3A_1672 = arith.constant 0 : i32
        %dma_start3A_1673 = tpu.memref_slice %arg14[%add3A_1653, %dma_start3A_1672] : memref<10240x128xf32, #tpu.memory_space<vmem_shared>> -> memref<128x128xf32, #tpu.memory_space<vmem_shared>>
        tpu.enqueue_dma source(%dma_start3A_1673 : memref<128x128xf32, #tpu.memory_space<vmem_shared>>) target(%dma_start3A_1671 : memref<128x128xf32, #tpu.memory_space<vmem>>) target_semaphore(%run_scoped3A_1663 : memref<!tpu.dma_semaphore, #tpu.memory_space<semaphore_mem>>)
        %dma_wait3A = arith.constant 0 : i32
        %dma_wait3A_1674 = arith.constant 0 : i32
        %dma_wait3A_1675 = tpu.memref_slice %arg13[%dma_wait3A, %dma_wait3A_1674] : memref<128x128xf32, #tpu.memory_space<vmem>> -> memref<128x128xf32, #tpu.memory_space<vmem>>
        %dma_wait3A_1676 = arith.constant 0 : i32
        %dma_wait3A_1677 = tpu.memref_slice %arg14[%add3A_1653, %dma_wait3A_1676] : memref<10240x128xf32, #tpu.memory_space<vmem_shared>> -> memref<128x128xf32, #tpu.memory_space<vmem_shared>>
        %dma_wait3A_1678 = arith.constant 0 : i32
        %dma_wait3A_1679 = arith.constant 0 : i32
        %dma_wait3A_1680 = tpu.memref_slice %arg13[%dma_wait3A_1678, %dma_wait3A_1679] : memref<128x128xf32, #tpu.memory_space<vmem>> -> memref<128x128xf32, #tpu.memory_space<vmem>>
        %dma_wait3A_1681 = arith.constant 0 : i32
        %dma_wait3A_1682 = tpu.memref_slice %arg14[%add3A_1653, %dma_wait3A_1681] : memref<10240x128xf32, #tpu.memory_space<vmem_shared>> -> memref<128x128xf32, #tpu.memory_space<vmem_shared>>
        tpu.wait_dma2 semaphore(%run_scoped3A_1663 : memref<!tpu.dma_semaphore, #tpu.memory_space<semaphore_mem>>) src(%dma_wait3A_1682 : memref<128x128xf32, #tpu.memory_space<vmem_shared>>) dst(%dma_wait3A_1680 : memref<128x128xf32, #tpu.memory_space<vmem>>)
        tpu.yield
      }) : () -> ()
      "tpu.region"() ({
        %run_scoped3A_1663 = tpu.sem_alloc : memref<!tpu.dma_semaphore, #tpu.memory_space<semaphore_mem>>
        %dma_start3A_1664 = arith.constant 0 : i32
        %dma_start3A_1665 = arith.constant 0 : i32
        %dma_start3A_1666 = tpu.memref_slice %arg13[%dma_start3A_1664, %dma_start3A_1665] : memref<128x128xf32, #tpu.memory_space<vmem>> -> memref<128x128xf32, #tpu.memory_space<vmem>>
        %dma_start3A_1667 = arith.constant 0 : i32
        %dma_start3A_1668 = tpu.memref_slice %arg5[%add3A_1653, %dma_start3A_1667] : memref<10000x128xf32, #tpu.memory_space<hbm>> -> memref<128x128xf32, #tpu.memory_space<hbm>>
        %dma_start3A_1669 = arith.constant 0 : i32
        %dma_start3A_1670 = tpu.memref_slice %arg5[%add3A_1653, %dma_start3A_1669] : memref<10000x128xf32, #tpu.memory_space<hbm>> -> memref<128x128xf32, #tpu.memory_space<hbm>>
        %dma_start3A_1671 = arith.constant 0 : i32
        %dma_start3A_1672 = arith.constant 0 : i32
        %dma_start3A_1673 = tpu.memref_slice %arg13[%dma_start3A_1671, %dma_start3A_1672] : memref<128x128xf32, #tpu.memory_space<vmem>> -> memref<128x128xf32, #tpu.memory_space<vmem>>
        tpu.enqueue_dma source(%dma_start3A_1673 : memref<128x128xf32, #tpu.memory_space<vmem>>) target(%dma_start3A_1670 : memref<128x128xf32, #tpu.memory_space<hbm>>) target_semaphore(%run_scoped3A_1663 : memref<!tpu.dma_semaphore, #tpu.memory_space<semaphore_mem>>)
        %dma_wait3A = arith.constant 0 : i32
        %dma_wait3A_1674 = arith.constant 0 : i32
        %dma_wait3A_1675 = tpu.memref_slice %arg13[%dma_wait3A, %dma_wait3A_1674] : memref<128x128xf32, #tpu.memory_space<vmem>> -> memref<128x128xf32, #tpu.memory_space<vmem>>
        %dma_wait3A_1676 = arith.constant 0 : i32
        %dma_wait3A_1677 = tpu.memref_slice %arg5[%add3A_1653, %dma_wait3A_1676] : memref<10000x128xf32, #tpu.memory_space<hbm>> -> memref<128x128xf32, #tpu.memory_space<hbm>>
        %dma_wait3A_1678 = arith.constant 0 : i32
        %dma_wait3A_1679 = tpu.memref_slice %arg5[%add3A_1653, %dma_wait3A_1678] : memref<10000x128xf32, #tpu.memory_space<hbm>> -> memref<128x128xf32, #tpu.memory_space<hbm>>
        %dma_wait3A_1680 = arith.constant 0 : i32
        %dma_wait3A_1681 = arith.constant 0 : i32
        %dma_wait3A_1682 = tpu.memref_slice %arg13[%dma_wait3A_1680, %dma_wait3A_1681] : memref<128x128xf32, #tpu.memory_space<vmem>> -> memref<128x128xf32, #tpu.memory_space<vmem>>
        tpu.wait_dma2 semaphore(%run_scoped3A_1663 : memref<!tpu.dma_semaphore, #tpu.memory_space<semaphore_mem>>) src(%dma_wait3A_1682 : memref<128x128xf32, #tpu.memory_space<vmem>>) dst(%dma_wait3A_1679 : memref<128x128xf32, #tpu.memory_space<hbm>>)
        tpu.yield
      }) : () -> ()
      %add3A_1654 = arith.constant 384 : i32
      %add3A_1655 = arith.addi %mul3A_1639, %add3A_1654 : i32
      "tpu.region"() ({
        %run_scoped3A_1663 = tpu.sem_alloc : memref<!tpu.dma_semaphore, #tpu.memory_space<semaphore_mem>>
        %dma_start3A_1664 = arith.constant 0 : i32
        %dma_start3A_1665 = arith.constant 0 : i32
        %dma_start3A_1666 = tpu.memref_slice %arg13[%dma_start3A_1664, %dma_start3A_1665] : memref<128x128xf32, #tpu.memory_space<vmem>> -> memref<128x128xf32, #tpu.memory_space<vmem>>
        %dma_start3A_1667 = arith.constant 0 : i32
        %dma_start3A_1668 = tpu.memref_slice %arg14[%add3A_1655, %dma_start3A_1667] : memref<10240x128xf32, #tpu.memory_space<vmem_shared>> -> memref<128x128xf32, #tpu.memory_space<vmem_shared>>
        %dma_start3A_1669 = arith.constant 0 : i32
        %dma_start3A_1670 = arith.constant 0 : i32
        %dma_start3A_1671 = tpu.memref_slice %arg13[%dma_start3A_1669, %dma_start3A_1670] : memref<128x128xf32, #tpu.memory_space<vmem>> -> memref<128x128xf32, #tpu.memory_space<vmem>>
        %dma_start3A_1672 = arith.constant 0 : i32
        %dma_start3A_1673 = tpu.memref_slice %arg14[%add3A_1655, %dma_start3A_1672] : memref<10240x128xf32, #tpu.memory_space<vmem_shared>> -> memref<128x128xf32, #tpu.memory_space<vmem_shared>>
        tpu.enqueue_dma source(%dma_start3A_1673 : memref<128x128xf32, #tpu.memory_space<vmem_shared>>) target(%dma_start3A_1671 : memref<128x128xf32, #tpu.memory_space<vmem>>) target_semaphore(%run_scoped3A_1663 : memref<!tpu.dma_semaphore, #tpu.memory_space<semaphore_mem>>)
        %dma_wait3A = arith.constant 0 : i32
        %dma_wait3A_1674 = arith.constant 0 : i32
        %dma_wait3A_1675 = tpu.memref_slice %arg13[%dma_wait3A, %dma_wait3A_1674] : memref<128x128xf32, #tpu.memory_space<vmem>> -> memref<128x128xf32, #tpu.memory_space<vmem>>
        %dma_wait3A_1676 = arith.constant 0 : i32
        %dma_wait3A_1677 = tpu.memref_slice %arg14[%add3A_1655, %dma_wait3A_1676] : memref<10240x128xf32, #tpu.memory_space<vmem_shared>> -> memref<128x128xf32, #tpu.memory_space<vmem_shared>>
        %dma_wait3A_1678 = arith.constant 0 : i32
        %dma_wait3A_1679 = arith.constant 0 : i32
        %dma_wait3A_1680 = tpu.memref_slice %arg13[%dma_wait3A_1678, %dma_wait3A_1679] : memref<128x128xf32, #tpu.memory_space<vmem>> -> memref<128x128xf32, #tpu.memory_space<vmem>>
        %dma_wait3A_1681 = arith.constant 0 : i32
        %dma_wait3A_1682 = tpu.memref_slice %arg14[%add3A_1655, %dma_wait3A_1681] : memref<10240x128xf32, #tpu.memory_space<vmem_shared>> -> memref<128x128xf32, #tpu.memory_space<vmem_shared>>
        tpu.wait_dma2 semaphore(%run_scoped3A_1663 : memref<!tpu.dma_semaphore, #tpu.memory_space<semaphore_mem>>) src(%dma_wait3A_1682 : memref<128x128xf32, #tpu.memory_space<vmem_shared>>) dst(%dma_wait3A_1680 : memref<128x128xf32, #tpu.memory_space<vmem>>)
        tpu.yield
      }) : () -> ()
      "tpu.region"() ({
        %run_scoped3A_1663 = tpu.sem_alloc : memref<!tpu.dma_semaphore, #tpu.memory_space<semaphore_mem>>
        %dma_start3A_1664 = arith.constant 0 : i32
        %dma_start3A_1665 = arith.constant 0 : i32
        %dma_start3A_1666 = tpu.memref_slice %arg13[%dma_start3A_1664, %dma_start3A_1665] : memref<128x128xf32, #tpu.memory_space<vmem>> -> memref<128x128xf32, #tpu.memory_space<vmem>>
        %dma_start3A_1667 = arith.constant 0 : i32
        %dma_start3A_1668 = tpu.memref_slice %arg5[%add3A_1655, %dma_start3A_1667] : memref<10000x128xf32, #tpu.memory_space<hbm>> -> memref<128x128xf32, #tpu.memory_space<hbm>>
        %dma_start3A_1669 = arith.constant 0 : i32
        %dma_start3A_1670 = tpu.memref_slice %arg5[%add3A_1655, %dma_start3A_1669] : memref<10000x128xf32, #tpu.memory_space<hbm>> -> memref<128x128xf32, #tpu.memory_space<hbm>>
        %dma_start3A_1671 = arith.constant 0 : i32
        %dma_start3A_1672 = arith.constant 0 : i32
        %dma_start3A_1673 = tpu.memref_slice %arg13[%dma_start3A_1671, %dma_start3A_1672] : memref<128x128xf32, #tpu.memory_space<vmem>> -> memref<128x128xf32, #tpu.memory_space<vmem>>
        tpu.enqueue_dma source(%dma_start3A_1673 : memref<128x128xf32, #tpu.memory_space<vmem>>) target(%dma_start3A_1670 : memref<128x128xf32, #tpu.memory_space<hbm>>) target_semaphore(%run_scoped3A_1663 : memref<!tpu.dma_semaphore, #tpu.memory_space<semaphore_mem>>)
        %dma_wait3A = arith.constant 0 : i32
        %dma_wait3A_1674 = arith.constant 0 : i32
        %dma_wait3A_1675 = tpu.memref_slice %arg13[%dma_wait3A, %dma_wait3A_1674] : memref<128x128xf32, #tpu.memory_space<vmem>> -> memref<128x128xf32, #tpu.memory_space<vmem>>
        %dma_wait3A_1676 = arith.constant 0 : i32
        %dma_wait3A_1677 = tpu.memref_slice %arg5[%add3A_1655, %dma_wait3A_1676] : memref<10000x128xf32, #tpu.memory_space<hbm>> -> memref<128x128xf32, #tpu.memory_space<hbm>>
        %dma_wait3A_1678 = arith.constant 0 : i32
        %dma_wait3A_1679 = tpu.memref_slice %arg5[%add3A_1655, %dma_wait3A_1678] : memref<10000x128xf32, #tpu.memory_space<hbm>> -> memref<128x128xf32, #tpu.memory_space<hbm>>
        %dma_wait3A_1680 = arith.constant 0 : i32
        %dma_wait3A_1681 = arith.constant 0 : i32
        %dma_wait3A_1682 = tpu.memref_slice %arg13[%dma_wait3A_1680, %dma_wait3A_1681] : memref<128x128xf32, #tpu.memory_space<vmem>> -> memref<128x128xf32, #tpu.memory_space<vmem>>
        tpu.wait_dma2 semaphore(%run_scoped3A_1663 : memref<!tpu.dma_semaphore, #tpu.memory_space<semaphore_mem>>) src(%dma_wait3A_1682 : memref<128x128xf32, #tpu.memory_space<vmem>>) dst(%dma_wait3A_1679 : memref<128x128xf32, #tpu.memory_space<hbm>>)
        tpu.yield
      }) : () -> ()
      %add3A_1656 = arith.constant 512 : i32
      %add3A_1657 = arith.addi %mul3A_1639, %add3A_1656 : i32
      "tpu.region"() ({
        %run_scoped3A_1663 = tpu.sem_alloc : memref<!tpu.dma_semaphore, #tpu.memory_space<semaphore_mem>>
        %dma_start3A_1664 = arith.constant 0 : i32
        %dma_start3A_1665 = arith.constant 0 : i32
        %dma_start3A_1666 = tpu.memref_slice %arg13[%dma_start3A_1664, %dma_start3A_1665] : memref<128x128xf32, #tpu.memory_space<vmem>> -> memref<112x128xf32, #tpu.memory_space<vmem>>
        %dma_start3A_1667 = arith.constant 0 : i32
        %dma_start3A_1668 = tpu.memref_slice %arg14[%add3A_1657, %dma_start3A_1667] : memref<10240x128xf32, #tpu.memory_space<vmem_shared>> -> memref<112x128xf32, #tpu.memory_space<vmem_shared>>
        %dma_start3A_1669 = arith.constant 0 : i32
        %dma_start3A_1670 = arith.constant 0 : i32
        %dma_start3A_1671 = tpu.memref_slice %arg13[%dma_start3A_1669, %dma_start3A_1670] : memref<128x128xf32, #tpu.memory_space<vmem>> -> memref<112x128xf32, #tpu.memory_space<vmem>>
        %dma_start3A_1672 = arith.constant 0 : i32
        %dma_start3A_1673 = tpu.memref_slice %arg14[%add3A_1657, %dma_start3A_1672] : memref<10240x128xf32, #tpu.memory_space<vmem_shared>> -> memref<112x128xf32, #tpu.memory_space<vmem_shared>>
        tpu.enqueue_dma source(%dma_start3A_1673 : memref<112x128xf32, #tpu.memory_space<vmem_shared>>) target(%dma_start3A_1671 : memref<112x128xf32, #tpu.memory_space<vmem>>) target_semaphore(%run_scoped3A_1663 : memref<!tpu.dma_semaphore, #tpu.memory_space<semaphore_mem>>)
        %dma_wait3A = arith.constant 0 : i32
        %dma_wait3A_1674 = arith.constant 0 : i32
        %dma_wait3A_1675 = tpu.memref_slice %arg13[%dma_wait3A, %dma_wait3A_1674] : memref<128x128xf32, #tpu.memory_space<vmem>> -> memref<112x128xf32, #tpu.memory_space<vmem>>
        %dma_wait3A_1676 = arith.constant 0 : i32
        %dma_wait3A_1677 = tpu.memref_slice %arg14[%add3A_1657, %dma_wait3A_1676] : memref<10240x128xf32, #tpu.memory_space<vmem_shared>> -> memref<112x128xf32, #tpu.memory_space<vmem_shared>>
        %dma_wait3A_1678 = arith.constant 0 : i32
        %dma_wait3A_1679 = arith.constant 0 : i32
        %dma_wait3A_1680 = tpu.memref_slice %arg13[%dma_wait3A_1678, %dma_wait3A_1679] : memref<128x128xf32, #tpu.memory_space<vmem>> -> memref<112x128xf32, #tpu.memory_space<vmem>>
        %dma_wait3A_1681 = arith.constant 0 : i32
        %dma_wait3A_1682 = tpu.memref_slice %arg14[%add3A_1657, %dma_wait3A_1681] : memref<10240x128xf32, #tpu.memory_space<vmem_shared>> -> memref<112x128xf32, #tpu.memory_space<vmem_shared>>
        tpu.wait_dma2 semaphore(%run_scoped3A_1663 : memref<!tpu.dma_semaphore, #tpu.memory_space<semaphore_mem>>) src(%dma_wait3A_1682 : memref<112x128xf32, #tpu.memory_space<vmem_shared>>) dst(%dma_wait3A_1680 : memref<112x128xf32, #tpu.memory_space<vmem>>)
        tpu.yield
      }) : () -> ()
      "tpu.region"() ({
        %run_scoped3A_1663 = tpu.sem_alloc : memref<!tpu.dma_semaphore, #tpu.memory_space<semaphore_mem>>
        %dma_start3A_1664 = arith.constant 0 : i32
        %dma_start3A_1665 = arith.constant 0 : i32
        %dma_start3A_1666 = tpu.memref_slice %arg13[%dma_start3A_1664, %dma_start3A_1665] : memref<128x128xf32, #tpu.memory_space<vmem>> -> memref<112x128xf32, #tpu.memory_space<vmem>>
        %dma_start3A_1667 = arith.constant 0 : i32
        %dma_start3A_1668 = tpu.memref_slice %arg5[%add3A_1657, %dma_start3A_1667] : memref<10000x128xf32, #tpu.memory_space<hbm>> -> memref<112x128xf32, #tpu.memory_space<hbm>>
        %dma_start3A_1669 = arith.constant 0 : i32
        %dma_start3A_1670 = tpu.memref_slice %arg5[%add3A_1657, %dma_start3A_1669] : memref<10000x128xf32, #tpu.memory_space<hbm>> -> memref<112x128xf32, #tpu.memory_space<hbm>>
        %dma_start3A_1671 = arith.constant 0 : i32
        %dma_start3A_1672 = arith.constant 0 : i32
        %dma_start3A_1673 = tpu.memref_slice %arg13[%dma_start3A_1671, %dma_start3A_1672] : memref<128x128xf32, #tpu.memory_space<vmem>> -> memref<112x128xf32, #tpu.memory_space<vmem>>
        tpu.enqueue_dma source(%dma_start3A_1673 : memref<112x128xf32, #tpu.memory_space<vmem>>) target(%dma_start3A_1670 : memref<112x128xf32, #tpu.memory_space<hbm>>) target_semaphore(%run_scoped3A_1663 : memref<!tpu.dma_semaphore, #tpu.memory_space<semaphore_mem>>)
        %dma_wait3A = arith.constant 0 : i32
        %dma_wait3A_1674 = arith.constant 0 : i32
        %dma_wait3A_1675 = tpu.memref_slice %arg13[%dma_wait3A, %dma_wait3A_1674] : memref<128x128xf32, #tpu.memory_space<vmem>> -> memref<112x128xf32, #tpu.memory_space<vmem>>
        %dma_wait3A_1676 = arith.constant 0 : i32
        %dma_wait3A_1677 = tpu.memref_slice %arg5[%add3A_1657, %dma_wait3A_1676] : memref<10000x128xf32, #tpu.memory_space<hbm>> -> memref<112x128xf32, #tpu.memory_space<hbm>>
        %dma_wait3A_1678 = arith.constant 0 : i32
        %dma_wait3A_1679 = tpu.memref_slice %arg5[%add3A_1657, %dma_wait3A_1678] : memref<10000x128xf32, #tpu.memory_space<hbm>> -> memref<112x128xf32, #tpu.memory_space<hbm>>
        %dma_wait3A_1680 = arith.constant 0 : i32
        %dma_wait3A_1681 = arith.constant 0 : i32
        %dma_wait3A_1682 = tpu.memref_slice %arg13[%dma_wait3A_1680, %dma_wait3A_1681] : memref<128x128xf32, #tpu.memory_space<vmem>> -> memref<112x128xf32, #tpu.memory_space<vmem>>
        tpu.wait_dma2 semaphore(%run_scoped3A_1663 : memref<!tpu.dma_semaphore, #tpu.memory_space<semaphore_mem>>) src(%dma_wait3A_1682 : memref<112x128xf32, #tpu.memory_space<vmem>>) dst(%dma_wait3A_1679 : memref<112x128xf32, #tpu.memory_space<hbm>>)
        tpu.yield
      }) : () -> ()
      %eq3A_1658 = arith.constant 15 : i32
      %eq3A_1659 = arith.cmpi eq, %arg1, %eq3A_1658 : i32
      %convert_element_type3A_1660 = arith.extui %eq3A_1659 : i1 to i32
      %cond3A_1661 = arith.constant 0 : i32
      %cond3A_1662 = arith.cmpi ne, %convert_element_type3A_1660, %cond3A_1661 : i32
      scf.if %cond3A_1662 {
        "tpu.region"() ({
          %run_scoped3A_1663 = tpu.sem_alloc : memref<!tpu.dma_semaphore, #tpu.memory_space<semaphore_mem>>
          %dma_start3A_1664 = arith.constant 0 : i32
          %dma_start3A_1665 = arith.constant 0 : i32
          %dma_start3A_1666 = tpu.memref_slice %arg13[%dma_start3A_1664, %dma_start3A_1665] : memref<128x128xf32, #tpu.memory_space<vmem>> -> memref<16x128xf32, #tpu.memory_space<vmem>>
          %dma_start3A_1667 = arith.constant 9984 : i32
          %dma_start3A_1668 = arith.constant 0 : i32
          %dma_start3A_1669 = tpu.memref_slice %arg14[%dma_start3A_1667, %dma_start3A_1668] : memref<10240x128xf32, #tpu.memory_space<vmem_shared>> -> memref<16x128xf32, #tpu.memory_space<vmem_shared>>
          %dma_start3A_1670 = arith.constant 0 : i32
          %dma_start3A_1671 = arith.constant 0 : i32
          %dma_start3A_1672 = tpu.memref_slice %arg13[%dma_start3A_1670, %dma_start3A_1671] : memref<128x128xf32, #tpu.memory_space<vmem>> -> memref<16x128xf32, #tpu.memory_space<vmem>>
          %dma_start3A_1673 = arith.constant 9984 : i32
          %dma_start3A_1674 = arith.constant 0 : i32
          %dma_start3A_1675 = tpu.memref_slice %arg14[%dma_start3A_1673, %dma_start3A_1674] : memref<10240x128xf32, #tpu.memory_space<vmem_shared>> -> memref<16x128xf32, #tpu.memory_space<vmem_shared>>
          tpu.enqueue_dma source(%dma_start3A_1675 : memref<16x128xf32, #tpu.memory_space<vmem_shared>>) target(%dma_start3A_1672 : memref<16x128xf32, #tpu.memory_space<vmem>>) target_semaphore(%run_scoped3A_1663 : memref<!tpu.dma_semaphore, #tpu.memory_space<semaphore_mem>>)
          %dma_wait3A = arith.constant 0 : i32
          %dma_wait3A_1676 = arith.constant 0 : i32
          %dma_wait3A_1677 = tpu.memref_slice %arg13[%dma_wait3A, %dma_wait3A_1676] : memref<128x128xf32, #tpu.memory_space<vmem>> -> memref<16x128xf32, #tpu.memory_space<vmem>>
          %dma_wait3A_1678 = arith.constant 9984 : i32
          %dma_wait3A_1679 = arith.constant 0 : i32
          %dma_wait3A_1680 = tpu.memref_slice %arg14[%dma_wait3A_1678, %dma_wait3A_1679] : memref<10240x128xf32, #tpu.memory_space<vmem_shared>> -> memref<16x128xf32, #tpu.memory_space<vmem_shared>>
          %dma_wait3A_1681 = arith.constant 0 : i32
          %dma_wait3A_1682 = arith.constant 0 : i32
          %dma_wait3A_1683 = tpu.memref_slice %arg13[%dma_wait3A_1681, %dma_wait3A_1682] : memref<128x128xf32, #tpu.memory_space<vmem>> -> memref<16x128xf32, #tpu.memory_space<vmem>>
          %dma_wait3A_1684 = arith.constant 9984 : i32
          %dma_wait3A_1685 = arith.constant 0 : i32
          %dma_wait3A_1686 = tpu.memref_slice %arg14[%dma_wait3A_1684, %dma_wait3A_1685] : memref<10240x128xf32, #tpu.memory_space<vmem_shared>> -> memref<16x128xf32, #tpu.memory_space<vmem_shared>>
          tpu.wait_dma2 semaphore(%run_scoped3A_1663 : memref<!tpu.dma_semaphore, #tpu.memory_space<semaphore_mem>>) src(%dma_wait3A_1686 : memref<16x128xf32, #tpu.memory_space<vmem_shared>>) dst(%dma_wait3A_1683 : memref<16x128xf32, #tpu.memory_space<vmem>>)
          tpu.yield
        }) : () -> ()
        "tpu.region"() ({
          %run_scoped3A_1663 = tpu.sem_alloc : memref<!tpu.dma_semaphore, #tpu.memory_space<semaphore_mem>>
          %dma_start3A_1664 = arith.constant 0 : i32
          %dma_start3A_1665 = arith.constant 0 : i32
          %dma_start3A_1666 = tpu.memref_slice %arg13[%dma_start3A_1664, %dma_start3A_1665] : memref<128x128xf32, #tpu.memory_space<vmem>> -> memref<16x128xf32, #tpu.memory_space<vmem>>
          %dma_start3A_1667 = arith.constant 9984 : i32
          %dma_start3A_1668 = arith.constant 0 : i32
          %dma_start3A_1669 = tpu.memref_slice %arg5[%dma_start3A_1667, %dma_start3A_1668] : memref<10000x128xf32, #tpu.memory_space<hbm>> -> memref<16x128xf32, #tpu.memory_space<hbm>>
          %dma_start3A_1670 = arith.constant 9984 : i32
          %dma_start3A_1671 = arith.constant 0 : i32
          %dma_start3A_1672 = tpu.memref_slice %arg5[%dma_start3A_1670, %dma_start3A_1671] : memref<10000x128xf32, #tpu.memory_space<hbm>> -> memref<16x128xf32, #tpu.memory_space<hbm>>
          %dma_start3A_1673 = arith.constant 0 : i32
          %dma_start3A_1674 = arith.constant 0 : i32
          %dma_start3A_1675 = tpu.memref_slice %arg13[%dma_start3A_1673, %dma_start3A_1674] : memref<128x128xf32, #tpu.memory_space<vmem>> -> memref<16x128xf32, #tpu.memory_space<vmem>>
          tpu.enqueue_dma source(%dma_start3A_1675 : memref<16x128xf32, #tpu.memory_space<vmem>>) target(%dma_start3A_1672 : memref<16x128xf32, #tpu.memory_space<hbm>>) target_semaphore(%run_scoped3A_1663 : memref<!tpu.dma_semaphore, #tpu.memory_space<semaphore_mem>>)
          %dma_wait3A = arith.constant 0 : i32
          %dma_wait3A_1676 = arith.constant 0 : i32
          %dma_wait3A_1677 = tpu.memref_slice %arg13[%dma_wait3A, %dma_wait3A_1676] : memref<128x128xf32, #tpu.memory_space<vmem>> -> memref<16x128xf32, #tpu.memory_space<vmem>>
          %dma_wait3A_1678 = arith.constant 9984 : i32
          %dma_wait3A_1679 = arith.constant 0 : i32
          %dma_wait3A_1680 = tpu.memref_slice %arg5[%dma_wait3A_1678, %dma_wait3A_1679] : memref<10000x128xf32, #tpu.memory_space<hbm>> -> memref<16x128xf32, #tpu.memory_space<hbm>>
          %dma_wait3A_1681 = arith.constant 9984 : i32
          %dma_wait3A_1682 = arith.constant 0 : i32
          %dma_wait3A_1683 = tpu.memref_slice %arg5[%dma_wait3A_1681, %dma_wait3A_1682] : memref<10000x128xf32, #tpu.memory_space<hbm>> -> memref<16x128xf32, #tpu.memory_space<hbm>>
          %dma_wait3A_1684 = arith.constant 0 : i32
          %dma_wait3A_1685 = arith.constant 0 : i32
          %dma_wait3A_1686 = tpu.memref_slice %arg13[%dma_wait3A_1684, %dma_wait3A_1685] : memref<128x128xf32, #tpu.memory_space<vmem>> -> memref<16x128xf32, #tpu.memory_space<vmem>>
          tpu.wait_dma2 semaphore(%run_scoped3A_1663 : memref<!tpu.dma_semaphore, #tpu.memory_space<semaphore_mem>>) src(%dma_wait3A_1686 : memref<16x128xf32, #tpu.memory_space<vmem>>) dst(%dma_wait3A_1683 : memref<16x128xf32, #tpu.memory_space<hbm>>)
          tpu.yield
        }) : () -> ()
      } else {
      }
    } else {
    }
    %eq3A_1643 = arith.constant 1 : i32
    %eq3A_1644 = arith.cmpi eq, %arg0, %eq3A_1643 : i32
    %convert_element_type3A_1645 = arith.extui %eq3A_1644 : i1 to i32
    %cond3A_1646 = arith.constant 0 : i32
    %cond3A_1647 = arith.cmpi ne, %convert_element_type3A_1645, %cond3A_1646 : i32
    scf.if %cond3A_1647 {
      %add3A_1648 = arith.constant 0 : i32
      %add3A_1649 = arith.addi %mul3A_1639, %add3A_1648 : i32
      "tpu.region"() ({
        %run_scoped3A_1663 = tpu.sem_alloc : memref<!tpu.dma_semaphore, #tpu.memory_space<semaphore_mem>>
        %dma_start3A_1664 = arith.constant 0 : i32
        %dma_start3A_1665 = arith.constant 0 : i32
        %dma_start3A_1666 = tpu.memref_slice %arg13[%dma_start3A_1664, %dma_start3A_1665] : memref<128x128xf32, #tpu.memory_space<vmem>> -> memref<128x128xf32, #tpu.memory_space<vmem>>
        %dma_start3A_1667 = arith.constant 0 : i32
        %dma_start3A_1668 = tpu.memref_slice %arg14[%add3A_1649, %dma_start3A_1667] : memref<10240x128xf32, #tpu.memory_space<vmem_shared>> -> memref<128x128xf32, #tpu.memory_space<vmem_shared>>
        %dma_start3A_1669 = arith.constant 0 : i32
        %dma_start3A_1670 = arith.constant 0 : i32
        %dma_start3A_1671 = tpu.memref_slice %arg13[%dma_start3A_1669, %dma_start3A_1670] : memref<128x128xf32, #tpu.memory_space<vmem>> -> memref<128x128xf32, #tpu.memory_space<vmem>>
        %dma_start3A_1672 = arith.constant 0 : i32
        %dma_start3A_1673 = tpu.memref_slice %arg14[%add3A_1649, %dma_start3A_1672] : memref<10240x128xf32, #tpu.memory_space<vmem_shared>> -> memref<128x128xf32, #tpu.memory_space<vmem_shared>>
        tpu.enqueue_dma source(%dma_start3A_1673 : memref<128x128xf32, #tpu.memory_space<vmem_shared>>) target(%dma_start3A_1671 : memref<128x128xf32, #tpu.memory_space<vmem>>) target_semaphore(%run_scoped3A_1663 : memref<!tpu.dma_semaphore, #tpu.memory_space<semaphore_mem>>)
        %dma_wait3A = arith.constant 0 : i32
        %dma_wait3A_1674 = arith.constant 0 : i32
        %dma_wait3A_1675 = tpu.memref_slice %arg13[%dma_wait3A, %dma_wait3A_1674] : memref<128x128xf32, #tpu.memory_space<vmem>> -> memref<128x128xf32, #tpu.memory_space<vmem>>
        %dma_wait3A_1676 = arith.constant 0 : i32
        %dma_wait3A_1677 = tpu.memref_slice %arg14[%add3A_1649, %dma_wait3A_1676] : memref<10240x128xf32, #tpu.memory_space<vmem_shared>> -> memref<128x128xf32, #tpu.memory_space<vmem_shared>>
        %dma_wait3A_1678 = arith.constant 0 : i32
        %dma_wait3A_1679 = arith.constant 0 : i32
        %dma_wait3A_1680 = tpu.memref_slice %arg13[%dma_wait3A_1678, %dma_wait3A_1679] : memref<128x128xf32, #tpu.memory_space<vmem>> -> memref<128x128xf32, #tpu.memory_space<vmem>>
        %dma_wait3A_1681 = arith.constant 0 : i32
        %dma_wait3A_1682 = tpu.memref_slice %arg14[%add3A_1649, %dma_wait3A_1681] : memref<10240x128xf32, #tpu.memory_space<vmem_shared>> -> memref<128x128xf32, #tpu.memory_space<vmem_shared>>
        tpu.wait_dma2 semaphore(%run_scoped3A_1663 : memref<!tpu.dma_semaphore, #tpu.memory_space<semaphore_mem>>) src(%dma_wait3A_1682 : memref<128x128xf32, #tpu.memory_space<vmem_shared>>) dst(%dma_wait3A_1680 : memref<128x128xf32, #tpu.memory_space<vmem>>)
        tpu.yield
      }) : () -> ()
      "tpu.region"() ({
        %run_scoped3A_1663 = tpu.sem_alloc : memref<!tpu.dma_semaphore, #tpu.memory_space<semaphore_mem>>
        %dma_start3A_1664 = arith.constant 0 : i32
        %dma_start3A_1665 = arith.constant 0 : i32
        %dma_start3A_1666 = tpu.memref_slice %arg13[%dma_start3A_1664, %dma_start3A_1665] : memref<128x128xf32, #tpu.memory_space<vmem>> -> memref<128x128xf32, #tpu.memory_space<vmem>>
        %dma_start3A_1667 = arith.constant 0 : i32
        %dma_start3A_1668 = tpu.memref_slice %arg6[%add3A_1649, %dma_start3A_1667] : memref<10000x128xf32, #tpu.memory_space<hbm>> -> memref<128x128xf32, #tpu.memory_space<hbm>>
        %dma_start3A_1669 = arith.constant 0 : i32
        %dma_start3A_1670 = tpu.memref_slice %arg6[%add3A_1649, %dma_start3A_1669] : memref<10000x128xf32, #tpu.memory_space<hbm>> -> memref<128x128xf32, #tpu.memory_space<hbm>>
        %dma_start3A_1671 = arith.constant 0 : i32
        %dma_start3A_1672 = arith.constant 0 : i32
        %dma_start3A_1673 = tpu.memref_slice %arg13[%dma_start3A_1671, %dma_start3A_1672] : memref<128x128xf32, #tpu.memory_space<vmem>> -> memref<128x128xf32, #tpu.memory_space<vmem>>
        tpu.enqueue_dma source(%dma_start3A_1673 : memref<128x128xf32, #tpu.memory_space<vmem>>) target(%dma_start3A_1670 : memref<128x128xf32, #tpu.memory_space<hbm>>) target_semaphore(%run_scoped3A_1663 : memref<!tpu.dma_semaphore, #tpu.memory_space<semaphore_mem>>)
        %dma_wait3A = arith.constant 0 : i32
        %dma_wait3A_1674 = arith.constant 0 : i32
        %dma_wait3A_1675 = tpu.memref_slice %arg13[%dma_wait3A, %dma_wait3A_1674] : memref<128x128xf32, #tpu.memory_space<vmem>> -> memref<128x128xf32, #tpu.memory_space<vmem>>
        %dma_wait3A_1676 = arith.constant 0 : i32
        %dma_wait3A_1677 = tpu.memref_slice %arg6[%add3A_1649, %dma_wait3A_1676] : memref<10000x128xf32, #tpu.memory_space<hbm>> -> memref<128x128xf32, #tpu.memory_space<hbm>>
        %dma_wait3A_1678 = arith.constant 0 : i32
        %dma_wait3A_1679 = tpu.memref_slice %arg6[%add3A_1649, %dma_wait3A_1678] : memref<10000x128xf32, #tpu.memory_space<hbm>> -> memref<128x128xf32, #tpu.memory_space<hbm>>
        %dma_wait3A_1680 = arith.constant 0 : i32
        %dma_wait3A_1681 = arith.constant 0 : i32
        %dma_wait3A_1682 = tpu.memref_slice %arg13[%dma_wait3A_1680, %dma_wait3A_1681] : memref<128x128xf32, #tpu.memory_space<vmem>> -> memref<128x128xf32, #tpu.memory_space<vmem>>
        tpu.wait_dma2 semaphore(%run_scoped3A_1663 : memref<!tpu.dma_semaphore, #tpu.memory_space<semaphore_mem>>) src(%dma_wait3A_1682 : memref<128x128xf32, #tpu.memory_space<vmem>>) dst(%dma_wait3A_1679 : memref<128x128xf32, #tpu.memory_space<hbm>>)
        tpu.yield
      }) : () -> ()
      %add3A_1650 = arith.constant 128 : i32
      %add3A_1651 = arith.addi %mul3A_1639, %add3A_1650 : i32
      "tpu.region"() ({
        %run_scoped3A_1663 = tpu.sem_alloc : memref<!tpu.dma_semaphore, #tpu.memory_space<semaphore_mem>>
        %dma_start3A_1664 = arith.constant 0 : i32
        %dma_start3A_1665 = arith.constant 0 : i32
        %dma_start3A_1666 = tpu.memref_slice %arg13[%dma_start3A_1664, %dma_start3A_1665] : memref<128x128xf32, #tpu.memory_space<vmem>> -> memref<128x128xf32, #tpu.memory_space<vmem>>
        %dma_start3A_1667 = arith.constant 0 : i32
        %dma_start3A_1668 = tpu.memref_slice %arg14[%add3A_1651, %dma_start3A_1667] : memref<10240x128xf32, #tpu.memory_space<vmem_shared>> -> memref<128x128xf32, #tpu.memory_space<vmem_shared>>
        %dma_start3A_1669 = arith.constant 0 : i32
        %dma_start3A_1670 = arith.constant 0 : i32
        %dma_start3A_1671 = tpu.memref_slice %arg13[%dma_start3A_1669, %dma_start3A_1670] : memref<128x128xf32, #tpu.memory_space<vmem>> -> memref<128x128xf32, #tpu.memory_space<vmem>>
        %dma_start3A_1672 = arith.constant 0 : i32
        %dma_start3A_1673 = tpu.memref_slice %arg14[%add3A_1651, %dma_start3A_1672] : memref<10240x128xf32, #tpu.memory_space<vmem_shared>> -> memref<128x128xf32, #tpu.memory_space<vmem_shared>>
        tpu.enqueue_dma source(%dma_start3A_1673 : memref<128x128xf32, #tpu.memory_space<vmem_shared>>) target(%dma_start3A_1671 : memref<128x128xf32, #tpu.memory_space<vmem>>) target_semaphore(%run_scoped3A_1663 : memref<!tpu.dma_semaphore, #tpu.memory_space<semaphore_mem>>)
        %dma_wait3A = arith.constant 0 : i32
        %dma_wait3A_1674 = arith.constant 0 : i32
        %dma_wait3A_1675 = tpu.memref_slice %arg13[%dma_wait3A, %dma_wait3A_1674] : memref<128x128xf32, #tpu.memory_space<vmem>> -> memref<128x128xf32, #tpu.memory_space<vmem>>
        %dma_wait3A_1676 = arith.constant 0 : i32
        %dma_wait3A_1677 = tpu.memref_slice %arg14[%add3A_1651, %dma_wait3A_1676] : memref<10240x128xf32, #tpu.memory_space<vmem_shared>> -> memref<128x128xf32, #tpu.memory_space<vmem_shared>>
        %dma_wait3A_1678 = arith.constant 0 : i32
        %dma_wait3A_1679 = arith.constant 0 : i32
        %dma_wait3A_1680 = tpu.memref_slice %arg13[%dma_wait3A_1678, %dma_wait3A_1679] : memref<128x128xf32, #tpu.memory_space<vmem>> -> memref<128x128xf32, #tpu.memory_space<vmem>>
        %dma_wait3A_1681 = arith.constant 0 : i32
        %dma_wait3A_1682 = tpu.memref_slice %arg14[%add3A_1651, %dma_wait3A_1681] : memref<10240x128xf32, #tpu.memory_space<vmem_shared>> -> memref<128x128xf32, #tpu.memory_space<vmem_shared>>
        tpu.wait_dma2 semaphore(%run_scoped3A_1663 : memref<!tpu.dma_semaphore, #tpu.memory_space<semaphore_mem>>) src(%dma_wait3A_1682 : memref<128x128xf32, #tpu.memory_space<vmem_shared>>) dst(%dma_wait3A_1680 : memref<128x128xf32, #tpu.memory_space<vmem>>)
        tpu.yield
      }) : () -> ()
      "tpu.region"() ({
        %run_scoped3A_1663 = tpu.sem_alloc : memref<!tpu.dma_semaphore, #tpu.memory_space<semaphore_mem>>
        %dma_start3A_1664 = arith.constant 0 : i32
        %dma_start3A_1665 = arith.constant 0 : i32
        %dma_start3A_1666 = tpu.memref_slice %arg13[%dma_start3A_1664, %dma_start3A_1665] : memref<128x128xf32, #tpu.memory_space<vmem>> -> memref<128x128xf32, #tpu.memory_space<vmem>>
        %dma_start3A_1667 = arith.constant 0 : i32
        %dma_start3A_1668 = tpu.memref_slice %arg6[%add3A_1651, %dma_start3A_1667] : memref<10000x128xf32, #tpu.memory_space<hbm>> -> memref<128x128xf32, #tpu.memory_space<hbm>>
        %dma_start3A_1669 = arith.constant 0 : i32
        %dma_start3A_1670 = tpu.memref_slice %arg6[%add3A_1651, %dma_start3A_1669] : memref<10000x128xf32, #tpu.memory_space<hbm>> -> memref<128x128xf32, #tpu.memory_space<hbm>>
        %dma_start3A_1671 = arith.constant 0 : i32
        %dma_start3A_1672 = arith.constant 0 : i32
        %dma_start3A_1673 = tpu.memref_slice %arg13[%dma_start3A_1671, %dma_start3A_1672] : memref<128x128xf32, #tpu.memory_space<vmem>> -> memref<128x128xf32, #tpu.memory_space<vmem>>
        tpu.enqueue_dma source(%dma_start3A_1673 : memref<128x128xf32, #tpu.memory_space<vmem>>) target(%dma_start3A_1670 : memref<128x128xf32, #tpu.memory_space<hbm>>) target_semaphore(%run_scoped3A_1663 : memref<!tpu.dma_semaphore, #tpu.memory_space<semaphore_mem>>)
        %dma_wait3A = arith.constant 0 : i32
        %dma_wait3A_1674 = arith.constant 0 : i32
        %dma_wait3A_1675 = tpu.memref_slice %arg13[%dma_wait3A, %dma_wait3A_1674] : memref<128x128xf32, #tpu.memory_space<vmem>> -> memref<128x128xf32, #tpu.memory_space<vmem>>
        %dma_wait3A_1676 = arith.constant 0 : i32
        %dma_wait3A_1677 = tpu.memref_slice %arg6[%add3A_1651, %dma_wait3A_1676] : memref<10000x128xf32, #tpu.memory_space<hbm>> -> memref<128x128xf32, #tpu.memory_space<hbm>>
        %dma_wait3A_1678 = arith.constant 0 : i32
        %dma_wait3A_1679 = tpu.memref_slice %arg6[%add3A_1651, %dma_wait3A_1678] : memref<10000x128xf32, #tpu.memory_space<hbm>> -> memref<128x128xf32, #tpu.memory_space<hbm>>
        %dma_wait3A_1680 = arith.constant 0 : i32
        %dma_wait3A_1681 = arith.constant 0 : i32
        %dma_wait3A_1682 = tpu.memref_slice %arg13[%dma_wait3A_1680, %dma_wait3A_1681] : memref<128x128xf32, #tpu.memory_space<vmem>> -> memref<128x128xf32, #tpu.memory_space<vmem>>
        tpu.wait_dma2 semaphore(%run_scoped3A_1663 : memref<!tpu.dma_semaphore, #tpu.memory_space<semaphore_mem>>) src(%dma_wait3A_1682 : memref<128x128xf32, #tpu.memory_space<vmem>>) dst(%dma_wait3A_1679 : memref<128x128xf32, #tpu.memory_space<hbm>>)
        tpu.yield
      }) : () -> ()
      %add3A_1652 = arith.constant 256 : i32
      %add3A_1653 = arith.addi %mul3A_1639, %add3A_1652 : i32
      "tpu.region"() ({
        %run_scoped3A_1663 = tpu.sem_alloc : memref<!tpu.dma_semaphore, #tpu.memory_space<semaphore_mem>>
        %dma_start3A_1664 = arith.constant 0 : i32
        %dma_start3A_1665 = arith.constant 0 : i32
        %dma_start3A_1666 = tpu.memref_slice %arg13[%dma_start3A_1664, %dma_start3A_1665] : memref<128x128xf32, #tpu.memory_space<vmem>> -> memref<128x128xf32, #tpu.memory_space<vmem>>
        %dma_start3A_1667 = arith.constant 0 : i32
        %dma_start3A_1668 = tpu.memref_slice %arg14[%add3A_1653, %dma_start3A_1667] : memref<10240x128xf32, #tpu.memory_space<vmem_shared>> -> memref<128x128xf32, #tpu.memory_space<vmem_shared>>
        %dma_start3A_1669 = arith.constant 0 : i32
        %dma_start3A_1670 = arith.constant 0 : i32
        %dma_start3A_1671 = tpu.memref_slice %arg13[%dma_start3A_1669, %dma_start3A_1670] : memref<128x128xf32, #tpu.memory_space<vmem>> -> memref<128x128xf32, #tpu.memory_space<vmem>>
        %dma_start3A_1672 = arith.constant 0 : i32
        %dma_start3A_1673 = tpu.memref_slice %arg14[%add3A_1653, %dma_start3A_1672] : memref<10240x128xf32, #tpu.memory_space<vmem_shared>> -> memref<128x128xf32, #tpu.memory_space<vmem_shared>>
        tpu.enqueue_dma source(%dma_start3A_1673 : memref<128x128xf32, #tpu.memory_space<vmem_shared>>) target(%dma_start3A_1671 : memref<128x128xf32, #tpu.memory_space<vmem>>) target_semaphore(%run_scoped3A_1663 : memref<!tpu.dma_semaphore, #tpu.memory_space<semaphore_mem>>)
        %dma_wait3A = arith.constant 0 : i32
        %dma_wait3A_1674 = arith.constant 0 : i32
        %dma_wait3A_1675 = tpu.memref_slice %arg13[%dma_wait3A, %dma_wait3A_1674] : memref<128x128xf32, #tpu.memory_space<vmem>> -> memref<128x128xf32, #tpu.memory_space<vmem>>
        %dma_wait3A_1676 = arith.constant 0 : i32
        %dma_wait3A_1677 = tpu.memref_slice %arg14[%add3A_1653, %dma_wait3A_1676] : memref<10240x128xf32, #tpu.memory_space<vmem_shared>> -> memref<128x128xf32, #tpu.memory_space<vmem_shared>>
        %dma_wait3A_1678 = arith.constant 0 : i32
        %dma_wait3A_1679 = arith.constant 0 : i32
        %dma_wait3A_1680 = tpu.memref_slice %arg13[%dma_wait3A_1678, %dma_wait3A_1679] : memref<128x128xf32, #tpu.memory_space<vmem>> -> memref<128x128xf32, #tpu.memory_space<vmem>>
        %dma_wait3A_1681 = arith.constant 0 : i32
        %dma_wait3A_1682 = tpu.memref_slice %arg14[%add3A_1653, %dma_wait3A_1681] : memref<10240x128xf32, #tpu.memory_space<vmem_shared>> -> memref<128x128xf32, #tpu.memory_space<vmem_shared>>
        tpu.wait_dma2 semaphore(%run_scoped3A_1663 : memref<!tpu.dma_semaphore, #tpu.memory_space<semaphore_mem>>) src(%dma_wait3A_1682 : memref<128x128xf32, #tpu.memory_space<vmem_shared>>) dst(%dma_wait3A_1680 : memref<128x128xf32, #tpu.memory_space<vmem>>)
        tpu.yield
      }) : () -> ()
      "tpu.region"() ({
        %run_scoped3A_1663 = tpu.sem_alloc : memref<!tpu.dma_semaphore, #tpu.memory_space<semaphore_mem>>
        %dma_start3A_1664 = arith.constant 0 : i32
        %dma_start3A_1665 = arith.constant 0 : i32
        %dma_start3A_1666 = tpu.memref_slice %arg13[%dma_start3A_1664, %dma_start3A_1665] : memref<128x128xf32, #tpu.memory_space<vmem>> -> memref<128x128xf32, #tpu.memory_space<vmem>>
        %dma_start3A_1667 = arith.constant 0 : i32
        %dma_start3A_1668 = tpu.memref_slice %arg6[%add3A_1653, %dma_start3A_1667] : memref<10000x128xf32, #tpu.memory_space<hbm>> -> memref<128x128xf32, #tpu.memory_space<hbm>>
        %dma_start3A_1669 = arith.constant 0 : i32
        %dma_start3A_1670 = tpu.memref_slice %arg6[%add3A_1653, %dma_start3A_1669] : memref<10000x128xf32, #tpu.memory_space<hbm>> -> memref<128x128xf32, #tpu.memory_space<hbm>>
        %dma_start3A_1671 = arith.constant 0 : i32
        %dma_start3A_1672 = arith.constant 0 : i32
        %dma_start3A_1673 = tpu.memref_slice %arg13[%dma_start3A_1671, %dma_start3A_1672] : memref<128x128xf32, #tpu.memory_space<vmem>> -> memref<128x128xf32, #tpu.memory_space<vmem>>
        tpu.enqueue_dma source(%dma_start3A_1673 : memref<128x128xf32, #tpu.memory_space<vmem>>) target(%dma_start3A_1670 : memref<128x128xf32, #tpu.memory_space<hbm>>) target_semaphore(%run_scoped3A_1663 : memref<!tpu.dma_semaphore, #tpu.memory_space<semaphore_mem>>)
        %dma_wait3A = arith.constant 0 : i32
        %dma_wait3A_1674 = arith.constant 0 : i32
        %dma_wait3A_1675 = tpu.memref_slice %arg13[%dma_wait3A, %dma_wait3A_1674] : memref<128x128xf32, #tpu.memory_space<vmem>> -> memref<128x128xf32, #tpu.memory_space<vmem>>
        %dma_wait3A_1676 = arith.constant 0 : i32
        %dma_wait3A_1677 = tpu.memref_slice %arg6[%add3A_1653, %dma_wait3A_1676] : memref<10000x128xf32, #tpu.memory_space<hbm>> -> memref<128x128xf32, #tpu.memory_space<hbm>>
        %dma_wait3A_1678 = arith.constant 0 : i32
        %dma_wait3A_1679 = tpu.memref_slice %arg6[%add3A_1653, %dma_wait3A_1678] : memref<10000x128xf32, #tpu.memory_space<hbm>> -> memref<128x128xf32, #tpu.memory_space<hbm>>
        %dma_wait3A_1680 = arith.constant 0 : i32
        %dma_wait3A_1681 = arith.constant 0 : i32
        %dma_wait3A_1682 = tpu.memref_slice %arg13[%dma_wait3A_1680, %dma_wait3A_1681] : memref<128x128xf32, #tpu.memory_space<vmem>> -> memref<128x128xf32, #tpu.memory_space<vmem>>
        tpu.wait_dma2 semaphore(%run_scoped3A_1663 : memref<!tpu.dma_semaphore, #tpu.memory_space<semaphore_mem>>) src(%dma_wait3A_1682 : memref<128x128xf32, #tpu.memory_space<vmem>>) dst(%dma_wait3A_1679 : memref<128x128xf32, #tpu.memory_space<hbm>>)
        tpu.yield
      }) : () -> ()
      %add3A_1654 = arith.constant 384 : i32
      %add3A_1655 = arith.addi %mul3A_1639, %add3A_1654 : i32
      "tpu.region"() ({
        %run_scoped3A_1663 = tpu.sem_alloc : memref<!tpu.dma_semaphore, #tpu.memory_space<semaphore_mem>>
        %dma_start3A_1664 = arith.constant 0 : i32
        %dma_start3A_1665 = arith.constant 0 : i32
        %dma_start3A_1666 = tpu.memref_slice %arg13[%dma_start3A_1664, %dma_start3A_1665] : memref<128x128xf32, #tpu.memory_space<vmem>> -> memref<128x128xf32, #tpu.memory_space<vmem>>
        %dma_start3A_1667 = arith.constant 0 : i32
        %dma_start3A_1668 = tpu.memref_slice %arg14[%add3A_1655, %dma_start3A_1667] : memref<10240x128xf32, #tpu.memory_space<vmem_shared>> -> memref<128x128xf32, #tpu.memory_space<vmem_shared>>
        %dma_start3A_1669 = arith.constant 0 : i32
        %dma_start3A_1670 = arith.constant 0 : i32
        %dma_start3A_1671 = tpu.memref_slice %arg13[%dma_start3A_1669, %dma_start3A_1670] : memref<128x128xf32, #tpu.memory_space<vmem>> -> memref<128x128xf32, #tpu.memory_space<vmem>>
        %dma_start3A_1672 = arith.constant 0 : i32
        %dma_start3A_1673 = tpu.memref_slice %arg14[%add3A_1655, %dma_start3A_1672] : memref<10240x128xf32, #tpu.memory_space<vmem_shared>> -> memref<128x128xf32, #tpu.memory_space<vmem_shared>>
        tpu.enqueue_dma source(%dma_start3A_1673 : memref<128x128xf32, #tpu.memory_space<vmem_shared>>) target(%dma_start3A_1671 : memref<128x128xf32, #tpu.memory_space<vmem>>) target_semaphore(%run_scoped3A_1663 : memref<!tpu.dma_semaphore, #tpu.memory_space<semaphore_mem>>)
        %dma_wait3A = arith.constant 0 : i32
        %dma_wait3A_1674 = arith.constant 0 : i32
        %dma_wait3A_1675 = tpu.memref_slice %arg13[%dma_wait3A, %dma_wait3A_1674] : memref<128x128xf32, #tpu.memory_space<vmem>> -> memref<128x128xf32, #tpu.memory_space<vmem>>
        %dma_wait3A_1676 = arith.constant 0 : i32
        %dma_wait3A_1677 = tpu.memref_slice %arg14[%add3A_1655, %dma_wait3A_1676] : memref<10240x128xf32, #tpu.memory_space<vmem_shared>> -> memref<128x128xf32, #tpu.memory_space<vmem_shared>>
        %dma_wait3A_1678 = arith.constant 0 : i32
        %dma_wait3A_1679 = arith.constant 0 : i32
        %dma_wait3A_1680 = tpu.memref_slice %arg13[%dma_wait3A_1678, %dma_wait3A_1679] : memref<128x128xf32, #tpu.memory_space<vmem>> -> memref<128x128xf32, #tpu.memory_space<vmem>>
        %dma_wait3A_1681 = arith.constant 0 : i32
        %dma_wait3A_1682 = tpu.memref_slice %arg14[%add3A_1655, %dma_wait3A_1681] : memref<10240x128xf32, #tpu.memory_space<vmem_shared>> -> memref<128x128xf32, #tpu.memory_space<vmem_shared>>
        tpu.wait_dma2 semaphore(%run_scoped3A_1663 : memref<!tpu.dma_semaphore, #tpu.memory_space<semaphore_mem>>) src(%dma_wait3A_1682 : memref<128x128xf32, #tpu.memory_space<vmem_shared>>) dst(%dma_wait3A_1680 : memref<128x128xf32, #tpu.memory_space<vmem>>)
        tpu.yield
      }) : () -> ()
      "tpu.region"() ({
        %run_scoped3A_1663 = tpu.sem_alloc : memref<!tpu.dma_semaphore, #tpu.memory_space<semaphore_mem>>
        %dma_start3A_1664 = arith.constant 0 : i32
        %dma_start3A_1665 = arith.constant 0 : i32
        %dma_start3A_1666 = tpu.memref_slice %arg13[%dma_start3A_1664, %dma_start3A_1665] : memref<128x128xf32, #tpu.memory_space<vmem>> -> memref<128x128xf32, #tpu.memory_space<vmem>>
        %dma_start3A_1667 = arith.constant 0 : i32
        %dma_start3A_1668 = tpu.memref_slice %arg6[%add3A_1655, %dma_start3A_1667] : memref<10000x128xf32, #tpu.memory_space<hbm>> -> memref<128x128xf32, #tpu.memory_space<hbm>>
        %dma_start3A_1669 = arith.constant 0 : i32
        %dma_start3A_1670 = tpu.memref_slice %arg6[%add3A_1655, %dma_start3A_1669] : memref<10000x128xf32, #tpu.memory_space<hbm>> -> memref<128x128xf32, #tpu.memory_space<hbm>>
        %dma_start3A_1671 = arith.constant 0 : i32
        %dma_start3A_1672 = arith.constant 0 : i32
        %dma_start3A_1673 = tpu.memref_slice %arg13[%dma_start3A_1671, %dma_start3A_1672] : memref<128x128xf32, #tpu.memory_space<vmem>> -> memref<128x128xf32, #tpu.memory_space<vmem>>
        tpu.enqueue_dma source(%dma_start3A_1673 : memref<128x128xf32, #tpu.memory_space<vmem>>) target(%dma_start3A_1670 : memref<128x128xf32, #tpu.memory_space<hbm>>) target_semaphore(%run_scoped3A_1663 : memref<!tpu.dma_semaphore, #tpu.memory_space<semaphore_mem>>)
        %dma_wait3A = arith.constant 0 : i32
        %dma_wait3A_1674 = arith.constant 0 : i32
        %dma_wait3A_1675 = tpu.memref_slice %arg13[%dma_wait3A, %dma_wait3A_1674] : memref<128x128xf32, #tpu.memory_space<vmem>> -> memref<128x128xf32, #tpu.memory_space<vmem>>
        %dma_wait3A_1676 = arith.constant 0 : i32
        %dma_wait3A_1677 = tpu.memref_slice %arg6[%add3A_1655, %dma_wait3A_1676] : memref<10000x128xf32, #tpu.memory_space<hbm>> -> memref<128x128xf32, #tpu.memory_space<hbm>>
        %dma_wait3A_1678 = arith.constant 0 : i32
        %dma_wait3A_1679 = tpu.memref_slice %arg6[%add3A_1655, %dma_wait3A_1678] : memref<10000x128xf32, #tpu.memory_space<hbm>> -> memref<128x128xf32, #tpu.memory_space<hbm>>
        %dma_wait3A_1680 = arith.constant 0 : i32
        %dma_wait3A_1681 = arith.constant 0 : i32
        %dma_wait3A_1682 = tpu.memref_slice %arg13[%dma_wait3A_1680, %dma_wait3A_1681] : memref<128x128xf32, #tpu.memory_space<vmem>> -> memref<128x128xf32, #tpu.memory_space<vmem>>
        tpu.wait_dma2 semaphore(%run_scoped3A_1663 : memref<!tpu.dma_semaphore, #tpu.memory_space<semaphore_mem>>) src(%dma_wait3A_1682 : memref<128x128xf32, #tpu.memory_space<vmem>>) dst(%dma_wait3A_1679 : memref<128x128xf32, #tpu.memory_space<hbm>>)
        tpu.yield
      }) : () -> ()
      %add3A_1656 = arith.constant 512 : i32
      %add3A_1657 = arith.addi %mul3A_1639, %add3A_1656 : i32
      "tpu.region"() ({
        %run_scoped3A_1663 = tpu.sem_alloc : memref<!tpu.dma_semaphore, #tpu.memory_space<semaphore_mem>>
        %dma_start3A_1664 = arith.constant 0 : i32
        %dma_start3A_1665 = arith.constant 0 : i32
        %dma_start3A_1666 = tpu.memref_slice %arg13[%dma_start3A_1664, %dma_start3A_1665] : memref<128x128xf32, #tpu.memory_space<vmem>> -> memref<112x128xf32, #tpu.memory_space<vmem>>
        %dma_start3A_1667 = arith.constant 0 : i32
        %dma_start3A_1668 = tpu.memref_slice %arg14[%add3A_1657, %dma_start3A_1667] : memref<10240x128xf32, #tpu.memory_space<vmem_shared>> -> memref<112x128xf32, #tpu.memory_space<vmem_shared>>
        %dma_start3A_1669 = arith.constant 0 : i32
        %dma_start3A_1670 = arith.constant 0 : i32
        %dma_start3A_1671 = tpu.memref_slice %arg13[%dma_start3A_1669, %dma_start3A_1670] : memref<128x128xf32, #tpu.memory_space<vmem>> -> memref<112x128xf32, #tpu.memory_space<vmem>>
        %dma_start3A_1672 = arith.constant 0 : i32
        %dma_start3A_1673 = tpu.memref_slice %arg14[%add3A_1657, %dma_start3A_1672] : memref<10240x128xf32, #tpu.memory_space<vmem_shared>> -> memref<112x128xf32, #tpu.memory_space<vmem_shared>>
        tpu.enqueue_dma source(%dma_start3A_1673 : memref<112x128xf32, #tpu.memory_space<vmem_shared>>) target(%dma_start3A_1671 : memref<112x128xf32, #tpu.memory_space<vmem>>) target_semaphore(%run_scoped3A_1663 : memref<!tpu.dma_semaphore, #tpu.memory_space<semaphore_mem>>)
        %dma_wait3A = arith.constant 0 : i32
        %dma_wait3A_1674 = arith.constant 0 : i32
        %dma_wait3A_1675 = tpu.memref_slice %arg13[%dma_wait3A, %dma_wait3A_1674] : memref<128x128xf32, #tpu.memory_space<vmem>> -> memref<112x128xf32, #tpu.memory_space<vmem>>
        %dma_wait3A_1676 = arith.constant 0 : i32
        %dma_wait3A_1677 = tpu.memref_slice %arg14[%add3A_1657, %dma_wait3A_1676] : memref<10240x128xf32, #tpu.memory_space<vmem_shared>> -> memref<112x128xf32, #tpu.memory_space<vmem_shared>>
        %dma_wait3A_1678 = arith.constant 0 : i32
        %dma_wait3A_1679 = arith.constant 0 : i32
        %dma_wait3A_1680 = tpu.memref_slice %arg13[%dma_wait3A_1678, %dma_wait3A_1679] : memref<128x128xf32, #tpu.memory_space<vmem>> -> memref<112x128xf32, #tpu.memory_space<vmem>>
        %dma_wait3A_1681 = arith.constant 0 : i32
        %dma_wait3A_1682 = tpu.memref_slice %arg14[%add3A_1657, %dma_wait3A_1681] : memref<10240x128xf32, #tpu.memory_space<vmem_shared>> -> memref<112x128xf32, #tpu.memory_space<vmem_shared>>
        tpu.wait_dma2 semaphore(%run_scoped3A_1663 : memref<!tpu.dma_semaphore, #tpu.memory_space<semaphore_mem>>) src(%dma_wait3A_1682 : memref<112x128xf32, #tpu.memory_space<vmem_shared>>) dst(%dma_wait3A_1680 : memref<112x128xf32, #tpu.memory_space<vmem>>)
        tpu.yield
      }) : () -> ()
      "tpu.region"() ({
        %run_scoped3A_1663 = tpu.sem_alloc : memref<!tpu.dma_semaphore, #tpu.memory_space<semaphore_mem>>
        %dma_start3A_1664 = arith.constant 0 : i32
        %dma_start3A_1665 = arith.constant 0 : i32
        %dma_start3A_1666 = tpu.memref_slice %arg13[%dma_start3A_1664, %dma_start3A_1665] : memref<128x128xf32, #tpu.memory_space<vmem>> -> memref<112x128xf32, #tpu.memory_space<vmem>>
        %dma_start3A_1667 = arith.constant 0 : i32
        %dma_start3A_1668 = tpu.memref_slice %arg6[%add3A_1657, %dma_start3A_1667] : memref<10000x128xf32, #tpu.memory_space<hbm>> -> memref<112x128xf32, #tpu.memory_space<hbm>>
        %dma_start3A_1669 = arith.constant 0 : i32
        %dma_start3A_1670 = tpu.memref_slice %arg6[%add3A_1657, %dma_start3A_1669] : memref<10000x128xf32, #tpu.memory_space<hbm>> -> memref<112x128xf32, #tpu.memory_space<hbm>>
        %dma_start3A_1671 = arith.constant 0 : i32
        %dma_start3A_1672 = arith.constant 0 : i32
        %dma_start3A_1673 = tpu.memref_slice %arg13[%dma_start3A_1671, %dma_start3A_1672] : memref<128x128xf32, #tpu.memory_space<vmem>> -> memref<112x128xf32, #tpu.memory_space<vmem>>
        tpu.enqueue_dma source(%dma_start3A_1673 : memref<112x128xf32, #tpu.memory_space<vmem>>) target(%dma_start3A_1670 : memref<112x128xf32, #tpu.memory_space<hbm>>) target_semaphore(%run_scoped3A_1663 : memref<!tpu.dma_semaphore, #tpu.memory_space<semaphore_mem>>)
        %dma_wait3A = arith.constant 0 : i32
        %dma_wait3A_1674 = arith.constant 0 : i32
        %dma_wait3A_1675 = tpu.memref_slice %arg13[%dma_wait3A, %dma_wait3A_1674] : memref<128x128xf32, #tpu.memory_space<vmem>> -> memref<112x128xf32, #tpu.memory_space<vmem>>
        %dma_wait3A_1676 = arith.constant 0 : i32
        %dma_wait3A_1677 = tpu.memref_slice %arg6[%add3A_1657, %dma_wait3A_1676] : memref<10000x128xf32, #tpu.memory_space<hbm>> -> memref<112x128xf32, #tpu.memory_space<hbm>>
        %dma_wait3A_1678 = arith.constant 0 : i32
        %dma_wait3A_1679 = tpu.memref_slice %arg6[%add3A_1657, %dma_wait3A_1678] : memref<10000x128xf32, #tpu.memory_space<hbm>> -> memref<112x128xf32, #tpu.memory_space<hbm>>
        %dma_wait3A_1680 = arith.constant 0 : i32
        %dma_wait3A_1681 = arith.constant 0 : i32
        %dma_wait3A_1682 = tpu.memref_slice %arg13[%dma_wait3A_1680, %dma_wait3A_1681] : memref<128x128xf32, #tpu.memory_space<vmem>> -> memref<112x128xf32, #tpu.memory_space<vmem>>
        tpu.wait_dma2 semaphore(%run_scoped3A_1663 : memref<!tpu.dma_semaphore, #tpu.memory_space<semaphore_mem>>) src(%dma_wait3A_1682 : memref<112x128xf32, #tpu.memory_space<vmem>>) dst(%dma_wait3A_1679 : memref<112x128xf32, #tpu.memory_space<hbm>>)
        tpu.yield
      }) : () -> ()
      %eq3A_1658 = arith.constant 15 : i32
      %eq3A_1659 = arith.cmpi eq, %arg1, %eq3A_1658 : i32
      %convert_element_type3A_1660 = arith.extui %eq3A_1659 : i1 to i32
      %cond3A_1661 = arith.constant 0 : i32
      %cond3A_1662 = arith.cmpi ne, %convert_element_type3A_1660, %cond3A_1661 : i32
      scf.if %cond3A_1662 {
        "tpu.region"() ({
          %run_scoped3A_1663 = tpu.sem_alloc : memref<!tpu.dma_semaphore, #tpu.memory_space<semaphore_mem>>
          %dma_start3A_1664 = arith.constant 0 : i32
          %dma_start3A_1665 = arith.constant 0 : i32
          %dma_start3A_1666 = tpu.memref_slice %arg13[%dma_start3A_1664, %dma_start3A_1665] : memref<128x128xf32, #tpu.memory_space<vmem>> -> memref<16x128xf32, #tpu.memory_space<vmem>>
          %dma_start3A_1667 = arith.constant 9984 : i32
          %dma_start3A_1668 = arith.constant 0 : i32
          %dma_start3A_1669 = tpu.memref_slice %arg14[%dma_start3A_1667, %dma_start3A_1668] : memref<10240x128xf32, #tpu.memory_space<vmem_shared>> -> memref<16x128xf32, #tpu.memory_space<vmem_shared>>
          %dma_start3A_1670 = arith.constant 0 : i32
          %dma_start3A_1671 = arith.constant 0 : i32
          %dma_start3A_1672 = tpu.memref_slice %arg13[%dma_start3A_1670, %dma_start3A_1671] : memref<128x128xf32, #tpu.memory_space<vmem>> -> memref<16x128xf32, #tpu.memory_space<vmem>>
          %dma_start3A_1673 = arith.constant 9984 : i32
          %dma_start3A_1674 = arith.constant 0 : i32
          %dma_start3A_1675 = tpu.memref_slice %arg14[%dma_start3A_1673, %dma_start3A_1674] : memref<10240x128xf32, #tpu.memory_space<vmem_shared>> -> memref<16x128xf32, #tpu.memory_space<vmem_shared>>
          tpu.enqueue_dma source(%dma_start3A_1675 : memref<16x128xf32, #tpu.memory_space<vmem_shared>>) target(%dma_start3A_1672 : memref<16x128xf32, #tpu.memory_space<vmem>>) target_semaphore(%run_scoped3A_1663 : memref<!tpu.dma_semaphore, #tpu.memory_space<semaphore_mem>>)
          %dma_wait3A = arith.constant 0 : i32
          %dma_wait3A_1676 = arith.constant 0 : i32
          %dma_wait3A_1677 = tpu.memref_slice %arg13[%dma_wait3A, %dma_wait3A_1676] : memref<128x128xf32, #tpu.memory_space<vmem>> -> memref<16x128xf32, #tpu.memory_space<vmem>>
          %dma_wait3A_1678 = arith.constant 9984 : i32
          %dma_wait3A_1679 = arith.constant 0 : i32
          %dma_wait3A_1680 = tpu.memref_slice %arg14[%dma_wait3A_1678, %dma_wait3A_1679] : memref<10240x128xf32, #tpu.memory_space<vmem_shared>> -> memref<16x128xf32, #tpu.memory_space<vmem_shared>>
          %dma_wait3A_1681 = arith.constant 0 : i32
          %dma_wait3A_1682 = arith.constant 0 : i32
          %dma_wait3A_1683 = tpu.memref_slice %arg13[%dma_wait3A_1681, %dma_wait3A_1682] : memref<128x128xf32, #tpu.memory_space<vmem>> -> memref<16x128xf32, #tpu.memory_space<vmem>>
          %dma_wait3A_1684 = arith.constant 9984 : i32
          %dma_wait3A_1685 = arith.constant 0 : i32
          %dma_wait3A_1686 = tpu.memref_slice %arg14[%dma_wait3A_1684, %dma_wait3A_1685] : memref<10240x128xf32, #tpu.memory_space<vmem_shared>> -> memref<16x128xf32, #tpu.memory_space<vmem_shared>>
          tpu.wait_dma2 semaphore(%run_scoped3A_1663 : memref<!tpu.dma_semaphore, #tpu.memory_space<semaphore_mem>>) src(%dma_wait3A_1686 : memref<16x128xf32, #tpu.memory_space<vmem_shared>>) dst(%dma_wait3A_1683 : memref<16x128xf32, #tpu.memory_space<vmem>>)
          tpu.yield
        }) : () -> ()
        "tpu.region"() ({
          %run_scoped3A_1663 = tpu.sem_alloc : memref<!tpu.dma_semaphore, #tpu.memory_space<semaphore_mem>>
          %dma_start3A_1664 = arith.constant 0 : i32
          %dma_start3A_1665 = arith.constant 0 : i32
          %dma_start3A_1666 = tpu.memref_slice %arg13[%dma_start3A_1664, %dma_start3A_1665] : memref<128x128xf32, #tpu.memory_space<vmem>> -> memref<16x128xf32, #tpu.memory_space<vmem>>
          %dma_start3A_1667 = arith.constant 9984 : i32
          %dma_start3A_1668 = arith.constant 0 : i32
          %dma_start3A_1669 = tpu.memref_slice %arg6[%dma_start3A_1667, %dma_start3A_1668] : memref<10000x128xf32, #tpu.memory_space<hbm>> -> memref<16x128xf32, #tpu.memory_space<hbm>>
          %dma_start3A_1670 = arith.constant 9984 : i32
          %dma_start3A_1671 = arith.constant 0 : i32
          %dma_start3A_1672 = tpu.memref_slice %arg6[%dma_start3A_1670, %dma_start3A_1671] : memref<10000x128xf32, #tpu.memory_space<hbm>> -> memref<16x128xf32, #tpu.memory_space<hbm>>
          %dma_start3A_1673 = arith.constant 0 : i32
          %dma_start3A_1674 = arith.constant 0 : i32
          %dma_start3A_1675 = tpu.memref_slice %arg13[%dma_start3A_1673, %dma_start3A_1674] : memref<128x128xf32, #tpu.memory_space<vmem>> -> memref<16x128xf32, #tpu.memory_space<vmem>>
          tpu.enqueue_dma source(%dma_start3A_1675 : memref<16x128xf32, #tpu.memory_space<vmem>>) target(%dma_start3A_1672 : memref<16x128xf32, #tpu.memory_space<hbm>>) target_semaphore(%run_scoped3A_1663 : memref<!tpu.dma_semaphore, #tpu.memory_space<semaphore_mem>>)
          %dma_wait3A = arith.constant 0 : i32
          %dma_wait3A_1676 = arith.constant 0 : i32
          %dma_wait3A_1677 = tpu.memref_slice %arg13[%dma_wait3A, %dma_wait3A_1676] : memref<128x128xf32, #tpu.memory_space<vmem>> -> memref<16x128xf32, #tpu.memory_space<vmem>>
          %dma_wait3A_1678 = arith.constant 9984 : i32
          %dma_wait3A_1679 = arith.constant 0 : i32
          %dma_wait3A_1680 = tpu.memref_slice %arg6[%dma_wait3A_1678, %dma_wait3A_1679] : memref<10000x128xf32, #tpu.memory_space<hbm>> -> memref<16x128xf32, #tpu.memory_space<hbm>>
          %dma_wait3A_1681 = arith.constant 9984 : i32
          %dma_wait3A_1682 = arith.constant 0 : i32
          %dma_wait3A_1683 = tpu.memref_slice %arg6[%dma_wait3A_1681, %dma_wait3A_1682] : memref<10000x128xf32, #tpu.memory_space<hbm>> -> memref<16x128xf32, #tpu.memory_space<hbm>>
          %dma_wait3A_1684 = arith.constant 0 : i32
          %dma_wait3A_1685 = arith.constant 0 : i32
          %dma_wait3A_1686 = tpu.memref_slice %arg13[%dma_wait3A_1684, %dma_wait3A_1685] : memref<128x128xf32, #tpu.memory_space<vmem>> -> memref<16x128xf32, #tpu.memory_space<vmem>>
          tpu.wait_dma2 semaphore(%run_scoped3A_1663 : memref<!tpu.dma_semaphore, #tpu.memory_space<semaphore_mem>>) src(%dma_wait3A_1686 : memref<16x128xf32, #tpu.memory_space<vmem>>) dst(%dma_wait3A_1683 : memref<16x128xf32, #tpu.memory_space<hbm>>)
          tpu.yield
        }) : () -> ()
      } else {
      }
    } else {
    }
    return
  }
}

module attributes {stable_mosaic.version = 14 : i64} {
  func.func @_add_body(%arg0: i32, %arg1: memref<2000x128xf32, #tpu.memory_space<vmem>>, %arg2: memref<2000x128xf32, #tpu.memory_space<vmem>>, %arg3: memref<2000x128xf32, #tpu.memory_space<vmem>>) attributes {dimension_semantics = [#tpu.dimension_semantics<arbitrary>], iteration_bounds = array<i64: 5>, scalar_prefetch = 0 : i64, scratch_operands = 0 : i64, tpu.core_type = #tpu.core_type<tc>, window_params = [{transform_indices = @transform_0, window_bounds = array<i64: 2000, 128>}, {transform_indices = @transform_1, window_bounds = array<i64: 2000, 128>}, {transform_indices = @transform_2, window_bounds = array<i64: 2000, 128>}]} {
    %get3A = arith.constant 0 : index
    %get3A_0 = arith.constant 0 : index
    %get3A_1 = vector.load %arg1[%get3A, %get3A_0] : memref<2000x128xf32, #tpu.memory_space<vmem>>, vector<2000x128xf32>
    %get3A_2 = arith.constant 0 : index
    %get3A_3 = arith.constant 0 : index
    %get3A_4 = vector.load %arg2[%get3A_2, %get3A_3] : memref<2000x128xf32, #tpu.memory_space<vmem>>, vector<2000x128xf32>
    %add3A = arith.addf %get3A_1, %get3A_4 : vector<2000x128xf32>
    %swap3A = arith.constant 0 : index
    %swap3A_5 = arith.constant 0 : index
    %swap3A_6 = vector.load %arg3[%swap3A, %swap3A_5] : memref<2000x128xf32, #tpu.memory_space<vmem>>, vector<2000x128xf32>
    tpu.vector_store %arg3[%swap3A, %swap3A_5], %add3A {strides = array<i32>} : memref<2000x128xf32, #tpu.memory_space<vmem>>, vector<2000x128xf32>,
    return
  }
  func.func @transform_0(%arg0: i32) -> (i32, i32) {
    %c0_i32 = arith.constant 0 : i32
    %c0_i32_0 = arith.constant 0 : i32
    return %arg0, %c0_i32 : i32, i32
  }
  func.func @transform_1(%arg0: i32) -> (i32, i32) {
    %c0_i32 = arith.constant 0 : i32
    %c0_i32_0 = arith.constant 0 : i32
    return %arg0, %c0_i32 : i32, i32
  }
  func.func @transform_2(%arg0: i32) -> (i32, i32) {
    %c0_i32 = arith.constant 0 : i32
    %c0_i32_0 = arith.constant 0 : i32
    return %arg0, %c0_i32 : i32, i32
  }
}

</mosaic_0001>

<sc_bundles>
// kernel: kernel.4.cloned.1.call-start
scs
__scs_entry_jumppad:
0x0: {  	(pc) =	sbr.rel $0x88, $3  }
0x1: {  	(tag) =	ssettag $0x0;
	lr =	simm.s32 $0x1  }
0x2: {  	[smem:$0x3F9F] =	sst lr;
	_ =	strace $0xD0000000  }
0x3: {  	_ = 	snop  }
0x4: {  	_ = 	snop  }
0x5: {  	_ = 	snop  }
0x6: {  	_ = 	snop  }
0x7: {  	_ = 	snop  }
__scs_overlays_trampoline_lowered:
0x8: {  	[smem:$0x3FAE] =	sst s0  }
0x9: {  	[smem:$0x3FAF] =	sst s1  }
0xa: {  	[smem:$0x3FB0] =	sst s2  }
0xb: {  	[smem:$0x3FB1] =	sst s3  }
0xc: {  	[smem:$0x3FB2] =	sst s4  }
0xd: {  	[smem:$0x3FB3] =	sst s5  }
0xe: {  	[smem:$0x3FB4] =	sst s6  }
0xf: {  	[smem:$0x3FB5] =	sst s7  }
0x10: {  	[smem:$0x3FB6] =	sst s8  }
0x11: {  	[smem:$0x3FB7] =	sst s9;
	s0 =	simm.s32 @!p0 $0x0  }
0x12: {  	s1 =	sld [smem:$0x3F9D];
	s0 =	simm.s32 @p0 $0x1  }
0x13: {  	[smem:$0x3FB8] =	sst s0;
	s0 =	simm.s32 @!p1 $0x0  }
0x14: {  	s2 =	sld [smem:$0x3F9C];
	s0 =	simm.s32 @p1 $0x1  }
0x15: {  	[smem:$0x3FB9] =	sst s0;
	s0 =	simm.s32 @!p2 $0x0  }
0x16: {  	s3 =	sld [smem:$0x3FDB];
	s0 =	simm.s32 @p2 $0x1  }
0x17: {  	s4 =	simm.s32 $0x1BF5;
	[smem:$0x3FBB] =	sst s0  }
0x18: {  	s0 =	sld [smem:$0x3F9E];
	_ =	swait.ge [sflag:s4], $0x0  }
0x19: {  	s7 =	sld [smem:$0x3F9F]  }
0x1a: {  	s8 =	sadd.s32 $0xFFFFE003, lr  }
0x1b: {  	s9 =	sadd.s32 $0xFFFFFEF7, lr;
	s5 =	simm.s32 $0xFFFFFFFF;
	p2 =	slt.u32 s8, $0xFFFFF086  }
0x1c: {  	p1 =	slt.u32 s9, $0xF7A;
	s5 =	simm.s32 @!p2 $0x0  }
0x1d: {  	s5 =	simm.s32 @p1 $0x1;
	p0 =	seq.s32 s7, s2  }
0x1e: {  	s7 =	smul.u32 @!p0 $0xF7A, s2;
	p2 =	seq.s32 @!p0 s5, $0x0  }
0x1f: {  	s9 =	smul.u32 $0xF7A, s1;
	s8 =	simm.s32 @!p0 $0x1BF5;
	p2 =	por !p2, p0  }
0x20: {  	[sflag:s8] =	ssyncset.s32 @!p0 $0xFFFFF086;
	s6 =	sadd.s32 @!p0 s3, s7;
	s7 =	simm.s32 @!p0 $0x108  }
0x21: {  	s3 =	sadd.s32 s3, s9;
	s6 =	sadd.s32 @!p0 $0x88, s6;
	s7 =	simm.s32 @p2 $0x1082  }
0x22: {  	[simem:s7], [sflag:s8] =	dma.local @!p0 [hbm:s6], $0xF7A  }
0x23: {  	s9 =	sor.u32 $0xD0000000, s2;
	s6 =	simm.s32 $0x108;
	_ =	swait.ge @!p0 [sflag:s8], $0x0  }
0x24: {  	s3 =	sadd.s32 $0x88, s3;
	s6 =	simm.s32 @!p1 $0x1082;
	[sflag:s4] =	ssyncset.s32 $0xFFFFF086  }
0x25: {  	[simem:s6], [sflag:s4] =	dma.local [hbm:s3], $0xF7A  }
0x26: {  	[smem:$0x3F9F] =	sst s1;
	(tag) =	ssettag s2;
	_ =	strace s9  }
0x27: {  	s1 =	sld [smem:$0x3FAF]  }
0x28: {  	s2 =	sld [smem:$0x3FB0]  }
0x29: {  	s4 =	sld [smem:$0x3FB2]  }
0x2a: {  	p0 =	seq.s32 s5, $0x0;
	s5 =	sld [smem:$0x3FB3]  }
0x2b: {  	s6 =	sld [smem:$0x3FB4]  }
0x2c: {  	s7 =	sld [smem:$0x3FB5]  }
0x2d: {  	s3 =	simm.s32 $0x108;
	s8 =	sld [smem:$0x3FB6]  }
0x2e: {  	s3 =	simm.s32 @!p0 $0x1082;
	s9 =	sld [smem:$0x3FB7]  }
0x2f: {  	lr =	sadd.s32 s0, s3;
	s0 =	sld [smem:$0x3FAE]  }
0x30: {  	s3 =	sld [smem:$0x3FB1]  }
0x31: {  	[smem:$0x3FBA] =	sst s10  }
0x32: {  	s10 =	sld [smem:$0x3FB8];
	_ =	sdelay $0x3  }
0x33: {  	p0 =	seq.s32 s10, $0x1;
	s10 =	sld [smem:$0x3FBA];
	_ =	sdelay $0x3  }
0x34: {  	[smem:$0x3FBA] =	sst s10  }
0x35: {  	s10 =	sld [smem:$0x3FB9];
	_ =	sdelay $0x3  }
0x36: {  	p1 =	seq.s32 s10, $0x1;
	s10 =	sld [smem:$0x3FBA];
	_ =	sdelay $0x3  }
0x37: {  	[smem:$0x3FBA] =	sst s10  }
0x38: {  	s10 =	sld [smem:$0x3FBB]  }
0x39: {  	_ = 	snop;
	(pc) =	sbr.ind lr, $3  }
0x3a: {  	_ = 	snop  }
0x3b: {  	_ = 	snop  }
0x3c: {  	p2 =	seq.s32 s10, $0x1;
	s10 =	sld [smem:$0x3FBA]  }
0x3d: {  	_ =	shalt  }
0x3e: {  	_ =	shalt  }
0x3f: {  	_ =	shalt  }
0x40: {  	_ =	shalt  }
0x41: {  	_ =	shalt  }
0x42: {  	_ =	shalt  }
0x43: {  	_ =	shalt  }
0x44: {  	_ =	shalt  }
0x45: {  	_ =	shalt  }
0x46: {  	_ =	shalt  }
0x47: {  	_ =	shalt  }
0x48: {  	_ =	shalt  }
0x49: {  	_ =	shalt  }
0x4a: {  	_ =	shalt  }
0x4b: {  	_ =	shalt  }
0x4c: {  	_ =	shalt  }
0x4d: {  	_ =	shalt  }
0x4e: {  	_ =	shalt  }
0x4f: {  	_ =	shalt  }
0x50: {  	_ =	shalt  }
0x51: {  	_ =	shalt  }
0x52: {  	_ =	shalt  }
0x53: {  	_ =	shalt  }
0x54: {  	_ =	shalt  }
0x55: {  	_ =	shalt  }
0x56: {  	_ =	shalt  }
0x57: {  	_ =	shalt  }
0x58: {  	_ =	shalt  }
0x59: {  	_ =	shalt  }
0x5a: {  	_ =	shalt  }
0x5b: {  	_ =	shalt  }
0x5c: {  	_ =	shalt  }
0x5d: {  	_ =	shalt  }
0x5e: {  	_ =	shalt  }
0x5f: {  	_ =	shalt  }
0x60: {  	_ =	shalt  }
0x61: {  	_ =	shalt  }
0x62: {  	_ =	shalt  }
0x63: {  	_ =	shalt  }
0x64: {  	_ =	shalt  }
0x65: {  	_ =	shalt  }
0x66: {  	_ =	shalt  }
0x67: {  	_ =	shalt  }
0x68: {  	_ =	shalt  }
0x69: {  	_ =	shalt  }
0x6a: {  	_ =	shalt  }
0x6b: {  	_ =	shalt  }
0x6c: {  	_ =	shalt  }
0x6d: {  	_ =	shalt  }
0x6e: {  	_ =	shalt  }
0x6f: {  	_ =	shalt  }
0x70: {  	_ =	shalt  }
0x71: {  	_ =	shalt  }
0x72: {  	_ =	shalt  }
0x73: {  	_ =	shalt  }
0x74: {  	_ =	shalt  }
0x75: {  	_ =	shalt  }
0x76: {  	_ =	shalt  }
0x77: {  	_ =	shalt  }
0x78: {  	_ =	shalt  }
0x79: {  	_ =	shalt  }
0x7a: {  	_ =	shalt  }
0x7b: {  	_ =	shalt  }
0x7c: {  	_ =	shalt  }
0x7d: {  	_ =	shalt  }
0x7e: {  	_ =	shalt  }
0x7f: {  	_ =	shalt  }
0x80: {  	_ =	shalt  }
0x81: {  	_ =	shalt  }
0x82: {  	_ =	shalt  }
0x83: {  	_ =	shalt  }
0x84: {  	_ =	shalt  }
0x85: {  	_ =	shalt  }
0x86: {  	_ =	shalt  }
0x87: {  	_ =	shalt  }
.Lfunc_end0:
.L_simem_size_0:
called_computation_lowered:
.L_overlay_start_0:
0x88: {  	s2 =	sld [smem:$0x3FD9]  }
0x89: {  	s3 =	sld [smem:$0x3FFE];
	_ =	sdelay $0x1  }
0x8a: {  	s1 =	srdreg.scid  }
0x8b: {  	s0 =	sand.u32 $0x1, s1  }
0x8c: {  	s17 =	sshll.u32 s0, $0xA;
	s2 =	sadd.s32 s3, s2  }
0x8d: {  	s2 =	sadd.s32 s2, s17  }
0x8e: {  	[smem:$0x3FC6] =	sst s2  }
0x8f: {  	_ = 	snop  }
0x90: {  	s2 =	sld [smem:$0x3FC9]  }
0x91: {  	s18 =	sld [smem:$0x3FD0];
	(tm) =	ssettm $0x1  }
0x92: {  	s4 =	sld [smem:$0x3FFB];
	_ =	sdelay $0x3  }
0x93: {  	_ =	strace s4  }
0x94: {  	s4 =	sld [smem:$0x3FFC];
	_ =	sdelay $0x3  }
0x95: {  	_ =	strace s4  }
0x96: {  	s4 =	sld [smem:$0x3FFD];
	_ =	sdelay $0x3  }
0x97: {  	_ =	strace s4  }
0x98: {  	_ =	strace $0x8FFFFFFF  }
0x99: {  	s19 =	sld [smem:$0x3FDB];
	_ =	sdelay $0x1  }
0x9a: {  	s5 =	simm.s32 $_scs_section_size  }
0x9b: {  	s6 =	simm.s32 $_size__tile_overlayer_lowered;
	s7 =	simm.s32 $_tile_overlayer_lowered  }
0x9c: {  	s22 =	simm.s32 $0x1BFF;
	s21 =	sshll.u32 s7, $0x1;
	s4 =	sadd.s32 s5, s19  }
0x9d: {  	s8 =	simm.s32 $0x0;
	s20 =	sshll.u32 s6, $0x1;
	s6 =	sadd.s32 s21, s4  }
0x9e: {  	[timem:s8], [sflag:s22] =	dma.local [hbm:s6], s20  }
0x9f: {  	_ =	swait.ge [sflag:s22], s20  }
0xa0: {  	s5 =	ssub.s32 $0x0, s20;
	[sflag:s22] =	ssyncset.done $0x0  }
0xa1: {  	[sflag:s22] =	ssyncadd.s32 s5;
	_ =	sdelay $0x1  }
0xa2: {  	s23 =	simm.s32 $0x1B8B  }
0xa3: {  	_ =	swait.ge [sflag:s23], $0x1  }
0xa4: {  	[sflag:s23] =	ssyncset.done $0x0  }
0xa5: {  	s25 =	simm.s32 $0x1B8E;
	s24 =	sld [smem:$0x3FFE];
	[sflag:s23] =	ssyncadd.s32 $0xFFFFFFFF  }
0xa6: {  	s26 =	simm.s32 $execute0_lowered;
	[smem:$0x3FD2] =	sst s25  }
0xa7: {  	s6 =	sshll.u32 s26, $0x1;
	_ =	strace $0x80000046;
	[dreg:$0x1] =	wrdreg $0xFFFFFFFF  }
0xa8: {  	s28 =	simm.s32 $_size_execute0_lowered;
	s4 =	sadd.s32 s4, s6;
	[dreg:$0x0] =	wrdreg $0x0  }
0xa9: {  	s6 =	sshll.u32 s28, $0x1;
	[dreg:$0x2] =	wrdreg s4  }
0xaa: {  	[dreg:$0x3] =	wrdreg s6  }
0xab: {  	[dreg:$0x4] =	wrdreg $0xC0  }
0xac: {  	_ =	task [dreg:s8], $0x5FFFF  }
0xad: {  	[dreg:$0x1] =	wrdreg $0xFFFFFFFF  }
0xae: {  	[dreg:$0x0] =	wrdreg $0x60  }
0xaf: {  	[dreg:$0x2] =	wrdreg s24  }
0xb0: {  	[dreg:$0x3] =	wrdreg s2  }
0xb1: {  	[dreg:$0x4] =	wrdreg s18  }
0xb2: {  	[dreg:$0x5] =	wrdreg $0x95000  }
0xb3: {  	[dreg:$0x6] =	wrdreg $0x9  }
0xb4: {  	_ =	task.clear_ibuf [dreg:s8], $0x7FFFF;
	_ =	strace $0x90000046  }
0xb5: {  	s29 =	simm.s32 $0x9;
	_ =	strace $0x80000048  }
0xb6: {  	_ =	swait.ge [sflag:s29], $0x1  }
0xb7: {  	[sflag:s29] =	ssyncadd.s32 $0xFFFFFFFF  }
0xb8: {  	_ =	strace $0x90000048  }
0xb9: {  	_ =	sfence  }
0xba: {  	s30 =	sld [smem:$0x0];
	_ =	sdelay $0x2  }
0xbb: {  	s31 =	sshll.u32 s1, $0xD;
	s1 =	sshrl.u32 s1, $0x2  }
0xbc: {  	s3 =	sand.u32 $0x4000, s31;
	s1 =	sadd.s32 s1, s30  }
0xbd: {  	s0 =	sor.u32 s3, s0;
	s1 =	sshll.u32 s1, $0x11  }
0xbe: {  	s0 =	sor.u32 s1, s0  }
0xbf: {  	s0 =	sadd.s32 $0x8F2B, s0  }
0xc0: {  	[sflag:s0] =	ssyncadd.remote.s32 $0x1  }
0xc1: {  	_ =	sfence.sel $0xFFFF  }
0xc2: {  	[dreg:$0x0] =	wrdreg $0xFFFFFFFF;
	(pc) =	sbr.abs _section_cstart, $3  }
0xc3: {  	[dreg:$0x1] =	wrdreg $0xFFFFFFFF  }
0xc4: {  	_ =	task.clear_ibuf [dreg:s8], $0x2FFFF;
	_ =	strace $0x9FFFFFFF  }
0xc5: {  	(tm) =	ssettm $0x7FFFFFFF  }
tec
execute0_lowered:
.L_overlay_start_1:
0x0: {  	(tag) =	ssettag $0x1  }
0x1: {  	s0 =	rddreg [dreg:$0x0]  }
0x2: {  	s1 =	rddreg [dreg:$0x1]  }
0x3: {  	s11 =	rddreg [dreg:$0x2];
	s21 =	stileid.u32  }
0x4: {  	s3 =	rddreg [dreg:$0x3];
	s9 =	smul.u32 $0x50000, s21  }
0x5: {  	s4 =	simm.s32 $0x0;
	s2 =	srdreg.scid;
	s12 =	smul.u32 $0x4E000, s21  }
0x6: {  	[smem:$0x7FF] =	sst s4;
	s2 =	sand.u32 $0x1, s2;
	s29 =	smul.u32 $0x270, s21  }
0x7: {  	s6 =	sadd.s32 $0xA200, s0;
	s7 =	sadd.s32 $0x400, s0;
	s13 =	smul.u32 $0x2700, s21  }
0x8: {  	s22 =	sadd.s32 $0x14000, s0;
	s19 =	smul.u32 $0x2710, s21;
	p1 =	sne.s32 s21, $0xF  }
0x9: {  	p2 =	seq.s32 s21, $0xF;
	_ =	strace $0x80000047;
	s5 =	sshll.u32 s2, $0x4  }
0xa: {  	s8 =	ssub.s32 $0x2, s2;
	p0 =	seq.s32 s2, $0x1;
	s2 =	smul.u32 $0x27100, s2  }
0xb: {  	[dreg:$0x5] =	wrdreg s22;
	s5 =	sor.u32 s21, s5;
	s10 =	sshrl.u32 s8, $0x1  }
0xc: {  	s25 =	sshrl.u32 s9, $0x2;
	s20 =	sshrl.u32 s12, $0x2;
	s23 =	sadd.s32 $0x80, s29  }
0xd: {  	s24 =	sadd.s32 s11, s13;
	s15 =	sadd.s32 $0x100, s29;
	s18 =	sadd.s32 $0x180, s29  }
0xe: {  	s21 =	simm.s32 $0x2;
	s5 =	smul.u32 $0x2710, s5;
	s0 =	ssub.s32 s8, s10  }
0xf: {  	s9 =	sadd.s32 s25, s3;
	s12 =	sadd.s32 s20, s3;
	[dreg:$0x8] =	wrdreg s24  }
0x10: {  	s14 =	sshll.u32 s23, $0x7;
	s16 =	sshll.u32 s15, $0x7;
	s17 =	sshll.u32 s18, $0x7  }
0x11: {  	s15 =	sshll.u32 s15, $0x4;
	s8 =	sadd.s32 $0x200, s29;
	s20 =	sshll.u32 s18, $0x4  }
0x12: {  	s2 =	sadd.s32 s19, s2;
	s29 =	sadd.s32 s22, s13;
	s14 =	sadd.s32 s14, s3  }
0x13: {  	s16 =	sadd.s32 s16, s3;
	s17 =	sadd.s32 s17, s3;
	[dreg:$0xa] =	wrdreg s29  }
0x14: {  	s13 =	sadd.s32 s11, s15;
	s19 =	sadd.s32 s22, s15;
	s24 =	sadd.s32 s22, s20  }
0x15: {  	s28 =	smax.u32 s0, $0x1;
	s30 =	sadd.s32 $0x4000, s9;
	[dreg:$0xc] =	wrdreg s13  }
0x16: {  	s31 =	sadd.s32 $0x8000, s9;
	s0 =	sadd.s32 $0xC000, s9;
	[dreg:$0xd] =	wrdreg s19  }
0x17: {  	s29 =	sadd.s32 $0x138000, s3;
	s5 =	sshrl.u32 s5, $0x3;
	[dreg:$0xf] =	wrdreg s24  }
0x18: {  	s15 =	simm.s32 $0x3;
	[dreg:$0x12] =	wrdreg s29;
	s26 =	sadd.s32 s6, s5  }
0x19: {  	s24 =	sadd.s32 $0x50, s2;
	s5 =	sadd.s32 s7, s5;
	[dreg:$0x6] =	wrdreg s26  }
0x1a: {  	s13 =	simm.s32 $0x5500;
	s19 =	simm.s32 $0x50;
	[dreg:$0x7] =	wrdreg s5  }
0x1b: {  	s5 =	sshll.u32 s23, $0x4;
	s26 =	sshll.u32 s8, $0x7;
	s23 =	sadd.s32 s11, s20  }
.Ltmp0:
0x1c: {  	s25 =	sadd.s32 s11, s5;
	[dreg:$0xe] =	wrdreg s23;
	(pc) =	sbr.rel .LBB2_1-.Ltmp0, $4  }
0x1d: {  	s8 =	sshll.u32 s8, $0x4;
	s5 =	sadd.s32 s22, s5;
	[dreg:$0x9] =	wrdreg s25  }
0x1e: {  	s18 =	sadd.s32 s26, s3;
	s26 =	sadd.s32 s22, s8;
	[dreg:$0xb] =	wrdreg s5  }
0x1f: {  	s20 =	simm.s32 $0x1;
	s25 =	sadd.s32 s11, s8;
	[dreg:$0x11] =	wrdreg s26  }
0x20: {  	v0 =	vimm.s32 $0xFFFFFFFF;
	v1 =	vimm.f32 $0.0e+00;
	v2 =	vimm.s32 $0x0;
	s22 =	simm.s32 $0x0;
	s5 =	sadd.s32 $0x10000, s9;
	[dreg:$0x10] =	wrdreg s25  }
.LBB2_11:
0x21: {  	s8 =	rddreg [dreg:$0x12]  }
0x22: {  	[tilespmem:s13], [sflag:$0x3] =	stream.linear.gather [spmem:s8], $0x800, $0x38;
	[tilespmem:$0x1D500] =	vst v63  }
0x23: {  	_ =	swait.ge [sflag:s15], $0x800  }
0x24: {  	[sflag:s15] =	ssyncset.done $0x0  }
0x25: {  	s2 =	sadd.s32 $0x27000, s2;
	[sflag:s15] =	ssyncadd.s32 $0xFFFFF800  }
0x26: {  	[hbm4b:s2+s4] =	stream.linear.scatter [tilespmem:s13], [sflag:$0x3], $0x800, $0x38;
	[tilespmem:$0x1D500] =	vst v63  }
0x27: {  	_ =	swait.ge [sflag:s15], $0x800  }
0x28: {  	[sflag:s15] =	ssyncset.done $0x0  }
0x29: {  	[sflag:s15] =	ssyncadd.s32 $0xFFFFF800  }
.LBB2_12:
0x2a: {  	s22 =	sadd.s32 $0x1, s22  }
0x2b: {  	p3 =	sne.s32 s22, s28  }
.Ltmp1:
0x2c: {  	_ = 	snop;
	(pc) =	sbr.rel @!p3 .LBB2_13-.Ltmp1, $1  }
0x2d: {  	_ =	sdelay $0x3  }
.LBB2_1:
0x2e: {  	[tilespmem:$0x400] =	vst v0  }
0x2f: {  	[tilespmem:$0x410] =	vst v0  }
0x30: {  	[tilespmem:$0x420] =	vst v0  }
0x31: {  	[tilespmem:$0x430] =	vst v0;
	s2 =	simm.s32 $0x0;
	s8 =	simm.s32 $0x200  }
.LBB2_2:
0x32: {  	p3 =	sne.s32 s8, $0xFE00;
	[tilespmem:s2+$0x5570] =	vst v1  }
0x33: {  	[tilespmem:s2+$0x5500] =	vst v1  }
0x34: {  	[tilespmem:s2+$0x5510] =	vst v1  }
.Ltmp2:
0x35: {  	[tilespmem:s2+$0x5520] =	vst v1;
	(pc) =	sbr.rel @p3 .LBB2_2-.Ltmp2, $4  }
0x36: {  	[tilespmem:s2+$0x5530] =	vst v1  }
0x37: {  	[tilespmem:s2+$0x5540] =	vst v1  }
0x38: {  	[tilespmem:s2+$0x5550] =	vst v1  }
0x39: {  	[tilespmem:s2+$0x5560] =	vst v1;
	s2 =	sshra.s32 s8, $0x2;
	s8 =	sadd.s32 $0x200, s8  }
0x3a: {  	[tilespmem:s2+$0x5570] =	vst v1  }
0x3b: {  	[tilespmem:s2+$0x5500] =	vst v1  }
0x3c: {  	[tilespmem:s2+$0x5510] =	vst v1  }
0x3d: {  	[tilespmem:s2+$0x5520] =	vst v1  }
0x3e: {  	[tilespmem:s2+$0x5530] =	vst v1  }
0x3f: {  	[tilespmem:s2+$0x5540] =	vst v1  }
0x40: {  	[tilespmem:s2+$0x5550] =	vst v1  }
0x41: {  	[tilespmem:s2+$0x5560] =	vst v1  }
0x42: {  	[spmem:s9] =	stream.linear.scatter [tilespmem:s13], [sflag:$0x3], $0x4000, $0x38;
	[tilespmem:$0x1D500] =	vst v63  }
0x43: {  	_ =	swait.ge [sflag:s15], $0x4000  }
0x44: {  	[sflag:s15] =	ssyncset.done $0x0  }
0x45: {  	[sflag:s15] =	ssyncadd.s32 $0xFFFFC000  }
0x46: {  	[spmem:s30] =	stream.linear.scatter [tilespmem:s13], [sflag:$0x3], $0x4000, $0x38;
	[tilespmem:$0x1D500] =	vst v63  }
0x47: {  	_ =	swait.ge [sflag:s15], $0x4000  }
0x48: {  	[sflag:s15] =	ssyncset.done $0x0  }
0x49: {  	[sflag:s15] =	ssyncadd.s32 $0xFFFFC000  }
0x4a: {  	[spmem:s31] =	stream.linear.scatter [tilespmem:s13], [sflag:$0x3], $0x4000, $0x38;
	[tilespmem:$0x1D500] =	vst v63  }
0x4b: {  	_ =	swait.ge [sflag:s15], $0x4000  }
0x4c: {  	[sflag:s15] =	ssyncset.done $0x0  }
0x4d: {  	[sflag:s15] =	ssyncadd.s32 $0xFFFFC000  }
0x4e: {  	[spmem:s0] =	stream.linear.scatter [tilespmem:s13], [sflag:$0x3], $0x4000, $0x38;
	[tilespmem:$0x1D500] =	vst v63  }
0x4f: {  	_ =	swait.ge [sflag:s15], $0x4000  }
0x50: {  	[sflag:s15] =	ssyncset.done $0x0  }
0x51: {  	[sflag:s15] =	ssyncadd.s32 $0xFFFFC000  }
0x52: {  	[spmem:s5] =	stream.linear.scatter [tilespmem:s13], [sflag:$0x3], $0x4000, $0x38;
	[tilespmem:$0x1D500] =	vst v63  }
0x53: {  	_ =	swait.ge [sflag:s15], $0x4000  }
0x54: {  	[sflag:s15] =	ssyncset.done $0x0  }
0x55: {  	[sflag:s15] =	ssyncadd.s32 $0xFFFFC000  }
0x56: {  	[bflag:$0x0] =	sbarrier.arrive $0xFFFF  }
0x57: {  	s23 =	simm.s32 $0x0;
	s11 =	rddreg [dreg:$0x6]  }
0x58: {  	[tilespmem:s23], [sflag:$0x3] =	stream.linear.gather [hbm4b:s11+s23], $0x50, $0x38;
	[tilespmem:$0x1D500] =	vst v63  }
0x59: {  	_ =	swait.ge [sflag:s15], $0x50  }
0x5a: {  	[sflag:s15] =	ssyncset.done $0x0  }
0x5b: {  	s8 =	simm.s32 $0x100;
	s25 =	rddreg [dreg:$0x7];
	[sflag:s15] =	ssyncadd.s32 $0xFFFFFFB0  }
0x5c: {  	[tilespmem:s8], [sflag:$0x3] =	stream.linear.gather [hbm4b:s25+s23], $0x50, $0x38;
	[tilespmem:$0x1D500] =	vst v63  }
0x5d: {  	_ =	swait.ge [sflag:s15], $0x50  }
0x5e: {  	[sflag:s15] =	ssyncset.done $0x0  }
0x5f: {  	[sflag:s15] =	ssyncadd.s32 $0xFFFFFFB0  }
0x60: {  	v5 =	vld [tilespmem:$0x100];
	_ =	sdelay $0x4  }
0x61: {  	v7 =	vld [tilespmem:$0x110];
	[tilespmem:$0x440] =	vst v5  }
0x62: {  	v3 =	vld [tilespmem:$0x43F]  }
0x63: {  	v4 =	vld [tilespmem:$0x43E]  }
0x64: {  	v6 =	vld [tilespmem:$0x43D]  }
0x65: {  	v8 =	vld [tilespmem:$0x43C]  }
0x66: {  	v9 =	vld [tilespmem:$0x43B]  }
0x67: {  	v10 =	vld [tilespmem:$0x43A]  }
0x68: {  	v59 =	vld [tilespmem:$0x438]  }
0x69: {  	v61 =	vld [tilespmem:$0x437]  }
0x6a: {  	v63 =	vld [tilespmem:$0x436]  }
0x6b: {  	v17 =	vld [tilespmem:$0x435]  }
0x6c: {  	v12 =	vld [tilespmem:$0x434]  }
0x6d: {  	v20 =	vld [tilespmem:$0x433]  }
0x6e: {  	v22 =	vld [tilespmem:$0x432]  }
0x6f: {  	[tilespmem:$0x450] =	vst v7;
	v24 =	vld [tilespmem:$0x431]  }
0x70: {  	v26 =	vld [tilespmem:$0x44F]  }
0x71: {  	v28 =	vld [tilespmem:$0x44E]  }
0x72: {  	v30 =	vld [tilespmem:$0x44D]  }
0x73: {  	v32 =	vld [tilespmem:$0x44C]  }
0x74: {  	v33 =	vld [tilespmem:$0x44B];
	vm0 =	veq.s32 v5, v3  }
0x75: {  	v34 =	vld [tilespmem:$0x44A];
	vm1 =	veq.s32 v5, v4;
	vm14 =	veq.s32 v5, v6;
	vm15 =	veq.s32 v5, v8  }
0x76: {  	v35 =	vld [tilespmem:$0x449];
	vm4 =	veq.s32 v5, v9;
	vm5 =	veq.s32 v5, v10;
	vm7 =	veq.s32 v5, v59  }
0x77: {  	v37 =	vld [tilespmem:$0x448];
	vm8 =	veq.s32 v5, v61;
	vm9 =	veq.s32 v5, v63;
	vm10 =	veq.s32 v5, v17  }
0x78: {  	v39 =	vld [tilespmem:$0x447];
	vm11 =	veq.s32 v5, v12;
	vm12 =	veq.s32 v5, v20;
	vm13 =	veq.s32 v5, v22  }
0x79: {  	v41 =	vld [tilespmem:$0x446];
	v58 =	vsel vm0, $0x1, v2;
	v11 =	vsel vm1, $0x1, v2;
	v60 =	vsel vm14, $0x1, v2  }
0x7a: {  	v43 =	vld [tilespmem:$0x445];
	v62 =	vsel vm15, $0x1, v2;
	v16 =	vsel vm4, $0x1, v2;
	v18 =	vsel vm5, $0x1, v2  }
0x7b: {  	v45 =	vld [tilespmem:$0x444];
	v21 =	vsel vm7, $0x1, v2;
	v23 =	vsel vm8, $0x1, v2;
	v13 =	vsel vm9, $0x1, v2  }
0x7c: {  	v47 =	vld [tilespmem:$0x443];
	v10 =	vsel vm10, $0x1, v2;
	v25 =	vsel vm11, $0x1, v2;
	v27 =	vsel vm12, $0x1, v2  }
0x7d: {  	v49 =	vld [tilespmem:$0x442];
	v29 =	vsel vm13, $0x1, v2;
	vm14 =	veq.s32 v5, v24;
	vm4 =	veq.s32 v7, v26  }
0x7e: {  	v51 =	vld [tilespmem:$0x441];
	vm5 =	veq.s32 v7, v28;
	vm7 =	veq.s32 v7, v32;
	vm8 =	veq.s32 v7, v33  }
0x7f: {  	v53 =	vld [tilespmem:$0x440];
	vm9 =	veq.s32 v7, v34;
	vm10 =	veq.s32 v7, v35;
	vm11 =	veq.s32 v7, v37  }
0x80: {  	v55 =	vld [tilespmem:$0x43F];
	vm12 =	veq.s32 v7, v39;
	vm13 =	veq.s32 v7, v41;
	v4 =	vadd.s32 v58, v11  }
0x81: {  	v57 =	vld [tilespmem:$0x43E];
	v31 =	vsel vm14, $0x1, v2;
	v14 =	vsel vm4, $0x1, v2;
	v36 =	vsel vm5, $0x1, v2  }
0x82: {  	v3 =	vld [tilespmem:$0x439];
	v40 =	vsel vm7, $0x1, v2;
	v42 =	vsel vm8, $0x1, v2;
	v44 =	vsel vm9, $0x1, v2  }
0x83: {  	v59 =	vld [tilespmem:$0x43D];
	v46 =	vsel vm10, $0x1, v2;
	v48 =	vsel vm11, $0x1, v2;
	v50 =	vsel vm12, $0x1, v2  }
0x84: {  	v61 =	vld [tilespmem:$0x43C];
	v52 =	vsel vm13, $0x1, v2;
	vm14 =	veq.s32 v7, v43;
	vm4 =	veq.s32 v7, v47  }
0x85: {  	v63 =	vld [tilespmem:$0x43B];
	vm5 =	veq.s32 v7, v49;
	vm7 =	veq.s32 v7, v53;
	v4 =	vadd.s32 v60, v4  }
0x86: {  	v11 =	vld [tilespmem:$0x120];
	vm8 =	veq.s32 v7, v55;
	vm9 =	veq.s32 v7, v57;
	v4 =	vadd.s32 v62, v4  }
0x87: {  	v17 =	vld [tilespmem:$0x43A];
	v54 =	vsel vm14, $0x1, v2;
	v4 =	vadd.s32 v16, v4;
	vm6 =	veq.s32 v5, v3  }
0x88: {  	v33 =	vld [tilespmem:$0x432];
	v58 =	vsel vm4, $0x1, v2;
	v3 =	vadd.s32 v18, v4;
	v19 =	vsel vm6, $0x1, v2  }
0x89: {  	v35 =	vld [tilespmem:$0x431];
	v60 =	vsel vm5, $0x1, v2;
	v20 =	vsel vm9, $0x1, v2;
	v3 =	vadd.s32 v19, v3  }
0x8a: {  	v16 =	vsel vm7, $0x1, v2;
	vm10 =	veq.s32 v7, v59;
	v19 =	vld [tilespmem:$0x439];
	v3 =	vadd.s32 v21, v3  }
0x8b: {  	vm11 =	veq.s32 v7, v61;
	vm12 =	veq.s32 v7, v63;
	[tilespmem:$0x460] =	vst v11;
	v21 =	vld [tilespmem:$0x438];
	v4 =	vadd.s32 v23, v3  }
0x8c: {  	vm13 =	veq.s32 v7, v17;
	vm6 =	veq.s32 v7, v30;
	v37 =	vld [tilespmem:$0x45F];
	v4 =	vadd.s32 v13, v4  }
0x8d: {  	v18 =	vsel vm8, $0x1, v2;
	v22 =	vsel vm10, $0x1, v2;
	v15 =	vld [tilespmem:$0x45E];
	v4 =	vadd.s32 v10, v4  }
0x8e: {  	v24 =	vsel vm11, $0x1, v2;
	v26 =	vsel vm12, $0x1, v2;
	v41 =	vld [tilespmem:$0x45D];
	v4 =	vadd.s32 v25, v4  }
0x8f: {  	v28 =	vsel vm13, $0x1, v2;
	vm9 =	veq.s32 v7, v33;
	v43 =	vld [tilespmem:$0x45C];
	v4 =	vadd.s32 v27, v4  }
0x90: {  	vm10 =	veq.s32 v7, v35;
	v38 =	vsel vm6, $0x1, v2;
	v47 =	vld [tilespmem:$0x45A];
	v4 =	vadd.s32 v29, v4  }
0x91: {  	vm6 =	veq.s32 v7, v51;
	v23 =	vld [tilespmem:$0x437];
	vm14 =	veq.s32 v7, v19;
	v10 =	vadd.s32 v31, v4  }
0x92: {  	v3 =	vld [tilespmem:$0x130];
	vm15 =	veq.s32 v10, $0x0;
	vm0 =	veq.s32 v10, $0x1;
	v10 =	vadd.s32 v14, v36  }
0x93: {  	v62 =	vsel vm6, $0x1, v2;
	v25 =	vld [tilespmem:$0x436];
	v30 =	vsel vm14, $0x1, v2;
	v10 =	vadd.s32 v38, v10  }
0x94: {  	v27 =	vld [tilespmem:$0x435];
	vm11 =	veq.s32 v11, v37;
	vm12 =	veq.s32 v11, v15;
	v10 =	vadd.s32 v40, v10  }
0x95: {  	vm13 =	veq.s32 v11, v41;
	vm14 =	veq.s32 v11, v43;
	v29 =	vld [tilespmem:$0x434];
	v10 =	vadd.s32 v42, v10  }
0x96: {  	vm4 =	veq.s32 v7, v23;
	v49 =	vsel vm11, $0x1, v2;
	v31 =	vld [tilespmem:$0x433];
	v10 =	vadd.s32 v44, v10  }
0x97: {  	v4 =	vnsel vm15, $0x2718, v5;
	vm15 =	veq.s32 v7, v45;
	v45 =	vld [tilespmem:$0x45B];
	v10 =	vadd.s32 v46, v10  }
0x98: {  	v15 =	vsel vm12, $0x1, v2;
	v51 =	vsel vm13, $0x1, v2;
	v10 =	vadd.s32 v48, v10;
	v48 =	vld [tilespmem:$0x459]  }
0x99: {  	v34 =	vsel vm4, $0x1, v2;
	vm4 =	veq.s32 v11, v47;
	v10 =	vadd.s32 v50, v10;
	v50 =	vld [tilespmem:$0x458]  }
0x9a: {  	v53 =	vsel vm14, $0x1, v2;
	v57 =	vsel vm4, $0x1, v2;
	v10 =	vadd.s32 v52, v10;
	v52 =	vld [tilespmem:$0x457]  }
0x9b: {  	vm5 =	veq.s32 v7, v25;
	v56 =	vsel vm15, $0x1, v2;
	v10 =	vadd.s32 v54, v10;
	v54 =	vld [tilespmem:$0x456]  }
0x9c: {  	v5 =	vnsel vm0, $0x2718, v5;
	vm15 =	veq.s32 v7, v21;
	v10 =	vadd.s32 v56, v10;
	v56 =	vld [tilespmem:$0x455]  }
0x9d: {  	v36 =	vsel vm5, $0x1, v2;
	vm6 =	veq.s32 v7, v27;
	v10 =	vadd.s32 v58, v10;
	v58 =	vld [tilespmem:$0x454]  }
0x9e: {  	v32 =	vsel vm15, $0x1, v2;
	vm7 =	veq.s32 v7, v29;
	vm5 =	veq.s32 v11, v48;
	v48 =	vld [tilespmem:$0x442]  }
0x9f: {  	v38 =	vsel vm6, $0x1, v2;
	v40 =	vsel vm7, $0x1, v2;
	v10 =	vadd.s32 v60, v10;
	v60 =	vld [tilespmem:$0x453]  }
0xa0: {  	vm8 =	veq.s32 v7, v31;
	v44 =	vsel vm9, $0x1, v2;
	vm6 =	veq.s32 v11, v50;
	v50 =	vld [tilespmem:$0x441]  }
0xa1: {  	v42 =	vsel vm8, $0x1, v2;
	vm15 =	veq.s32 v11, v45;
	v10 =	vadd.s32 v62, v10;
	v62 =	vld [tilespmem:$0x452]  }
0xa2: {  	v46 =	vsel vm10, $0x1, v2;
	v55 =	vsel vm15, $0x1, v2;
	vm7 =	veq.s32 v11, v52;
	v52 =	vld [tilespmem:$0x440]  }
0xa3: {  	v59 =	vsel vm5, $0x1, v2;
	v10 =	vadd.s32 v16, v10;
	vm8 =	veq.s32 v11, v54;
	v54 =	vld [tilespmem:$0x43F]  }
0xa4: {  	v61 =	vsel vm6, $0x1, v2;
	v63 =	vsel vm7, $0x1, v2;
	v10 =	vadd.s32 v18, v10;
	v18 =	vld [tilespmem:$0x451]  }
0xa5: {  	v19 =	vsel vm8, $0x1, v2;
	vm9 =	veq.s32 v11, v56;
	v10 =	vadd.s32 v20, v10;
	v20 =	vld [tilespmem:$0x450]  }
0xa6: {  	v21 =	vsel vm9, $0x1, v2;
	vm10 =	veq.s32 v11, v58;
	v10 =	vadd.s32 v22, v10;
	v22 =	vld [tilespmem:$0x44F]  }
0xa7: {  	v23 =	vsel vm10, $0x1, v2;
	vm11 =	veq.s32 v11, v60;
	v10 =	vadd.s32 v24, v10;
	v24 =	vld [tilespmem:$0x44E]  }
0xa8: {  	v25 =	vsel vm11, $0x1, v2;
	vm12 =	veq.s32 v11, v62;
	v10 =	vadd.s32 v26, v10;
	v26 =	vld [tilespmem:$0x44D]  }
0xa9: {  	v56 =	vld [tilespmem:$0x43E];
	v27 =	vsel vm12, $0x1, v2;
	v10 =	vadd.s32 v28, v10;
	vm13 =	veq.s32 v11, v18  }
0xaa: {  	v28 =	vld [tilespmem:$0x44C];
	v10 =	vadd.s32 v30, v10;
	v29 =	vsel vm13, $0x1, v2;
	vm14 =	veq.s32 v11, v20  }
0xab: {  	v58 =	vld [tilespmem:$0x43D];
	v10 =	vadd.s32 v32, v10;
	v31 =	vsel vm14, $0x1, v2;
	vm15 =	veq.s32 v11, v22  }
0xac: {  	v30 =	vld [tilespmem:$0x44B];
	v10 =	vadd.s32 v34, v10;
	v33 =	vsel vm15, $0x1, v2;
	vm4 =	veq.s32 v11, v24  }
0xad: {  	v32 =	vld [tilespmem:$0x44A];
	v10 =	vadd.s32 v36, v10;
	v35 =	vsel vm4, $0x1, v2;
	vm5 =	veq.s32 v11, v26  }
0xae: {  	v60 =	vld [tilespmem:$0x43C];
	vm4 =	veq.s32 v11, v48;
	v39 =	vadd.s32 v38, v10;
	v10 =	vadd.s32 v49, v15  }
0xaf: {  	v34 =	vld [tilespmem:$0x449];
	v37 =	vsel vm5, $0x1, v2;
	vm6 =	veq.s32 v11, v28;
	vm5 =	veq.s32 v11, v50  }
0xb0: {  	v62 =	vld [tilespmem:$0x43B];
	v9 =	vadd.s32 v40, v39;
	v10 =	vadd.s32 v51, v10;
	v39 =	vsel vm6, $0x1, v2  }
0xb1: {  	v36 =	vld [tilespmem:$0x448];
	vm7 =	veq.s32 v11, v30;
	vm6 =	veq.s32 v11, v52;
	v9 =	vadd.s32 v42, v9  }
0xb2: {  	v38 =	vld [tilespmem:$0x447];
	v10 =	vadd.s32 v53, v10;
	v41 =	vsel vm7, $0x1, v2;
	vm8 =	veq.s32 v11, v32  }
0xb3: {  	v26 =	vld [tilespmem:$0x436];
	vm7 =	veq.s32 v11, v54;
	v9 =	vadd.s32 v44, v9;
	v10 =	vadd.s32 v55, v10  }
0xb4: {  	v40 =	vld [tilespmem:$0x446];
	v43 =	vsel vm8, $0x1, v2;
	vm9 =	veq.s32 v11, v34;
	vm8 =	veq.s32 v11, v56  }
0xb5: {  	v28 =	vld [tilespmem:$0x435];
	v9 =	vadd.s32 v46, v9;
	v10 =	vadd.s32 v57, v10;
	v45 =	vsel vm9, $0x1, v2  }
0xb6: {  	v42 =	vld [tilespmem:$0x445];
	vm10 =	veq.s32 v11, v36;
	vm9 =	veq.s32 v11, v58;
	v10 =	vadd.s32 v59, v10  }
0xb7: {  	v18 =	vld [tilespmem:$0x43A];
	v47 =	vsel vm10, $0x1, v2;
	vm11 =	veq.s32 v11, v38;
	v59 =	vsel vm4, $0x1, v2  }
0xb8: {  	v30 =	vld [tilespmem:$0x434];
	vm10 =	veq.s32 v11, v60;
	vm4 =	veq.s32 v11, v26;
	v10 =	vadd.s32 v61, v10  }
0xb9: {  	v44 =	vld [tilespmem:$0x444];
	v49 =	vsel vm11, $0x1, v2;
	vm12 =	veq.s32 v11, v40;
	v61 =	vsel vm5, $0x1, v2  }
0xba: {  	v20 =	vld [tilespmem:$0x439];
	vm11 =	veq.s32 v11, v62;
	vm5 =	veq.s32 v11, v28;
	v10 =	vadd.s32 v63, v10  }
0xbb: {  	v16 =	vld [tilespmem:$0x433];
	v51 =	vsel vm12, $0x1, v2;
	vm13 =	veq.s32 v11, v42;
	v10 =	vadd.s32 v19, v10  }
0xbc: {  	v46 =	vld [tilespmem:$0x443];
	v63 =	vsel vm6, $0x1, v2;
	vm12 =	veq.s32 v11, v18;
	v10 =	vadd.s32 v21, v10  }
0xbd: {  	v22 =	vld [tilespmem:$0x438];
	v12 =	vsel vm5, $0x1, v2;
	vm6 =	veq.s32 v11, v30;
	v10 =	vadd.s32 v23, v10  }
0xbe: {  	[tilespmem:$0x470] =	vst v3;
	v34 =	vld [tilespmem:$0x432];
	v53 =	vsel vm13, $0x1, v2;
	vm14 =	veq.s32 v11, v44;
	v10 =	vadd.s32 v25, v10  }
0xbf: {  	v17 =	vld [tilespmem:$0x46A];
	v19 =	vsel vm7, $0x1, v2;
	vm13 =	veq.s32 v11, v20;
	v10 =	vadd.s32 v27, v10  }
0xc0: {  	v24 =	vld [tilespmem:$0x437];
	v38 =	vsel vm6, $0x1, v2;
	vm7 =	veq.s32 v11, v16;
	v10 =	vadd.s32 v29, v10  }
0xc1: {  	v36 =	vld [tilespmem:$0x431];
	v55 =	vsel vm14, $0x1, v2;
	vm15 =	veq.s32 v11, v46;
	v10 =	vadd.s32 v31, v10  }
0xc2: {  	v21 =	vsel vm8, $0x1, v2;
	vm14 =	veq.s32 v11, v22;
	v10 =	vadd.s32 v33, v10  }
0xc3: {  	v48 =	vld [tilespmem:$0x468];
	v40 =	vsel vm7, $0x1, v2;
	vm8 =	veq.s32 v11, v34;
	v10 =	vadd.s32 v35, v10  }
0xc4: {  	vm7 =	veq.s32 v3, v17;
	v57 =	vsel vm15, $0x1, v2;
	v10 =	vadd.s32 v37, v10  }
0xc5: {  	v50 =	vld [tilespmem:$0x467];
	v23 =	vsel vm9, $0x1, v2;
	vm15 =	veq.s32 v11, v24;
	v10 =	vadd.s32 v39, v10  }
0xc6: {  	v42 =	vsel vm8, $0x1, v2;
	vm9 =	veq.s32 v11, v36;
	v10 =	vadd.s32 v41, v10  }
0xc7: {  	v52 =	vld [tilespmem:$0x466];
	v25 =	vsel vm10, $0x1, v2;
	vm10 =	veq.s32 v9, $0x0;
	v10 =	vadd.s32 v43, v10  }
0xc8: {  	v46 =	vld [tilespmem:$0x46B];
	v44 =	vsel vm9, $0x1, v2;
	vm9 =	veq.s32 v3, v48;
	v10 =	vadd.s32 v45, v10  }
0xc9: {  	v27 =	vsel vm11, $0x1, v2;
	v8 =	vnsel vm10, $0x2718, v7;
	v39 =	vld [tilespmem:$0x46F];
	v10 =	vadd.s32 v47, v10  }
0xca: {  	v58 =	vld [tilespmem:$0x463];
	vm11 =	veq.s32 v9, $0x1;
	vm10 =	veq.s32 v3, v50;
	v10 =	vadd.s32 v49, v10  }
0xcb: {  	v29 =	vsel vm12, $0x1, v2;
	v9 =	vnsel vm11, $0x2718, v7;
	v41 =	vld [tilespmem:$0x46E];
	v10 =	vadd.s32 v51, v10  }
0xcc: {  	vm11 =	veq.s32 v3, v52;
	v31 =	vsel vm13, $0x1, v2;
	v43 =	vld [tilespmem:$0x46D];
	v10 =	vadd.s32 v53, v10  }
0xcd: {  	vm6 =	veq.s32 v3, v46;
	v33 =	vsel vm14, $0x1, v2;
	v10 =	vadd.s32 v55, v10  }
0xce: {  	v60 =	vld [tilespmem:$0x462];
	v35 =	vsel vm15, $0x1, v2;
	vm14 =	veq.s32 v3, v39;
	v10 =	vadd.s32 v57, v10  }
0xcf: {  	v37 =	vsel vm4, $0x1, v2;
	v45 =	vld [tilespmem:$0x46C];
	v13 =	vsel vm14, $0x1, v2;
	v10 =	vadd.s32 v59, v10  }
0xd0: {  	vm15 =	veq.s32 v3, v41;
	vm14 =	veq.s32 v3, v58;
	v10 =	vadd.s32 v61, v10  }
0xd1: {  	v62 =	vld [tilespmem:$0x461];
	vm4 =	veq.s32 v3, v43;
	v49 =	vsel vm15, $0x1, v2;
	v10 =	vadd.s32 v63, v10  }
0xd2: {  	v47 =	vld [tilespmem:$0x469];
	v53 =	vsel vm6, $0x1, v2;
	v26 =	vsel vm14, $0x1, v2;
	v10 =	vadd.s32 v19, v10  }
0xd3: {  	vm15 =	veq.s32 v3, v60;
	v18 =	vsel vm4, $0x1, v2;
	v10 =	vadd.s32 v21, v10  }
0xd4: {  	vm5 =	veq.s32 v3, v45;
	v13 =	vadd.s32 v13, v49;
	v10 =	vadd.s32 v23, v10  }
0xd5: {  	v39 =	vld [tilespmem:$0x457];
	v55 =	vsel vm7, $0x1, v2;
	v28 =	vsel vm15, $0x1, v2;
	v10 =	vadd.s32 v25, v10  }
0xd6: {  	vm4 =	veq.s32 v3, v62;
	v51 =	vsel vm5, $0x1, v2;
	v10 =	vadd.s32 v27, v10  }
0xd7: {  	v41 =	vld [tilespmem:$0x456];
	v13 =	vadd.s32 v18, v13;
	vm8 =	veq.s32 v3, v47;
	v10 =	vadd.s32 v29, v10  }
0xd8: {  	v30 =	vsel vm4, $0x1, v2;
	v13 =	vadd.s32 v51, v13;
	v32 =	vadd.s32 v31, v10  }
0xd9: {  	v54 =	vld [tilespmem:$0x465];
	v57 =	vsel vm8, $0x1, v2;
	v59 =	vsel vm9, $0x1, v2;
	v6 =	vadd.s32 v33, v32  }
0xda: {  	v43 =	vld [tilespmem:$0x455];
	vm14 =	veq.s32 v3, v39;
	v13 =	vadd.s32 v53, v13;
	v10 =	vadd.s32 v35, v6  }
0xdb: {  	v61 =	vsel vm10, $0x1, v2;
	v50 =	vsel vm14, $0x1, v2;
	v21 =	vld [tilespmem:$0x460];
	v10 =	vadd.s32 v37, v10  }
0xdc: {  	vm15 =	veq.s32 v3, v41;
	v13 =	vadd.s32 v55, v13;
	v23 =	vld [tilespmem:$0x45F];
	v10 =	vadd.s32 v12, v10  }
0xdd: {  	v56 =	vld [tilespmem:$0x464];
	v63 =	vsel vm11, $0x1, v2;
	v13 =	vadd.s32 v57, v13;
	v10 =	vadd.s32 v38, v10  }
0xde: {  	v45 =	vld [tilespmem:$0x454];
	v52 =	vsel vm15, $0x1, v2;
	v13 =	vadd.s32 v59, v13;
	v10 =	vadd.s32 v40, v10  }
0xdf: {  	v47 =	vld [tilespmem:$0x453];
	vm4 =	veq.s32 v3, v43;
	v13 =	vadd.s32 v61, v13;
	v10 =	vadd.s32 v42, v10  }
0xe0: {  	v13 =	vadd.s32 v63, v13;
	v25 =	vld [tilespmem:$0x45E];
	vm5 =	veq.s32 v3, v21;
	v10 =	vadd.s32 v44, v10  }
0xe1: {  	v63 =	vld [tilespmem:$0x44B];
	v32 =	vsel vm5, $0x1, v2;
	vm6 =	veq.s32 v3, v23;
	vm12 =	veq.s32 v10, $0x0  }
0xe2: {  	v27 =	vld [tilespmem:$0x45D];
	vm13 =	veq.s32 v10, $0x1;
	v10 =	vnsel vm12, $0x2718, v11;
	vm12 =	veq.s32 v3, v54  }
0xe3: {  	v49 =	vld [tilespmem:$0x452];
	v7 =	vnsel vm13, $0x2718, v11;
	vm13 =	veq.s32 v3, v56;
	v22 =	vsel vm12, $0x1, v2  }
0xe4: {  	v29 =	vld [tilespmem:$0x45C];
	vm5 =	veq.s32 v3, v45;
	v24 =	vsel vm13, $0x1, v2;
	v13 =	vadd.s32 v22, v13  }
0xe5: {  	v31 =	vld [tilespmem:$0x45B];
	v34 =	vsel vm6, $0x1, v2;
	vm7 =	veq.s32 v3, v25;
	v13 =	vadd.s32 v24, v13  }
0xe6: {  	v51 =	vld [tilespmem:$0x451];
	vm6 =	veq.s32 v3, v47;
	vm14 =	veq.s32 v3, v63;
	v13 =	vadd.s32 v26, v13  }
0xe7: {  	v33 =	vld [tilespmem:$0x45A];
	v36 =	vsel vm7, $0x1, v2;
	vm8 =	veq.s32 v3, v27;
	v13 =	vadd.s32 v28, v13  }
0xe8: {  	v6 =	vld [tilespmem:$0x140];
	v58 =	vsel vm6, $0x1, v2;
	vm7 =	veq.s32 v3, v49;
	v13 =	vadd.s32 v30, v13  }
0xe9: {  	v35 =	vld [tilespmem:$0x459];
	vm9 =	veq.s32 v3, v29;
	v60 =	vsel vm7, $0x1, v2;
	v13 =	vadd.s32 v32, v13  }
0xea: {  	v37 =	vld [tilespmem:$0x458];
	v38 =	vsel vm8, $0x1, v2;
	vm10 =	veq.s32 v3, v31;
	v13 =	vadd.s32 v34, v13  }
0xeb: {  	v53 =	vld [tilespmem:$0x450];
	vm8 =	veq.s32 v3, v51;
	v31 =	vsel vm14, $0x1, v2;
	v13 =	vadd.s32 v36, v13  }
0xec: {  	v55 =	vld [tilespmem:$0x44F];
	v40 =	vsel vm9, $0x1, v2;
	vm11 =	veq.s32 v3, v33;
	v13 =	vadd.s32 v38, v13  }
0xed: {  	v57 =	vld [tilespmem:$0x44E];
	v62 =	vsel vm8, $0x1, v2;
	v42 =	vsel vm10, $0x1, v2;
	v13 =	vadd.s32 v40, v13  }
0xee: {  	v59 =	vld [tilespmem:$0x44D];
	v44 =	vsel vm11, $0x1, v2;
	vm12 =	veq.s32 v3, v35;
	v13 =	vadd.s32 v42, v13  }
0xef: {  	v61 =	vld [tilespmem:$0x44C];
	[tilespmem:$0x480] =	vst v6;
	vm13 =	veq.s32 v3, v37;
	v46 =	vsel vm12, $0x1, v2;
	v13 =	vadd.s32 v44, v13  }
0xf0: {  	vm9 =	veq.s32 v3, v53;
	v19 =	vld [tilespmem:$0x47C];
	v48 =	vsel vm13, $0x1, v2;
	v13 =	vadd.s32 v46, v13  }
0xf1: {  	v21 =	vsel vm9, $0x1, v2;
	vm10 =	veq.s32 v3, v55;
	v22 =	vld [tilespmem:$0x44A];
	v13 =	vadd.s32 v48, v13  }
0xf2: {  	v23 =	vsel vm10, $0x1, v2;
	vm11 =	veq.s32 v3, v57;
	v24 =	vld [tilespmem:$0x449];
	v13 =	vadd.s32 v50, v13  }
0xf3: {  	v25 =	vsel vm11, $0x1, v2;
	v54 =	vsel vm4, $0x1, v2;
	v26 =	vld [tilespmem:$0x448];
	v13 =	vadd.s32 v52, v13  }
0xf4: {  	v56 =	vsel vm5, $0x1, v2;
	vm12 =	veq.s32 v3, v59;
	v28 =	vld [tilespmem:$0x447];
	v13 =	vadd.s32 v54, v13  }
0xf5: {  	vm13 =	veq.s32 v3, v61;
	v27 =	vsel vm12, $0x1, v2;
	v30 =	vld [tilespmem:$0x446];
	v13 =	vadd.s32 v56, v13  }
0xf6: {  	v29 =	vsel vm13, $0x1, v2;
	vm15 =	veq.s32 v3, v22;
	v32 =	vld [tilespmem:$0x445];
	v13 =	vadd.s32 v58, v13  }
0xf7: {  	v33 =	vsel vm15, $0x1, v2;
	vm4 =	veq.s32 v3, v24;
	v34 =	vld [tilespmem:$0x444];
	v13 =	vadd.s32 v60, v13  }
0xf8: {  	v35 =	vsel vm4, $0x1, v2;
	vm5 =	veq.s32 v3, v26;
	v36 =	vld [tilespmem:$0x443];
	v13 =	vadd.s32 v62, v13  }
0xf9: {  	v37 =	vsel vm5, $0x1, v2;
	vm6 =	veq.s32 v3, v28;
	v38 =	vld [tilespmem:$0x442];
	v13 =	vadd.s32 v21, v13  }
0xfa: {  	v39 =	vsel vm6, $0x1, v2;
	vm7 =	veq.s32 v3, v30;
	v40 =	vld [tilespmem:$0x441];
	v13 =	vadd.s32 v23, v13  }
0xfb: {  	v41 =	vsel vm7, $0x1, v2;
	vm8 =	veq.s32 v3, v32;
	v42 =	vld [tilespmem:$0x440];
	v13 =	vadd.s32 v25, v13  }
0xfc: {  	v43 =	vsel vm8, $0x1, v2;
	vm9 =	veq.s32 v3, v34;
	v44 =	vld [tilespmem:$0x43F];
	v13 =	vadd.s32 v27, v13  }
0xfd: {  	v45 =	vsel vm9, $0x1, v2;
	vm10 =	veq.s32 v3, v36;
	v46 =	vld [tilespmem:$0x43E];
	v13 =	vadd.s32 v29, v13  }
0xfe: {  	v47 =	vsel vm10, $0x1, v2;
	vm11 =	veq.s32 v3, v38;
	v48 =	vld [tilespmem:$0x43D];
	v13 =	vadd.s32 v31, v13  }
0xff: {  	v49 =	vsel vm11, $0x1, v2;
	vm12 =	veq.s32 v3, v40;
	v50 =	vld [tilespmem:$0x43C];
	v13 =	vadd.s32 v33, v13  }
0x100: {  	v51 =	vsel vm12, $0x1, v2;
	vm13 =	veq.s32 v3, v42;
	v52 =	vld [tilespmem:$0x43B];
	v13 =	vadd.s32 v35, v13  }
0x101: {  	v53 =	vsel vm13, $0x1, v2;
	vm14 =	veq.s32 v3, v44;
	v54 =	vld [tilespmem:$0x43A];
	v13 =	vadd.s32 v37, v13  }
0x102: {  	v55 =	vsel vm14, $0x1, v2;
	vm15 =	veq.s32 v3, v46;
	v56 =	vld [tilespmem:$0x439];
	v13 =	vadd.s32 v39, v13  }
0x103: {  	v57 =	vsel vm15, $0x1, v2;
	vm4 =	veq.s32 v3, v48;
	v58 =	vld [tilespmem:$0x438];
	v13 =	vadd.s32 v41, v13  }
0x104: {  	v59 =	vsel vm4, $0x1, v2;
	vm5 =	veq.s32 v3, v50;
	v60 =	vld [tilespmem:$0x437];
	v13 =	vadd.s32 v43, v13  }
0x105: {  	v61 =	vsel vm5, $0x1, v2;
	vm6 =	veq.s32 v3, v52;
	v62 =	vld [tilespmem:$0x436];
	v13 =	vadd.s32 v45, v13  }
0x106: {  	v63 =	vsel vm6, $0x1, v2;
	vm7 =	veq.s32 v3, v54;
	v21 =	vld [tilespmem:$0x435];
	v13 =	vadd.s32 v47, v13  }
0x107: {  	v22 =	vsel vm7, $0x1, v2;
	vm8 =	veq.s32 v3, v56;
	v23 =	vld [tilespmem:$0x434];
	v13 =	vadd.s32 v49, v13  }
0x108: {  	v24 =	vsel vm8, $0x1, v2;
	vm9 =	veq.s32 v3, v58;
	v25 =	vld [tilespmem:$0x433];
	v13 =	vadd.s32 v51, v13  }
0x109: {  	vm8 =	veq.s32 v6, v19;
	v26 =	vsel vm9, $0x1, v2;
	v27 =	vld [tilespmem:$0x432];
	v13 =	vadd.s32 v53, v13  }
0x10a: {  	vm10 =	veq.s32 v3, v60;
	v48 =	vsel vm8, $0x1, v2;
	v29 =	vld [tilespmem:$0x431];
	v13 =	vadd.s32 v55, v13  }
0x10b: {  	v28 =	vsel vm10, $0x1, v2;
	vm11 =	veq.s32 v3, v62;
	v31 =	vld [tilespmem:$0x47F];
	v13 =	vadd.s32 v57, v13  }
0x10c: {  	v30 =	vsel vm11, $0x1, v2;
	vm12 =	veq.s32 v3, v21;
	v21 =	vld [tilespmem:$0x46E];
	v13 =	vadd.s32 v59, v13  }
0x10d: {  	v32 =	vsel vm12, $0x1, v2;
	vm13 =	veq.s32 v3, v23;
	v33 =	vld [tilespmem:$0x47E];
	v13 =	vadd.s32 v61, v13  }
0x10e: {  	v34 =	vsel vm13, $0x1, v2;
	vm14 =	veq.s32 v3, v25;
	v35 =	vld [tilespmem:$0x47D];
	v13 =	vadd.s32 v63, v13  }
0x10f: {  	v36 =	vsel vm14, $0x1, v2;
	vm15 =	veq.s32 v3, v27;
	v39 =	vld [tilespmem:$0x47B];
	v13 =	vadd.s32 v22, v13  }
0x110: {  	v38 =	vsel vm15, $0x1, v2;
	vm4 =	veq.s32 v3, v29;
	v41 =	vld [tilespmem:$0x47A];
	v13 =	vadd.s32 v24, v13  }
0x111: {  	v23 =	vld [tilespmem:$0x46D];
	v40 =	vsel vm4, $0x1, v2;
	vm5 =	veq.s32 v6, v31;
	v13 =	vadd.s32 v26, v13  }
0x112: {  	v42 =	vsel vm5, $0x1, v2;
	vm6 =	veq.s32 v6, v33;
	v43 =	vld [tilespmem:$0x479];
	v13 =	vadd.s32 v28, v13  }
0x113: {  	v44 =	vsel vm6, $0x1, v2;
	vm7 =	veq.s32 v6, v35;
	v45 =	vld [tilespmem:$0x478];
	v13 =	vadd.s32 v30, v13  }
0x114: {  	v25 =	vld [tilespmem:$0x46C];
	v46 =	vsel vm7, $0x1, v2;
	vm9 =	veq.s32 v6, v39;
	v13 =	vadd.s32 v32, v13  }
0x115: {  	v47 =	vld [tilespmem:$0x477];
	vm10 =	veq.s32 v6, v41;
	v37 =	vadd.s32 v34, v13;
	v13 =	vadd.s32 v42, v44  }
0x116: {  	v49 =	vld [tilespmem:$0x476];
	v50 =	vsel vm9, $0x1, v2;
	v52 =	vsel vm10, $0x1, v2;
	v13 =	vadd.s32 v46, v13  }
0x117: {  	v51 =	vld [tilespmem:$0x475];
	vm11 =	veq.s32 v6, v43;
	vm10 =	veq.s32 v6, v21;
	v13 =	vadd.s32 v48, v13  }
0x118: {  	v53 =	vld [tilespmem:$0x474];
	v54 =	vsel vm11, $0x1, v2;
	vm12 =	veq.s32 v6, v45;
	v13 =	vadd.s32 v50, v13  }
0x119: {  	v55 =	vld [tilespmem:$0x473];
	vm11 =	veq.s32 v6, v23;
	v56 =	vsel vm12, $0x1, v2;
	v13 =	vadd.s32 v52, v13  }
0x11a: {  	vm13 =	veq.s32 v6, v47;
	v57 =	vld [tilespmem:$0x472];
	vm12 =	veq.s32 v6, v25;
	v13 =	vadd.s32 v54, v13  }
0x11b: {  	v58 =	vsel vm13, $0x1, v2;
	vm14 =	veq.s32 v6, v49;
	v59 =	vld [tilespmem:$0x471];
	v13 =	vadd.s32 v56, v13  }
0x11c: {  	v60 =	vsel vm14, $0x1, v2;
	vm15 =	veq.s32 v6, v51;
	v61 =	vld [tilespmem:$0x470];
	v13 =	vadd.s32 v58, v13  }
0x11d: {  	v62 =	vsel vm15, $0x1, v2;
	vm4 =	veq.s32 v6, v53;
	v63 =	vld [tilespmem:$0x46F];
	v13 =	vadd.s32 v60, v13  }
0x11e: {  	v27 =	vld [tilespmem:$0x46B];
	v20 =	vsel vm4, $0x1, v2;
	vm5 =	veq.s32 v6, v55;
	v13 =	vadd.s32 v62, v13  }
0x11f: {  	v29 =	vld [tilespmem:$0x46A];
	v22 =	vsel vm5, $0x1, v2;
	vm6 =	veq.s32 v6, v57;
	v13 =	vadd.s32 v20, v13  }
0x120: {  	v31 =	vld [tilespmem:$0x469];
	v24 =	vsel vm6, $0x1, v2;
	vm7 =	veq.s32 v6, v59;
	v13 =	vadd.s32 v22, v13  }
0x121: {  	v26 =	vsel vm7, $0x1, v2;
	vm8 =	veq.s32 v6, v61;
	v13 =	vadd.s32 v24, v13  }
0x122: {  	v28 =	vsel vm8, $0x1, v2;
	vm9 =	veq.s32 v6, v63;
	v13 =	vadd.s32 v26, v13  }
0x123: {  	vm13 =	veq.s32 v6, v27;
	v30 =	vsel vm9, $0x1, v2;
	v13 =	vadd.s32 v28, v13  }
0x124: {  	v33 =	vld [tilespmem:$0x468];
	vm14 =	veq.s32 v6, v29;
	v32 =	vsel vm10, $0x1, v2;
	v13 =	vadd.s32 v30, v13  }
0x125: {  	v35 =	vld [tilespmem:$0x467];
	vm15 =	veq.s32 v6, v31;
	v34 =	vsel vm11, $0x1, v2;
	v13 =	vadd.s32 v32, v13  }
0x126: {  	v11 =	vadd.s32 v36, v37;
	v36 =	vsel vm12, $0x1, v2;
	v37 =	vld [tilespmem:$0x466];
	v13 =	vadd.s32 v34, v13  }
0x127: {  	v39 =	vld [tilespmem:$0x465];
	v11 =	vadd.s32 v38, v11;
	v38 =	vsel vm13, $0x1, v2;
	v13 =	vadd.s32 v36, v13  }
0x128: {  	v41 =	vld [tilespmem:$0x464];
	v11 =	vadd.s32 v40, v11;
	v40 =	vsel vm14, $0x1, v2;
	v13 =	vadd.s32 v38, v13  }
0x129: {  	v43 =	vld [tilespmem:$0x463];
	vm4 =	veq.s32 v6, v33;
	v42 =	vsel vm15, $0x1, v2;
	v13 =	vadd.s32 v40, v13  }
0x12a: {  	v45 =	vld [tilespmem:$0x462];
	vm5 =	veq.s32 v6, v35;
	v44 =	vsel vm4, $0x1, v2;
	v13 =	vadd.s32 v42, v13  }
0x12b: {  	v47 =	vld [tilespmem:$0x461];
	v46 =	vsel vm5, $0x1, v2;
	vm6 =	veq.s32 v6, v37;
	v13 =	vadd.s32 v44, v13  }
0x12c: {  	v49 =	vld [tilespmem:$0x460];
	vm7 =	veq.s32 v6, v39;
	v48 =	vsel vm6, $0x1, v2;
	v13 =	vadd.s32 v46, v13  }
0x12d: {  	v51 =	vld [tilespmem:$0x45F];
	vm8 =	veq.s32 v6, v41;
	v50 =	vsel vm7, $0x1, v2;
	v13 =	vadd.s32 v48, v13  }
0x12e: {  	v53 =	vld [tilespmem:$0x45E];
	vm9 =	veq.s32 v6, v43;
	v52 =	vsel vm8, $0x1, v2;
	v13 =	vadd.s32 v50, v13  }
0x12f: {  	v55 =	vld [tilespmem:$0x45D];
	vm10 =	veq.s32 v6, v45;
	v54 =	vsel vm9, $0x1, v2;
	v13 =	vadd.s32 v52, v13  }
0x130: {  	v57 =	vld [tilespmem:$0x45C];
	vm11 =	veq.s32 v6, v47;
	v56 =	vsel vm10, $0x1, v2;
	v13 =	vadd.s32 v54, v13  }
0x131: {  	v59 =	vld [tilespmem:$0x45B];
	vm12 =	veq.s32 v6, v49;
	v58 =	vsel vm11, $0x1, v2;
	v13 =	vadd.s32 v56, v13  }
0x132: {  	v61 =	vld [tilespmem:$0x45A];
	vm13 =	veq.s32 v6, v51;
	v60 =	vsel vm12, $0x1, v2;
	v13 =	vadd.s32 v58, v13  }
0x133: {  	v63 =	vld [tilespmem:$0x459];
	vm14 =	veq.s32 v6, v53;
	v62 =	vsel vm13, $0x1, v2;
	v13 =	vadd.s32 v60, v13  }
0x134: {  	v21 =	vld [tilespmem:$0x458];
	vm15 =	veq.s32 v6, v55;
	v20 =	vsel vm14, $0x1, v2;
	v13 =	vadd.s32 v62, v13  }
0x135: {  	v23 =	vld [tilespmem:$0x457];
	vm4 =	veq.s32 v6, v57;
	v22 =	vsel vm15, $0x1, v2;
	v13 =	vadd.s32 v20, v13  }
0x136: {  	v25 =	vld [tilespmem:$0x456];
	vm5 =	veq.s32 v6, v59;
	v24 =	vsel vm4, $0x1, v2;
	v13 =	vadd.s32 v22, v13  }
0x137: {  	v27 =	vld [tilespmem:$0x455];
	vm6 =	veq.s32 v6, v61;
	v26 =	vsel vm5, $0x1, v2;
	v13 =	vadd.s32 v24, v13  }
0x138: {  	v29 =	vld [tilespmem:$0x454];
	vm7 =	veq.s32 v6, v63;
	v28 =	vsel vm6, $0x1, v2;
	v13 =	vadd.s32 v26, v13  }
0x139: {  	v31 =	vld [tilespmem:$0x453];
	vm8 =	veq.s32 v6, v21;
	v30 =	vsel vm7, $0x1, v2;
	v13 =	vadd.s32 v28, v13  }
0x13a: {  	v33 =	vld [tilespmem:$0x452];
	vm9 =	veq.s32 v6, v23;
	v32 =	vsel vm8, $0x1, v2;
	v13 =	vadd.s32 v30, v13  }
0x13b: {  	v35 =	vld [tilespmem:$0x451];
	vm10 =	veq.s32 v6, v25;
	v34 =	vsel vm9, $0x1, v2;
	v13 =	vadd.s32 v32, v13  }
0x13c: {  	v37 =	vld [tilespmem:$0x450];
	vm11 =	veq.s32 v6, v27;
	v36 =	vsel vm10, $0x1, v2;
	v13 =	vadd.s32 v34, v13  }
0x13d: {  	v39 =	vld [tilespmem:$0x44F];
	vm12 =	veq.s32 v6, v29;
	v38 =	vsel vm11, $0x1, v2;
	v13 =	vadd.s32 v36, v13  }
0x13e: {  	v41 =	vld [tilespmem:$0x44E];
	vm13 =	veq.s32 v6, v31;
	v40 =	vsel vm12, $0x1, v2;
	v13 =	vadd.s32 v38, v13  }
0x13f: {  	v43 =	vld [tilespmem:$0x44D];
	vm14 =	veq.s32 v6, v33;
	v42 =	vsel vm13, $0x1, v2;
	v13 =	vadd.s32 v40, v13  }
0x140: {  	v45 =	vld [tilespmem:$0x44C];
	vm15 =	veq.s32 v6, v35;
	v44 =	vsel vm14, $0x1, v2;
	v13 =	vadd.s32 v42, v13  }
0x141: {  	v47 =	vld [tilespmem:$0x44B];
	vm4 =	veq.s32 v6, v37;
	v46 =	vsel vm15, $0x1, v2;
	v13 =	vadd.s32 v44, v13  }
0x142: {  	v49 =	vld [tilespmem:$0x44A];
	vm5 =	veq.s32 v6, v39;
	v48 =	vsel vm4, $0x1, v2;
	v13 =	vadd.s32 v46, v13  }
0x143: {  	v51 =	vld [tilespmem:$0x449];
	vm6 =	veq.s32 v6, v41;
	v50 =	vsel vm5, $0x1, v2;
	v13 =	vadd.s32 v48, v13  }
0x144: {  	v53 =	vld [tilespmem:$0x448];
	vm7 =	veq.s32 v6, v43;
	v52 =	vsel vm6, $0x1, v2;
	v13 =	vadd.s32 v50, v13  }
0x145: {  	v55 =	vld [tilespmem:$0x447];
	vm8 =	veq.s32 v6, v45;
	v54 =	vsel vm7, $0x1, v2;
	v13 =	vadd.s32 v52, v13  }
0x146: {  	v57 =	vld [tilespmem:$0x446];
	vm9 =	veq.s32 v6, v47;
	v56 =	vsel vm8, $0x1, v2;
	v13 =	vadd.s32 v54, v13  }
0x147: {  	v59 =	vld [tilespmem:$0x445];
	vm10 =	veq.s32 v6, v49;
	v58 =	vsel vm9, $0x1, v2;
	v13 =	vadd.s32 v56, v13  }
0x148: {  	v61 =	vld [tilespmem:$0x444];
	vm11 =	veq.s32 v6, v51;
	v60 =	vsel vm10, $0x1, v2;
	v13 =	vadd.s32 v58, v13  }
0x149: {  	v63 =	vld [tilespmem:$0x443];
	vm12 =	veq.s32 v6, v53;
	v62 =	vsel vm11, $0x1, v2;
	v13 =	vadd.s32 v60, v13  }
0x14a: {  	v21 =	vld [tilespmem:$0x442];
	vm13 =	veq.s32 v6, v55;
	v20 =	vsel vm12, $0x1, v2;
	v13 =	vadd.s32 v62, v13  }
0x14b: {  	v23 =	vld [tilespmem:$0x441];
	vm14 =	veq.s32 v6, v57;
	v22 =	vsel vm13, $0x1, v2;
	v13 =	vadd.s32 v20, v13  }
0x14c: {  	v25 =	vld [tilespmem:$0x440];
	vm15 =	veq.s32 v6, v59;
	v24 =	vsel vm14, $0x1, v2;
	v13 =	vadd.s32 v22, v13  }
0x14d: {  	v27 =	vld [tilespmem:$0x43F];
	vm4 =	veq.s32 v6, v61;
	v26 =	vsel vm15, $0x1, v2;
	v13 =	vadd.s32 v24, v13  }
0x14e: {  	v29 =	vld [tilespmem:$0x43E];
	vm5 =	veq.s32 v6, v63;
	v28 =	vsel vm4, $0x1, v2;
	v13 =	vadd.s32 v26, v13  }
0x14f: {  	v31 =	vld [tilespmem:$0x43D];
	vm6 =	veq.s32 v6, v21;
	v30 =	vsel vm5, $0x1, v2;
	v13 =	vadd.s32 v28, v13  }
0x150: {  	v33 =	vld [tilespmem:$0x43C];
	vm7 =	veq.s32 v6, v23;
	v32 =	vsel vm6, $0x1, v2;
	v13 =	vadd.s32 v30, v13  }
0x151: {  	v35 =	vld [tilespmem:$0x43B];
	vm8 =	veq.s32 v6, v25;
	v34 =	vsel vm7, $0x1, v2;
	v13 =	vadd.s32 v32, v13  }
0x152: {  	v37 =	vld [tilespmem:$0x43A];
	vm9 =	veq.s32 v6, v27;
	v36 =	vsel vm8, $0x1, v2;
	v13 =	vadd.s32 v34, v13  }
0x153: {  	v39 =	vld [tilespmem:$0x439];
	vm10 =	veq.s32 v6, v29;
	v38 =	vsel vm9, $0x1, v2;
	v13 =	vadd.s32 v36, v13  }
0x154: {  	v41 =	vld [tilespmem:$0x438];
	vm11 =	veq.s32 v6, v31;
	v40 =	vsel vm10, $0x1, v2;
	v13 =	vadd.s32 v38, v13  }
0x155: {  	v43 =	vld [tilespmem:$0x437];
	vm12 =	veq.s32 v6, v33;
	v42 =	vsel vm11, $0x1, v2;
	v13 =	vadd.s32 v40, v13  }
0x156: {  	v45 =	vld [tilespmem:$0x436];
	vm13 =	veq.s32 v6, v35;
	v44 =	vsel vm12, $0x1, v2;
	v13 =	vadd.s32 v42, v13  }
0x157: {  	v47 =	vld [tilespmem:$0x435];
	vm14 =	veq.s32 v6, v37;
	v46 =	vsel vm13, $0x1, v2;
	v13 =	vadd.s32 v44, v13  }
0x158: {  	v49 =	vld [tilespmem:$0x434];
	vm15 =	veq.s32 v6, v39;
	v48 =	vsel vm14, $0x1, v2;
	v13 =	vadd.s32 v46, v13  }
0x159: {  	v51 =	vld [tilespmem:$0x433];
	vm4 =	veq.s32 v6, v41;
	v50 =	vsel vm15, $0x1, v2;
	v13 =	vadd.s32 v48, v13  }
0x15a: {  	v53 =	vld [tilespmem:$0x432];
	vm5 =	veq.s32 v6, v43;
	v52 =	vsel vm4, $0x1, v2;
	v13 =	vadd.s32 v50, v13  }
0x15b: {  	v55 =	vld [tilespmem:$0x431];
	vm6 =	veq.s32 v6, v45;
	v54 =	vsel vm5, $0x1, v2;
	v13 =	vadd.s32 v52, v13  }
0x15c: {  	vm7 =	veq.s32 v6, v47;
	v56 =	vsel vm6, $0x1, v2;
	v13 =	vadd.s32 v54, v13  }
0x15d: {  	[tilespmem:$0x200] =	vst v4;
	vm8 =	veq.s32 v6, v49;
	v58 =	vsel vm7, $0x1, v2;
	v57 =	vadd.s32 v56, v13  }
0x15e: {  	[tilespmem:$0x300] =	vst v5;
	v59 =	vsel vm8, $0x1, v2;
	vm9 =	veq.s32 v6, v51;
	v4 =	vadd.s32 v58, v57  }
0x15f: {  	[tilespmem:$0x210] =	vst v8;
	vm10 =	veq.s32 v6, v53;
	v60 =	vsel vm9, $0x1, v2;
	v4 =	vadd.s32 v59, v4  }
0x160: {  	[tilespmem:$0x310] =	vst v9;
	v61 =	vsel vm10, $0x1, v2;
	vm11 =	veq.s32 v6, v55;
	v4 =	vadd.s32 v60, v4  }
0x161: {  	[tilespmem:$0x220] =	vst v10;
	vm12 =	veq.s32 v11, $0x0;
	v62 =	vsel vm11, $0x1, v2;
	v4 =	vadd.s32 v61, v4  }
0x162: {  	[tilespmem:$0x320] =	vst v7;
	v63 =	vnsel vm12, $0x2718, v3;
	vm13 =	veq.s32 v11, $0x1;
	v4 =	vadd.s32 v62, v4  }
.Ltmp3:
0x163: {  	[tilespmem:$0x230] =	vst v63;
	v3 =	vnsel vm13, $0x2718, v3;
	vm14 =	veq.s32 v4, $0x0;
	(pc) =	sbr.rel .LBB2_4-.Ltmp3, $4  }
0x164: {  	[tilespmem:$0x330] =	vst v3;
	vm15 =	veq.s32 v4, $0x1;
	v3 =	vnsel vm14, $0x2718, v6  }
0x165: {  	[tilespmem:$0x240] =	vst v3;
	v3 =	vnsel vm15, $0x2718, v6  }
0x166: {  	s26 =	simm.s32 $0x500;
	s29 =	smov.u32 s24;
	[tilespmem:$0x340] =	vst v3  }
0x167: {  	[tilespmem:s26], [sflag:$0x1] =	stream.indirect.gather [hbm4b:s1+s19], $0x80, s23, s19, $0xb8;
	[tilespmem:$0x1D500] =	vst v63  }
.LBB2_6:
0x168: {  	_ =	swait.ge [sflag:s21], $0x2800  }
0x169: {  	[sflag:s21] =	ssyncset.done $0x0  }
0x16a: {  	[sflag:s21] =	ssyncadd.s32 $0xFFFFD800  }
0x16b: {  	[spmem:s3] =	stream.indirect.scatter.add.f32 [tilespmem:s25], [sflag:$0x2], $0x80, s26, s19, $0xb8;
	[tilespmem:$0x1D500] =	vst v63  }
.LBB2_7:
0x16c: {  	s23 =	sadd.s32 $0x1, s23  }
0x16d: {  	p3 =	sne.s32 s23, $0x7D  }
.Ltmp4:
0x16e: {  	_ = 	snop;
	(pc) =	sbr.rel @!p3 .LBB2_8-.Ltmp4, $4  }
0x16f: {  	_ = 	snop  }
0x170: {  	_ =	swait.ge [sflag:s21], $0x2800  }
0x171: {  	[sflag:s21] =	ssyncset.done $0x0  }
0x172: {  	s29 =	sadd.s32 $0x50, s29;
	[sflag:s21] =	ssyncadd.s32 $0xFFFFD800  }
.LBB2_4:
0x173: {  	s2 =	sand.u32 $0x1, s23  }
0x174: {  	p3 =	seq.s32 s23, $0x7C;
	s8 =	smul.u32 $0xA000, s2  }
.Ltmp5:
0x175: {  	_ =	swait.ge [sflag:s20], $0x2800;
	(pc) =	sbr.rel @p3 .LBB2_6-.Ltmp5, $4  }
0x176: {  	[sflag:s20] =	ssyncset.done $0x0  }
0x177: {  	s26 =	sshll.u32 s2, $0x7;
	[sflag:s20] =	ssyncadd.s32 $0xFFFFD800;
	s8 =	sshrl.u32 s8, $0x2  }
0x178: {  	s11 =	sor.u32 $0x200, s26;
	s26 =	sor.u32 $0x300, s26;
	s25 =	sor.u32 $0x500, s8  }
0x179: {  	[spmem:s3] =	stream.indirect.scatter.add.f32 [tilespmem:s25], [sflag:$0x2], $0x80, s11, s19, $0xb8;
	[tilespmem:$0x1D500] =	vst v63  }
0x17a: {  	s8 =	sxor.u32 $0x1, s2;
	s10 =	sshrl.u32 s29, $0x3  }
0x17b: {  	s2 =	sshll.u32 s8, $0x7;
	s11 =	sadd.s32 s6, s10  }
0x17c: {  	[tilespmem:s2], [sflag:$0x3] =	stream.linear.gather [hbm4b:s11+s4], $0x50, $0x38;
	[tilespmem:$0x1D500] =	vst v63  }
0x17d: {  	_ =	swait.ge [sflag:s15], $0x50  }
0x17e: {  	[sflag:s15] =	ssyncset.done $0x0  }
0x17f: {  	s10 =	sadd.s32 s7, s10;
	s11 =	sor.u32 $0x100, s2;
	[sflag:s15] =	ssyncadd.s32 $0xFFFFFFB0  }
0x180: {  	[tilespmem:s11], [sflag:$0x3] =	stream.linear.gather [hbm4b:s10+s4], $0x50, $0x38;
	[tilespmem:$0x1D500] =	vst v63  }
0x181: {  	_ =	swait.ge [sflag:s15], $0x50  }
0x182: {  	[sflag:s15] =	ssyncset.done $0x0  }
0x183: {  	[sflag:s15] =	ssyncadd.s32 $0xFFFFFFB0  }
0x184: {  	v7 =	vld [tilespmem:s2+$0x100];
	_ =	sdelay $0x1  }
0x185: {  	v6 =	vld [tilespmem:s2+$0x110]  }
0x186: {  	v5 =	vld [tilespmem:s2+$0x120]  }
0x187: {  	v4 =	vld [tilespmem:s2+$0x130]  }
0x188: {  	v3 =	vld [tilespmem:s2+$0x140];
	[tilespmem:$0x440] =	vst v7  }
0x189: {  	v8 =	vld [tilespmem:$0x43F]  }
0x18a: {  	v9 =	vld [tilespmem:$0x43E]  }
0x18b: {  	v10 =	vld [tilespmem:$0x43D]  }
0x18c: {  	v11 =	vld [tilespmem:$0x43C]  }
0x18d: {  	v12 =	vld [tilespmem:$0x43B]  }
0x18e: {  	v13 =	vld [tilespmem:$0x43A]  }
0x18f: {  	v53 =	vld [tilespmem:$0x439];
	vm0 =	veq.s32 v7, v8;
	vm1 =	veq.s32 v7, v9  }
0x190: {  	v55 =	vld [tilespmem:$0x438];
	vm13 =	veq.s32 v7, v10;
	v54 =	vsel vm0, $0x1, v2;
	v14 =	vsel vm1, $0x1, v2  }
0x191: {  	v57 =	vld [tilespmem:$0x437];
	vm14 =	veq.s32 v7, v11;
	v56 =	vsel vm13, $0x1, v2;
	v9 =	vadd.s32 v54, v14  }
0x192: {  	v59 =	vld [tilespmem:$0x436];
	vm15 =	veq.s32 v7, v12;
	v58 =	vsel vm14, $0x1, v2;
	v9 =	vadd.s32 v56, v9  }
0x193: {  	v61 =	vld [tilespmem:$0x435];
	vm4 =	veq.s32 v7, v13;
	v60 =	vsel vm15, $0x1, v2;
	v9 =	vadd.s32 v58, v9  }
0x194: {  	v63 =	vld [tilespmem:$0x434];
	vm5 =	veq.s32 v7, v53;
	v62 =	vsel vm4, $0x1, v2;
	v9 =	vadd.s32 v60, v9  }
0x195: {  	v17 =	vld [tilespmem:$0x433];
	vm6 =	veq.s32 v7, v55;
	v16 =	vsel vm5, $0x1, v2;
	v9 =	vadd.s32 v62, v9  }
0x196: {  	v19 =	vld [tilespmem:$0x432];
	vm7 =	veq.s32 v7, v57;
	v18 =	vsel vm6, $0x1, v2;
	v9 =	vadd.s32 v16, v9  }
0x197: {  	v21 =	vld [tilespmem:$0x431];
	vm8 =	veq.s32 v7, v59;
	v20 =	vsel vm7, $0x1, v2;
	v9 =	vadd.s32 v18, v9  }
0x198: {  	vm9 =	veq.s32 v7, v61;
	v22 =	vsel vm8, $0x1, v2;
	v9 =	vadd.s32 v20, v9  }
0x199: {  	vm10 =	veq.s32 v7, v63;
	v23 =	vsel vm9, $0x1, v2;
	v9 =	vadd.s32 v22, v9  }
0x19a: {  	vm11 =	veq.s32 v7, v17;
	v25 =	vsel vm10, $0x1, v2;
	v24 =	vadd.s32 v23, v9  }
0x19b: {  	vm12 =	veq.s32 v7, v19;
	v26 =	vsel vm11, $0x1, v2;
	v8 =	vadd.s32 v25, v24  }
0x19c: {  	v27 =	vsel vm12, $0x1, v2;
	vm13 =	veq.s32 v7, v21;
	v8 =	vadd.s32 v26, v8  }
0x19d: {  	[tilespmem:$0x450] =	vst v6;
	v28 =	vsel vm13, $0x1, v2;
	v8 =	vadd.s32 v27, v8  }
0x19e: {  	[tilespmem:$0x460] =	vst v5;
	v8 =	vadd.s32 v28, v8  }
0x19f: {  	[tilespmem:$0x470] =	vst v4;
	vm14 =	veq.s32 v8, $0x0  }
0x1a0: {  	[tilespmem:$0x480] =	vst v3;
	vm15 =	veq.s32 v8, $0x1;
	v29 =	vnsel vm14, $0x2718, v7  }
0x1a1: {  	v7 =	vnsel vm15, $0x2718, v7;
	[tilespmem:s2+$0x200] =	vst v29  }
0x1a2: {  	[tilespmem:s2+$0x300] =	vst v7  }
0x1a3: {  	v7 =	vld [tilespmem:$0x44F]  }
0x1a4: {  	v30 =	vld [tilespmem:$0x44E]  }
0x1a5: {  	v9 =	vld [tilespmem:$0x44D]  }
0x1a6: {  	v31 =	vld [tilespmem:$0x44C]  }
0x1a7: {  	v32 =	vld [tilespmem:$0x44B]  }
0x1a8: {  	v33 =	vld [tilespmem:$0x44A]  }
0x1a9: {  	v34 =	vld [tilespmem:$0x449];
	vm4 =	veq.s32 v6, v7;
	vm5 =	veq.s32 v6, v30  }
0x1aa: {  	v37 =	vld [tilespmem:$0x448];
	vm6 =	veq.s32 v6, v9;
	v35 =	vsel vm4, $0x1, v2;
	v36 =	vsel vm5, $0x1, v2  }
0x1ab: {  	v39 =	vld [tilespmem:$0x447];
	vm7 =	veq.s32 v6, v31;
	v38 =	vsel vm6, $0x1, v2;
	v8 =	vadd.s32 v35, v36  }
0x1ac: {  	v41 =	vld [tilespmem:$0x446];
	vm8 =	veq.s32 v6, v32;
	v40 =	vsel vm7, $0x1, v2;
	v8 =	vadd.s32 v38, v8  }
0x1ad: {  	v43 =	vld [tilespmem:$0x445];
	vm9 =	veq.s32 v6, v33;
	v42 =	vsel vm8, $0x1, v2;
	v8 =	vadd.s32 v40, v8  }
0x1ae: {  	v45 =	vld [tilespmem:$0x444];
	vm10 =	veq.s32 v6, v34;
	v44 =	vsel vm9, $0x1, v2;
	v8 =	vadd.s32 v42, v8  }
0x1af: {  	v47 =	vld [tilespmem:$0x443];
	vm11 =	veq.s32 v6, v37;
	v46 =	vsel vm10, $0x1, v2;
	v8 =	vadd.s32 v44, v8  }
0x1b0: {  	v49 =	vld [tilespmem:$0x442];
	vm12 =	veq.s32 v6, v39;
	v48 =	vsel vm11, $0x1, v2;
	v8 =	vadd.s32 v46, v8  }
0x1b1: {  	v51 =	vld [tilespmem:$0x441];
	vm13 =	veq.s32 v6, v41;
	v50 =	vsel vm12, $0x1, v2;
	v8 =	vadd.s32 v48, v8  }
0x1b2: {  	v53 =	vld [tilespmem:$0x440];
	vm14 =	veq.s32 v6, v43;
	v52 =	vsel vm13, $0x1, v2;
	v8 =	vadd.s32 v50, v8  }
0x1b3: {  	v55 =	vld [tilespmem:$0x43F];
	vm15 =	veq.s32 v6, v45;
	v54 =	vsel vm14, $0x1, v2;
	v8 =	vadd.s32 v52, v8  }
0x1b4: {  	v57 =	vld [tilespmem:$0x43E];
	v56 =	vsel vm15, $0x1, v2;
	vm4 =	veq.s32 v6, v47;
	v8 =	vadd.s32 v54, v8  }
0x1b5: {  	v59 =	vld [tilespmem:$0x43D];
	vm5 =	veq.s32 v6, v49;
	v58 =	vsel vm4, $0x1, v2;
	v8 =	vadd.s32 v56, v8  }
0x1b6: {  	v61 =	vld [tilespmem:$0x43C];
	vm6 =	veq.s32 v6, v51;
	v60 =	vsel vm5, $0x1, v2;
	v8 =	vadd.s32 v58, v8  }
0x1b7: {  	v63 =	vld [tilespmem:$0x43B];
	vm7 =	veq.s32 v6, v53;
	v62 =	vsel vm6, $0x1, v2;
	v8 =	vadd.s32 v60, v8  }
0x1b8: {  	v17 =	vld [tilespmem:$0x43A];
	vm8 =	veq.s32 v6, v55;
	v16 =	vsel vm7, $0x1, v2;
	v8 =	vadd.s32 v62, v8  }
0x1b9: {  	v19 =	vld [tilespmem:$0x439];
	vm9 =	veq.s32 v6, v57;
	v18 =	vsel vm8, $0x1, v2;
	v8 =	vadd.s32 v16, v8  }
0x1ba: {  	v21 =	vld [tilespmem:$0x438];
	vm10 =	veq.s32 v6, v59;
	v20 =	vsel vm9, $0x1, v2;
	v8 =	vadd.s32 v18, v8  }
0x1bb: {  	v23 =	vld [tilespmem:$0x437];
	vm11 =	veq.s32 v6, v61;
	v22 =	vsel vm10, $0x1, v2;
	v8 =	vadd.s32 v20, v8  }
0x1bc: {  	v25 =	vld [tilespmem:$0x436];
	vm12 =	veq.s32 v6, v63;
	v24 =	vsel vm11, $0x1, v2;
	v8 =	vadd.s32 v22, v8  }
0x1bd: {  	v27 =	vld [tilespmem:$0x435];
	vm13 =	veq.s32 v6, v17;
	v26 =	vsel vm12, $0x1, v2;
	v8 =	vadd.s32 v24, v8  }
0x1be: {  	v29 =	vld [tilespmem:$0x434];
	vm14 =	veq.s32 v6, v19;
	v28 =	vsel vm13, $0x1, v2;
	v8 =	vadd.s32 v26, v8  }
0x1bf: {  	v31 =	vld [tilespmem:$0x433];
	vm15 =	veq.s32 v6, v21;
	v30 =	vsel vm14, $0x1, v2;
	v8 =	vadd.s32 v28, v8  }
0x1c0: {  	v33 =	vld [tilespmem:$0x432];
	v32 =	vsel vm15, $0x1, v2;
	vm4 =	veq.s32 v6, v23;
	v8 =	vadd.s32 v30, v8  }
0x1c1: {  	vm5 =	veq.s32 v6, v25;
	v35 =	vld [tilespmem:$0x431];
	v34 =	vsel vm4, $0x1, v2;
	v8 =	vadd.s32 v32, v8  }
0x1c2: {  	vm6 =	veq.s32 v6, v27;
	v36 =	vsel vm5, $0x1, v2;
	v8 =	vadd.s32 v34, v8  }
0x1c3: {  	vm7 =	veq.s32 v6, v29;
	v37 =	vsel vm6, $0x1, v2;
	v7 =	vadd.s32 v36, v8  }
0x1c4: {  	v38 =	vsel vm7, $0x1, v2;
	vm8 =	veq.s32 v6, v31;
	v7 =	vadd.s32 v37, v7  }
0x1c5: {  	vm9 =	veq.s32 v6, v33;
	v39 =	vsel vm8, $0x1, v2;
	v7 =	vadd.s32 v38, v7  }
0x1c6: {  	v40 =	vsel vm9, $0x1, v2;
	vm10 =	veq.s32 v6, v35;
	v7 =	vadd.s32 v39, v7  }
0x1c7: {  	v41 =	vsel vm10, $0x1, v2;
	v7 =	vadd.s32 v40, v7  }
0x1c8: {  	v7 =	vadd.s32 v41, v7  }
0x1c9: {  	vm11 =	veq.s32 v7, $0x0  }
0x1ca: {  	vm12 =	veq.s32 v7, $0x1;
	v42 =	vnsel vm11, $0x2718, v6  }
0x1cb: {  	v6 =	vnsel vm12, $0x2718, v6;
	[tilespmem:s2+$0x210] =	vst v42  }
0x1cc: {  	[tilespmem:s2+$0x310] =	vst v6  }
0x1cd: {  	v6 =	vld [tilespmem:$0x45F]  }
0x1ce: {  	v43 =	vld [tilespmem:$0x45E]  }
0x1cf: {  	v8 =	vld [tilespmem:$0x45D]  }
0x1d0: {  	v44 =	vld [tilespmem:$0x45C]  }
0x1d1: {  	v45 =	vld [tilespmem:$0x45B]  }
0x1d2: {  	v46 =	vld [tilespmem:$0x45A]  }
0x1d3: {  	v47 =	vld [tilespmem:$0x459];
	vm13 =	veq.s32 v5, v6;
	vm14 =	veq.s32 v5, v43  }
0x1d4: {  	v50 =	vld [tilespmem:$0x458];
	vm15 =	veq.s32 v5, v8;
	v48 =	vsel vm13, $0x1, v2;
	v49 =	vsel vm14, $0x1, v2  }
0x1d5: {  	v52 =	vld [tilespmem:$0x457];
	vm4 =	veq.s32 v5, v44;
	v51 =	vsel vm15, $0x1, v2;
	v7 =	vadd.s32 v48, v49  }
0x1d6: {  	v54 =	vld [tilespmem:$0x456];
	vm5 =	veq.s32 v5, v45;
	v53 =	vsel vm4, $0x1, v2;
	v7 =	vadd.s32 v51, v7  }
0x1d7: {  	v56 =	vld [tilespmem:$0x455];
	vm6 =	veq.s32 v5, v46;
	v55 =	vsel vm5, $0x1, v2;
	v7 =	vadd.s32 v53, v7  }
0x1d8: {  	v58 =	vld [tilespmem:$0x454];
	vm7 =	veq.s32 v5, v47;
	v57 =	vsel vm6, $0x1, v2;
	v7 =	vadd.s32 v55, v7  }
0x1d9: {  	v60 =	vld [tilespmem:$0x453];
	vm8 =	veq.s32 v5, v50;
	v59 =	vsel vm7, $0x1, v2;
	v7 =	vadd.s32 v57, v7  }
0x1da: {  	v62 =	vld [tilespmem:$0x452];
	vm9 =	veq.s32 v5, v52;
	v61 =	vsel vm8, $0x1, v2;
	v7 =	vadd.s32 v59, v7  }
0x1db: {  	v16 =	vld [tilespmem:$0x451];
	vm10 =	veq.s32 v5, v54;
	v63 =	vsel vm9, $0x1, v2;
	v7 =	vadd.s32 v61, v7  }
0x1dc: {  	v18 =	vld [tilespmem:$0x450];
	vm11 =	veq.s32 v5, v56;
	v17 =	vsel vm10, $0x1, v2;
	v7 =	vadd.s32 v63, v7  }
0x1dd: {  	v20 =	vld [tilespmem:$0x44F];
	vm12 =	veq.s32 v5, v58;
	v19 =	vsel vm11, $0x1, v2;
	v7 =	vadd.s32 v17, v7  }
0x1de: {  	v22 =	vld [tilespmem:$0x44E];
	v21 =	vsel vm12, $0x1, v2;
	vm13 =	veq.s32 v5, v60;
	v7 =	vadd.s32 v19, v7  }
0x1df: {  	v24 =	vld [tilespmem:$0x44D];
	vm14 =	veq.s32 v5, v62;
	v23 =	vsel vm13, $0x1, v2;
	v7 =	vadd.s32 v21, v7  }
0x1e0: {  	v26 =	vld [tilespmem:$0x44C];
	vm15 =	veq.s32 v5, v16;
	v25 =	vsel vm14, $0x1, v2;
	v7 =	vadd.s32 v23, v7  }
0x1e1: {  	v28 =	vld [tilespmem:$0x44B];
	vm4 =	veq.s32 v5, v18;
	v27 =	vsel vm15, $0x1, v2;
	v7 =	vadd.s32 v25, v7  }
0x1e2: {  	v30 =	vld [tilespmem:$0x44A];
	vm5 =	veq.s32 v5, v20;
	v29 =	vsel vm4, $0x1, v2;
	v7 =	vadd.s32 v27, v7  }
0x1e3: {  	v32 =	vld [tilespmem:$0x449];
	vm6 =	veq.s32 v5, v22;
	v31 =	vsel vm5, $0x1, v2;
	v7 =	vadd.s32 v29, v7  }
0x1e4: {  	v34 =	vld [tilespmem:$0x448];
	vm7 =	veq.s32 v5, v24;
	v33 =	vsel vm6, $0x1, v2;
	v7 =	vadd.s32 v31, v7  }
0x1e5: {  	v36 =	vld [tilespmem:$0x447];
	vm8 =	veq.s32 v5, v26;
	v35 =	vsel vm7, $0x1, v2;
	v7 =	vadd.s32 v33, v7  }
0x1e6: {  	v38 =	vld [tilespmem:$0x446];
	vm9 =	veq.s32 v5, v28;
	v37 =	vsel vm8, $0x1, v2;
	v7 =	vadd.s32 v35, v7  }
0x1e7: {  	v40 =	vld [tilespmem:$0x445];
	vm10 =	veq.s32 v5, v30;
	v39 =	vsel vm9, $0x1, v2;
	v7 =	vadd.s32 v37, v7  }
0x1e8: {  	v42 =	vld [tilespmem:$0x444];
	vm11 =	veq.s32 v5, v32;
	v41 =	vsel vm10, $0x1, v2;
	v7 =	vadd.s32 v39, v7  }
0x1e9: {  	v44 =	vld [tilespmem:$0x443];
	vm12 =	veq.s32 v5, v34;
	v43 =	vsel vm11, $0x1, v2;
	v7 =	vadd.s32 v41, v7  }
0x1ea: {  	v46 =	vld [tilespmem:$0x442];
	v45 =	vsel vm12, $0x1, v2;
	vm13 =	veq.s32 v5, v36;
	v7 =	vadd.s32 v43, v7  }
0x1eb: {  	vm14 =	veq.s32 v5, v38;
	v48 =	vld [tilespmem:$0x441];
	v47 =	vsel vm13, $0x1, v2;
	v7 =	vadd.s32 v45, v7  }
0x1ec: {  	v50 =	vld [tilespmem:$0x440];
	vm15 =	veq.s32 v5, v40;
	v49 =	vsel vm14, $0x1, v2;
	v7 =	vadd.s32 v47, v7  }
0x1ed: {  	v52 =	vld [tilespmem:$0x43F];
	vm4 =	veq.s32 v5, v42;
	v51 =	vsel vm15, $0x1, v2;
	v7 =	vadd.s32 v49, v7  }
0x1ee: {  	v54 =	vld [tilespmem:$0x43E];
	v53 =	vsel vm4, $0x1, v2;
	vm5 =	veq.s32 v5, v44;
	v7 =	vadd.s32 v51, v7  }
0x1ef: {  	v56 =	vld [tilespmem:$0x43D];
	vm6 =	veq.s32 v5, v46;
	v55 =	vsel vm5, $0x1, v2;
	v7 =	vadd.s32 v53, v7  }
0x1f0: {  	v58 =	vld [tilespmem:$0x43C];
	v57 =	vsel vm6, $0x1, v2;
	vm7 =	veq.s32 v5, v48;
	v7 =	vadd.s32 v55, v7  }
0x1f1: {  	v60 =	vld [tilespmem:$0x43B];
	vm8 =	veq.s32 v5, v50;
	v59 =	vsel vm7, $0x1, v2;
	v7 =	vadd.s32 v57, v7  }
0x1f2: {  	v62 =	vld [tilespmem:$0x43A];
	vm9 =	veq.s32 v5, v52;
	v61 =	vsel vm8, $0x1, v2;
	v7 =	vadd.s32 v59, v7  }
0x1f3: {  	v16 =	vld [tilespmem:$0x439];
	vm10 =	veq.s32 v5, v54;
	v63 =	vsel vm9, $0x1, v2;
	v7 =	vadd.s32 v61, v7  }
0x1f4: {  	v18 =	vld [tilespmem:$0x438];
	vm11 =	veq.s32 v5, v56;
	v17 =	vsel vm10, $0x1, v2;
	v7 =	vadd.s32 v63, v7  }
0x1f5: {  	v20 =	vld [tilespmem:$0x437];
	vm12 =	veq.s32 v5, v58;
	v19 =	vsel vm11, $0x1, v2;
	v7 =	vadd.s32 v17, v7  }
0x1f6: {  	v22 =	vld [tilespmem:$0x436];
	vm13 =	veq.s32 v5, v60;
	v21 =	vsel vm12, $0x1, v2;
	v7 =	vadd.s32 v19, v7  }
0x1f7: {  	v24 =	vld [tilespmem:$0x435];
	vm14 =	veq.s32 v5, v62;
	v23 =	vsel vm13, $0x1, v2;
	v7 =	vadd.s32 v21, v7  }
0x1f8: {  	v26 =	vld [tilespmem:$0x434];
	vm15 =	veq.s32 v5, v16;
	v25 =	vsel vm14, $0x1, v2;
	v7 =	vadd.s32 v23, v7  }
0x1f9: {  	v28 =	vld [tilespmem:$0x433];
	vm4 =	veq.s32 v5, v18;
	v27 =	vsel vm15, $0x1, v2;
	v7 =	vadd.s32 v25, v7  }
0x1fa: {  	v30 =	vld [tilespmem:$0x432];
	vm5 =	veq.s32 v5, v20;
	v29 =	vsel vm4, $0x1, v2;
	v7 =	vadd.s32 v27, v7  }
0x1fb: {  	v32 =	vld [tilespmem:$0x431];
	vm6 =	veq.s32 v5, v22;
	v31 =	vsel vm5, $0x1, v2;
	v7 =	vadd.s32 v29, v7  }
0x1fc: {  	vm7 =	veq.s32 v5, v24;
	v33 =	vsel vm6, $0x1, v2;
	v7 =	vadd.s32 v31, v7  }
0x1fd: {  	vm8 =	veq.s32 v5, v26;
	v34 =	vsel vm7, $0x1, v2;
	v7 =	vadd.s32 v33, v7  }
0x1fe: {  	vm9 =	veq.s32 v5, v28;
	v35 =	vsel vm8, $0x1, v2;
	v7 =	vadd.s32 v34, v7  }
0x1ff: {  	v36 =	vsel vm9, $0x1, v2;
	vm10 =	veq.s32 v5, v30;
	v7 =	vadd.s32 v35, v7  }
0x200: {  	vm11 =	veq.s32 v5, v32;
	v37 =	vsel vm10, $0x1, v2;
	v7 =	vadd.s32 v36, v7  }
0x201: {  	v39 =	vsel vm11, $0x1, v2;
	v38 =	vadd.s32 v37, v7  }
0x202: {  	v6 =	vadd.s32 v39, v38  }
0x203: {  	vm12 =	veq.s32 v6, $0x0  }
0x204: {  	vm13 =	veq.s32 v6, $0x1;
	v40 =	vnsel vm12, $0x2718, v5  }
0x205: {  	v5 =	vnsel vm13, $0x2718, v5;
	[tilespmem:s2+$0x220] =	vst v40  }
0x206: {  	[tilespmem:s2+$0x320] =	vst v5  }
0x207: {  	v5 =	vld [tilespmem:$0x46F]  }
0x208: {  	v41 =	vld [tilespmem:$0x46E]  }
0x209: {  	v7 =	vld [tilespmem:$0x46D]  }
0x20a: {  	v42 =	vld [tilespmem:$0x46C]  }
0x20b: {  	v43 =	vld [tilespmem:$0x46B]  }
0x20c: {  	v44 =	vld [tilespmem:$0x46A]  }
0x20d: {  	v45 =	vld [tilespmem:$0x469];
	vm14 =	veq.s32 v4, v5;
	vm15 =	veq.s32 v4, v41  }
0x20e: {  	v48 =	vld [tilespmem:$0x468];
	vm4 =	veq.s32 v4, v7;
	v46 =	vsel vm14, $0x1, v2;
	v47 =	vsel vm15, $0x1, v2  }
0x20f: {  	v50 =	vld [tilespmem:$0x467];
	vm5 =	veq.s32 v4, v42;
	v49 =	vsel vm4, $0x1, v2;
	v6 =	vadd.s32 v46, v47  }
0x210: {  	v52 =	vld [tilespmem:$0x466];
	vm6 =	veq.s32 v4, v43;
	v51 =	vsel vm5, $0x1, v2;
	v6 =	vadd.s32 v49, v6  }
0x211: {  	v54 =	vld [tilespmem:$0x465];
	vm7 =	veq.s32 v4, v44;
	v53 =	vsel vm6, $0x1, v2;
	v6 =	vadd.s32 v51, v6  }
0x212: {  	v56 =	vld [tilespmem:$0x464];
	vm8 =	veq.s32 v4, v45;
	v55 =	vsel vm7, $0x1, v2;
	v6 =	vadd.s32 v53, v6  }
0x213: {  	v58 =	vld [tilespmem:$0x463];
	vm9 =	veq.s32 v4, v48;
	v57 =	vsel vm8, $0x1, v2;
	v6 =	vadd.s32 v55, v6  }
0x214: {  	v60 =	vld [tilespmem:$0x462];
	vm10 =	veq.s32 v4, v50;
	v59 =	vsel vm9, $0x1, v2;
	v6 =	vadd.s32 v57, v6  }
0x215: {  	v62 =	vld [tilespmem:$0x461];
	vm11 =	veq.s32 v4, v52;
	v61 =	vsel vm10, $0x1, v2;
	v6 =	vadd.s32 v59, v6  }
0x216: {  	v12 =	vld [tilespmem:$0x460];
	vm12 =	veq.s32 v4, v54;
	v63 =	vsel vm11, $0x1, v2;
	v6 =	vadd.s32 v61, v6  }
0x217: {  	v14 =	vld [tilespmem:$0x45F];
	vm13 =	veq.s32 v4, v56;
	v13 =	vsel vm12, $0x1, v2;
	v6 =	vadd.s32 v63, v6  }
0x218: {  	v16 =	vld [tilespmem:$0x45E];
	v15 =	vsel vm13, $0x1, v2;
	vm14 =	veq.s32 v4, v58;
	v6 =	vadd.s32 v13, v6  }
0x219: {  	v18 =	vld [tilespmem:$0x45D];
	vm15 =	veq.s32 v4, v60;
	v17 =	vsel vm14, $0x1, v2;
	v6 =	vadd.s32 v15, v6  }
0x21a: {  	v20 =	vld [tilespmem:$0x45C];
	vm4 =	veq.s32 v4, v62;
	v19 =	vsel vm15, $0x1, v2;
	v6 =	vadd.s32 v17, v6  }
0x21b: {  	v22 =	vld [tilespmem:$0x45B];
	vm5 =	veq.s32 v4, v12;
	v21 =	vsel vm4, $0x1, v2;
	v6 =	vadd.s32 v19, v6  }
0x21c: {  	v24 =	vld [tilespmem:$0x45A];
	vm6 =	veq.s32 v4, v14;
	v23 =	vsel vm5, $0x1, v2;
	v6 =	vadd.s32 v21, v6  }
0x21d: {  	v26 =	vld [tilespmem:$0x459];
	vm7 =	veq.s32 v4, v16;
	v25 =	vsel vm6, $0x1, v2;
	v6 =	vadd.s32 v23, v6  }
0x21e: {  	v28 =	vld [tilespmem:$0x458];
	vm8 =	veq.s32 v4, v18;
	v27 =	vsel vm7, $0x1, v2;
	v6 =	vadd.s32 v25, v6  }
0x21f: {  	v30 =	vld [tilespmem:$0x457];
	vm9 =	veq.s32 v4, v20;
	v29 =	vsel vm8, $0x1, v2;
	v6 =	vadd.s32 v27, v6  }
0x220: {  	v32 =	vld [tilespmem:$0x456];
	vm10 =	veq.s32 v4, v22;
	v31 =	vsel vm9, $0x1, v2;
	v6 =	vadd.s32 v29, v6  }
0x221: {  	v34 =	vld [tilespmem:$0x455];
	vm11 =	veq.s32 v4, v24;
	v33 =	vsel vm10, $0x1, v2;
	v6 =	vadd.s32 v31, v6  }
0x222: {  	v36 =	vld [tilespmem:$0x454];
	vm12 =	veq.s32 v4, v26;
	v35 =	vsel vm11, $0x1, v2;
	v6 =	vadd.s32 v33, v6  }
0x223: {  	v38 =	vld [tilespmem:$0x453];
	vm13 =	veq.s32 v4, v28;
	v37 =	vsel vm12, $0x1, v2;
	v6 =	vadd.s32 v35, v6  }
0x224: {  	v40 =	vld [tilespmem:$0x452];
	v39 =	vsel vm13, $0x1, v2;
	vm14 =	veq.s32 v4, v30;
	v6 =	vadd.s32 v37, v6  }
0x225: {  	v42 =	vld [tilespmem:$0x451];
	vm15 =	veq.s32 v4, v32;
	v41 =	vsel vm14, $0x1, v2;
	v6 =	vadd.s32 v39, v6  }
0x226: {  	v44 =	vld [tilespmem:$0x450];
	vm4 =	veq.s32 v4, v34;
	v43 =	vsel vm15, $0x1, v2;
	v6 =	vadd.s32 v41, v6  }
0x227: {  	vm5 =	veq.s32 v4, v36;
	v46 =	vld [tilespmem:$0x44F];
	v45 =	vsel vm4, $0x1, v2;
	v6 =	vadd.s32 v43, v6  }
0x228: {  	v48 =	vld [tilespmem:$0x44E];
	vm6 =	veq.s32 v4, v38;
	v47 =	vsel vm5, $0x1, v2;
	v6 =	vadd.s32 v45, v6  }
0x229: {  	v50 =	vld [tilespmem:$0x44D];
	vm7 =	veq.s32 v4, v40;
	v49 =	vsel vm6, $0x1, v2;
	v6 =	vadd.s32 v47, v6  }
0x22a: {  	v52 =	vld [tilespmem:$0x44C];
	v51 =	vsel vm7, $0x1, v2;
	vm8 =	veq.s32 v4, v42;
	v6 =	vadd.s32 v49, v6  }
0x22b: {  	v54 =	vld [tilespmem:$0x44B];
	vm9 =	veq.s32 v4, v44;
	v53 =	vsel vm8, $0x1, v2;
	v6 =	vadd.s32 v51, v6  }
0x22c: {  	v56 =	vld [tilespmem:$0x44A];
	v55 =	vsel vm9, $0x1, v2;
	vm10 =	veq.s32 v4, v46;
	v6 =	vadd.s32 v53, v6  }
0x22d: {  	v58 =	vld [tilespmem:$0x449];
	vm11 =	veq.s32 v4, v48;
	v57 =	vsel vm10, $0x1, v2;
	v6 =	vadd.s32 v55, v6  }
0x22e: {  	v60 =	vld [tilespmem:$0x448];
	vm12 =	veq.s32 v4, v50;
	v59 =	vsel vm11, $0x1, v2;
	v6 =	vadd.s32 v57, v6  }
0x22f: {  	v62 =	vld [tilespmem:$0x447];
	vm13 =	veq.s32 v4, v52;
	v61 =	vsel vm12, $0x1, v2;
	v6 =	vadd.s32 v59, v6  }
0x230: {  	v12 =	vld [tilespmem:$0x446];
	vm14 =	veq.s32 v4, v54;
	v63 =	vsel vm13, $0x1, v2;
	v6 =	vadd.s32 v61, v6  }
0x231: {  	v14 =	vld [tilespmem:$0x445];
	vm15 =	veq.s32 v4, v56;
	v13 =	vsel vm14, $0x1, v2;
	v6 =	vadd.s32 v63, v6  }
0x232: {  	v16 =	vld [tilespmem:$0x444];
	vm4 =	veq.s32 v4, v58;
	v15 =	vsel vm15, $0x1, v2;
	v6 =	vadd.s32 v13, v6  }
0x233: {  	v18 =	vld [tilespmem:$0x443];
	vm5 =	veq.s32 v4, v60;
	v17 =	vsel vm4, $0x1, v2;
	v6 =	vadd.s32 v15, v6  }
0x234: {  	v20 =	vld [tilespmem:$0x442];
	vm6 =	veq.s32 v4, v62;
	v19 =	vsel vm5, $0x1, v2;
	v6 =	vadd.s32 v17, v6  }
0x235: {  	v22 =	vld [tilespmem:$0x441];
	vm7 =	veq.s32 v4, v12;
	v21 =	vsel vm6, $0x1, v2;
	v6 =	vadd.s32 v19, v6  }
0x236: {  	v24 =	vld [tilespmem:$0x440];
	vm8 =	veq.s32 v4, v14;
	v23 =	vsel vm7, $0x1, v2;
	v6 =	vadd.s32 v21, v6  }
0x237: {  	v26 =	vld [tilespmem:$0x43F];
	vm9 =	veq.s32 v4, v16;
	v25 =	vsel vm8, $0x1, v2;
	v6 =	vadd.s32 v23, v6  }
0x238: {  	v28 =	vld [tilespmem:$0x43E];
	vm10 =	veq.s32 v4, v18;
	v27 =	vsel vm9, $0x1, v2;
	v6 =	vadd.s32 v25, v6  }
0x239: {  	v30 =	vld [tilespmem:$0x43D];
	vm11 =	veq.s32 v4, v20;
	v29 =	vsel vm10, $0x1, v2;
	v6 =	vadd.s32 v27, v6  }
0x23a: {  	v32 =	vld [tilespmem:$0x43C];
	vm12 =	veq.s32 v4, v22;
	v31 =	vsel vm11, $0x1, v2;
	v6 =	vadd.s32 v29, v6  }
0x23b: {  	v34 =	vld [tilespmem:$0x43B];
	vm13 =	veq.s32 v4, v24;
	v33 =	vsel vm12, $0x1, v2;
	v6 =	vadd.s32 v31, v6  }
0x23c: {  	v36 =	vld [tilespmem:$0x43A];
	vm14 =	veq.s32 v4, v26;
	v35 =	vsel vm13, $0x1, v2;
	v6 =	vadd.s32 v33, v6  }
0x23d: {  	v38 =	vld [tilespmem:$0x439];
	vm15 =	veq.s32 v4, v28;
	v37 =	vsel vm14, $0x1, v2;
	v6 =	vadd.s32 v35, v6  }
0x23e: {  	v40 =	vld [tilespmem:$0x438];
	vm4 =	veq.s32 v4, v30;
	v39 =	vsel vm15, $0x1, v2;
	v6 =	vadd.s32 v37, v6  }
0x23f: {  	v42 =	vld [tilespmem:$0x437];
	vm5 =	veq.s32 v4, v32;
	v41 =	vsel vm4, $0x1, v2;
	v6 =	vadd.s32 v39, v6  }
0x240: {  	v44 =	vld [tilespmem:$0x436];
	vm6 =	veq.s32 v4, v34;
	v43 =	vsel vm5, $0x1, v2;
	v6 =	vadd.s32 v41, v6  }
0x241: {  	v46 =	vld [tilespmem:$0x435];
	vm7 =	veq.s32 v4, v36;
	v45 =	vsel vm6, $0x1, v2;
	v6 =	vadd.s32 v43, v6  }
0x242: {  	v48 =	vld [tilespmem:$0x434];
	vm8 =	veq.s32 v4, v38;
	v47 =	vsel vm7, $0x1, v2;
	v6 =	vadd.s32 v45, v6  }
0x243: {  	v50 =	vld [tilespmem:$0x433];
	vm9 =	veq.s32 v4, v40;
	v49 =	vsel vm8, $0x1, v2;
	v6 =	vadd.s32 v47, v6  }
0x244: {  	v52 =	vld [tilespmem:$0x432];
	vm10 =	veq.s32 v4, v42;
	v51 =	vsel vm9, $0x1, v2;
	v6 =	vadd.s32 v49, v6  }
0x245: {  	v54 =	vld [tilespmem:$0x431];
	vm11 =	veq.s32 v4, v44;
	v53 =	vsel vm10, $0x1, v2;
	v6 =	vadd.s32 v51, v6  }
0x246: {  	vm12 =	veq.s32 v4, v46;
	v55 =	vsel vm11, $0x1, v2;
	v6 =	vadd.s32 v53, v6  }
0x247: {  	v56 =	vsel vm12, $0x1, v2;
	vm13 =	veq.s32 v4, v48;
	v6 =	vadd.s32 v55, v6  }
0x248: {  	vm14 =	veq.s32 v4, v50;
	v57 =	vsel vm13, $0x1, v2;
	v6 =	vadd.s32 v56, v6  }
0x249: {  	v58 =	vsel vm14, $0x1, v2;
	vm15 =	veq.s32 v4, v52;
	v6 =	vadd.s32 v57, v6  }
0x24a: {  	v60 =	vsel vm15, $0x1, v2;
	vm4 =	veq.s32 v4, v54;
	v59 =	vadd.s32 v58, v6  }
0x24b: {  	v61 =	vsel vm4, $0x1, v2;
	v5 =	vadd.s32 v60, v59  }
0x24c: {  	v5 =	vadd.s32 v61, v5  }
0x24d: {  	vm5 =	veq.s32 v5, $0x0  }
0x24e: {  	vm6 =	veq.s32 v5, $0x1;
	v62 =	vnsel vm5, $0x2718, v4  }
0x24f: {  	v4 =	vnsel vm6, $0x2718, v4;
	[tilespmem:s2+$0x230] =	vst v62  }
0x250: {  	[tilespmem:s2+$0x330] =	vst v4  }
0x251: {  	v4 =	vld [tilespmem:$0x47F]  }
0x252: {  	v63 =	vld [tilespmem:$0x47E]  }
0x253: {  	v6 =	vld [tilespmem:$0x47D]  }
0x254: {  	v12 =	vld [tilespmem:$0x47C]  }
0x255: {  	v13 =	vld [tilespmem:$0x47B]  }
0x256: {  	v14 =	vld [tilespmem:$0x47A]  }
0x257: {  	v15 =	vld [tilespmem:$0x479];
	vm7 =	veq.s32 v3, v4;
	vm8 =	veq.s32 v3, v63  }
0x258: {  	v18 =	vld [tilespmem:$0x478];
	vm9 =	veq.s32 v3, v6;
	v16 =	vsel vm7, $0x1, v2;
	v17 =	vsel vm8, $0x1, v2  }
0x259: {  	v20 =	vld [tilespmem:$0x477];
	vm10 =	veq.s32 v3, v12;
	v19 =	vsel vm9, $0x1, v2;
	v5 =	vadd.s32 v16, v17  }
0x25a: {  	v22 =	vld [tilespmem:$0x476];
	vm11 =	veq.s32 v3, v13;
	v21 =	vsel vm10, $0x1, v2;
	v5 =	vadd.s32 v19, v5  }
0x25b: {  	v24 =	vld [tilespmem:$0x475];
	vm12 =	veq.s32 v3, v14;
	v23 =	vsel vm11, $0x1, v2;
	v5 =	vadd.s32 v21, v5  }
0x25c: {  	v26 =	vld [tilespmem:$0x474];
	vm13 =	veq.s32 v3, v15;
	v25 =	vsel vm12, $0x1, v2;
	v5 =	vadd.s32 v23, v5  }
0x25d: {  	v28 =	vld [tilespmem:$0x473];
	vm14 =	veq.s32 v3, v18;
	v27 =	vsel vm13, $0x1, v2;
	v5 =	vadd.s32 v25, v5  }
0x25e: {  	v30 =	vld [tilespmem:$0x472];
	vm15 =	veq.s32 v3, v20;
	v29 =	vsel vm14, $0x1, v2;
	v5 =	vadd.s32 v27, v5  }
0x25f: {  	v32 =	vld [tilespmem:$0x471];
	vm4 =	veq.s32 v3, v22;
	v31 =	vsel vm15, $0x1, v2;
	v5 =	vadd.s32 v29, v5  }
0x260: {  	v34 =	vld [tilespmem:$0x470];
	vm5 =	veq.s32 v3, v24;
	v33 =	vsel vm4, $0x1, v2;
	v5 =	vadd.s32 v31, v5  }
0x261: {  	v36 =	vld [tilespmem:$0x46F];
	vm6 =	veq.s32 v3, v26;
	v35 =	vsel vm5, $0x1, v2;
	v5 =	vadd.s32 v33, v5  }
0x262: {  	v38 =	vld [tilespmem:$0x46E];
	v37 =	vsel vm6, $0x1, v2;
	vm7 =	veq.s32 v3, v28;
	v5 =	vadd.s32 v35, v5  }
0x263: {  	v40 =	vld [tilespmem:$0x46D];
	vm8 =	veq.s32 v3, v30;
	v39 =	vsel vm7, $0x1, v2;
	v5 =	vadd.s32 v37, v5  }
0x264: {  	v42 =	vld [tilespmem:$0x46C];
	vm9 =	veq.s32 v3, v32;
	v41 =	vsel vm8, $0x1, v2;
	v5 =	vadd.s32 v39, v5  }
0x265: {  	v44 =	vld [tilespmem:$0x46B];
	vm10 =	veq.s32 v3, v34;
	v43 =	vsel vm9, $0x1, v2;
	v5 =	vadd.s32 v41, v5  }
0x266: {  	v46 =	vld [tilespmem:$0x46A];
	vm11 =	veq.s32 v3, v36;
	v45 =	vsel vm10, $0x1, v2;
	v5 =	vadd.s32 v43, v5  }
0x267: {  	v48 =	vld [tilespmem:$0x469];
	vm12 =	veq.s32 v3, v38;
	v47 =	vsel vm11, $0x1, v2;
	v5 =	vadd.s32 v45, v5  }
0x268: {  	v50 =	vld [tilespmem:$0x468];
	vm13 =	veq.s32 v3, v40;
	v49 =	vsel vm12, $0x1, v2;
	v5 =	vadd.s32 v47, v5  }
0x269: {  	v52 =	vld [tilespmem:$0x467];
	vm14 =	veq.s32 v3, v42;
	v51 =	vsel vm13, $0x1, v2;
	v5 =	vadd.s32 v49, v5  }
0x26a: {  	v54 =	vld [tilespmem:$0x466];
	vm15 =	veq.s32 v3, v44;
	v53 =	vsel vm14, $0x1, v2;
	v5 =	vadd.s32 v51, v5  }
0x26b: {  	v56 =	vld [tilespmem:$0x465];
	vm4 =	veq.s32 v3, v46;
	v55 =	vsel vm15, $0x1, v2;
	v5 =	vadd.s32 v53, v5  }
0x26c: {  	v58 =	vld [tilespmem:$0x464];
	vm5 =	veq.s32 v3, v48;
	v57 =	vsel vm4, $0x1, v2;
	v5 =	vadd.s32 v55, v5  }
0x26d: {  	v60 =	vld [tilespmem:$0x463];
	vm6 =	veq.s32 v3, v50;
	v59 =	vsel vm5, $0x1, v2;
	v5 =	vadd.s32 v57, v5  }
0x26e: {  	v62 =	vld [tilespmem:$0x462];
	v61 =	vsel vm6, $0x1, v2;
	vm7 =	veq.s32 v3, v52;
	v5 =	vadd.s32 v59, v5  }
0x26f: {  	v12 =	vld [tilespmem:$0x461];
	vm8 =	veq.s32 v3, v54;
	v63 =	vsel vm7, $0x1, v2;
	v5 =	vadd.s32 v61, v5  }
0x270: {  	v14 =	vld [tilespmem:$0x460];
	vm9 =	veq.s32 v3, v56;
	v13 =	vsel vm8, $0x1, v2;
	v5 =	vadd.s32 v63, v5  }
0x271: {  	vm10 =	veq.s32 v3, v58;
	v16 =	vld [tilespmem:$0x45F];
	v15 =	vsel vm9, $0x1, v2;
	v5 =	vadd.s32 v13, v5  }
0x272: {  	v18 =	vld [tilespmem:$0x45E];
	vm11 =	veq.s32 v3, v60;
	v17 =	vsel vm10, $0x1, v2;
	v5 =	vadd.s32 v15, v5  }
0x273: {  	v20 =	vld [tilespmem:$0x45D];
	vm12 =	veq.s32 v3, v62;
	v19 =	vsel vm11, $0x1, v2;
	v5 =	vadd.s32 v17, v5  }
0x274: {  	v22 =	vld [tilespmem:$0x45C];
	v21 =	vsel vm12, $0x1, v2;
	vm13 =	veq.s32 v3, v12;
	v5 =	vadd.s32 v19, v5  }
0x275: {  	v24 =	vld [tilespmem:$0x45B];
	vm14 =	veq.s32 v3, v14;
	v23 =	vsel vm13, $0x1, v2;
	v5 =	vadd.s32 v21, v5  }
0x276: {  	v26 =	vld [tilespmem:$0x45A];
	v25 =	vsel vm14, $0x1, v2;
	vm15 =	veq.s32 v3, v16;
	v5 =	vadd.s32 v23, v5  }
0x277: {  	v28 =	vld [tilespmem:$0x459];
	vm4 =	veq.s32 v3, v18;
	v27 =	vsel vm15, $0x1, v2;
	v5 =	vadd.s32 v25, v5  }
0x278: {  	v30 =	vld [tilespmem:$0x458];
	vm5 =	veq.s32 v3, v20;
	v29 =	vsel vm4, $0x1, v2;
	v5 =	vadd.s32 v27, v5  }
0x279: {  	v32 =	vld [tilespmem:$0x457];
	vm6 =	veq.s32 v3, v22;
	v31 =	vsel vm5, $0x1, v2;
	v5 =	vadd.s32 v29, v5  }
0x27a: {  	v34 =	vld [tilespmem:$0x456];
	vm7 =	veq.s32 v3, v24;
	v33 =	vsel vm6, $0x1, v2;
	v5 =	vadd.s32 v31, v5  }
0x27b: {  	v36 =	vld [tilespmem:$0x455];
	vm8 =	veq.s32 v3, v26;
	v35 =	vsel vm7, $0x1, v2;
	v5 =	vadd.s32 v33, v5  }
0x27c: {  	v38 =	vld [tilespmem:$0x454];
	vm9 =	veq.s32 v3, v28;
	v37 =	vsel vm8, $0x1, v2;
	v5 =	vadd.s32 v35, v5  }
0x27d: {  	v40 =	vld [tilespmem:$0x453];
	vm10 =	veq.s32 v3, v30;
	v39 =	vsel vm9, $0x1, v2;
	v5 =	vadd.s32 v37, v5  }
0x27e: {  	v42 =	vld [tilespmem:$0x452];
	vm11 =	veq.s32 v3, v32;
	v41 =	vsel vm10, $0x1, v2;
	v5 =	vadd.s32 v39, v5  }
0x27f: {  	v44 =	vld [tilespmem:$0x451];
	vm12 =	veq.s32 v3, v34;
	v43 =	vsel vm11, $0x1, v2;
	v5 =	vadd.s32 v41, v5  }
0x280: {  	v46 =	vld [tilespmem:$0x450];
	vm13 =	veq.s32 v3, v36;
	v45 =	vsel vm12, $0x1, v2;
	v5 =	vadd.s32 v43, v5  }
0x281: {  	v48 =	vld [tilespmem:$0x44F];
	vm14 =	veq.s32 v3, v38;
	v47 =	vsel vm13, $0x1, v2;
	v5 =	vadd.s32 v45, v5  }
0x282: {  	v50 =	vld [tilespmem:$0x44E];
	vm15 =	veq.s32 v3, v40;
	v49 =	vsel vm14, $0x1, v2;
	v5 =	vadd.s32 v47, v5  }
0x283: {  	v52 =	vld [tilespmem:$0x44D];
	vm4 =	veq.s32 v3, v42;
	v51 =	vsel vm15, $0x1, v2;
	v5 =	vadd.s32 v49, v5  }
0x284: {  	v54 =	vld [tilespmem:$0x44C];
	vm5 =	veq.s32 v3, v44;
	v53 =	vsel vm4, $0x1, v2;
	v5 =	vadd.s32 v51, v5  }
0x285: {  	v56 =	vld [tilespmem:$0x44B];
	vm6 =	veq.s32 v3, v46;
	v55 =	vsel vm5, $0x1, v2;
	v5 =	vadd.s32 v53, v5  }
0x286: {  	v58 =	vld [tilespmem:$0x44A];
	vm7 =	veq.s32 v3, v48;
	v57 =	vsel vm6, $0x1, v2;
	v5 =	vadd.s32 v55, v5  }
0x287: {  	v60 =	vld [tilespmem:$0x449];
	vm8 =	veq.s32 v3, v50;
	v59 =	vsel vm7, $0x1, v2;
	v5 =	vadd.s32 v57, v5  }
0x288: {  	v62 =	vld [tilespmem:$0x448];
	vm9 =	veq.s32 v3, v52;
	v61 =	vsel vm8, $0x1, v2;
	v5 =	vadd.s32 v59, v5  }
0x289: {  	v12 =	vld [tilespmem:$0x447];
	vm10 =	veq.s32 v3, v54;
	v63 =	vsel vm9, $0x1, v2;
	v5 =	vadd.s32 v61, v5  }
0x28a: {  	v14 =	vld [tilespmem:$0x446];
	vm11 =	veq.s32 v3, v56;
	v13 =	vsel vm10, $0x1, v2;
	v5 =	vadd.s32 v63, v5  }
0x28b: {  	v16 =	vld [tilespmem:$0x445];
	vm12 =	veq.s32 v3, v58;
	v15 =	vsel vm11, $0x1, v2;
	v5 =	vadd.s32 v13, v5  }
0x28c: {  	v18 =	vld [tilespmem:$0x444];
	vm13 =	veq.s32 v3, v60;
	v17 =	vsel vm12, $0x1, v2;
	v5 =	vadd.s32 v15, v5  }
0x28d: {  	v20 =	vld [tilespmem:$0x443];
	vm14 =	veq.s32 v3, v62;
	v19 =	vsel vm13, $0x1, v2;
	v5 =	vadd.s32 v17, v5  }
0x28e: {  	v22 =	vld [tilespmem:$0x442];
	vm15 =	veq.s32 v3, v12;
	v21 =	vsel vm14, $0x1, v2;
	v5 =	vadd.s32 v19, v5  }
0x28f: {  	v24 =	vld [tilespmem:$0x441];
	vm4 =	veq.s32 v3, v14;
	v23 =	vsel vm15, $0x1, v2;
	v5 =	vadd.s32 v21, v5  }
0x290: {  	v26 =	vld [tilespmem:$0x440];
	vm5 =	veq.s32 v3, v16;
	v25 =	vsel vm4, $0x1, v2;
	v5 =	vadd.s32 v23, v5  }
0x291: {  	v28 =	vld [tilespmem:$0x43F];
	vm6 =	veq.s32 v3, v18;
	v27 =	vsel vm5, $0x1, v2;
	v5 =	vadd.s32 v25, v5  }
0x292: {  	v30 =	vld [tilespmem:$0x43E];
	vm7 =	veq.s32 v3, v20;
	v29 =	vsel vm6, $0x1, v2;
	v5 =	vadd.s32 v27, v5  }
0x293: {  	v32 =	vld [tilespmem:$0x43D];
	vm8 =	veq.s32 v3, v22;
	v31 =	vsel vm7, $0x1, v2;
	v5 =	vadd.s32 v29, v5  }
0x294: {  	v34 =	vld [tilespmem:$0x43C];
	vm9 =	veq.s32 v3, v24;
	v33 =	vsel vm8, $0x1, v2;
	v5 =	vadd.s32 v31, v5  }
0x295: {  	v36 =	vld [tilespmem:$0x43B];
	vm10 =	veq.s32 v3, v26;
	v35 =	vsel vm9, $0x1, v2;
	v5 =	vadd.s32 v33, v5  }
0x296: {  	v38 =	vld [tilespmem:$0x43A];
	vm11 =	veq.s32 v3, v28;
	v37 =	vsel vm10, $0x1, v2;
	v5 =	vadd.s32 v35, v5  }
0x297: {  	v40 =	vld [tilespmem:$0x439];
	vm12 =	veq.s32 v3, v30;
	v39 =	vsel vm11, $0x1, v2;
	v5 =	vadd.s32 v37, v5  }
0x298: {  	v42 =	vld [tilespmem:$0x438];
	vm13 =	veq.s32 v3, v32;
	v41 =	vsel vm12, $0x1, v2;
	v5 =	vadd.s32 v39, v5  }
0x299: {  	v44 =	vld [tilespmem:$0x437];
	vm14 =	veq.s32 v3, v34;
	v43 =	vsel vm13, $0x1, v2;
	v5 =	vadd.s32 v41, v5  }
0x29a: {  	v46 =	vld [tilespmem:$0x436];
	vm15 =	veq.s32 v3, v36;
	v45 =	vsel vm14, $0x1, v2;
	v5 =	vadd.s32 v43, v5  }
0x29b: {  	v48 =	vld [tilespmem:$0x435];
	vm4 =	veq.s32 v3, v38;
	v47 =	vsel vm15, $0x1, v2;
	v5 =	vadd.s32 v45, v5  }
0x29c: {  	v50 =	vld [tilespmem:$0x434];
	vm5 =	veq.s32 v3, v40;
	v49 =	vsel vm4, $0x1, v2;
	v5 =	vadd.s32 v47, v5  }
0x29d: {  	v52 =	vld [tilespmem:$0x433];
	vm6 =	veq.s32 v3, v42;
	v51 =	vsel vm5, $0x1, v2;
	v5 =	vadd.s32 v49, v5  }
0x29e: {  	v54 =	vld [tilespmem:$0x432];
	vm7 =	veq.s32 v3, v44;
	v53 =	vsel vm6, $0x1, v2;
	v5 =	vadd.s32 v51, v5  }
0x29f: {  	v56 =	vld [tilespmem:$0x431];
	vm8 =	veq.s32 v3, v46;
	v55 =	vsel vm7, $0x1, v2;
	v5 =	vadd.s32 v53, v5  }
0x2a0: {  	vm9 =	veq.s32 v3, v48;
	v57 =	vsel vm8, $0x1, v2;
	v5 =	vadd.s32 v55, v5  }
0x2a1: {  	v8 =	vsel vm9, $0x1, v2;
	vm10 =	veq.s32 v3, v50;
	v5 =	vadd.s32 v57, v5  }
0x2a2: {  	v58 =	vsel vm10, $0x1, v2;
	vm11 =	veq.s32 v3, v52;
	v5 =	vadd.s32 v8, v5  }
0x2a3: {  	v60 =	vsel vm11, $0x1, v2;
	vm12 =	veq.s32 v3, v54;
	v59 =	vadd.s32 v58, v5  }
0x2a4: {  	vm13 =	veq.s32 v3, v56;
	v61 =	vsel vm12, $0x1, v2;
	v4 =	vadd.s32 v60, v59  }
0x2a5: {  	v62 =	vsel vm13, $0x1, v2;
	v4 =	vadd.s32 v61, v4  }
0x2a6: {  	v4 =	vadd.s32 v62, v4  }
0x2a7: {  	vm14 =	veq.s32 v4, $0x0  }
0x2a8: {  	vm15 =	veq.s32 v4, $0x1;
	v63 =	vnsel vm14, $0x2718, v3  }
0x2a9: {  	v3 =	vnsel vm15, $0x2718, v3;
	[tilespmem:s2+$0x240] =	vst v63  }
0x2aa: {  	[tilespmem:s2+$0x340] =	vst v3  }
0x2ab: {  	s8 =	smul.u32 $0xA000, s8;
	_ =	swait.ge [sflag:s21], $0x2800  }
.Ltmp6:
0x2ac: {  	[sflag:s21] =	ssyncset.done $0x0;
	(pc) =	sbr.rel .LBB2_7-.Ltmp6, $4  }
0x2ad: {  	s8 =	sshrl.u32 s8, $0x2;
	[sflag:s21] =	ssyncadd.s32 $0xFFFFD800  }
0x2ae: {  	[spmem:s3] =	stream.indirect.scatter.add.f32 [tilespmem:s25], [sflag:$0x2], $0x80, s26, s19, $0xb8;
	[tilespmem:$0x1D500] =	vst v63  }
0x2af: {  	s8 =	sor.u32 $0x500, s8  }
0x2b0: {  	[tilespmem:s8], [sflag:$0x1] =	stream.indirect.gather [hbm4b:s1+s19], $0x80, s2, s19, $0xb8;
	[tilespmem:$0x1D500] =	vst v63  }
.LBB2_8:
.Ltmp7:
0x2b1: {  	[bflag:$0x0] =	sbarrier.arrive $0xFFFF;
	(pc) =	sbr.rel @!p0 .LBB2_9-.Ltmp7, $4  }
0x2b2: {  	[tilespmem:s13], [sflag:$0x3] =	stream.linear.gather [spmem:s12], $0x4000, $0x38;
	[tilespmem:$0x1D500] =	vst v63  }
0x2b3: {  	_ =	swait.ge [sflag:s15], $0x4000  }
0x2b4: {  	[sflag:s15] =	ssyncset.done $0x0  }
0x2b5: {  	[sflag:s15] =	ssyncadd.s32 $0xFFFFC000  }
0x2b6: {  	s2 =	rddreg [dreg:$0xa]  }
0x2b7: {  	[hbm4b:s2+s4] =	stream.linear.scatter [tilespmem:s13], [sflag:$0x3], $0x4000, $0x38;
	[tilespmem:$0x1D500] =	vst v63  }
0x2b8: {  	_ =	swait.ge [sflag:s15], $0x4000  }
0x2b9: {  	[sflag:s15] =	ssyncset.done $0x0  }
0x2ba: {  	[sflag:s15] =	ssyncadd.s32 $0xFFFFC000  }
0x2bb: {  	[tilespmem:s13], [sflag:$0x3] =	stream.linear.gather [spmem:s14], $0x4000, $0x38;
	[tilespmem:$0x1D500] =	vst v63  }
0x2bc: {  	_ =	swait.ge [sflag:s15], $0x4000  }
0x2bd: {  	[sflag:s15] =	ssyncset.done $0x0  }
0x2be: {  	s23 =	rddreg [dreg:$0xb];
	[sflag:s15] =	ssyncadd.s32 $0xFFFFC000  }
0x2bf: {  	[hbm4b:s23+s4] =	stream.linear.scatter [tilespmem:s13], [sflag:$0x3], $0x4000, $0x38;
	[tilespmem:$0x1D500] =	vst v63  }
0x2c0: {  	_ =	swait.ge [sflag:s15], $0x4000  }
0x2c1: {  	[sflag:s15] =	ssyncset.done $0x0  }
0x2c2: {  	[sflag:s15] =	ssyncadd.s32 $0xFFFFC000  }
0x2c3: {  	[tilespmem:s13], [sflag:$0x3] =	stream.linear.gather [spmem:s16], $0x4000, $0x38;
	[tilespmem:$0x1D500] =	vst v63  }
0x2c4: {  	_ =	swait.ge [sflag:s15], $0x4000  }
0x2c5: {  	[sflag:s15] =	ssyncset.done $0x0  }
0x2c6: {  	s25 =	rddreg [dreg:$0xd];
	[sflag:s15] =	ssyncadd.s32 $0xFFFFC000  }
0x2c7: {  	[hbm4b:s25+s4] =	stream.linear.scatter [tilespmem:s13], [sflag:$0x3], $0x4000, $0x38;
	[tilespmem:$0x1D500] =	vst v63  }
0x2c8: {  	_ =	swait.ge [sflag:s15], $0x4000  }
0x2c9: {  	[sflag:s15] =	ssyncset.done $0x0  }
0x2ca: {  	[sflag:s15] =	ssyncadd.s32 $0xFFFFC000  }
0x2cb: {  	[tilespmem:s13], [sflag:$0x3] =	stream.linear.gather [spmem:s17], $0x4000, $0x38;
	[tilespmem:$0x1D500] =	vst v63  }
0x2cc: {  	_ =	swait.ge [sflag:s15], $0x4000  }
0x2cd: {  	[sflag:s15] =	ssyncset.done $0x0  }
0x2ce: {  	s26 =	rddreg [dreg:$0xf];
	[sflag:s15] =	ssyncadd.s32 $0xFFFFC000  }
0x2cf: {  	[hbm4b:s26+s4] =	stream.linear.scatter [tilespmem:s13], [sflag:$0x3], $0x4000, $0x38;
	[tilespmem:$0x1D500] =	vst v63  }
0x2d0: {  	_ =	swait.ge [sflag:s15], $0x4000  }
0x2d1: {  	[sflag:s15] =	ssyncset.done $0x0  }
0x2d2: {  	[sflag:s15] =	ssyncadd.s32 $0xFFFFC000  }
0x2d3: {  	[tilespmem:s13], [sflag:$0x3] =	stream.linear.gather [spmem:s18], $0x3800, $0x38;
	[tilespmem:$0x1D500] =	vst v63  }
0x2d4: {  	_ =	swait.ge [sflag:s15], $0x3800  }
0x2d5: {  	[sflag:s15] =	ssyncset.done $0x0  }
0x2d6: {  	s29 =	rddreg [dreg:$0x11];
	[sflag:s15] =	ssyncadd.s32 $0xFFFFC800  }
0x2d7: {  	[hbm4b:s29+s4] =	stream.linear.scatter [tilespmem:s13], [sflag:$0x3], $0x3800, $0x38;
	[tilespmem:$0x1D500] =	vst v63  }
.Ltmp8:
0x2d8: {  	_ = 	snop;
	(pc) =	sbr.rel @p1 .LBB2_12-.Ltmp8, $4  }
.Ltmp9:
0x2d9: {  	_ = 	snop;
	(pc) =	sbr.rel @!p1 .LBB2_11-.Ltmp9, $4  }
0x2da: {  	_ =	swait.ge [sflag:s15], $0x3800  }
0x2db: {  	[sflag:s15] =	ssyncset.done $0x0  }
0x2dc: {  	s2 =	rddreg [dreg:$0x5];
	[sflag:s15] =	ssyncadd.s32 $0xFFFFC800  }
0x2dd: {  	_ = 	snop  }
.LBB2_9:
0x2de: {  	s2 =	rddreg [dreg:$0x8]  }
0x2df: {  	[hbm4b:s2+s4] =	stream.linear.scatter [tilespmem:s13], [sflag:$0x3], $0x4000, $0x38;
	[tilespmem:$0x1D500] =	vst v63  }
0x2e0: {  	_ =	swait.ge [sflag:s15], $0x4000  }
0x2e1: {  	[sflag:s15] =	ssyncset.done $0x0  }
0x2e2: {  	[sflag:s15] =	ssyncadd.s32 $0xFFFFC000  }
0x2e3: {  	[tilespmem:s13], [sflag:$0x3] =	stream.linear.gather [spmem:s14], $0x4000, $0x38;
	[tilespmem:$0x1D500] =	vst v63  }
0x2e4: {  	_ =	swait.ge [sflag:s15], $0x4000  }
0x2e5: {  	[sflag:s15] =	ssyncset.done $0x0  }
0x2e6: {  	s23 =	rddreg [dreg:$0x9];
	[sflag:s15] =	ssyncadd.s32 $0xFFFFC000  }
0x2e7: {  	[hbm4b:s23+s4] =	stream.linear.scatter [tilespmem:s13], [sflag:$0x3], $0x4000, $0x38;
	[tilespmem:$0x1D500] =	vst v63  }
0x2e8: {  	_ =	swait.ge [sflag:s15], $0x4000  }
0x2e9: {  	[sflag:s15] =	ssyncset.done $0x0  }
0x2ea: {  	[sflag:s15] =	ssyncadd.s32 $0xFFFFC000  }
0x2eb: {  	[tilespmem:s13], [sflag:$0x3] =	stream.linear.gather [spmem:s16], $0x4000, $0x38;
	[tilespmem:$0x1D500] =	vst v63  }
0x2ec: {  	_ =	swait.ge [sflag:s15], $0x4000  }
0x2ed: {  	[sflag:s15] =	ssyncset.done $0x0  }
0x2ee: {  	s25 =	rddreg [dreg:$0xc];
	[sflag:s15] =	ssyncadd.s32 $0xFFFFC000  }
0x2ef: {  	[hbm4b:s25+s4] =	stream.linear.scatter [tilespmem:s13], [sflag:$0x3], $0x4000, $0x38;
	[tilespmem:$0x1D500] =	vst v63  }
0x2f0: {  	_ =	swait.ge [sflag:s15], $0x4000  }
0x2f1: {  	[sflag:s15] =	ssyncset.done $0x0  }
0x2f2: {  	[sflag:s15] =	ssyncadd.s32 $0xFFFFC000  }
0x2f3: {  	[tilespmem:s13], [sflag:$0x3] =	stream.linear.gather [spmem:s17], $0x4000, $0x38;
	[tilespmem:$0x1D500] =	vst v63  }
0x2f4: {  	_ =	swait.ge [sflag:s15], $0x4000  }
0x2f5: {  	[sflag:s15] =	ssyncset.done $0x0  }
0x2f6: {  	s26 =	rddreg [dreg:$0xe];
	[sflag:s15] =	ssyncadd.s32 $0xFFFFC000  }
0x2f7: {  	[hbm4b:s26+s4] =	stream.linear.scatter [tilespmem:s13], [sflag:$0x3], $0x4000, $0x38;
	[tilespmem:$0x1D500] =	vst v63  }
0x2f8: {  	_ =	swait.ge [sflag:s15], $0x4000  }
0x2f9: {  	[sflag:s15] =	ssyncset.done $0x0  }
0x2fa: {  	[sflag:s15] =	ssyncadd.s32 $0xFFFFC000  }
0x2fb: {  	[tilespmem:s13], [sflag:$0x3] =	stream.linear.gather [spmem:s18], $0x3800, $0x38;
	[tilespmem:$0x1D500] =	vst v63  }
0x2fc: {  	_ =	swait.ge [sflag:s15], $0x3800  }
0x2fd: {  	[sflag:s15] =	ssyncset.done $0x0  }
0x2fe: {  	s29 =	rddreg [dreg:$0x10];
	[sflag:s15] =	ssyncadd.s32 $0xFFFFC800  }
0x2ff: {  	[hbm4b:s29+s4] =	stream.linear.scatter [tilespmem:s13], [sflag:$0x3], $0x3800, $0x38;
	[tilespmem:$0x1D500] =	vst v63  }
.Ltmp10:
0x300: {  	_ = 	snop;
	(pc) =	sbr.rel @p2 .LBB2_11-.Ltmp10, $4  }
.Ltmp11:
0x301: {  	_ =	swait.ge [sflag:s15], $0x3800;
	(pc) =	sbr.rel @!p2 .LBB2_12-.Ltmp11, $4  }
0x302: {  	[sflag:s15] =	ssyncset.done $0x0  }
0x303: {  	[sflag:s15] =	ssyncadd.s32 $0xFFFFC800  }
0x304: {  	s2 =	rddreg [dreg:$0x2]  }
0x305: {  	_ = 	snop  }
.LBB2_13:
0x306: {  	_ =	sfence.sel $0x180000  }
0x307: {  	[bflag:$0x0] =	sbarrier.arrive $0xFFFF  }
0x308: {  	_ =	strace $0x90000047  }
0x309: {  	s0 =	stileid.u32;
	[bflag:$0x2] =	sbarrier.arrive $0xFFFF  }
0x30a: {  	p0 =	sne.s32 s0, $0x0;
	s0 =	rddreg [dreg:$0x4]  }
0x30b: {  	s0 =	sadd.s32 @!p0 $0x100000, s0  }
0x30c: {  	[sflag:s0] =	ssyncadd.tile.s32 @!p0 $0x1;
	_ =	shalt  }
.Lfunc_end2:
_tile_overlayer_lowered:
.L_overlay_start_2:
0x30d: {  	(tag) =	ssettag $0x2  }
0x30e: {  	s0 =	rddreg [dreg:$0x0];
	s2 =	stileid.u32  }
0x30f: {  	s1 =	rddreg [dreg:$0x1];
	p0 =	sne.s32 s2, $0x0  }
0x310: {  	s3 =	rddreg [dreg:$0x2];
	[bflag:$0x3] =	sbarrier.arrive $0xFFFF;
	s2 =	simm.s32 @!p0 $0x1C03  }
0x311: {  	[timem:s3], [sflag:s2] =	dma.local @!p0 [hbm:s0], s1  }
0x312: {  	s0 =	simm.s32 @!p0 $0x3  }
0x313: {  	_ =	swait.ge @!p0 [sflag:s0], s1  }
0x314: {  	s1 =	ssub.s32 @!p0 $0x0, s1;
	[sflag:s0] =	ssyncset.done @!p0 $0x0  }
0x315: {  	[sflag:s0] =	ssyncadd.s32 @!p0 s1  }
0x316: {  	[bflag:$0x3] =	sbarrier.arrive $0xFFFF  }
0x317: {  	_ =	shalt  }

</sc_bundles>
